<compile_context>
chip_gen: v7x
topology: tpu7x:2x2x1
jax: 0.10.2.dev20260603
libtpu: 0.0.44.dev20260713+nightly
codegen_flags: <defaults>
</compile_context>

<pallas_src>
import functools

import jax
import jax.numpy as jnp
from jax import lax
from jax.experimental import pallas as pl
from jax.experimental.pallas import tpu as pltpu
from jax.experimental.pallas import tpu_sc as plsc

N = 10000
E = 320000
D = 128
EMB = 128
F1 = D + EMB
CC = 128
NC = 2

NUM_CORES = 2
NUM_SUB = 16
NW = NUM_CORES * NUM_SUB
EPT = E // NW
K = 128
KB = 39
BLK_E = KB * K
KT = EPT - 2 * BLK_E
NP = 10240
ROWS_PER_TILE = NP // NUM_SUB
ZR = 160


@functools.lru_cache(maxsize=1)
def _build_sc_segment_sum():
    mesh = plsc.VectorSubcoreMesh(core_axis_name="c", subcore_axis_name="s",
                                  num_cores=NUM_CORES, num_subcores=NUM_SUB)

    @functools.partial(
        pl.kernel,
        out_type=jax.ShapeDtypeStruct((NUM_CORES, NP, D), jnp.float32),
        mesh=mesh,
        scratch_types=[
            pltpu.VMEM((BLK_E + KT,), jnp.int32),
            pltpu.VMEM((BLK_E + KT,), jnp.int32),
            pltpu.VMEM((K, D), jnp.float32),
            pltpu.VMEM((K, D), jnp.float32),
            pltpu.SemaphoreType.DMA,
            pltpu.SemaphoreType.DMA,
            pltpu.SemaphoreType.DMA,
            pltpu.VMEM_SHARED((NP, D), jnp.float32),
        ],
        compiler_params=pltpu.CompilerParams(use_tc_tiling_on_sc=False),
    )
    def _sc_segment_sum(hw_hbm, src_hbm, dst_hbm, zeros_hbm, out_hbm,
                        src_v, dst_v, rows0_v, rows1_v,
                        gsem0, gsem1, zsem, acc):
        c = lax.axis_index("c")
        s = lax.axis_index("s")
        w = s * NUM_CORES + c
        rows0 = s * ROWS_PER_TILE

        def sidx(j):
            return src_v.at[pl.ds(j * K, K)]

        def didx(j):
            return dst_v.at[pl.ds(j * K, K)]

        def gwait(rows_v, gsem, j):
            pltpu.make_async_copy(hw_hbm.at[sidx(j)], rows_v, gsem).wait()

        def scat(rows_v, j):
            pltpu.sync_copy(rows_v, acc.at[didx(j)], add=True)

        def body(jj, carry):
            j = jj * 2
            gwait(rows0_v, gsem0, j)
            scat(rows0_v, j)
            pltpu.async_copy(hw_hbm.at[sidx(j + 2)], rows0_v, gsem0)
            gwait(rows1_v, gsem1, j + 1)
            scat(rows1_v, j + 1)
            pltpu.async_copy(hw_hbm.at[sidx(j + 3)], rows1_v, gsem1)
            return carry

        for i in range(ROWS_PER_TILE // ZR):
            pltpu.async_copy(zeros_hbm, acc.at[pl.ds(rows0 + i * ZR, ZR)],
                             zsem)
        base = w * EPT
        pltpu.sync_copy(src_hbm.at[pl.ds(base, BLK_E)],
                        src_v.at[pl.ds(0, BLK_E)])
        pltpu.sync_copy(dst_hbm.at[pl.ds(base, BLK_E)],
                        dst_v.at[pl.ds(0, BLK_E)])
        pltpu.async_copy(hw_hbm.at[sidx(0)], rows0_v, gsem0)
        pltpu.async_copy(hw_hbm.at[sidx(1)], rows1_v, gsem1)
        for i in range(ROWS_PER_TILE // ZR):
            pltpu.make_async_copy(zeros_hbm, acc.at[pl.ds(rows0, ZR)],
                                  zsem).wait()
        plsc.subcore_barrier()

        lax.fori_loop(0, (KB - 3) // 2, body, 0)
        gwait(rows0_v, gsem0, KB - 3)
        scat(rows0_v, KB - 3)
        pltpu.async_copy(hw_hbm.at[sidx(KB - 1)], rows0_v, gsem0)
        gwait(rows1_v, gsem1, KB - 2)
        scat(rows1_v, KB - 2)
        gwait(rows0_v, gsem0, KB - 1)
        scat(rows0_v, KB - 1)

        pltpu.sync_copy(src_hbm.at[pl.ds(base + BLK_E, BLK_E + KT)], src_v)
        pltpu.sync_copy(dst_hbm.at[pl.ds(base + BLK_E, BLK_E + KT)], dst_v)
        pltpu.async_copy(hw_hbm.at[sidx(0)], rows0_v, gsem0)
        pltpu.async_copy(hw_hbm.at[sidx(1)], rows1_v, gsem1)
        lax.fori_loop(0, (KB - 3) // 2, body, 0)
        rt = rows1_v.at[pl.ds(0, KT)]
        sit = src_v.at[pl.ds(BLK_E, KT)]
        dit = dst_v.at[pl.ds(BLK_E, KT)]
        gwait(rows0_v, gsem0, KB - 3)
        scat(rows0_v, KB - 3)
        pltpu.async_copy(hw_hbm.at[sidx(KB - 1)], rows0_v, gsem0)
        gwait(rows1_v, gsem1, KB - 2)
        scat(rows1_v, KB - 2)
        pltpu.async_copy(hw_hbm.at[sit], rt, gsem1)
        gwait(rows0_v, gsem0, KB - 1)
        scat(rows0_v, KB - 1)
        pltpu.make_async_copy(hw_hbm.at[sit], rt, gsem1).wait()
        pltpu.sync_copy(rt, acc.at[dit], add=True)
        plsc.subcore_barrier()
        pltpu.sync_copy(acc.at[pl.ds(rows0, ROWS_PER_TILE)],
                        out_hbm.at[c, pl.ds(rows0, ROWS_PER_TILE)])

    def wrapped(hw, src, dst, zeros):
        return _sc_segment_sum(hw, src, dst, zeros)

    return wrapped


BR = 1000


def _mm_body(x_ref, w_ref, o_ref):
    o_ref[...] = jnp.dot(x_ref[...], w_ref[...],
                         preferred_element_type=jnp.float32)


_mm = pl.pallas_call(
    _mm_body,
    grid=(N // BR,),
    in_specs=[pl.BlockSpec((BR, D), lambda i: (i, 0)),
              pl.BlockSpec((D, D), lambda i: (0, 0))],
    out_specs=pl.BlockSpec((BR, D), lambda i: (i, 0)),
    out_shape=jax.ShapeDtypeStruct((N, D), jnp.float32),
)


def _gru_body(h_ref, p_ref, Wz_ref, Uz_ref, Wr_ref, Ur_ref,
              Wh_ref, Uh_ref, b_ref, Wn_ref, ho_ref, hwo_ref):
    h = h_ref[...]
    m = p_ref[0] + p_ref[1]
    dot = functools.partial(jnp.dot, preferred_element_type=jnp.float32)
    z = jax.nn.sigmoid(dot(m, Wz_ref[...]) + dot(h, Uz_ref[...]) + b_ref[0])
    r = jax.nn.sigmoid(dot(m, Wr_ref[...]) + dot(h, Ur_ref[...]) + b_ref[1])
    hc = jnp.tanh(dot(m, Wh_ref[...]) + dot(r * h, Uh_ref[...]) + b_ref[2])
    hn = (1.0 - z) * h + z * hc
    ho_ref[...] = hn
    hwo_ref[...] = dot(hn, Wn_ref[...])


_gru_step = pl.pallas_call(
    _gru_body,
    grid=(N // BR,),
    in_specs=[pl.BlockSpec((BR, D), lambda i: (i, 0)),
              pl.BlockSpec((2, BR, D), lambda i: (0, i, 0)),
              pl.BlockSpec((D, D), lambda i: (0, 0)),
              pl.BlockSpec((D, D), lambda i: (0, 0)),
              pl.BlockSpec((D, D), lambda i: (0, 0)),
              pl.BlockSpec((D, D), lambda i: (0, 0)),
              pl.BlockSpec((D, D), lambda i: (0, 0)),
              pl.BlockSpec((D, D), lambda i: (0, 0)),
              pl.BlockSpec((3, D), lambda i: (0, 0)),
              pl.BlockSpec((D, D), lambda i: (0, 0))],
    out_specs=[pl.BlockSpec((BR, D), lambda i: (i, 0)),
               pl.BlockSpec((BR, D), lambda i: (i, 0))],
    out_shape=[jax.ShapeDtypeStruct((N, D), jnp.float32),
               jax.ShapeDtypeStruct((N, D), jnp.float32)],
)


def _shift_down(a):
    return jnp.concatenate([jnp.zeros((1, a.shape[1]), a.dtype), a[:-1]], 0)


def _shift_up(a):
    return jnp.concatenate([a[1:], jnp.zeros((1, a.shape[1]), a.dtype)], 0)


def _conv3_in(a, W_ref, b_ref):
    dot = functools.partial(jnp.dot, preferred_element_type=jnp.float32)
    return (dot(_shift_down(a), W_ref[0]) + dot(a, W_ref[1])
            + dot(_shift_up(a), W_ref[2]) + b_ref[0])


def _pool3s2(c):
    r = c.reshape(c.shape[0] // 2, 2, c.shape[1])
    e = r[:, 0, :]
    o = r[:, 1, :]
    return jnp.maximum(jnp.maximum(e, o), _shift_down(o))


def _readout_body(h_ref, x_ref, Wa1_ref, ba1_ref, Wb1_ref, bb1_ref,
                  Wa2_ref, ba2_ref, Wb2_ref, bb2_ref,
                  wa_ref, fa_ref, wb_ref, fb_ref, o_ref):
    dot = functools.partial(jnp.dot, preferred_element_type=jnp.float32)
    h = h_ref[...]
    zc = jnp.concatenate([h, x_ref[...]], 1)
    pa = _pool3s2(jnp.maximum(_conv3_in(zc, Wa1_ref, ba1_ref), 0.0))
    pb = _pool3s2(jnp.maximum(_conv3_in(h, Wb1_ref, bb1_ref), 0.0))
    p2a = _pool3s2(jnp.maximum(_conv3_in(pa, Wa2_ref, ba2_ref), 0.0))
    p2b = _pool3s2(jnp.maximum(_conv3_in(pb, Wb2_ref, bb2_ref), 0.0))
    ya = dot(p2a, wa_ref[...]) + fa_ref[0]
    yb = dot(p2b, wb_ref[...]) + fb_ref[0]
    o_ref[...] = jnp.sum(ya * yb, axis=0, keepdims=True) * (1.0 / (N // 4))


_readout = pl.pallas_call(
    _readout_body,
    out_shape=jax.ShapeDtypeStruct((1, NC), jnp.float32),
    compiler_params=pltpu.CompilerParams(vmem_limit_bytes=100 * 1024 * 1024),
)


def kernel(x, ast_edge_index, cfg_edge_index, ddg_edge_index, ncs_edge_index,
           W_edge, Wz, Uz, bz, Wr, Ur, br, Wh, Uh, bh,
           Wa1, ba1, Wa2, ba2, fca_w, fca_b,
           Wb1, bb1, Wb2, bb2, fcb_w, fcb_b):
    edges = [ast_edge_index, cfg_edge_index, ddg_edge_index, ncs_edge_index]
    zeros_tile = jnp.zeros((ZR, D), jnp.float32)
    b3 = jnp.stack([bz, br, bh])

    sc_segment_sum = _build_sc_segment_sum()
    h = x
    hw = _mm(h, W_edge[0])
    for t in range(4):
        parts = sc_segment_sum(hw, edges[t][0], edges[t][1], zeros_tile)
        h, hw = _gru_step(h, parts, Wz, Uz, Wr, Ur, Wh, Uh, b3,
                          W_edge[(t + 1) % 4])

    y = _readout(h, x, Wa1, ba1.reshape(1, CC), Wb1, bb1.reshape(1, CC),
                 Wa2, ba2.reshape(1, CC), Wb2, bb2.reshape(1, CC),
                 fca_w, fca_b.reshape(1, NC), fcb_w, fcb_b.reshape(1, NC))
    return y.reshape(NC)

# --- scband reference (transcript-rebuilt; emitter-appended) ---
"""Pipeline reference for scband-multi-circle-ggnn-65120294142519 (READ-ONLY COPY).

The authoritative reference and input builder live on the scoring server;
editing this copy changes nothing except your own understanding.
"""

import jax, jax.numpy as jnp
import numpy as np

N = 10000
E = 320000
D = 128
EMB = 128
F1 = D + EMB
CC = 128
NC = 2


def _p(key, shape, fan_in):
    return jax.random.normal(key, shape, dtype=jnp.float32) * (1.0 / np.sqrt(fan_in))


def setup_inputs(seed: int = 0) -> dict:
    key = jax.random.key(seed)
    ks = jax.random.split(key, 32)
    inp = {}
    inp['x'] = jax.random.normal(ks[0], (N, EMB), dtype=jnp.float32)
    inp['ast_edge_index'] = jax.random.randint(ks[1], (2, E), 0, N, dtype=jnp.int32)
    inp['cfg_edge_index'] = jax.random.randint(ks[2], (2, E), 0, N, dtype=jnp.int32)
    inp['ddg_edge_index'] = jax.random.randint(ks[3], (2, E), 0, N, dtype=jnp.int32)
    inp['ncs_edge_index'] = jax.random.randint(ks[4], (2, E), 0, N, dtype=jnp.int32)
    inp['W_edge'] = _p(ks[5], (4, D, D), D)
    inp['Wz'] = _p(ks[6], (D, D), D)
    inp['Uz'] = _p(ks[7], (D, D), D)
    inp['bz'] = jnp.zeros((D,), dtype=jnp.float32)
    inp['Wr'] = _p(ks[8], (D, D), D)
    inp['Ur'] = _p(ks[9], (D, D), D)
    inp['br'] = jnp.zeros((D,), dtype=jnp.float32)
    inp['Wh'] = _p(ks[10], (D, D), D)
    inp['Uh'] = _p(ks[11], (D, D), D)
    inp['bh'] = jnp.zeros((D,), dtype=jnp.float32)
    inp['Wa1'] = _p(ks[12], (3, F1, CC), 3 * F1)
    inp['ba1'] = jnp.zeros((CC,), dtype=jnp.float32)
    inp['Wa2'] = _p(ks[13], (3, CC, CC), 3 * CC)
    inp['ba2'] = jnp.zeros((CC,), dtype=jnp.float32)
    inp['fca_w'] = _p(ks[14], (CC, NC), CC)
    inp['fca_b'] = jnp.zeros((NC,), dtype=jnp.float32)
    inp['Wb1'] = _p(ks[15], (3, D, CC), 3 * D)
    inp['bb1'] = jnp.zeros((CC,), dtype=jnp.float32)
    inp['Wb2'] = _p(ks[16], (3, CC, CC), 3 * CC)
    inp['bb2'] = jnp.zeros((CC,), dtype=jnp.float32)
    inp['fcb_w'] = _p(ks[17], (CC, NC), CC)
    inp['fcb_b'] = jnp.zeros((NC,), dtype=jnp.float32)
    return inp


def _conv3(xarr, W, b):
    xp = jnp.pad(xarr, ((1, 1), (0, 0)))
    return xp[:-2] @ W[0] + xp[1:-1] @ W[1] + xp[2:] @ W[2] + b


def _maxpool3s2(xarr):
    xp = jnp.pad(xarr, ((1, 1), (0, 0)), constant_values=-jnp.inf)
    return jnp.maximum(jnp.maximum(xp[0:-2:2], xp[1:-1:2]), xp[2::2])


def reference(x, ast_edge_index, cfg_edge_index, ddg_edge_index, ncs_edge_index,
              W_edge, Wz, Uz, bz, Wr, Ur, br, Wh, Uh, bh,
              Wa1, ba1, Wa2, ba2, fca_w, fca_b,
              Wb1, bb1, Wb2, bb2, fcb_w, fcb_b):
    edge_list = [ast_edge_index, cfg_edge_index, ddg_edge_index, ncs_edge_index]
    h = x
    # CircleGated4GruLayer: cycle through the 4 relations, one GRU step per relation
    for t in range(4):
        src = edge_list[t][0]
        dst = edge_list[t][1]
        hw = h @ W_edge[t]
        m = jax.ops.segment_sum(hw[src], dst, num_segments=N)
        z = jax.nn.sigmoid(m @ Wz + h @ Uz + bz)
        r = jax.nn.sigmoid(m @ Wr + h @ Ur + br)
        hc = jnp.tanh(m @ Wh + (r * h) @ Uh + bh)
        h = (1.0 - z) * h + z * hc
    # ConvMultiOutputLayer: Devign-style dual conv readout
    zcat = jnp.concatenate([h, x], axis=-1)  # fc_1_size = out_channels + emb_size
    a = _maxpool3s2(jax.nn.relu(_conv3(zcat, Wa1, ba1)))
    a = _maxpool3s2(jax.nn.relu(_conv3(a, Wa2, ba2)))
    ya = a @ fca_w + fca_b
    b = _maxpool3s2(jax.nn.relu(_conv3(h, Wb1, bb1)))  # fc_2_size = out_channels
    b = _maxpool3s2(jax.nn.relu(_conv3(b, Wb2, bb2)))
    yb = b @ fcb_w + fcb_b
    y_hat = jnp.mean(ya * yb, axis=0)
    return y_hat

if __name__ == "__main__":
    import jax
    _d = setup_inputs()
    print(jax.jit(kernel)(*tuple(_d.values())))

</pallas_src>

<mosaic_0001>
#map = affine_map<(d0, d1) -> (0, 0)>
#map1 = affine_map<(d0, d1) -> (0)>
#map2 = affine_map<(d0, d1) -> (0, 0, 0)>
module attributes {stable_mosaic.version = 14 : i64} {
  func.func @_sc_segment_sum(%arg0: i32, %arg1: i32, %arg2: memref<10000x128xf32, #tpu.memory_space<hbm>>, %arg3: memref<320000xi32, #tpu.memory_space<hbm>>, %arg4: memref<320000xi32, #tpu.memory_space<hbm>>, %arg5: memref<160x128xf32, #tpu.memory_space<hbm>>, %arg6: memref<2x10240x128xf32, #tpu.memory_space<hbm>>, %arg7: memref<5008xi32, #tpu.memory_space<vmem>>, %arg8: memref<5008xi32, #tpu.memory_space<vmem>>, %arg9: memref<128x128xf32, #tpu.memory_space<vmem>>, %arg10: memref<128x128xf32, #tpu.memory_space<vmem>>, %arg11: memref<!tpu.dma_semaphore, #tpu.memory_space<semaphore_mem>>, %arg12: memref<!tpu.dma_semaphore, #tpu.memory_space<semaphore_mem>>, %arg13: memref<!tpu.dma_semaphore, #tpu.memory_space<semaphore_mem>>, %arg14: memref<10240x128xf32, #tpu.memory_space<vmem_shared>>) attributes {dimension_semantics = [#tpu.dimension_semantics<core_parallel>, #tpu.dimension_semantics<subcore_parallel>], iteration_bounds = array<i64: 2, 16>, scalar_prefetch = 0 : i64, scratch_operands = 8 : i64, tpu.core_type = #tpu.core_type<sc_vector_subcore>, window_params = [{transform_indices = #map}, {transform_indices = #map1}, {transform_indices = #map1}, {transform_indices = #map}, {transform_indices = #map2}]} {
    %mul3A = arith.constant 2 : i32
    %mul3A_0 = arith.muli %arg1, %mul3A : i32
    %add3A = arith.addi %mul3A_0, %arg0 : i32
    %mul3A_1 = arith.constant 640 : i32
    %mul3A_2 = arith.muli %arg1, %mul3A_1 : i32
    %add3A_3 = arith.constant 0 : i32
    %add3A_4 = arith.addi %mul3A_2, %add3A_3 : i32
    %dma_start3A = arith.constant 0 : i32
    %dma_start3A_5 = tpu.memref_slice %arg14[%add3A_4, %dma_start3A] : memref<10240x128xf32, #tpu.memory_space<vmem_shared>> -> memref<160x128xf32, #tpu.memory_space<vmem_shared>>
    tpu.enqueue_dma source(%arg5 : memref<160x128xf32, #tpu.memory_space<hbm>>) target(%dma_start3A_5 : memref<160x128xf32, #tpu.memory_space<vmem_shared>>) target_semaphore(%arg13 : memref<!tpu.dma_semaphore, #tpu.memory_space<semaphore_mem>>)
    %add3A_6 = arith.constant 160 : i32
    %add3A_7 = arith.addi %mul3A_2, %add3A_6 : i32
    %dma_start3A_8 = arith.constant 0 : i32
    %dma_start3A_9 = tpu.memref_slice %arg14[%add3A_7, %dma_start3A_8] : memref<10240x128xf32, #tpu.memory_space<vmem_shared>> -> memref<160x128xf32, #tpu.memory_space<vmem_shared>>
    tpu.enqueue_dma source(%arg5 : memref<160x128xf32, #tpu.memory_space<hbm>>) target(%dma_start3A_9 : memref<160x128xf32, #tpu.memory_space<vmem_shared>>) target_semaphore(%arg13 : memref<!tpu.dma_semaphore, #tpu.memory_space<semaphore_mem>>)
    %add3A_10 = arith.constant 320 : i32
    %add3A_11 = arith.addi %mul3A_2, %add3A_10 : i32
    %dma_start3A_12 = arith.constant 0 : i32
    %dma_start3A_13 = tpu.memref_slice %arg14[%add3A_11, %dma_start3A_12] : memref<10240x128xf32, #tpu.memory_space<vmem_shared>> -> memref<160x128xf32, #tpu.memory_space<vmem_shared>>
    tpu.enqueue_dma source(%arg5 : memref<160x128xf32, #tpu.memory_space<hbm>>) target(%dma_start3A_13 : memref<160x128xf32, #tpu.memory_space<vmem_shared>>) target_semaphore(%arg13 : memref<!tpu.dma_semaphore, #tpu.memory_space<semaphore_mem>>)
    %add3A_14 = arith.constant 480 : i32
    %add3A_15 = arith.addi %mul3A_2, %add3A_14 : i32
    %dma_start3A_16 = arith.constant 0 : i32
    %dma_start3A_17 = tpu.memref_slice %arg14[%add3A_15, %dma_start3A_16] : memref<10240x128xf32, #tpu.memory_space<vmem_shared>> -> memref<160x128xf32, #tpu.memory_space<vmem_shared>>
    tpu.enqueue_dma source(%arg5 : memref<160x128xf32, #tpu.memory_space<hbm>>) target(%dma_start3A_17 : memref<160x128xf32, #tpu.memory_space<vmem_shared>>) target_semaphore(%arg13 : memref<!tpu.dma_semaphore, #tpu.memory_space<semaphore_mem>>)
    %mul3A_18 = arith.constant 10000 : i32
    %mul3A_19 = arith.muli %add3A, %mul3A_18 : i32
    "tpu.region"() ({
      %run_scoped3A = tpu.sem_alloc : memref<!tpu.dma_semaphore, #tpu.memory_space<semaphore_mem>>
      %dma_start3A_119 = arith.constant 0 : i32
      %dma_start3A_120 = tpu.memref_slice %arg7[%dma_start3A_119] : memref<5008xi32, #tpu.memory_space<vmem>> -> memref<4992xi32, #tpu.memory_space<vmem>>
      %dma_start3A_121 = tpu.memref_slice %arg3[%mul3A_19] : memref<320000xi32, #tpu.memory_space<hbm>> -> memref<4992xi32, #tpu.memory_space<hbm>>
      %dma_start3A_122 = arith.constant 0 : i32
      %dma_start3A_123 = tpu.memref_slice %arg7[%dma_start3A_122] : memref<5008xi32, #tpu.memory_space<vmem>> -> memref<4992xi32, #tpu.memory_space<vmem>>
      %dma_start3A_124 = tpu.memref_slice %arg3[%mul3A_19] : memref<320000xi32, #tpu.memory_space<hbm>> -> memref<4992xi32, #tpu.memory_space<hbm>>
      tpu.enqueue_dma source(%dma_start3A_124 : memref<4992xi32, #tpu.memory_space<hbm>>) target(%dma_start3A_123 : memref<4992xi32, #tpu.memory_space<vmem>>) target_semaphore(%run_scoped3A : memref<!tpu.dma_semaphore, #tpu.memory_space<semaphore_mem>>)
      %dma_wait3A_125 = arith.constant 0 : i32
      %dma_wait3A_126 = tpu.memref_slice %arg7[%dma_wait3A_125] : memref<5008xi32, #tpu.memory_space<vmem>> -> memref<4992xi32, #tpu.memory_space<vmem>>
      %dma_wait3A_127 = tpu.memref_slice %arg3[%mul3A_19] : memref<320000xi32, #tpu.memory_space<hbm>> -> memref<4992xi32, #tpu.memory_space<hbm>>
      %dma_wait3A_128 = arith.constant 0 : i32
      %dma_wait3A_129 = tpu.memref_slice %arg7[%dma_wait3A_128] : memref<5008xi32, #tpu.memory_space<vmem>> -> memref<4992xi32, #tpu.memory_space<vmem>>
      %dma_wait3A_130 = tpu.memref_slice %arg3[%mul3A_19] : memref<320000xi32, #tpu.memory_space<hbm>> -> memref<4992xi32, #tpu.memory_space<hbm>>
      tpu.wait_dma2 semaphore(%run_scoped3A : memref<!tpu.dma_semaphore, #tpu.memory_space<semaphore_mem>>) src(%dma_wait3A_130 : memref<4992xi32, #tpu.memory_space<hbm>>) dst(%dma_wait3A_129 : memref<4992xi32, #tpu.memory_space<vmem>>)
      tpu.yield
    }) : () -> ()
    "tpu.region"() ({
      %run_scoped3A = tpu.sem_alloc : memref<!tpu.dma_semaphore, #tpu.memory_space<semaphore_mem>>
      %dma_start3A_119 = arith.constant 0 : i32
      %dma_start3A_120 = tpu.memref_slice %arg8[%dma_start3A_119] : memref<5008xi32, #tpu.memory_space<vmem>> -> memref<4992xi32, #tpu.memory_space<vmem>>
      %dma_start3A_121 = tpu.memref_slice %arg4[%mul3A_19] : memref<320000xi32, #tpu.memory_space<hbm>> -> memref<4992xi32, #tpu.memory_space<hbm>>
      %dma_start3A_122 = arith.constant 0 : i32
      %dma_start3A_123 = tpu.memref_slice %arg8[%dma_start3A_122] : memref<5008xi32, #tpu.memory_space<vmem>> -> memref<4992xi32, #tpu.memory_space<vmem>>
      %dma_start3A_124 = tpu.memref_slice %arg4[%mul3A_19] : memref<320000xi32, #tpu.memory_space<hbm>> -> memref<4992xi32, #tpu.memory_space<hbm>>
      tpu.enqueue_dma source(%dma_start3A_124 : memref<4992xi32, #tpu.memory_space<hbm>>) target(%dma_start3A_123 : memref<4992xi32, #tpu.memory_space<vmem>>) target_semaphore(%run_scoped3A : memref<!tpu.dma_semaphore, #tpu.memory_space<semaphore_mem>>)
      %dma_wait3A_125 = arith.constant 0 : i32
      %dma_wait3A_126 = tpu.memref_slice %arg8[%dma_wait3A_125] : memref<5008xi32, #tpu.memory_space<vmem>> -> memref<4992xi32, #tpu.memory_space<vmem>>
      %dma_wait3A_127 = tpu.memref_slice %arg4[%mul3A_19] : memref<320000xi32, #tpu.memory_space<hbm>> -> memref<4992xi32, #tpu.memory_space<hbm>>
      %dma_wait3A_128 = arith.constant 0 : i32
      %dma_wait3A_129 = tpu.memref_slice %arg8[%dma_wait3A_128] : memref<5008xi32, #tpu.memory_space<vmem>> -> memref<4992xi32, #tpu.memory_space<vmem>>
      %dma_wait3A_130 = tpu.memref_slice %arg4[%mul3A_19] : memref<320000xi32, #tpu.memory_space<hbm>> -> memref<4992xi32, #tpu.memory_space<hbm>>
      tpu.wait_dma2 semaphore(%run_scoped3A : memref<!tpu.dma_semaphore, #tpu.memory_space<semaphore_mem>>) src(%dma_wait3A_130 : memref<4992xi32, #tpu.memory_space<hbm>>) dst(%dma_wait3A_129 : memref<4992xi32, #tpu.memory_space<vmem>>)
      tpu.yield
    }) : () -> ()
    %dma_start3A_20 = arith.constant 0 : i32
    %dma_start3A_21 = tpu.memref_slice %arg7[%dma_start3A_20] : memref<5008xi32, #tpu.memory_space<vmem>> -> memref<128xi32, #tpu.memory_space<vmem>>
    %dma_start3A_22 = arith.constant 0 : i32
    %dma_start3A_23 = arith.constant 0 : i32
    %dma_start3A_24 = tpu.memref_slice %arg2[%dma_start3A_22, %dma_start3A_23] : memref<10000x128xf32, #tpu.memory_space<hbm>> -> memref<10000x128xf32, #tpu.memory_space<hbm>>
    tpu.enqueue_indirect_dma source(%dma_start3A_24 : memref<10000x128xf32, #tpu.memory_space<hbm>>) target(%arg9 : memref<128x128xf32, #tpu.memory_space<vmem>>) offsets(%dma_start3A_21 : memref<128xi32, #tpu.memory_space<vmem>>) semaphore(%arg11 : memref<!tpu.dma_semaphore, #tpu.memory_space<semaphore_mem>>)
    %dma_start3A_25 = arith.constant 128 : i32
    %dma_start3A_26 = tpu.memref_slice %arg7[%dma_start3A_25] : memref<5008xi32, #tpu.memory_space<vmem>> -> memref<128xi32, #tpu.memory_space<vmem>>
    %dma_start3A_27 = arith.constant 0 : i32
    %dma_start3A_28 = arith.constant 0 : i32
    %dma_start3A_29 = tpu.memref_slice %arg2[%dma_start3A_27, %dma_start3A_28] : memref<10000x128xf32, #tpu.memory_space<hbm>> -> memref<10000x128xf32, #tpu.memory_space<hbm>>
    tpu.enqueue_indirect_dma source(%dma_start3A_29 : memref<10000x128xf32, #tpu.memory_space<hbm>>) target(%arg10 : memref<128x128xf32, #tpu.memory_space<vmem>>) offsets(%dma_start3A_26 : memref<128xi32, #tpu.memory_space<vmem>>) semaphore(%arg12 : memref<!tpu.dma_semaphore, #tpu.memory_space<semaphore_mem>>)
    %dma_wait3A = arith.constant 0 : i32
    %dma_wait3A_30 = tpu.memref_slice %arg14[%mul3A_2, %dma_wait3A] : memref<10240x128xf32, #tpu.memory_space<vmem_shared>> -> memref<160x128xf32, #tpu.memory_space<vmem_shared>>
    tpu.wait_dma2 semaphore(%arg13 : memref<!tpu.dma_semaphore, #tpu.memory_space<semaphore_mem>>) src(%arg5 : memref<160x128xf32, #tpu.memory_space<hbm>>) dst(%dma_wait3A_30 : memref<160x128xf32, #tpu.memory_space<vmem_shared>>)
    %dma_wait3A_31 = arith.constant 0 : i32
    %dma_wait3A_32 = tpu.memref_slice %arg14[%mul3A_2, %dma_wait3A_31] : memref<10240x128xf32, #tpu.memory_space<vmem_shared>> -> memref<160x128xf32, #tpu.memory_space<vmem_shared>>
    tpu.wait_dma2 semaphore(%arg13 : memref<!tpu.dma_semaphore, #tpu.memory_space<semaphore_mem>>) src(%arg5 : memref<160x128xf32, #tpu.memory_space<hbm>>) dst(%dma_wait3A_32 : memref<160x128xf32, #tpu.memory_space<vmem_shared>>)
    %dma_wait3A_33 = arith.constant 0 : i32
    %dma_wait3A_34 = tpu.memref_slice %arg14[%mul3A_2, %dma_wait3A_33] : memref<10240x128xf32, #tpu.memory_space<vmem_shared>> -> memref<160x128xf32, #tpu.memory_space<vmem_shared>>
    tpu.wait_dma2 semaphore(%arg13 : memref<!tpu.dma_semaphore, #tpu.memory_space<semaphore_mem>>) src(%arg5 : memref<160x128xf32, #tpu.memory_space<hbm>>) dst(%dma_wait3A_34 : memref<160x128xf32, #tpu.memory_space<vmem_shared>>)
    %dma_wait3A_35 = arith.constant 0 : i32
    %dma_wait3A_36 = tpu.memref_slice %arg14[%mul3A_2, %dma_wait3A_35] : memref<10240x128xf32, #tpu.memory_space<vmem_shared>> -> memref<160x128xf32, #tpu.memory_space<vmem_shared>>
    tpu.wait_dma2 semaphore(%arg13 : memref<!tpu.dma_semaphore, #tpu.memory_space<semaphore_mem>>) src(%arg5 : memref<160x128xf32, #tpu.memory_space<hbm>>) dst(%dma_wait3A_36 : memref<160x128xf32, #tpu.memory_space<vmem_shared>>)
    %barrier3A = arith.constant 0 : index
    tpu.barrier barrier_id(%barrier3A)
    %scan3A = arith.constant 0 : i32
    %scan3A_37 = arith.constant 0 : i32
    %scan3A_38 = arith.constant 18 : i32
    %scan3A_39 = arith.addi %scan3A_37, %scan3A_38 : i32
    %scan3A_40 = arith.constant 1 : i32
    scf.for %scan3A_119 = %scan3A_37 to %scan3A_39 step %scan3A_40  : i32 {
      %mul3A_120 = arith.constant 2 : i32
      %mul3A_121 = arith.muli %scan3A_119, %mul3A_120 : i32
      %mul3A_122 = arith.constant 128 : i32
      %mul3A_123 = arith.muli %mul3A_121, %mul3A_122 : i32
      %dma_wait3A_124 = tpu.memref_slice %arg7[%mul3A_123] : memref<5008xi32, #tpu.memory_space<vmem>> -> memref<128xi32, #tpu.memory_space<vmem>>
      %dma_wait3A_125 = arith.constant 0 : i32
      %dma_wait3A_126 = arith.constant 0 : i32
      %dma_wait3A_127 = tpu.memref_slice %arg2[%dma_wait3A_125, %dma_wait3A_126] : memref<10000x128xf32, #tpu.memory_space<hbm>> -> memref<10000x128xf32, #tpu.memory_space<hbm>>
      tpu.wait_indirect_dma semaphore(%arg11 : memref<!tpu.dma_semaphore, #tpu.memory_space<semaphore_mem>>) src(%dma_wait3A_127 : memref<10000x128xf32, #tpu.memory_space<hbm>>) dst(%arg9 : memref<128x128xf32, #tpu.memory_space<vmem>>)
      %mul3A_128 = arith.constant 128 : i32
      %mul3A_129 = arith.muli %mul3A_121, %mul3A_128 : i32
      "tpu.region"() ({
        %run_scoped3A = tpu.sem_alloc : memref<!tpu.dma_semaphore, #tpu.memory_space<semaphore_mem>>
        %dma_start3A_158 = tpu.memref_slice %arg8[%mul3A_129] : memref<5008xi32, #tpu.memory_space<vmem>> -> memref<128xi32, #tpu.memory_space<vmem>>
        %dma_start3A_159 = arith.constant 0 : i32
        %dma_start3A_160 = arith.constant 0 : i32
        %dma_start3A_161 = tpu.memref_slice %arg14[%dma_start3A_159, %dma_start3A_160] : memref<10240x128xf32, #tpu.memory_space<vmem_shared>> -> memref<10240x128xf32, #tpu.memory_space<vmem_shared>>
        tpu.enqueue_indirect_dma source(%arg9 : memref<128x128xf32, #tpu.memory_space<vmem>>) target(%dma_start3A_161 : memref<10240x128xf32, #tpu.memory_space<vmem_shared>>) offsets(%dma_start3A_158 : memref<128xi32, #tpu.memory_space<vmem>>) semaphore(%run_scoped3A : memref<!tpu.dma_semaphore, #tpu.memory_space<semaphore_mem>>) {add = true}
        %dma_wait3A_162 = tpu.memref_slice %arg8[%mul3A_129] : memref<5008xi32, #tpu.memory_space<vmem>> -> memref<128xi32, #tpu.memory_space<vmem>>
        %dma_wait3A_163 = arith.constant 0 : i32
        %dma_wait3A_164 = arith.constant 0 : i32
        %dma_wait3A_165 = tpu.memref_slice %arg14[%dma_wait3A_163, %dma_wait3A_164] : memref<10240x128xf32, #tpu.memory_space<vmem_shared>> -> memref<10240x128xf32, #tpu.memory_space<vmem_shared>>
        tpu.wait_indirect_dma semaphore(%run_scoped3A : memref<!tpu.dma_semaphore, #tpu.memory_space<semaphore_mem>>) src(%arg9 : memref<128x128xf32, #tpu.memory_space<vmem>>) dst(%dma_wait3A_165 : memref<10240x128xf32, #tpu.memory_space<vmem_shared>>)
        tpu.yield
      }) : () -> ()
      %add3A_130 = arith.constant 2 : i32
      %add3A_131 = arith.addi %mul3A_121, %add3A_130 : i32
      %mul3A_132 = arith.constant 128 : i32
      %mul3A_133 = arith.muli %add3A_131, %mul3A_132 : i32
      %dma_start3A_134 = tpu.memref_slice %arg7[%mul3A_133] : memref<5008xi32, #tpu.memory_space<vmem>> -> memref<128xi32, #tpu.memory_space<vmem>>
      %dma_start3A_135 = arith.constant 0 : i32
      %dma_start3A_136 = arith.constant 0 : i32
      %dma_start3A_137 = tpu.memref_slice %arg2[%dma_start3A_135, %dma_start3A_136] : memref<10000x128xf32, #tpu.memory_space<hbm>> -> memref<10000x128xf32, #tpu.memory_space<hbm>>
      tpu.enqueue_indirect_dma source(%dma_start3A_137 : memref<10000x128xf32, #tpu.memory_space<hbm>>) target(%arg9 : memref<128x128xf32, #tpu.memory_space<vmem>>) offsets(%dma_start3A_134 : memref<128xi32, #tpu.memory_space<vmem>>) semaphore(%arg11 : memref<!tpu.dma_semaphore, #tpu.memory_space<semaphore_mem>>)
      %add3A_138 = arith.constant 1 : i32
      %add3A_139 = arith.addi %mul3A_121, %add3A_138 : i32
      %mul3A_140 = arith.constant 128 : i32
      %mul3A_141 = arith.muli %add3A_139, %mul3A_140 : i32
      %dma_wait3A_142 = tpu.memref_slice %arg7[%mul3A_141] : memref<5008xi32, #tpu.memory_space<vmem>> -> memref<128xi32, #tpu.memory_space<vmem>>
      %dma_wait3A_143 = arith.constant 0 : i32
      %dma_wait3A_144 = arith.constant 0 : i32
      %dma_wait3A_145 = tpu.memref_slice %arg2[%dma_wait3A_143, %dma_wait3A_144] : memref<10000x128xf32, #tpu.memory_space<hbm>> -> memref<10000x128xf32, #tpu.memory_space<hbm>>
      tpu.wait_indirect_dma semaphore(%arg12 : memref<!tpu.dma_semaphore, #tpu.memory_space<semaphore_mem>>) src(%dma_wait3A_145 : memref<10000x128xf32, #tpu.memory_space<hbm>>) dst(%arg10 : memref<128x128xf32, #tpu.memory_space<vmem>>)
      %add3A_146 = arith.constant 1 : i32
      %add3A_147 = arith.addi %mul3A_121, %add3A_146 : i32
      %mul3A_148 = arith.constant 128 : i32
      %mul3A_149 = arith.muli %add3A_147, %mul3A_148 : i32
      "tpu.region"() ({
        %run_scoped3A = tpu.sem_alloc : memref<!tpu.dma_semaphore, #tpu.memory_space<semaphore_mem>>
        %dma_start3A_158 = tpu.memref_slice %arg8[%mul3A_149] : memref<5008xi32, #tpu.memory_space<vmem>> -> memref<128xi32, #tpu.memory_space<vmem>>
        %dma_start3A_159 = arith.constant 0 : i32
        %dma_start3A_160 = arith.constant 0 : i32
        %dma_start3A_161 = tpu.memref_slice %arg14[%dma_start3A_159, %dma_start3A_160] : memref<10240x128xf32, #tpu.memory_space<vmem_shared>> -> memref<10240x128xf32, #tpu.memory_space<vmem_shared>>
        tpu.enqueue_indirect_dma source(%arg10 : memref<128x128xf32, #tpu.memory_space<vmem>>) target(%dma_start3A_161 : memref<10240x128xf32, #tpu.memory_space<vmem_shared>>) offsets(%dma_start3A_158 : memref<128xi32, #tpu.memory_space<vmem>>) semaphore(%run_scoped3A : memref<!tpu.dma_semaphore, #tpu.memory_space<semaphore_mem>>) {add = true}
        %dma_wait3A_162 = tpu.memref_slice %arg8[%mul3A_149] : memref<5008xi32, #tpu.memory_space<vmem>> -> memref<128xi32, #tpu.memory_space<vmem>>
        %dma_wait3A_163 = arith.constant 0 : i32
        %dma_wait3A_164 = arith.constant 0 : i32
        %dma_wait3A_165 = tpu.memref_slice %arg14[%dma_wait3A_163, %dma_wait3A_164] : memref<10240x128xf32, #tpu.memory_space<vmem_shared>> -> memref<10240x128xf32, #tpu.memory_space<vmem_shared>>
        tpu.wait_indirect_dma semaphore(%run_scoped3A : memref<!tpu.dma_semaphore, #tpu.memory_space<semaphore_mem>>) src(%arg10 : memref<128x128xf32, #tpu.memory_space<vmem>>) dst(%dma_wait3A_165 : memref<10240x128xf32, #tpu.memory_space<vmem_shared>>)
        tpu.yield
      }) : () -> ()
      %add3A_150 = arith.constant 3 : i32
      %add3A_151 = arith.addi %mul3A_121, %add3A_150 : i32
      %mul3A_152 = arith.constant 128 : i32
      %mul3A_153 = arith.muli %add3A_151, %mul3A_152 : i32
      %dma_start3A_154 = tpu.memref_slice %arg7[%mul3A_153] : memref<5008xi32, #tpu.memory_space<vmem>> -> memref<128xi32, #tpu.memory_space<vmem>>
      %dma_start3A_155 = arith.constant 0 : i32
      %dma_start3A_156 = arith.constant 0 : i32
      %dma_start3A_157 = tpu.memref_slice %arg2[%dma_start3A_155, %dma_start3A_156] : memref<10000x128xf32, #tpu.memory_space<hbm>> -> memref<10000x128xf32, #tpu.memory_space<hbm>>
      tpu.enqueue_indirect_dma source(%dma_start3A_157 : memref<10000x128xf32, #tpu.memory_space<hbm>>) target(%arg10 : memref<128x128xf32, #tpu.memory_space<vmem>>) offsets(%dma_start3A_154 : memref<128xi32, #tpu.memory_space<vmem>>) semaphore(%arg12 : memref<!tpu.dma_semaphore, #tpu.memory_space<semaphore_mem>>)
    }
    %scan3A_41 = arith.constant 18 : i32
    %dma_wait3A_42 = arith.constant 4608 : i32
    %dma_wait3A_43 = tpu.memref_slice %arg7[%dma_wait3A_42] : memref<5008xi32, #tpu.memory_space<vmem>> -> memref<128xi32, #tpu.memory_space<vmem>>
    %dma_wait3A_44 = arith.constant 0 : i32
    %dma_wait3A_45 = arith.constant 0 : i32
    %dma_wait3A_46 = tpu.memref_slice %arg2[%dma_wait3A_44, %dma_wait3A_45] : memref<10000x128xf32, #tpu.memory_space<hbm>> -> memref<10000x128xf32, #tpu.memory_space<hbm>>
    tpu.wait_indirect_dma semaphore(%arg11 : memref<!tpu.dma_semaphore, #tpu.memory_space<semaphore_mem>>) src(%dma_wait3A_46 : memref<10000x128xf32, #tpu.memory_space<hbm>>) dst(%arg9 : memref<128x128xf32, #tpu.memory_space<vmem>>)
    "tpu.region"() ({
      %run_scoped3A = tpu.sem_alloc : memref<!tpu.dma_semaphore, #tpu.memory_space<semaphore_mem>>
      %dma_start3A_119 = arith.constant 4608 : i32
      %dma_start3A_120 = tpu.memref_slice %arg8[%dma_start3A_119] : memref<5008xi32, #tpu.memory_space<vmem>> -> memref<128xi32, #tpu.memory_space<vmem>>
      %dma_start3A_121 = arith.constant 0 : i32
      %dma_start3A_122 = arith.constant 0 : i32
      %dma_start3A_123 = tpu.memref_slice %arg14[%dma_start3A_121, %dma_start3A_122] : memref<10240x128xf32, #tpu.memory_space<vmem_shared>> -> memref<10240x128xf32, #tpu.memory_space<vmem_shared>>
      tpu.enqueue_indirect_dma source(%arg9 : memref<128x128xf32, #tpu.memory_space<vmem>>) target(%dma_start3A_123 : memref<10240x128xf32, #tpu.memory_space<vmem_shared>>) offsets(%dma_start3A_120 : memref<128xi32, #tpu.memory_space<vmem>>) semaphore(%run_scoped3A : memref<!tpu.dma_semaphore, #tpu.memory_space<semaphore_mem>>) {add = true}
      %dma_wait3A_124 = arith.constant 4608 : i32
      %dma_wait3A_125 = tpu.memref_slice %arg8[%dma_wait3A_124] : memref<5008xi32, #tpu.memory_space<vmem>> -> memref<128xi32, #tpu.memory_space<vmem>>
      %dma_wait3A_126 = arith.constant 0 : i32
      %dma_wait3A_127 = arith.constant 0 : i32
      %dma_wait3A_128 = tpu.memref_slice %arg14[%dma_wait3A_126, %dma_wait3A_127] : memref<10240x128xf32, #tpu.memory_space<vmem_shared>> -> memref<10240x128xf32, #tpu.memory_space<vmem_shared>>
      tpu.wait_indirect_dma semaphore(%run_scoped3A : memref<!tpu.dma_semaphore, #tpu.memory_space<semaphore_mem>>) src(%arg9 : memref<128x128xf32, #tpu.memory_space<vmem>>) dst(%dma_wait3A_128 : memref<10240x128xf32, #tpu.memory_space<vmem_shared>>)
      tpu.yield
    }) : () -> ()
    %dma_start3A_47 = arith.constant 4864 : i32
    %dma_start3A_48 = tpu.memref_slice %arg7[%dma_start3A_47] : memref<5008xi32, #tpu.memory_space<vmem>> -> memref<128xi32, #tpu.memory_space<vmem>>
    %dma_start3A_49 = arith.constant 0 : i32
    %dma_start3A_50 = arith.constant 0 : i32
    %dma_start3A_51 = tpu.memref_slice %arg2[%dma_start3A_49, %dma_start3A_50] : memref<10000x128xf32, #tpu.memory_space<hbm>> -> memref<10000x128xf32, #tpu.memory_space<hbm>>
    tpu.enqueue_indirect_dma source(%dma_start3A_51 : memref<10000x128xf32, #tpu.memory_space<hbm>>) target(%arg9 : memref<128x128xf32, #tpu.memory_space<vmem>>) offsets(%dma_start3A_48 : memref<128xi32, #tpu.memory_space<vmem>>) semaphore(%arg11 : memref<!tpu.dma_semaphore, #tpu.memory_space<semaphore_mem>>)
    %dma_wait3A_52 = arith.constant 4736 : i32
    %dma_wait3A_53 = tpu.memref_slice %arg7[%dma_wait3A_52] : memref<5008xi32, #tpu.memory_space<vmem>> -> memref<128xi32, #tpu.memory_space<vmem>>
    %dma_wait3A_54 = arith.constant 0 : i32
    %dma_wait3A_55 = arith.constant 0 : i32
    %dma_wait3A_56 = tpu.memref_slice %arg2[%dma_wait3A_54, %dma_wait3A_55] : memref<10000x128xf32, #tpu.memory_space<hbm>> -> memref<10000x128xf32, #tpu.memory_space<hbm>>
    tpu.wait_indirect_dma semaphore(%arg12 : memref<!tpu.dma_semaphore, #tpu.memory_space<semaphore_mem>>) src(%dma_wait3A_56 : memref<10000x128xf32, #tpu.memory_space<hbm>>) dst(%arg10 : memref<128x128xf32, #tpu.memory_space<vmem>>)
    "tpu.region"() ({
      %run_scoped3A = tpu.sem_alloc : memref<!tpu.dma_semaphore, #tpu.memory_space<semaphore_mem>>
      %dma_start3A_119 = arith.constant 4736 : i32
      %dma_start3A_120 = tpu.memref_slice %arg8[%dma_start3A_119] : memref<5008xi32, #tpu.memory_space<vmem>> -> memref<128xi32, #tpu.memory_space<vmem>>
      %dma_start3A_121 = arith.constant 0 : i32
      %dma_start3A_122 = arith.constant 0 : i32
      %dma_start3A_123 = tpu.memref_slice %arg14[%dma_start3A_121, %dma_start3A_122] : memref<10240x128xf32, #tpu.memory_space<vmem_shared>> -> memref<10240x128xf32, #tpu.memory_space<vmem_shared>>
      tpu.enqueue_indirect_dma source(%arg10 : memref<128x128xf32, #tpu.memory_space<vmem>>) target(%dma_start3A_123 : memref<10240x128xf32, #tpu.memory_space<vmem_shared>>) offsets(%dma_start3A_120 : memref<128xi32, #tpu.memory_space<vmem>>) semaphore(%run_scoped3A : memref<!tpu.dma_semaphore, #tpu.memory_space<semaphore_mem>>) {add = true}
      %dma_wait3A_124 = arith.constant 4736 : i32
      %dma_wait3A_125 = tpu.memref_slice %arg8[%dma_wait3A_124] : memref<5008xi32, #tpu.memory_space<vmem>> -> memref<128xi32, #tpu.memory_space<vmem>>
      %dma_wait3A_126 = arith.constant 0 : i32
      %dma_wait3A_127 = arith.constant 0 : i32
      %dma_wait3A_128 = tpu.memref_slice %arg14[%dma_wait3A_126, %dma_wait3A_127] : memref<10240x128xf32, #tpu.memory_space<vmem_shared>> -> memref<10240x128xf32, #tpu.memory_space<vmem_shared>>
      tpu.wait_indirect_dma semaphore(%run_scoped3A : memref<!tpu.dma_semaphore, #tpu.memory_space<semaphore_mem>>) src(%arg10 : memref<128x128xf32, #tpu.memory_space<vmem>>) dst(%dma_wait3A_128 : memref<10240x128xf32, #tpu.memory_space<vmem_shared>>)
      tpu.yield
    }) : () -> ()
    %dma_wait3A_57 = arith.constant 4864 : i32
    %dma_wait3A_58 = tpu.memref_slice %arg7[%dma_wait3A_57] : memref<5008xi32, #tpu.memory_space<vmem>> -> memref<128xi32, #tpu.memory_space<vmem>>
    %dma_wait3A_59 = arith.constant 0 : i32
    %dma_wait3A_60 = arith.constant 0 : i32
    %dma_wait3A_61 = tpu.memref_slice %arg2[%dma_wait3A_59, %dma_wait3A_60] : memref<10000x128xf32, #tpu.memory_space<hbm>> -> memref<10000x128xf32, #tpu.memory_space<hbm>>
    tpu.wait_indirect_dma semaphore(%arg11 : memref<!tpu.dma_semaphore, #tpu.memory_space<semaphore_mem>>) src(%dma_wait3A_61 : memref<10000x128xf32, #tpu.memory_space<hbm>>) dst(%arg9 : memref<128x128xf32, #tpu.memory_space<vmem>>)
    "tpu.region"() ({
      %run_scoped3A = tpu.sem_alloc : memref<!tpu.dma_semaphore, #tpu.memory_space<semaphore_mem>>
      %dma_start3A_119 = arith.constant 4864 : i32
      %dma_start3A_120 = tpu.memref_slice %arg8[%dma_start3A_119] : memref<5008xi32, #tpu.memory_space<vmem>> -> memref<128xi32, #tpu.memory_space<vmem>>
      %dma_start3A_121 = arith.constant 0 : i32
      %dma_start3A_122 = arith.constant 0 : i32
      %dma_start3A_123 = tpu.memref_slice %arg14[%dma_start3A_121, %dma_start3A_122] : memref<10240x128xf32, #tpu.memory_space<vmem_shared>> -> memref<10240x128xf32, #tpu.memory_space<vmem_shared>>
      tpu.enqueue_indirect_dma source(%arg9 : memref<128x128xf32, #tpu.memory_space<vmem>>) target(%dma_start3A_123 : memref<10240x128xf32, #tpu.memory_space<vmem_shared>>) offsets(%dma_start3A_120 : memref<128xi32, #tpu.memory_space<vmem>>) semaphore(%run_scoped3A : memref<!tpu.dma_semaphore, #tpu.memory_space<semaphore_mem>>) {add = true}
      %dma_wait3A_124 = arith.constant 4864 : i32
      %dma_wait3A_125 = tpu.memref_slice %arg8[%dma_wait3A_124] : memref<5008xi32, #tpu.memory_space<vmem>> -> memref<128xi32, #tpu.memory_space<vmem>>
      %dma_wait3A_126 = arith.constant 0 : i32
      %dma_wait3A_127 = arith.constant 0 : i32
      %dma_wait3A_128 = tpu.memref_slice %arg14[%dma_wait3A_126, %dma_wait3A_127] : memref<10240x128xf32, #tpu.memory_space<vmem_shared>> -> memref<10240x128xf32, #tpu.memory_space<vmem_shared>>
      tpu.wait_indirect_dma semaphore(%run_scoped3A : memref<!tpu.dma_semaphore, #tpu.memory_space<semaphore_mem>>) src(%arg9 : memref<128x128xf32, #tpu.memory_space<vmem>>) dst(%dma_wait3A_128 : memref<10240x128xf32, #tpu.memory_space<vmem_shared>>)
      tpu.yield
    }) : () -> ()
    %add3A_62 = arith.constant 4992 : i32
    %add3A_63 = arith.addi %mul3A_19, %add3A_62 : i32
    "tpu.region"() ({
      %run_scoped3A = tpu.sem_alloc : memref<!tpu.dma_semaphore, #tpu.memory_space<semaphore_mem>>
      %dma_start3A_119 = tpu.memref_slice %arg3[%add3A_63] : memref<320000xi32, #tpu.memory_space<hbm>> -> memref<5008xi32, #tpu.memory_space<hbm>>
      %dma_start3A_120 = tpu.memref_slice %arg3[%add3A_63] : memref<320000xi32, #tpu.memory_space<hbm>> -> memref<5008xi32, #tpu.memory_space<hbm>>
      tpu.enqueue_dma source(%dma_start3A_120 : memref<5008xi32, #tpu.memory_space<hbm>>) target(%arg7 : memref<5008xi32, #tpu.memory_space<vmem>>) target_semaphore(%run_scoped3A : memref<!tpu.dma_semaphore, #tpu.memory_space<semaphore_mem>>)
      %dma_wait3A_121 = tpu.memref_slice %arg3[%add3A_63] : memref<320000xi32, #tpu.memory_space<hbm>> -> memref<5008xi32, #tpu.memory_space<hbm>>
      %dma_wait3A_122 = tpu.memref_slice %arg3[%add3A_63] : memref<320000xi32, #tpu.memory_space<hbm>> -> memref<5008xi32, #tpu.memory_space<hbm>>
      tpu.wait_dma2 semaphore(%run_scoped3A : memref<!tpu.dma_semaphore, #tpu.memory_space<semaphore_mem>>) src(%dma_wait3A_122 : memref<5008xi32, #tpu.memory_space<hbm>>) dst(%arg7 : memref<5008xi32, #tpu.memory_space<vmem>>)
      tpu.yield
    }) : () -> ()
    %add3A_64 = arith.constant 4992 : i32
    %add3A_65 = arith.addi %mul3A_19, %add3A_64 : i32
    "tpu.region"() ({
      %run_scoped3A = tpu.sem_alloc : memref<!tpu.dma_semaphore, #tpu.memory_space<semaphore_mem>>
      %dma_start3A_119 = tpu.memref_slice %arg4[%add3A_65] : memref<320000xi32, #tpu.memory_space<hbm>> -> memref<5008xi32, #tpu.memory_space<hbm>>
      %dma_start3A_120 = tpu.memref_slice %arg4[%add3A_65] : memref<320000xi32, #tpu.memory_space<hbm>> -> memref<5008xi32, #tpu.memory_space<hbm>>
      tpu.enqueue_dma source(%dma_start3A_120 : memref<5008xi32, #tpu.memory_space<hbm>>) target(%arg8 : memref<5008xi32, #tpu.memory_space<vmem>>) target_semaphore(%run_scoped3A : memref<!tpu.dma_semaphore, #tpu.memory_space<semaphore_mem>>)
      %dma_wait3A_121 = tpu.memref_slice %arg4[%add3A_65] : memref<320000xi32, #tpu.memory_space<hbm>> -> memref<5008xi32, #tpu.memory_space<hbm>>
      %dma_wait3A_122 = tpu.memref_slice %arg4[%add3A_65] : memref<320000xi32, #tpu.memory_space<hbm>> -> memref<5008xi32, #tpu.memory_space<hbm>>
      tpu.wait_dma2 semaphore(%run_scoped3A : memref<!tpu.dma_semaphore, #tpu.memory_space<semaphore_mem>>) src(%dma_wait3A_122 : memref<5008xi32, #tpu.memory_space<hbm>>) dst(%arg8 : memref<5008xi32, #tpu.memory_space<vmem>>)
      tpu.yield
    }) : () -> ()
    %dma_start3A_66 = arith.constant 0 : i32
    %dma_start3A_67 = tpu.memref_slice %arg7[%dma_start3A_66] : memref<5008xi32, #tpu.memory_space<vmem>> -> memref<128xi32, #tpu.memory_space<vmem>>
    %dma_start3A_68 = arith.constant 0 : i32
    %dma_start3A_69 = arith.constant 0 : i32
    %dma_start3A_70 = tpu.memref_slice %arg2[%dma_start3A_68, %dma_start3A_69] : memref<10000x128xf32, #tpu.memory_space<hbm>> -> memref<10000x128xf32, #tpu.memory_space<hbm>>
    tpu.enqueue_indirect_dma source(%dma_start3A_70 : memref<10000x128xf32, #tpu.memory_space<hbm>>) target(%arg9 : memref<128x128xf32, #tpu.memory_space<vmem>>) offsets(%dma_start3A_67 : memref<128xi32, #tpu.memory_space<vmem>>) semaphore(%arg11 : memref<!tpu.dma_semaphore, #tpu.memory_space<semaphore_mem>>)
    %dma_start3A_71 = arith.constant 128 : i32
    %dma_start3A_72 = tpu.memref_slice %arg7[%dma_start3A_71] : memref<5008xi32, #tpu.memory_space<vmem>> -> memref<128xi32, #tpu.memory_space<vmem>>
    %dma_start3A_73 = arith.constant 0 : i32
    %dma_start3A_74 = arith.constant 0 : i32
    %dma_start3A_75 = tpu.memref_slice %arg2[%dma_start3A_73, %dma_start3A_74] : memref<10000x128xf32, #tpu.memory_space<hbm>> -> memref<10000x128xf32, #tpu.memory_space<hbm>>
    tpu.enqueue_indirect_dma source(%dma_start3A_75 : memref<10000x128xf32, #tpu.memory_space<hbm>>) target(%arg10 : memref<128x128xf32, #tpu.memory_space<vmem>>) offsets(%dma_start3A_72 : memref<128xi32, #tpu.memory_space<vmem>>) semaphore(%arg12 : memref<!tpu.dma_semaphore, #tpu.memory_space<semaphore_mem>>)
    %scan3A_76 = arith.constant 0 : i32
    %scan3A_77 = arith.constant 0 : i32
    %scan3A_78 = arith.constant 18 : i32
    %scan3A_79 = arith.addi %scan3A_77, %scan3A_78 : i32
    %scan3A_80 = arith.constant 1 : i32
    scf.for %scan3A_119 = %scan3A_77 to %scan3A_79 step %scan3A_80  : i32 {
      %mul3A_120 = arith.constant 2 : i32
      %mul3A_121 = arith.muli %scan3A_119, %mul3A_120 : i32
      %mul3A_122 = arith.constant 128 : i32
      %mul3A_123 = arith.muli %mul3A_121, %mul3A_122 : i32
      %dma_wait3A_124 = tpu.memref_slice %arg7[%mul3A_123] : memref<5008xi32, #tpu.memory_space<vmem>> -> memref<128xi32, #tpu.memory_space<vmem>>
      %dma_wait3A_125 = arith.constant 0 : i32
      %dma_wait3A_126 = arith.constant 0 : i32
      %dma_wait3A_127 = tpu.memref_slice %arg2[%dma_wait3A_125, %dma_wait3A_126] : memref<10000x128xf32, #tpu.memory_space<hbm>> -> memref<10000x128xf32, #tpu.memory_space<hbm>>
      tpu.wait_indirect_dma semaphore(%arg11 : memref<!tpu.dma_semaphore, #tpu.memory_space<semaphore_mem>>) src(%dma_wait3A_127 : memref<10000x128xf32, #tpu.memory_space<hbm>>) dst(%arg9 : memref<128x128xf32, #tpu.memory_space<vmem>>)
      %mul3A_128 = arith.constant 128 : i32
      %mul3A_129 = arith.muli %mul3A_121, %mul3A_128 : i32
      "tpu.region"() ({
        %run_scoped3A = tpu.sem_alloc : memref<!tpu.dma_semaphore, #tpu.memory_space<semaphore_mem>>
        %dma_start3A_158 = tpu.memref_slice %arg8[%mul3A_129] : memref<5008xi32, #tpu.memory_space<vmem>> -> memref<128xi32, #tpu.memory_space<vmem>>
        %dma_start3A_159 = arith.constant 0 : i32
        %dma_start3A_160 = arith.constant 0 : i32
        %dma_start3A_161 = tpu.memref_slice %arg14[%dma_start3A_159, %dma_start3A_160] : memref<10240x128xf32, #tpu.memory_space<vmem_shared>> -> memref<10240x128xf32, #tpu.memory_space<vmem_shared>>
        tpu.enqueue_indirect_dma source(%arg9 : memref<128x128xf32, #tpu.memory_space<vmem>>) target(%dma_start3A_161 : memref<10240x128xf32, #tpu.memory_space<vmem_shared>>) offsets(%dma_start3A_158 : memref<128xi32, #tpu.memory_space<vmem>>) semaphore(%run_scoped3A : memref<!tpu.dma_semaphore, #tpu.memory_space<semaphore_mem>>) {add = true}
        %dma_wait3A_162 = tpu.memref_slice %arg8[%mul3A_129] : memref<5008xi32, #tpu.memory_space<vmem>> -> memref<128xi32, #tpu.memory_space<vmem>>
        %dma_wait3A_163 = arith.constant 0 : i32
        %dma_wait3A_164 = arith.constant 0 : i32
        %dma_wait3A_165 = tpu.memref_slice %arg14[%dma_wait3A_163, %dma_wait3A_164] : memref<10240x128xf32, #tpu.memory_space<vmem_shared>> -> memref<10240x128xf32, #tpu.memory_space<vmem_shared>>
        tpu.wait_indirect_dma semaphore(%run_scoped3A : memref<!tpu.dma_semaphore, #tpu.memory_space<semaphore_mem>>) src(%arg9 : memref<128x128xf32, #tpu.memory_space<vmem>>) dst(%dma_wait3A_165 : memref<10240x128xf32, #tpu.memory_space<vmem_shared>>)
        tpu.yield
      }) : () -> ()
      %add3A_130 = arith.constant 2 : i32
      %add3A_131 = arith.addi %mul3A_121, %add3A_130 : i32
      %mul3A_132 = arith.constant 128 : i32
      %mul3A_133 = arith.muli %add3A_131, %mul3A_132 : i32
      %dma_start3A_134 = tpu.memref_slice %arg7[%mul3A_133] : memref<5008xi32, #tpu.memory_space<vmem>> -> memref<128xi32, #tpu.memory_space<vmem>>
      %dma_start3A_135 = arith.constant 0 : i32
      %dma_start3A_136 = arith.constant 0 : i32
      %dma_start3A_137 = tpu.memref_slice %arg2[%dma_start3A_135, %dma_start3A_136] : memref<10000x128xf32, #tpu.memory_space<hbm>> -> memref<10000x128xf32, #tpu.memory_space<hbm>>
      tpu.enqueue_indirect_dma source(%dma_start3A_137 : memref<10000x128xf32, #tpu.memory_space<hbm>>) target(%arg9 : memref<128x128xf32, #tpu.memory_space<vmem>>) offsets(%dma_start3A_134 : memref<128xi32, #tpu.memory_space<vmem>>) semaphore(%arg11 : memref<!tpu.dma_semaphore, #tpu.memory_space<semaphore_mem>>)
      %add3A_138 = arith.constant 1 : i32
      %add3A_139 = arith.addi %mul3A_121, %add3A_138 : i32
      %mul3A_140 = arith.constant 128 : i32
      %mul3A_141 = arith.muli %add3A_139, %mul3A_140 : i32
      %dma_wait3A_142 = tpu.memref_slice %arg7[%mul3A_141] : memref<5008xi32, #tpu.memory_space<vmem>> -> memref<128xi32, #tpu.memory_space<vmem>>
      %dma_wait3A_143 = arith.constant 0 : i32
      %dma_wait3A_144 = arith.constant 0 : i32
      %dma_wait3A_145 = tpu.memref_slice %arg2[%dma_wait3A_143, %dma_wait3A_144] : memref<10000x128xf32, #tpu.memory_space<hbm>> -> memref<10000x128xf32, #tpu.memory_space<hbm>>
      tpu.wait_indirect_dma semaphore(%arg12 : memref<!tpu.dma_semaphore, #tpu.memory_space<semaphore_mem>>) src(%dma_wait3A_145 : memref<10000x128xf32, #tpu.memory_space<hbm>>) dst(%arg10 : memref<128x128xf32, #tpu.memory_space<vmem>>)
      %add3A_146 = arith.constant 1 : i32
      %add3A_147 = arith.addi %mul3A_121, %add3A_146 : i32
      %mul3A_148 = arith.constant 128 : i32
      %mul3A_149 = arith.muli %add3A_147, %mul3A_148 : i32
      "tpu.region"() ({
        %run_scoped3A = tpu.sem_alloc : memref<!tpu.dma_semaphore, #tpu.memory_space<semaphore_mem>>
        %dma_start3A_158 = tpu.memref_slice %arg8[%mul3A_149] : memref<5008xi32, #tpu.memory_space<vmem>> -> memref<128xi32, #tpu.memory_space<vmem>>
        %dma_start3A_159 = arith.constant 0 : i32
        %dma_start3A_160 = arith.constant 0 : i32
        %dma_start3A_161 = tpu.memref_slice %arg14[%dma_start3A_159, %dma_start3A_160] : memref<10240x128xf32, #tpu.memory_space<vmem_shared>> -> memref<10240x128xf32, #tpu.memory_space<vmem_shared>>
        tpu.enqueue_indirect_dma source(%arg10 : memref<128x128xf32, #tpu.memory_space<vmem>>) target(%dma_start3A_161 : memref<10240x128xf32, #tpu.memory_space<vmem_shared>>) offsets(%dma_start3A_158 : memref<128xi32, #tpu.memory_space<vmem>>) semaphore(%run_scoped3A : memref<!tpu.dma_semaphore, #tpu.memory_space<semaphore_mem>>) {add = true}
        %dma_wait3A_162 = tpu.memref_slice %arg8[%mul3A_149] : memref<5008xi32, #tpu.memory_space<vmem>> -> memref<128xi32, #tpu.memory_space<vmem>>
        %dma_wait3A_163 = arith.constant 0 : i32
        %dma_wait3A_164 = arith.constant 0 : i32
        %dma_wait3A_165 = tpu.memref_slice %arg14[%dma_wait3A_163, %dma_wait3A_164] : memref<10240x128xf32, #tpu.memory_space<vmem_shared>> -> memref<10240x128xf32, #tpu.memory_space<vmem_shared>>
        tpu.wait_indirect_dma semaphore(%run_scoped3A : memref<!tpu.dma_semaphore, #tpu.memory_space<semaphore_mem>>) src(%arg10 : memref<128x128xf32, #tpu.memory_space<vmem>>) dst(%dma_wait3A_165 : memref<10240x128xf32, #tpu.memory_space<vmem_shared>>)
        tpu.yield
      }) : () -> ()
      %add3A_150 = arith.constant 3 : i32
      %add3A_151 = arith.addi %mul3A_121, %add3A_150 : i32
      %mul3A_152 = arith.constant 128 : i32
      %mul3A_153 = arith.muli %add3A_151, %mul3A_152 : i32
      %dma_start3A_154 = tpu.memref_slice %arg7[%mul3A_153] : memref<5008xi32, #tpu.memory_space<vmem>> -> memref<128xi32, #tpu.memory_space<vmem>>
      %dma_start3A_155 = arith.constant 0 : i32
      %dma_start3A_156 = arith.constant 0 : i32
      %dma_start3A_157 = tpu.memref_slice %arg2[%dma_start3A_155, %dma_start3A_156] : memref<10000x128xf32, #tpu.memory_space<hbm>> -> memref<10000x128xf32, #tpu.memory_space<hbm>>
      tpu.enqueue_indirect_dma source(%dma_start3A_157 : memref<10000x128xf32, #tpu.memory_space<hbm>>) target(%arg10 : memref<128x128xf32, #tpu.memory_space<vmem>>) offsets(%dma_start3A_154 : memref<128xi32, #tpu.memory_space<vmem>>) semaphore(%arg12 : memref<!tpu.dma_semaphore, #tpu.memory_space<semaphore_mem>>)
    }
    %scan3A_81 = arith.constant 18 : i32
    %dma_wait3A_82 = arith.constant 4608 : i32
    %dma_wait3A_83 = tpu.memref_slice %arg7[%dma_wait3A_82] : memref<5008xi32, #tpu.memory_space<vmem>> -> memref<128xi32, #tpu.memory_space<vmem>>
    %dma_wait3A_84 = arith.constant 0 : i32
    %dma_wait3A_85 = arith.constant 0 : i32
    %dma_wait3A_86 = tpu.memref_slice %arg2[%dma_wait3A_84, %dma_wait3A_85] : memref<10000x128xf32, #tpu.memory_space<hbm>> -> memref<10000x128xf32, #tpu.memory_space<hbm>>
    tpu.wait_indirect_dma semaphore(%arg11 : memref<!tpu.dma_semaphore, #tpu.memory_space<semaphore_mem>>) src(%dma_wait3A_86 : memref<10000x128xf32, #tpu.memory_space<hbm>>) dst(%arg9 : memref<128x128xf32, #tpu.memory_space<vmem>>)
    "tpu.region"() ({
      %run_scoped3A = tpu.sem_alloc : memref<!tpu.dma_semaphore, #tpu.memory_space<semaphore_mem>>
      %dma_start3A_119 = arith.constant 4608 : i32
      %dma_start3A_120 = tpu.memref_slice %arg8[%dma_start3A_119] : memref<5008xi32, #tpu.memory_space<vmem>> -> memref<128xi32, #tpu.memory_space<vmem>>
      %dma_start3A_121 = arith.constant 0 : i32
      %dma_start3A_122 = arith.constant 0 : i32
      %dma_start3A_123 = tpu.memref_slice %arg14[%dma_start3A_121, %dma_start3A_122] : memref<10240x128xf32, #tpu.memory_space<vmem_shared>> -> memref<10240x128xf32, #tpu.memory_space<vmem_shared>>
      tpu.enqueue_indirect_dma source(%arg9 : memref<128x128xf32, #tpu.memory_space<vmem>>) target(%dma_start3A_123 : memref<10240x128xf32, #tpu.memory_space<vmem_shared>>) offsets(%dma_start3A_120 : memref<128xi32, #tpu.memory_space<vmem>>) semaphore(%run_scoped3A : memref<!tpu.dma_semaphore, #tpu.memory_space<semaphore_mem>>) {add = true}
      %dma_wait3A_124 = arith.constant 4608 : i32
      %dma_wait3A_125 = tpu.memref_slice %arg8[%dma_wait3A_124] : memref<5008xi32, #tpu.memory_space<vmem>> -> memref<128xi32, #tpu.memory_space<vmem>>
      %dma_wait3A_126 = arith.constant 0 : i32
      %dma_wait3A_127 = arith.constant 0 : i32
      %dma_wait3A_128 = tpu.memref_slice %arg14[%dma_wait3A_126, %dma_wait3A_127] : memref<10240x128xf32, #tpu.memory_space<vmem_shared>> -> memref<10240x128xf32, #tpu.memory_space<vmem_shared>>
      tpu.wait_indirect_dma semaphore(%run_scoped3A : memref<!tpu.dma_semaphore, #tpu.memory_space<semaphore_mem>>) src(%arg9 : memref<128x128xf32, #tpu.memory_space<vmem>>) dst(%dma_wait3A_128 : memref<10240x128xf32, #tpu.memory_space<vmem_shared>>)
      tpu.yield
    }) : () -> ()
    %dma_start3A_87 = arith.constant 4864 : i32
    %dma_start3A_88 = tpu.memref_slice %arg7[%dma_start3A_87] : memref<5008xi32, #tpu.memory_space<vmem>> -> memref<128xi32, #tpu.memory_space<vmem>>
    %dma_start3A_89 = arith.constant 0 : i32
    %dma_start3A_90 = arith.constant 0 : i32
    %dma_start3A_91 = tpu.memref_slice %arg2[%dma_start3A_89, %dma_start3A_90] : memref<10000x128xf32, #tpu.memory_space<hbm>> -> memref<10000x128xf32, #tpu.memory_space<hbm>>
    tpu.enqueue_indirect_dma source(%dma_start3A_91 : memref<10000x128xf32, #tpu.memory_space<hbm>>) target(%arg9 : memref<128x128xf32, #tpu.memory_space<vmem>>) offsets(%dma_start3A_88 : memref<128xi32, #tpu.memory_space<vmem>>) semaphore(%arg11 : memref<!tpu.dma_semaphore, #tpu.memory_space<semaphore_mem>>)
    %dma_wait3A_92 = arith.constant 4736 : i32
    %dma_wait3A_93 = tpu.memref_slice %arg7[%dma_wait3A_92] : memref<5008xi32, #tpu.memory_space<vmem>> -> memref<128xi32, #tpu.memory_space<vmem>>
    %dma_wait3A_94 = arith.constant 0 : i32
    %dma_wait3A_95 = arith.constant 0 : i32
    %dma_wait3A_96 = tpu.memref_slice %arg2[%dma_wait3A_94, %dma_wait3A_95] : memref<10000x128xf32, #tpu.memory_space<hbm>> -> memref<10000x128xf32, #tpu.memory_space<hbm>>
    tpu.wait_indirect_dma semaphore(%arg12 : memref<!tpu.dma_semaphore, #tpu.memory_space<semaphore_mem>>) src(%dma_wait3A_96 : memref<10000x128xf32, #tpu.memory_space<hbm>>) dst(%arg10 : memref<128x128xf32, #tpu.memory_space<vmem>>)
    "tpu.region"() ({
      %run_scoped3A = tpu.sem_alloc : memref<!tpu.dma_semaphore, #tpu.memory_space<semaphore_mem>>
      %dma_start3A_119 = arith.constant 4736 : i32
      %dma_start3A_120 = tpu.memref_slice %arg8[%dma_start3A_119] : memref<5008xi32, #tpu.memory_space<vmem>> -> memref<128xi32, #tpu.memory_space<vmem>>
      %dma_start3A_121 = arith.constant 0 : i32
      %dma_start3A_122 = arith.constant 0 : i32
      %dma_start3A_123 = tpu.memref_slice %arg14[%dma_start3A_121, %dma_start3A_122] : memref<10240x128xf32, #tpu.memory_space<vmem_shared>> -> memref<10240x128xf32, #tpu.memory_space<vmem_shared>>
      tpu.enqueue_indirect_dma source(%arg10 : memref<128x128xf32, #tpu.memory_space<vmem>>) target(%dma_start3A_123 : memref<10240x128xf32, #tpu.memory_space<vmem_shared>>) offsets(%dma_start3A_120 : memref<128xi32, #tpu.memory_space<vmem>>) semaphore(%run_scoped3A : memref<!tpu.dma_semaphore, #tpu.memory_space<semaphore_mem>>) {add = true}
      %dma_wait3A_124 = arith.constant 4736 : i32
      %dma_wait3A_125 = tpu.memref_slice %arg8[%dma_wait3A_124] : memref<5008xi32, #tpu.memory_space<vmem>> -> memref<128xi32, #tpu.memory_space<vmem>>
      %dma_wait3A_126 = arith.constant 0 : i32
      %dma_wait3A_127 = arith.constant 0 : i32
      %dma_wait3A_128 = tpu.memref_slice %arg14[%dma_wait3A_126, %dma_wait3A_127] : memref<10240x128xf32, #tpu.memory_space<vmem_shared>> -> memref<10240x128xf32, #tpu.memory_space<vmem_shared>>
      tpu.wait_indirect_dma semaphore(%run_scoped3A : memref<!tpu.dma_semaphore, #tpu.memory_space<semaphore_mem>>) src(%arg10 : memref<128x128xf32, #tpu.memory_space<vmem>>) dst(%dma_wait3A_128 : memref<10240x128xf32, #tpu.memory_space<vmem_shared>>)
      tpu.yield
    }) : () -> ()
    %dma_start3A_97 = arith.constant 0 : i32
    %dma_start3A_98 = arith.constant 0 : i32
    %dma_start3A_99 = tpu.memref_slice %arg10[%dma_start3A_97, %dma_start3A_98] : memref<128x128xf32, #tpu.memory_space<vmem>> -> memref<16x128xf32, #tpu.memory_space<vmem>>
    %dma_start3A_100 = arith.constant 4992 : i32
    %dma_start3A_101 = tpu.memref_slice %arg7[%dma_start3A_100] : memref<5008xi32, #tpu.memory_space<vmem>> -> memref<16xi32, #tpu.memory_space<vmem>>
    %dma_start3A_102 = arith.constant 0 : i32
    %dma_start3A_103 = arith.constant 0 : i32
    %dma_start3A_104 = tpu.memref_slice %arg2[%dma_start3A_102, %dma_start3A_103] : memref<10000x128xf32, #tpu.memory_space<hbm>> -> memref<10000x128xf32, #tpu.memory_space<hbm>>
    tpu.enqueue_indirect_dma source(%dma_start3A_104 : memref<10000x128xf32, #tpu.memory_space<hbm>>) target(%dma_start3A_99 : memref<16x128xf32, #tpu.memory_space<vmem>>) offsets(%dma_start3A_101 : memref<16xi32, #tpu.memory_space<vmem>>) semaphore(%arg12 : memref<!tpu.dma_semaphore, #tpu.memory_space<semaphore_mem>>)
    %dma_wait3A_105 = arith.constant 4864 : i32
    %dma_wait3A_106 = tpu.memref_slice %arg7[%dma_wait3A_105] : memref<5008xi32, #tpu.memory_space<vmem>> -> memref<128xi32, #tpu.memory_space<vmem>>
    %dma_wait3A_107 = arith.constant 0 : i32
    %dma_wait3A_108 = arith.constant 0 : i32
    %dma_wait3A_109 = tpu.memref_slice %arg2[%dma_wait3A_107, %dma_wait3A_108] : memref<10000x128xf32, #tpu.memory_space<hbm>> -> memref<10000x128xf32, #tpu.memory_space<hbm>>
    tpu.wait_indirect_dma semaphore(%arg11 : memref<!tpu.dma_semaphore, #tpu.memory_space<semaphore_mem>>) src(%dma_wait3A_109 : memref<10000x128xf32, #tpu.memory_space<hbm>>) dst(%arg9 : memref<128x128xf32, #tpu.memory_space<vmem>>)
    "tpu.region"() ({
      %run_scoped3A = tpu.sem_alloc : memref<!tpu.dma_semaphore, #tpu.memory_space<semaphore_mem>>
      %dma_start3A_119 = arith.constant 4864 : i32
      %dma_start3A_120 = tpu.memref_slice %arg8[%dma_start3A_119] : memref<5008xi32, #tpu.memory_space<vmem>> -> memref<128xi32, #tpu.memory_space<vmem>>
      %dma_start3A_121 = arith.constant 0 : i32
      %dma_start3A_122 = arith.constant 0 : i32
      %dma_start3A_123 = tpu.memref_slice %arg14[%dma_start3A_121, %dma_start3A_122] : memref<10240x128xf32, #tpu.memory_space<vmem_shared>> -> memref<10240x128xf32, #tpu.memory_space<vmem_shared>>
      tpu.enqueue_indirect_dma source(%arg9 : memref<128x128xf32, #tpu.memory_space<vmem>>) target(%dma_start3A_123 : memref<10240x128xf32, #tpu.memory_space<vmem_shared>>) offsets(%dma_start3A_120 : memref<128xi32, #tpu.memory_space<vmem>>) semaphore(%run_scoped3A : memref<!tpu.dma_semaphore, #tpu.memory_space<semaphore_mem>>) {add = true}
      %dma_wait3A_124 = arith.constant 4864 : i32
      %dma_wait3A_125 = tpu.memref_slice %arg8[%dma_wait3A_124] : memref<5008xi32, #tpu.memory_space<vmem>> -> memref<128xi32, #tpu.memory_space<vmem>>
      %dma_wait3A_126 = arith.constant 0 : i32
      %dma_wait3A_127 = arith.constant 0 : i32
      %dma_wait3A_128 = tpu.memref_slice %arg14[%dma_wait3A_126, %dma_wait3A_127] : memref<10240x128xf32, #tpu.memory_space<vmem_shared>> -> memref<10240x128xf32, #tpu.memory_space<vmem_shared>>
      tpu.wait_indirect_dma semaphore(%run_scoped3A : memref<!tpu.dma_semaphore, #tpu.memory_space<semaphore_mem>>) src(%arg9 : memref<128x128xf32, #tpu.memory_space<vmem>>) dst(%dma_wait3A_128 : memref<10240x128xf32, #tpu.memory_space<vmem_shared>>)
      tpu.yield
    }) : () -> ()
    %dma_wait3A_110 = arith.constant 0 : i32
    %dma_wait3A_111 = arith.constant 0 : i32
    %dma_wait3A_112 = tpu.memref_slice %arg10[%dma_wait3A_110, %dma_wait3A_111] : memref<128x128xf32, #tpu.memory_space<vmem>> -> memref<16x128xf32, #tpu.memory_space<vmem>>
    %dma_wait3A_113 = arith.constant 4992 : i32
    %dma_wait3A_114 = tpu.memref_slice %arg7[%dma_wait3A_113] : memref<5008xi32, #tpu.memory_space<vmem>> -> memref<16xi32, #tpu.memory_space<vmem>>
    %dma_wait3A_115 = arith.constant 0 : i32
    %dma_wait3A_116 = arith.constant 0 : i32
    %dma_wait3A_117 = tpu.memref_slice %arg2[%dma_wait3A_115, %dma_wait3A_116] : memref<10000x128xf32, #tpu.memory_space<hbm>> -> memref<10000x128xf32, #tpu.memory_space<hbm>>
    tpu.wait_indirect_dma semaphore(%arg12 : memref<!tpu.dma_semaphore, #tpu.memory_space<semaphore_mem>>) src(%dma_wait3A_117 : memref<10000x128xf32, #tpu.memory_space<hbm>>) dst(%dma_wait3A_112 : memref<16x128xf32, #tpu.memory_space<vmem>>)
    "tpu.region"() ({
      %run_scoped3A = tpu.sem_alloc : memref<!tpu.dma_semaphore, #tpu.memory_space<semaphore_mem>>
      %dma_start3A_119 = arith.constant 0 : i32
      %dma_start3A_120 = arith.constant 0 : i32
      %dma_start3A_121 = tpu.memref_slice %arg10[%dma_start3A_119, %dma_start3A_120] : memref<128x128xf32, #tpu.memory_space<vmem>> -> memref<16x128xf32, #tpu.memory_space<vmem>>
      %dma_start3A_122 = arith.constant 4992 : i32
      %dma_start3A_123 = tpu.memref_slice %arg8[%dma_start3A_122] : memref<5008xi32, #tpu.memory_space<vmem>> -> memref<16xi32, #tpu.memory_space<vmem>>
      %dma_start3A_124 = arith.constant 0 : i32
      %dma_start3A_125 = arith.constant 0 : i32
      %dma_start3A_126 = tpu.memref_slice %arg14[%dma_start3A_124, %dma_start3A_125] : memref<10240x128xf32, #tpu.memory_space<vmem_shared>> -> memref<10240x128xf32, #tpu.memory_space<vmem_shared>>
      tpu.enqueue_indirect_dma source(%dma_start3A_121 : memref<16x128xf32, #tpu.memory_space<vmem>>) target(%dma_start3A_126 : memref<10240x128xf32, #tpu.memory_space<vmem_shared>>) offsets(%dma_start3A_123 : memref<16xi32, #tpu.memory_space<vmem>>) semaphore(%run_scoped3A : memref<!tpu.dma_semaphore, #tpu.memory_space<semaphore_mem>>) {add = true}
      %dma_wait3A_127 = arith.constant 0 : i32
      %dma_wait3A_128 = arith.constant 0 : i32
      %dma_wait3A_129 = tpu.memref_slice %arg10[%dma_wait3A_127, %dma_wait3A_128] : memref<128x128xf32, #tpu.memory_space<vmem>> -> memref<16x128xf32, #tpu.memory_space<vmem>>
      %dma_wait3A_130 = arith.constant 4992 : i32
      %dma_wait3A_131 = tpu.memref_slice %arg8[%dma_wait3A_130] : memref<5008xi32, #tpu.memory_space<vmem>> -> memref<16xi32, #tpu.memory_space<vmem>>
      %dma_wait3A_132 = arith.constant 0 : i32
      %dma_wait3A_133 = arith.constant 0 : i32
      %dma_wait3A_134 = tpu.memref_slice %arg14[%dma_wait3A_132, %dma_wait3A_133] : memref<10240x128xf32, #tpu.memory_space<vmem_shared>> -> memref<10240x128xf32, #tpu.memory_space<vmem_shared>>
      tpu.wait_indirect_dma semaphore(%run_scoped3A : memref<!tpu.dma_semaphore, #tpu.memory_space<semaphore_mem>>) src(%dma_wait3A_129 : memref<16x128xf32, #tpu.memory_space<vmem>>) dst(%dma_wait3A_134 : memref<10240x128xf32, #tpu.memory_space<vmem_shared>>)
      tpu.yield
    }) : () -> ()
    %barrier3A_118 = arith.constant 0 : index
    tpu.barrier barrier_id(%barrier3A_118)
    "tpu.region"() ({
      %run_scoped3A = tpu.sem_alloc : memref<!tpu.dma_semaphore, #tpu.memory_space<semaphore_mem>>
      %dma_start3A_119 = arith.constant 0 : i32
      %dma_start3A_120 = tpu.memref_slice %arg6[%arg0, %mul3A_2, %dma_start3A_119] : memref<2x10240x128xf32, #tpu.memory_space<hbm>> -> memref<1x640x128xf32, #tpu.memory_space<hbm>>
      %dma_start3A_121 = tpu.memref_squeeze %dma_start3A_120 : memref<1x640x128xf32, #tpu.memory_space<hbm>> -> memref<640x128xf32, #tpu.memory_space<hbm>>
      %dma_start3A_122 = arith.constant 0 : i32
      %dma_start3A_123 = tpu.memref_slice %arg14[%mul3A_2, %dma_start3A_122] : memref<10240x128xf32, #tpu.memory_space<vmem_shared>> -> memref<640x128xf32, #tpu.memory_space<vmem_shared>>
      tpu.enqueue_dma source(%dma_start3A_123 : memref<640x128xf32, #tpu.memory_space<vmem_shared>>) target(%dma_start3A_121 : memref<640x128xf32, #tpu.memory_space<hbm>>) target_semaphore(%run_scoped3A : memref<!tpu.dma_semaphore, #tpu.memory_space<semaphore_mem>>)
      %dma_wait3A_124 = arith.constant 0 : i32
      %dma_wait3A_125 = tpu.memref_slice %arg6[%arg0, %mul3A_2, %dma_wait3A_124] : memref<2x10240x128xf32, #tpu.memory_space<hbm>> -> memref<1x640x128xf32, #tpu.memory_space<hbm>>
      %dma_wait3A_126 = tpu.memref_squeeze %dma_wait3A_125 : memref<1x640x128xf32, #tpu.memory_space<hbm>> -> memref<640x128xf32, #tpu.memory_space<hbm>>
      %dma_wait3A_127 = arith.constant 0 : i32
      %dma_wait3A_128 = tpu.memref_slice %arg14[%mul3A_2, %dma_wait3A_127] : memref<10240x128xf32, #tpu.memory_space<vmem_shared>> -> memref<640x128xf32, #tpu.memory_space<vmem_shared>>
      tpu.wait_dma2 semaphore(%run_scoped3A : memref<!tpu.dma_semaphore, #tpu.memory_space<semaphore_mem>>) src(%dma_wait3A_128 : memref<640x128xf32, #tpu.memory_space<vmem_shared>>) dst(%dma_wait3A_126 : memref<640x128xf32, #tpu.memory_space<hbm>>)
      tpu.yield
    }) : () -> ()
    return
  }
}

#map = affine_map<(d0, d1) -> (0, 0)>
#map1 = affine_map<(d0, d1) -> (0)>
#map2 = affine_map<(d0, d1) -> (0, 0, 0)>
module attributes {stable_mosaic.version = 14 : i64} {
  func.func @_sc_segment_sum(%arg0: i32, %arg1: i32, %arg2: memref<10000x128xf32, #tpu.memory_space<hbm>>, %arg3: memref<320000xi32, #tpu.memory_space<hbm>>, %arg4: memref<320000xi32, #tpu.memory_space<hbm>>, %arg5: memref<160x128xf32, #tpu.memory_space<hbm>>, %arg6: memref<2x10240x128xf32, #tpu.memory_space<hbm>>, %arg7: memref<5008xi32, #tpu.memory_space<vmem>>, %arg8: memref<5008xi32, #tpu.memory_space<vmem>>, %arg9: memref<128x128xf32, #tpu.memory_space<vmem>>, %arg10: memref<128x128xf32, #tpu.memory_space<vmem>>, %arg11: memref<!tpu.dma_semaphore, #tpu.memory_space<semaphore_mem>>, %arg12: memref<!tpu.dma_semaphore, #tpu.memory_space<semaphore_mem>>, %arg13: memref<!tpu.dma_semaphore, #tpu.memory_space<semaphore_mem>>, %arg14: memref<10240x128xf32, #tpu.memory_space<vmem_shared>>) attributes {dimension_semantics = [#tpu.dimension_semantics<core_parallel>, #tpu.dimension_semantics<subcore_parallel>], iteration_bounds = array<i64: 2, 16>, scalar_prefetch = 0 : i64, scratch_operands = 8 : i64, tpu.core_type = #tpu.core_type<sc_vector_subcore>, window_params = [{transform_indices = #map}, {transform_indices = #map1}, {transform_indices = #map1}, {transform_indices = #map}, {transform_indices = #map2}]} {
    %mul3A = arith.constant 2 : i32
    %mul3A_0 = arith.muli %arg1, %mul3A : i32
    %add3A = arith.addi %mul3A_0, %arg0 : i32
    %mul3A_1 = arith.constant 640 : i32
    %mul3A_2 = arith.muli %arg1, %mul3A_1 : i32
    %add3A_3 = arith.constant 0 : i32
    %add3A_4 = arith.addi %mul3A_2, %add3A_3 : i32
    %dma_start3A = arith.constant 0 : i32
    %dma_start3A_5 = tpu.memref_slice %arg14[%add3A_4, %dma_start3A] : memref<10240x128xf32, #tpu.memory_space<vmem_shared>> -> memref<160x128xf32, #tpu.memory_space<vmem_shared>>
    tpu.enqueue_dma source(%arg5 : memref<160x128xf32, #tpu.memory_space<hbm>>) target(%dma_start3A_5 : memref<160x128xf32, #tpu.memory_space<vmem_shared>>) target_semaphore(%arg13 : memref<!tpu.dma_semaphore, #tpu.memory_space<semaphore_mem>>)
    %add3A_6 = arith.constant 160 : i32
    %add3A_7 = arith.addi %mul3A_2, %add3A_6 : i32
    %dma_start3A_8 = arith.constant 0 : i32
    %dma_start3A_9 = tpu.memref_slice %arg14[%add3A_7, %dma_start3A_8] : memref<10240x128xf32, #tpu.memory_space<vmem_shared>> -> memref<160x128xf32, #tpu.memory_space<vmem_shared>>
    tpu.enqueue_dma source(%arg5 : memref<160x128xf32, #tpu.memory_space<hbm>>) target(%dma_start3A_9 : memref<160x128xf32, #tpu.memory_space<vmem_shared>>) target_semaphore(%arg13 : memref<!tpu.dma_semaphore, #tpu.memory_space<semaphore_mem>>)
    %add3A_10 = arith.constant 320 : i32
    %add3A_11 = arith.addi %mul3A_2, %add3A_10 : i32
    %dma_start3A_12 = arith.constant 0 : i32
    %dma_start3A_13 = tpu.memref_slice %arg14[%add3A_11, %dma_start3A_12] : memref<10240x128xf32, #tpu.memory_space<vmem_shared>> -> memref<160x128xf32, #tpu.memory_space<vmem_shared>>
    tpu.enqueue_dma source(%arg5 : memref<160x128xf32, #tpu.memory_space<hbm>>) target(%dma_start3A_13 : memref<160x128xf32, #tpu.memory_space<vmem_shared>>) target_semaphore(%arg13 : memref<!tpu.dma_semaphore, #tpu.memory_space<semaphore_mem>>)
    %add3A_14 = arith.constant 480 : i32
    %add3A_15 = arith.addi %mul3A_2, %add3A_14 : i32
    %dma_start3A_16 = arith.constant 0 : i32
    %dma_start3A_17 = tpu.memref_slice %arg14[%add3A_15, %dma_start3A_16] : memref<10240x128xf32, #tpu.memory_space<vmem_shared>> -> memref<160x128xf32, #tpu.memory_space<vmem_shared>>
    tpu.enqueue_dma source(%arg5 : memref<160x128xf32, #tpu.memory_space<hbm>>) target(%dma_start3A_17 : memref<160x128xf32, #tpu.memory_space<vmem_shared>>) target_semaphore(%arg13 : memref<!tpu.dma_semaphore, #tpu.memory_space<semaphore_mem>>)
    %mul3A_18 = arith.constant 10000 : i32
    %mul3A_19 = arith.muli %add3A, %mul3A_18 : i32
    "tpu.region"() ({
      %run_scoped3A = tpu.sem_alloc : memref<!tpu.dma_semaphore, #tpu.memory_space<semaphore_mem>>
      %dma_start3A_119 = arith.constant 0 : i32
      %dma_start3A_120 = tpu.memref_slice %arg7[%dma_start3A_119] : memref<5008xi32, #tpu.memory_space<vmem>> -> memref<4992xi32, #tpu.memory_space<vmem>>
      %dma_start3A_121 = tpu.memref_slice %arg3[%mul3A_19] : memref<320000xi32, #tpu.memory_space<hbm>> -> memref<4992xi32, #tpu.memory_space<hbm>>
      %dma_start3A_122 = arith.constant 0 : i32
      %dma_start3A_123 = tpu.memref_slice %arg7[%dma_start3A_122] : memref<5008xi32, #tpu.memory_space<vmem>> -> memref<4992xi32, #tpu.memory_space<vmem>>
      %dma_start3A_124 = tpu.memref_slice %arg3[%mul3A_19] : memref<320000xi32, #tpu.memory_space<hbm>> -> memref<4992xi32, #tpu.memory_space<hbm>>
      tpu.enqueue_dma source(%dma_start3A_124 : memref<4992xi32, #tpu.memory_space<hbm>>) target(%dma_start3A_123 : memref<4992xi32, #tpu.memory_space<vmem>>) target_semaphore(%run_scoped3A : memref<!tpu.dma_semaphore, #tpu.memory_space<semaphore_mem>>)
      %dma_wait3A_125 = arith.constant 0 : i32
      %dma_wait3A_126 = tpu.memref_slice %arg7[%dma_wait3A_125] : memref<5008xi32, #tpu.memory_space<vmem>> -> memref<4992xi32, #tpu.memory_space<vmem>>
      %dma_wait3A_127 = tpu.memref_slice %arg3[%mul3A_19] : memref<320000xi32, #tpu.memory_space<hbm>> -> memref<4992xi32, #tpu.memory_space<hbm>>
      %dma_wait3A_128 = arith.constant 0 : i32
      %dma_wait3A_129 = tpu.memref_slice %arg7[%dma_wait3A_128] : memref<5008xi32, #tpu.memory_space<vmem>> -> memref<4992xi32, #tpu.memory_space<vmem>>
      %dma_wait3A_130 = tpu.memref_slice %arg3[%mul3A_19] : memref<320000xi32, #tpu.memory_space<hbm>> -> memref<4992xi32, #tpu.memory_space<hbm>>
      tpu.wait_dma2 semaphore(%run_scoped3A : memref<!tpu.dma_semaphore, #tpu.memory_space<semaphore_mem>>) src(%dma_wait3A_130 : memref<4992xi32, #tpu.memory_space<hbm>>) dst(%dma_wait3A_129 : memref<4992xi32, #tpu.memory_space<vmem>>)
      tpu.yield
    }) : () -> ()
    "tpu.region"() ({
      %run_scoped3A = tpu.sem_alloc : memref<!tpu.dma_semaphore, #tpu.memory_space<semaphore_mem>>
      %dma_start3A_119 = arith.constant 0 : i32
      %dma_start3A_120 = tpu.memref_slice %arg8[%dma_start3A_119] : memref<5008xi32, #tpu.memory_space<vmem>> -> memref<4992xi32, #tpu.memory_space<vmem>>
      %dma_start3A_121 = tpu.memref_slice %arg4[%mul3A_19] : memref<320000xi32, #tpu.memory_space<hbm>> -> memref<4992xi32, #tpu.memory_space<hbm>>
      %dma_start3A_122 = arith.constant 0 : i32
      %dma_start3A_123 = tpu.memref_slice %arg8[%dma_start3A_122] : memref<5008xi32, #tpu.memory_space<vmem>> -> memref<4992xi32, #tpu.memory_space<vmem>>
      %dma_start3A_124 = tpu.memref_slice %arg4[%mul3A_19] : memref<320000xi32, #tpu.memory_space<hbm>> -> memref<4992xi32, #tpu.memory_space<hbm>>
      tpu.enqueue_dma source(%dma_start3A_124 : memref<4992xi32, #tpu.memory_space<hbm>>) target(%dma_start3A_123 : memref<4992xi32, #tpu.memory_space<vmem>>) target_semaphore(%run_scoped3A : memref<!tpu.dma_semaphore, #tpu.memory_space<semaphore_mem>>)
      %dma_wait3A_125 = arith.constant 0 : i32
      %dma_wait3A_126 = tpu.memref_slice %arg8[%dma_wait3A_125] : memref<5008xi32, #tpu.memory_space<vmem>> -> memref<4992xi32, #tpu.memory_space<vmem>>
      %dma_wait3A_127 = tpu.memref_slice %arg4[%mul3A_19] : memref<320000xi32, #tpu.memory_space<hbm>> -> memref<4992xi32, #tpu.memory_space<hbm>>
      %dma_wait3A_128 = arith.constant 0 : i32
      %dma_wait3A_129 = tpu.memref_slice %arg8[%dma_wait3A_128] : memref<5008xi32, #tpu.memory_space<vmem>> -> memref<4992xi32, #tpu.memory_space<vmem>>
      %dma_wait3A_130 = tpu.memref_slice %arg4[%mul3A_19] : memref<320000xi32, #tpu.memory_space<hbm>> -> memref<4992xi32, #tpu.memory_space<hbm>>
      tpu.wait_dma2 semaphore(%run_scoped3A : memref<!tpu.dma_semaphore, #tpu.memory_space<semaphore_mem>>) src(%dma_wait3A_130 : memref<4992xi32, #tpu.memory_space<hbm>>) dst(%dma_wait3A_129 : memref<4992xi32, #tpu.memory_space<vmem>>)
      tpu.yield
    }) : () -> ()
    %dma_start3A_20 = arith.constant 0 : i32
    %dma_start3A_21 = tpu.memref_slice %arg7[%dma_start3A_20] : memref<5008xi32, #tpu.memory_space<vmem>> -> memref<128xi32, #tpu.memory_space<vmem>>
    %dma_start3A_22 = arith.constant 0 : i32
    %dma_start3A_23 = arith.constant 0 : i32
    %dma_start3A_24 = tpu.memref_slice %arg2[%dma_start3A_22, %dma_start3A_23] : memref<10000x128xf32, #tpu.memory_space<hbm>> -> memref<10000x128xf32, #tpu.memory_space<hbm>>
    tpu.enqueue_indirect_dma source(%dma_start3A_24 : memref<10000x128xf32, #tpu.memory_space<hbm>>) target(%arg9 : memref<128x128xf32, #tpu.memory_space<vmem>>) offsets(%dma_start3A_21 : memref<128xi32, #tpu.memory_space<vmem>>) semaphore(%arg11 : memref<!tpu.dma_semaphore, #tpu.memory_space<semaphore_mem>>)
    %dma_start3A_25 = arith.constant 128 : i32
    %dma_start3A_26 = tpu.memref_slice %arg7[%dma_start3A_25] : memref<5008xi32, #tpu.memory_space<vmem>> -> memref<128xi32, #tpu.memory_space<vmem>>
    %dma_start3A_27 = arith.constant 0 : i32
    %dma_start3A_28 = arith.constant 0 : i32
    %dma_start3A_29 = tpu.memref_slice %arg2[%dma_start3A_27, %dma_start3A_28] : memref<10000x128xf32, #tpu.memory_space<hbm>> -> memref<10000x128xf32, #tpu.memory_space<hbm>>
    tpu.enqueue_indirect_dma source(%dma_start3A_29 : memref<10000x128xf32, #tpu.memory_space<hbm>>) target(%arg10 : memref<128x128xf32, #tpu.memory_space<vmem>>) offsets(%dma_start3A_26 : memref<128xi32, #tpu.memory_space<vmem>>) semaphore(%arg12 : memref<!tpu.dma_semaphore, #tpu.memory_space<semaphore_mem>>)
    %dma_wait3A = arith.constant 0 : i32
    %dma_wait3A_30 = tpu.memref_slice %arg14[%mul3A_2, %dma_wait3A] : memref<10240x128xf32, #tpu.memory_space<vmem_shared>> -> memref<160x128xf32, #tpu.memory_space<vmem_shared>>
    tpu.wait_dma2 semaphore(%arg13 : memref<!tpu.dma_semaphore, #tpu.memory_space<semaphore_mem>>) src(%arg5 : memref<160x128xf32, #tpu.memory_space<hbm>>) dst(%dma_wait3A_30 : memref<160x128xf32, #tpu.memory_space<vmem_shared>>)
    %dma_wait3A_31 = arith.constant 0 : i32
    %dma_wait3A_32 = tpu.memref_slice %arg14[%mul3A_2, %dma_wait3A_31] : memref<10240x128xf32, #tpu.memory_space<vmem_shared>> -> memref<160x128xf32, #tpu.memory_space<vmem_shared>>
    tpu.wait_dma2 semaphore(%arg13 : memref<!tpu.dma_semaphore, #tpu.memory_space<semaphore_mem>>) src(%arg5 : memref<160x128xf32, #tpu.memory_space<hbm>>) dst(%dma_wait3A_32 : memref<160x128xf32, #tpu.memory_space<vmem_shared>>)
    %dma_wait3A_33 = arith.constant 0 : i32
    %dma_wait3A_34 = tpu.memref_slice %arg14[%mul3A_2, %dma_wait3A_33] : memref<10240x128xf32, #tpu.memory_space<vmem_shared>> -> memref<160x128xf32, #tpu.memory_space<vmem_shared>>
    tpu.wait_dma2 semaphore(%arg13 : memref<!tpu.dma_semaphore, #tpu.memory_space<semaphore_mem>>) src(%arg5 : memref<160x128xf32, #tpu.memory_space<hbm>>) dst(%dma_wait3A_34 : memref<160x128xf32, #tpu.memory_space<vmem_shared>>)
    %dma_wait3A_35 = arith.constant 0 : i32
    %dma_wait3A_36 = tpu.memref_slice %arg14[%mul3A_2, %dma_wait3A_35] : memref<10240x128xf32, #tpu.memory_space<vmem_shared>> -> memref<160x128xf32, #tpu.memory_space<vmem_shared>>
    tpu.wait_dma2 semaphore(%arg13 : memref<!tpu.dma_semaphore, #tpu.memory_space<semaphore_mem>>) src(%arg5 : memref<160x128xf32, #tpu.memory_space<hbm>>) dst(%dma_wait3A_36 : memref<160x128xf32, #tpu.memory_space<vmem_shared>>)
    %barrier3A = arith.constant 0 : index
    tpu.barrier barrier_id(%barrier3A)
    %scan3A = arith.constant 0 : i32
    %scan3A_37 = arith.constant 0 : i32
    %scan3A_38 = arith.constant 18 : i32
    %scan3A_39 = arith.addi %scan3A_37, %scan3A_38 : i32
    %scan3A_40 = arith.constant 1 : i32
    scf.for %scan3A_119 = %scan3A_37 to %scan3A_39 step %scan3A_40  : i32 {
      %mul3A_120 = arith.constant 2 : i32
      %mul3A_121 = arith.muli %scan3A_119, %mul3A_120 : i32
      %mul3A_122 = arith.constant 128 : i32
      %mul3A_123 = arith.muli %mul3A_121, %mul3A_122 : i32
      %dma_wait3A_124 = tpu.memref_slice %arg7[%mul3A_123] : memref<5008xi32, #tpu.memory_space<vmem>> -> memref<128xi32, #tpu.memory_space<vmem>>
      %dma_wait3A_125 = arith.constant 0 : i32
      %dma_wait3A_126 = arith.constant 0 : i32
      %dma_wait3A_127 = tpu.memref_slice %arg2[%dma_wait3A_125, %dma_wait3A_126] : memref<10000x128xf32, #tpu.memory_space<hbm>> -> memref<10000x128xf32, #tpu.memory_space<hbm>>
      tpu.wait_indirect_dma semaphore(%arg11 : memref<!tpu.dma_semaphore, #tpu.memory_space<semaphore_mem>>) src(%dma_wait3A_127 : memref<10000x128xf32, #tpu.memory_space<hbm>>) dst(%arg9 : memref<128x128xf32, #tpu.memory_space<vmem>>)
      %mul3A_128 = arith.constant 128 : i32
      %mul3A_129 = arith.muli %mul3A_121, %mul3A_128 : i32
      "tpu.region"() ({
        %run_scoped3A = tpu.sem_alloc : memref<!tpu.dma_semaphore, #tpu.memory_space<semaphore_mem>>
        %dma_start3A_158 = tpu.memref_slice %arg8[%mul3A_129] : memref<5008xi32, #tpu.memory_space<vmem>> -> memref<128xi32, #tpu.memory_space<vmem>>
        %dma_start3A_159 = arith.constant 0 : i32
        %dma_start3A_160 = arith.constant 0 : i32
        %dma_start3A_161 = tpu.memref_slice %arg14[%dma_start3A_159, %dma_start3A_160] : memref<10240x128xf32, #tpu.memory_space<vmem_shared>> -> memref<10240x128xf32, #tpu.memory_space<vmem_shared>>
        tpu.enqueue_indirect_dma source(%arg9 : memref<128x128xf32, #tpu.memory_space<vmem>>) target(%dma_start3A_161 : memref<10240x128xf32, #tpu.memory_space<vmem_shared>>) offsets(%dma_start3A_158 : memref<128xi32, #tpu.memory_space<vmem>>) semaphore(%run_scoped3A : memref<!tpu.dma_semaphore, #tpu.memory_space<semaphore_mem>>) {add = true}
        %dma_wait3A_162 = tpu.memref_slice %arg8[%mul3A_129] : memref<5008xi32, #tpu.memory_space<vmem>> -> memref<128xi32, #tpu.memory_space<vmem>>
        %dma_wait3A_163 = arith.constant 0 : i32
        %dma_wait3A_164 = arith.constant 0 : i32
        %dma_wait3A_165 = tpu.memref_slice %arg14[%dma_wait3A_163, %dma_wait3A_164] : memref<10240x128xf32, #tpu.memory_space<vmem_shared>> -> memref<10240x128xf32, #tpu.memory_space<vmem_shared>>
        tpu.wait_indirect_dma semaphore(%run_scoped3A : memref<!tpu.dma_semaphore, #tpu.memory_space<semaphore_mem>>) src(%arg9 : memref<128x128xf32, #tpu.memory_space<vmem>>) dst(%dma_wait3A_165 : memref<10240x128xf32, #tpu.memory_space<vmem_shared>>)
        tpu.yield
      }) : () -> ()
      %add3A_130 = arith.constant 2 : i32
      %add3A_131 = arith.addi %mul3A_121, %add3A_130 : i32
      %mul3A_132 = arith.constant 128 : i32
      %mul3A_133 = arith.muli %add3A_131, %mul3A_132 : i32
      %dma_start3A_134 = tpu.memref_slice %arg7[%mul3A_133] : memref<5008xi32, #tpu.memory_space<vmem>> -> memref<128xi32, #tpu.memory_space<vmem>>
      %dma_start3A_135 = arith.constant 0 : i32
      %dma_start3A_136 = arith.constant 0 : i32
      %dma_start3A_137 = tpu.memref_slice %arg2[%dma_start3A_135, %dma_start3A_136] : memref<10000x128xf32, #tpu.memory_space<hbm>> -> memref<10000x128xf32, #tpu.memory_space<hbm>>
      tpu.enqueue_indirect_dma source(%dma_start3A_137 : memref<10000x128xf32, #tpu.memory_space<hbm>>) target(%arg9 : memref<128x128xf32, #tpu.memory_space<vmem>>) offsets(%dma_start3A_134 : memref<128xi32, #tpu.memory_space<vmem>>) semaphore(%arg11 : memref<!tpu.dma_semaphore, #tpu.memory_space<semaphore_mem>>)
      %add3A_138 = arith.constant 1 : i32
      %add3A_139 = arith.addi %mul3A_121, %add3A_138 : i32
      %mul3A_140 = arith.constant 128 : i32
      %mul3A_141 = arith.muli %add3A_139, %mul3A_140 : i32
      %dma_wait3A_142 = tpu.memref_slice %arg7[%mul3A_141] : memref<5008xi32, #tpu.memory_space<vmem>> -> memref<128xi32, #tpu.memory_space<vmem>>
      %dma_wait3A_143 = arith.constant 0 : i32
      %dma_wait3A_144 = arith.constant 0 : i32
      %dma_wait3A_145 = tpu.memref_slice %arg2[%dma_wait3A_143, %dma_wait3A_144] : memref<10000x128xf32, #tpu.memory_space<hbm>> -> memref<10000x128xf32, #tpu.memory_space<hbm>>
      tpu.wait_indirect_dma semaphore(%arg12 : memref<!tpu.dma_semaphore, #tpu.memory_space<semaphore_mem>>) src(%dma_wait3A_145 : memref<10000x128xf32, #tpu.memory_space<hbm>>) dst(%arg10 : memref<128x128xf32, #tpu.memory_space<vmem>>)
      %add3A_146 = arith.constant 1 : i32
      %add3A_147 = arith.addi %mul3A_121, %add3A_146 : i32
      %mul3A_148 = arith.constant 128 : i32
      %mul3A_149 = arith.muli %add3A_147, %mul3A_148 : i32
      "tpu.region"() ({
        %run_scoped3A = tpu.sem_alloc : memref<!tpu.dma_semaphore, #tpu.memory_space<semaphore_mem>>
        %dma_start3A_158 = tpu.memref_slice %arg8[%mul3A_149] : memref<5008xi32, #tpu.memory_space<vmem>> -> memref<128xi32, #tpu.memory_space<vmem>>
        %dma_start3A_159 = arith.constant 0 : i32
        %dma_start3A_160 = arith.constant 0 : i32
        %dma_start3A_161 = tpu.memref_slice %arg14[%dma_start3A_159, %dma_start3A_160] : memref<10240x128xf32, #tpu.memory_space<vmem_shared>> -> memref<10240x128xf32, #tpu.memory_space<vmem_shared>>
        tpu.enqueue_indirect_dma source(%arg10 : memref<128x128xf32, #tpu.memory_space<vmem>>) target(%dma_start3A_161 : memref<10240x128xf32, #tpu.memory_space<vmem_shared>>) offsets(%dma_start3A_158 : memref<128xi32, #tpu.memory_space<vmem>>) semaphore(%run_scoped3A : memref<!tpu.dma_semaphore, #tpu.memory_space<semaphore_mem>>) {add = true}
        %dma_wait3A_162 = tpu.memref_slice %arg8[%mul3A_149] : memref<5008xi32, #tpu.memory_space<vmem>> -> memref<128xi32, #tpu.memory_space<vmem>>
        %dma_wait3A_163 = arith.constant 0 : i32
        %dma_wait3A_164 = arith.constant 0 : i32
        %dma_wait3A_165 = tpu.memref_slice %arg14[%dma_wait3A_163, %dma_wait3A_164] : memref<10240x128xf32, #tpu.memory_space<vmem_shared>> -> memref<10240x128xf32, #tpu.memory_space<vmem_shared>>
        tpu.wait_indirect_dma semaphore(%run_scoped3A : memref<!tpu.dma_semaphore, #tpu.memory_space<semaphore_mem>>) src(%arg10 : memref<128x128xf32, #tpu.memory_space<vmem>>) dst(%dma_wait3A_165 : memref<10240x128xf32, #tpu.memory_space<vmem_shared>>)
        tpu.yield
      }) : () -> ()
      %add3A_150 = arith.constant 3 : i32
      %add3A_151 = arith.addi %mul3A_121, %add3A_150 : i32
      %mul3A_152 = arith.constant 128 : i32
      %mul3A_153 = arith.muli %add3A_151, %mul3A_152 : i32
      %dma_start3A_154 = tpu.memref_slice %arg7[%mul3A_153] : memref<5008xi32, #tpu.memory_space<vmem>> -> memref<128xi32, #tpu.memory_space<vmem>>
      %dma_start3A_155 = arith.constant 0 : i32
      %dma_start3A_156 = arith.constant 0 : i32
      %dma_start3A_157 = tpu.memref_slice %arg2[%dma_start3A_155, %dma_start3A_156] : memref<10000x128xf32, #tpu.memory_space<hbm>> -> memref<10000x128xf32, #tpu.memory_space<hbm>>
      tpu.enqueue_indirect_dma source(%dma_start3A_157 : memref<10000x128xf32, #tpu.memory_space<hbm>>) target(%arg10 : memref<128x128xf32, #tpu.memory_space<vmem>>) offsets(%dma_start3A_154 : memref<128xi32, #tpu.memory_space<vmem>>) semaphore(%arg12 : memref<!tpu.dma_semaphore, #tpu.memory_space<semaphore_mem>>)
    }
    %scan3A_41 = arith.constant 18 : i32
    %dma_wait3A_42 = arith.constant 4608 : i32
    %dma_wait3A_43 = tpu.memref_slice %arg7[%dma_wait3A_42] : memref<5008xi32, #tpu.memory_space<vmem>> -> memref<128xi32, #tpu.memory_space<vmem>>
    %dma_wait3A_44 = arith.constant 0 : i32
    %dma_wait3A_45 = arith.constant 0 : i32
    %dma_wait3A_46 = tpu.memref_slice %arg2[%dma_wait3A_44, %dma_wait3A_45] : memref<10000x128xf32, #tpu.memory_space<hbm>> -> memref<10000x128xf32, #tpu.memory_space<hbm>>
    tpu.wait_indirect_dma semaphore(%arg11 : memref<!tpu.dma_semaphore, #tpu.memory_space<semaphore_mem>>) src(%dma_wait3A_46 : memref<10000x128xf32, #tpu.memory_space<hbm>>) dst(%arg9 : memref<128x128xf32, #tpu.memory_space<vmem>>)
    "tpu.region"() ({
      %run_scoped3A = tpu.sem_alloc : memref<!tpu.dma_semaphore, #tpu.memory_space<semaphore_mem>>
      %dma_start3A_119 = arith.constant 4608 : i32
      %dma_start3A_120 = tpu.memref_slice %arg8[%dma_start3A_119] : memref<5008xi32, #tpu.memory_space<vmem>> -> memref<128xi32, #tpu.memory_space<vmem>>
      %dma_start3A_121 = arith.constant 0 : i32
      %dma_start3A_122 = arith.constant 0 : i32
      %dma_start3A_123 = tpu.memref_slice %arg14[%dma_start3A_121, %dma_start3A_122] : memref<10240x128xf32, #tpu.memory_space<vmem_shared>> -> memref<10240x128xf32, #tpu.memory_space<vmem_shared>>
      tpu.enqueue_indirect_dma source(%arg9 : memref<128x128xf32, #tpu.memory_space<vmem>>) target(%dma_start3A_123 : memref<10240x128xf32, #tpu.memory_space<vmem_shared>>) offsets(%dma_start3A_120 : memref<128xi32, #tpu.memory_space<vmem>>) semaphore(%run_scoped3A : memref<!tpu.dma_semaphore, #tpu.memory_space<semaphore_mem>>) {add = true}
      %dma_wait3A_124 = arith.constant 4608 : i32
      %dma_wait3A_125 = tpu.memref_slice %arg8[%dma_wait3A_124] : memref<5008xi32, #tpu.memory_space<vmem>> -> memref<128xi32, #tpu.memory_space<vmem>>
      %dma_wait3A_126 = arith.constant 0 : i32
      %dma_wait3A_127 = arith.constant 0 : i32
      %dma_wait3A_128 = tpu.memref_slice %arg14[%dma_wait3A_126, %dma_wait3A_127] : memref<10240x128xf32, #tpu.memory_space<vmem_shared>> -> memref<10240x128xf32, #tpu.memory_space<vmem_shared>>
      tpu.wait_indirect_dma semaphore(%run_scoped3A : memref<!tpu.dma_semaphore, #tpu.memory_space<semaphore_mem>>) src(%arg9 : memref<128x128xf32, #tpu.memory_space<vmem>>) dst(%dma_wait3A_128 : memref<10240x128xf32, #tpu.memory_space<vmem_shared>>)
      tpu.yield
    }) : () -> ()
    %dma_start3A_47 = arith.constant 4864 : i32
    %dma_start3A_48 = tpu.memref_slice %arg7[%dma_start3A_47] : memref<5008xi32, #tpu.memory_space<vmem>> -> memref<128xi32, #tpu.memory_space<vmem>>
    %dma_start3A_49 = arith.constant 0 : i32
    %dma_start3A_50 = arith.constant 0 : i32
    %dma_start3A_51 = tpu.memref_slice %arg2[%dma_start3A_49, %dma_start3A_50] : memref<10000x128xf32, #tpu.memory_space<hbm>> -> memref<10000x128xf32, #tpu.memory_space<hbm>>
    tpu.enqueue_indirect_dma source(%dma_start3A_51 : memref<10000x128xf32, #tpu.memory_space<hbm>>) target(%arg9 : memref<128x128xf32, #tpu.memory_space<vmem>>) offsets(%dma_start3A_48 : memref<128xi32, #tpu.memory_space<vmem>>) semaphore(%arg11 : memref<!tpu.dma_semaphore, #tpu.memory_space<semaphore_mem>>)
    %dma_wait3A_52 = arith.constant 4736 : i32
    %dma_wait3A_53 = tpu.memref_slice %arg7[%dma_wait3A_52] : memref<5008xi32, #tpu.memory_space<vmem>> -> memref<128xi32, #tpu.memory_space<vmem>>
    %dma_wait3A_54 = arith.constant 0 : i32
    %dma_wait3A_55 = arith.constant 0 : i32
    %dma_wait3A_56 = tpu.memref_slice %arg2[%dma_wait3A_54, %dma_wait3A_55] : memref<10000x128xf32, #tpu.memory_space<hbm>> -> memref<10000x128xf32, #tpu.memory_space<hbm>>
    tpu.wait_indirect_dma semaphore(%arg12 : memref<!tpu.dma_semaphore, #tpu.memory_space<semaphore_mem>>) src(%dma_wait3A_56 : memref<10000x128xf32, #tpu.memory_space<hbm>>) dst(%arg10 : memref<128x128xf32, #tpu.memory_space<vmem>>)
    "tpu.region"() ({
      %run_scoped3A = tpu.sem_alloc : memref<!tpu.dma_semaphore, #tpu.memory_space<semaphore_mem>>
      %dma_start3A_119 = arith.constant 4736 : i32
      %dma_start3A_120 = tpu.memref_slice %arg8[%dma_start3A_119] : memref<5008xi32, #tpu.memory_space<vmem>> -> memref<128xi32, #tpu.memory_space<vmem>>
      %dma_start3A_121 = arith.constant 0 : i32
      %dma_start3A_122 = arith.constant 0 : i32
      %dma_start3A_123 = tpu.memref_slice %arg14[%dma_start3A_121, %dma_start3A_122] : memref<10240x128xf32, #tpu.memory_space<vmem_shared>> -> memref<10240x128xf32, #tpu.memory_space<vmem_shared>>
      tpu.enqueue_indirect_dma source(%arg10 : memref<128x128xf32, #tpu.memory_space<vmem>>) target(%dma_start3A_123 : memref<10240x128xf32, #tpu.memory_space<vmem_shared>>) offsets(%dma_start3A_120 : memref<128xi32, #tpu.memory_space<vmem>>) semaphore(%run_scoped3A : memref<!tpu.dma_semaphore, #tpu.memory_space<semaphore_mem>>) {add = true}
      %dma_wait3A_124 = arith.constant 4736 : i32
      %dma_wait3A_125 = tpu.memref_slice %arg8[%dma_wait3A_124] : memref<5008xi32, #tpu.memory_space<vmem>> -> memref<128xi32, #tpu.memory_space<vmem>>
      %dma_wait3A_126 = arith.constant 0 : i32
      %dma_wait3A_127 = arith.constant 0 : i32
      %dma_wait3A_128 = tpu.memref_slice %arg14[%dma_wait3A_126, %dma_wait3A_127] : memref<10240x128xf32, #tpu.memory_space<vmem_shared>> -> memref<10240x128xf32, #tpu.memory_space<vmem_shared>>
      tpu.wait_indirect_dma semaphore(%run_scoped3A : memref<!tpu.dma_semaphore, #tpu.memory_space<semaphore_mem>>) src(%arg10 : memref<128x128xf32, #tpu.memory_space<vmem>>) dst(%dma_wait3A_128 : memref<10240x128xf32, #tpu.memory_space<vmem_shared>>)
      tpu.yield
    }) : () -> ()
    %dma_wait3A_57 = arith.constant 4864 : i32
    %dma_wait3A_58 = tpu.memref_slice %arg7[%dma_wait3A_57] : memref<5008xi32, #tpu.memory_space<vmem>> -> memref<128xi32, #tpu.memory_space<vmem>>
    %dma_wait3A_59 = arith.constant 0 : i32
    %dma_wait3A_60 = arith.constant 0 : i32
    %dma_wait3A_61 = tpu.memref_slice %arg2[%dma_wait3A_59, %dma_wait3A_60] : memref<10000x128xf32, #tpu.memory_space<hbm>> -> memref<10000x128xf32, #tpu.memory_space<hbm>>
    tpu.wait_indirect_dma semaphore(%arg11 : memref<!tpu.dma_semaphore, #tpu.memory_space<semaphore_mem>>) src(%dma_wait3A_61 : memref<10000x128xf32, #tpu.memory_space<hbm>>) dst(%arg9 : memref<128x128xf32, #tpu.memory_space<vmem>>)
    "tpu.region"() ({
      %run_scoped3A = tpu.sem_alloc : memref<!tpu.dma_semaphore, #tpu.memory_space<semaphore_mem>>
      %dma_start3A_119 = arith.constant 4864 : i32
      %dma_start3A_120 = tpu.memref_slice %arg8[%dma_start3A_119] : memref<5008xi32, #tpu.memory_space<vmem>> -> memref<128xi32, #tpu.memory_space<vmem>>
      %dma_start3A_121 = arith.constant 0 : i32
      %dma_start3A_122 = arith.constant 0 : i32
      %dma_start3A_123 = tpu.memref_slice %arg14[%dma_start3A_121, %dma_start3A_122] : memref<10240x128xf32, #tpu.memory_space<vmem_shared>> -> memref<10240x128xf32, #tpu.memory_space<vmem_shared>>
      tpu.enqueue_indirect_dma source(%arg9 : memref<128x128xf32, #tpu.memory_space<vmem>>) target(%dma_start3A_123 : memref<10240x128xf32, #tpu.memory_space<vmem_shared>>) offsets(%dma_start3A_120 : memref<128xi32, #tpu.memory_space<vmem>>) semaphore(%run_scoped3A : memref<!tpu.dma_semaphore, #tpu.memory_space<semaphore_mem>>) {add = true}
      %dma_wait3A_124 = arith.constant 4864 : i32
      %dma_wait3A_125 = tpu.memref_slice %arg8[%dma_wait3A_124] : memref<5008xi32, #tpu.memory_space<vmem>> -> memref<128xi32, #tpu.memory_space<vmem>>
      %dma_wait3A_126 = arith.constant 0 : i32
      %dma_wait3A_127 = arith.constant 0 : i32
      %dma_wait3A_128 = tpu.memref_slice %arg14[%dma_wait3A_126, %dma_wait3A_127] : memref<10240x128xf32, #tpu.memory_space<vmem_shared>> -> memref<10240x128xf32, #tpu.memory_space<vmem_shared>>
      tpu.wait_indirect_dma semaphore(%run_scoped3A : memref<!tpu.dma_semaphore, #tpu.memory_space<semaphore_mem>>) src(%arg9 : memref<128x128xf32, #tpu.memory_space<vmem>>) dst(%dma_wait3A_128 : memref<10240x128xf32, #tpu.memory_space<vmem_shared>>)
      tpu.yield
    }) : () -> ()
    %add3A_62 = arith.constant 4992 : i32
    %add3A_63 = arith.addi %mul3A_19, %add3A_62 : i32
    "tpu.region"() ({
      %run_scoped3A = tpu.sem_alloc : memref<!tpu.dma_semaphore, #tpu.memory_space<semaphore_mem>>
      %dma_start3A_119 = tpu.memref_slice %arg3[%add3A_63] : memref<320000xi32, #tpu.memory_space<hbm>> -> memref<5008xi32, #tpu.memory_space<hbm>>
      %dma_start3A_120 = tpu.memref_slice %arg3[%add3A_63] : memref<320000xi32, #tpu.memory_space<hbm>> -> memref<5008xi32, #tpu.memory_space<hbm>>
      tpu.enqueue_dma source(%dma_start3A_120 : memref<5008xi32, #tpu.memory_space<hbm>>) target(%arg7 : memref<5008xi32, #tpu.memory_space<vmem>>) target_semaphore(%run_scoped3A : memref<!tpu.dma_semaphore, #tpu.memory_space<semaphore_mem>>)
      %dma_wait3A_121 = tpu.memref_slice %arg3[%add3A_63] : memref<320000xi32, #tpu.memory_space<hbm>> -> memref<5008xi32, #tpu.memory_space<hbm>>
      %dma_wait3A_122 = tpu.memref_slice %arg3[%add3A_63] : memref<320000xi32, #tpu.memory_space<hbm>> -> memref<5008xi32, #tpu.memory_space<hbm>>
      tpu.wait_dma2 semaphore(%run_scoped3A : memref<!tpu.dma_semaphore, #tpu.memory_space<semaphore_mem>>) src(%dma_wait3A_122 : memref<5008xi32, #tpu.memory_space<hbm>>) dst(%arg7 : memref<5008xi32, #tpu.memory_space<vmem>>)
      tpu.yield
    }) : () -> ()
    %add3A_64 = arith.constant 4992 : i32
    %add3A_65 = arith.addi %mul3A_19, %add3A_64 : i32
    "tpu.region"() ({
      %run_scoped3A = tpu.sem_alloc : memref<!tpu.dma_semaphore, #tpu.memory_space<semaphore_mem>>
      %dma_start3A_119 = tpu.memref_slice %arg4[%add3A_65] : memref<320000xi32, #tpu.memory_space<hbm>> -> memref<5008xi32, #tpu.memory_space<hbm>>
      %dma_start3A_120 = tpu.memref_slice %arg4[%add3A_65] : memref<320000xi32, #tpu.memory_space<hbm>> -> memref<5008xi32, #tpu.memory_space<hbm>>
      tpu.enqueue_dma source(%dma_start3A_120 : memref<5008xi32, #tpu.memory_space<hbm>>) target(%arg8 : memref<5008xi32, #tpu.memory_space<vmem>>) target_semaphore(%run_scoped3A : memref<!tpu.dma_semaphore, #tpu.memory_space<semaphore_mem>>)
      %dma_wait3A_121 = tpu.memref_slice %arg4[%add3A_65] : memref<320000xi32, #tpu.memory_space<hbm>> -> memref<5008xi32, #tpu.memory_space<hbm>>
      %dma_wait3A_122 = tpu.memref_slice %arg4[%add3A_65] : memref<320000xi32, #tpu.memory_space<hbm>> -> memref<5008xi32, #tpu.memory_space<hbm>>
      tpu.wait_dma2 semaphore(%run_scoped3A : memref<!tpu.dma_semaphore, #tpu.memory_space<semaphore_mem>>) src(%dma_wait3A_122 : memref<5008xi32, #tpu.memory_space<hbm>>) dst(%arg8 : memref<5008xi32, #tpu.memory_space<vmem>>)
      tpu.yield
    }) : () -> ()
    %dma_start3A_66 = arith.constant 0 : i32
    %dma_start3A_67 = tpu.memref_slice %arg7[%dma_start3A_66] : memref<5008xi32, #tpu.memory_space<vmem>> -> memref<128xi32, #tpu.memory_space<vmem>>
    %dma_start3A_68 = arith.constant 0 : i32
    %dma_start3A_69 = arith.constant 0 : i32
    %dma_start3A_70 = tpu.memref_slice %arg2[%dma_start3A_68, %dma_start3A_69] : memref<10000x128xf32, #tpu.memory_space<hbm>> -> memref<10000x128xf32, #tpu.memory_space<hbm>>
    tpu.enqueue_indirect_dma source(%dma_start3A_70 : memref<10000x128xf32, #tpu.memory_space<hbm>>) target(%arg9 : memref<128x128xf32, #tpu.memory_space<vmem>>) offsets(%dma_start3A_67 : memref<128xi32, #tpu.memory_space<vmem>>) semaphore(%arg11 : memref<!tpu.dma_semaphore, #tpu.memory_space<semaphore_mem>>)
    %dma_start3A_71 = arith.constant 128 : i32
    %dma_start3A_72 = tpu.memref_slice %arg7[%dma_start3A_71] : memref<5008xi32, #tpu.memory_space<vmem>> -> memref<128xi32, #tpu.memory_space<vmem>>
    %dma_start3A_73 = arith.constant 0 : i32
    %dma_start3A_74 = arith.constant 0 : i32
    %dma_start3A_75 = tpu.memref_slice %arg2[%dma_start3A_73, %dma_start3A_74] : memref<10000x128xf32, #tpu.memory_space<hbm>> -> memref<10000x128xf32, #tpu.memory_space<hbm>>
    tpu.enqueue_indirect_dma source(%dma_start3A_75 : memref<10000x128xf32, #tpu.memory_space<hbm>>) target(%arg10 : memref<128x128xf32, #tpu.memory_space<vmem>>) offsets(%dma_start3A_72 : memref<128xi32, #tpu.memory_space<vmem>>) semaphore(%arg12 : memref<!tpu.dma_semaphore, #tpu.memory_space<semaphore_mem>>)
    %scan3A_76 = arith.constant 0 : i32
    %scan3A_77 = arith.constant 0 : i32
    %scan3A_78 = arith.constant 18 : i32
    %scan3A_79 = arith.addi %scan3A_77, %scan3A_78 : i32
    %scan3A_80 = arith.constant 1 : i32
    scf.for %scan3A_119 = %scan3A_77 to %scan3A_79 step %scan3A_80  : i32 {
      %mul3A_120 = arith.constant 2 : i32
      %mul3A_121 = arith.muli %scan3A_119, %mul3A_120 : i32
      %mul3A_122 = arith.constant 128 : i32
      %mul3A_123 = arith.muli %mul3A_121, %mul3A_122 : i32
      %dma_wait3A_124 = tpu.memref_slice %arg7[%mul3A_123] : memref<5008xi32, #tpu.memory_space<vmem>> -> memref<128xi32, #tpu.memory_space<vmem>>
      %dma_wait3A_125 = arith.constant 0 : i32
      %dma_wait3A_126 = arith.constant 0 : i32
      %dma_wait3A_127 = tpu.memref_slice %arg2[%dma_wait3A_125, %dma_wait3A_126] : memref<10000x128xf32, #tpu.memory_space<hbm>> -> memref<10000x128xf32, #tpu.memory_space<hbm>>
      tpu.wait_indirect_dma semaphore(%arg11 : memref<!tpu.dma_semaphore, #tpu.memory_space<semaphore_mem>>) src(%dma_wait3A_127 : memref<10000x128xf32, #tpu.memory_space<hbm>>) dst(%arg9 : memref<128x128xf32, #tpu.memory_space<vmem>>)
      %mul3A_128 = arith.constant 128 : i32
      %mul3A_129 = arith.muli %mul3A_121, %mul3A_128 : i32
      "tpu.region"() ({
        %run_scoped3A = tpu.sem_alloc : memref<!tpu.dma_semaphore, #tpu.memory_space<semaphore_mem>>
        %dma_start3A_158 = tpu.memref_slice %arg8[%mul3A_129] : memref<5008xi32, #tpu.memory_space<vmem>> -> memref<128xi32, #tpu.memory_space<vmem>>
        %dma_start3A_159 = arith.constant 0 : i32
        %dma_start3A_160 = arith.constant 0 : i32
        %dma_start3A_161 = tpu.memref_slice %arg14[%dma_start3A_159, %dma_start3A_160] : memref<10240x128xf32, #tpu.memory_space<vmem_shared>> -> memref<10240x128xf32, #tpu.memory_space<vmem_shared>>
        tpu.enqueue_indirect_dma source(%arg9 : memref<128x128xf32, #tpu.memory_space<vmem>>) target(%dma_start3A_161 : memref<10240x128xf32, #tpu.memory_space<vmem_shared>>) offsets(%dma_start3A_158 : memref<128xi32, #tpu.memory_space<vmem>>) semaphore(%run_scoped3A : memref<!tpu.dma_semaphore, #tpu.memory_space<semaphore_mem>>) {add = true}
        %dma_wait3A_162 = tpu.memref_slice %arg8[%mul3A_129] : memref<5008xi32, #tpu.memory_space<vmem>> -> memref<128xi32, #tpu.memory_space<vmem>>
        %dma_wait3A_163 = arith.constant 0 : i32
        %dma_wait3A_164 = arith.constant 0 : i32
        %dma_wait3A_165 = tpu.memref_slice %arg14[%dma_wait3A_163, %dma_wait3A_164] : memref<10240x128xf32, #tpu.memory_space<vmem_shared>> -> memref<10240x128xf32, #tpu.memory_space<vmem_shared>>
        tpu.wait_indirect_dma semaphore(%run_scoped3A : memref<!tpu.dma_semaphore, #tpu.memory_space<semaphore_mem>>) src(%arg9 : memref<128x128xf32, #tpu.memory_space<vmem>>) dst(%dma_wait3A_165 : memref<10240x128xf32, #tpu.memory_space<vmem_shared>>)
        tpu.yield
      }) : () -> ()
      %add3A_130 = arith.constant 2 : i32
      %add3A_131 = arith.addi %mul3A_121, %add3A_130 : i32
      %mul3A_132 = arith.constant 128 : i32
      %mul3A_133 = arith.muli %add3A_131, %mul3A_132 : i32
      %dma_start3A_134 = tpu.memref_slice %arg7[%mul3A_133] : memref<5008xi32, #tpu.memory_space<vmem>> -> memref<128xi32, #tpu.memory_space<vmem>>
      %dma_start3A_135 = arith.constant 0 : i32
      %dma_start3A_136 = arith.constant 0 : i32
      %dma_start3A_137 = tpu.memref_slice %arg2[%dma_start3A_135, %dma_start3A_136] : memref<10000x128xf32, #tpu.memory_space<hbm>> -> memref<10000x128xf32, #tpu.memory_space<hbm>>
      tpu.enqueue_indirect_dma source(%dma_start3A_137 : memref<10000x128xf32, #tpu.memory_space<hbm>>) target(%arg9 : memref<128x128xf32, #tpu.memory_space<vmem>>) offsets(%dma_start3A_134 : memref<128xi32, #tpu.memory_space<vmem>>) semaphore(%arg11 : memref<!tpu.dma_semaphore, #tpu.memory_space<semaphore_mem>>)
      %add3A_138 = arith.constant 1 : i32
      %add3A_139 = arith.addi %mul3A_121, %add3A_138 : i32
      %mul3A_140 = arith.constant 128 : i32
      %mul3A_141 = arith.muli %add3A_139, %mul3A_140 : i32
      %dma_wait3A_142 = tpu.memref_slice %arg7[%mul3A_141] : memref<5008xi32, #tpu.memory_space<vmem>> -> memref<128xi32, #tpu.memory_space<vmem>>
      %dma_wait3A_143 = arith.constant 0 : i32
      %dma_wait3A_144 = arith.constant 0 : i32
      %dma_wait3A_145 = tpu.memref_slice %arg2[%dma_wait3A_143, %dma_wait3A_144] : memref<10000x128xf32, #tpu.memory_space<hbm>> -> memref<10000x128xf32, #tpu.memory_space<hbm>>
      tpu.wait_indirect_dma semaphore(%arg12 : memref<!tpu.dma_semaphore, #tpu.memory_space<semaphore_mem>>) src(%dma_wait3A_145 : memref<10000x128xf32, #tpu.memory_space<hbm>>) dst(%arg10 : memref<128x128xf32, #tpu.memory_space<vmem>>)
      %add3A_146 = arith.constant 1 : i32
      %add3A_147 = arith.addi %mul3A_121, %add3A_146 : i32
      %mul3A_148 = arith.constant 128 : i32
      %mul3A_149 = arith.muli %add3A_147, %mul3A_148 : i32
      "tpu.region"() ({
        %run_scoped3A = tpu.sem_alloc : memref<!tpu.dma_semaphore, #tpu.memory_space<semaphore_mem>>
        %dma_start3A_158 = tpu.memref_slice %arg8[%mul3A_149] : memref<5008xi32, #tpu.memory_space<vmem>> -> memref<128xi32, #tpu.memory_space<vmem>>
        %dma_start3A_159 = arith.constant 0 : i32
        %dma_start3A_160 = arith.constant 0 : i32
        %dma_start3A_161 = tpu.memref_slice %arg14[%dma_start3A_159, %dma_start3A_160] : memref<10240x128xf32, #tpu.memory_space<vmem_shared>> -> memref<10240x128xf32, #tpu.memory_space<vmem_shared>>
        tpu.enqueue_indirect_dma source(%arg10 : memref<128x128xf32, #tpu.memory_space<vmem>>) target(%dma_start3A_161 : memref<10240x128xf32, #tpu.memory_space<vmem_shared>>) offsets(%dma_start3A_158 : memref<128xi32, #tpu.memory_space<vmem>>) semaphore(%run_scoped3A : memref<!tpu.dma_semaphore, #tpu.memory_space<semaphore_mem>>) {add = true}
        %dma_wait3A_162 = tpu.memref_slice %arg8[%mul3A_149] : memref<5008xi32, #tpu.memory_space<vmem>> -> memref<128xi32, #tpu.memory_space<vmem>>
        %dma_wait3A_163 = arith.constant 0 : i32
        %dma_wait3A_164 = arith.constant 0 : i32
        %dma_wait3A_165 = tpu.memref_slice %arg14[%dma_wait3A_163, %dma_wait3A_164] : memref<10240x128xf32, #tpu.memory_space<vmem_shared>> -> memref<10240x128xf32, #tpu.memory_space<vmem_shared>>
        tpu.wait_indirect_dma semaphore(%run_scoped3A : memref<!tpu.dma_semaphore, #tpu.memory_space<semaphore_mem>>) src(%arg10 : memref<128x128xf32, #tpu.memory_space<vmem>>) dst(%dma_wait3A_165 : memref<10240x128xf32, #tpu.memory_space<vmem_shared>>)
        tpu.yield
      }) : () -> ()
      %add3A_150 = arith.constant 3 : i32
      %add3A_151 = arith.addi %mul3A_121, %add3A_150 : i32
      %mul3A_152 = arith.constant 128 : i32
      %mul3A_153 = arith.muli %add3A_151, %mul3A_152 : i32
      %dma_start3A_154 = tpu.memref_slice %arg7[%mul3A_153] : memref<5008xi32, #tpu.memory_space<vmem>> -> memref<128xi32, #tpu.memory_space<vmem>>
      %dma_start3A_155 = arith.constant 0 : i32
      %dma_start3A_156 = arith.constant 0 : i32
      %dma_start3A_157 = tpu.memref_slice %arg2[%dma_start3A_155, %dma_start3A_156] : memref<10000x128xf32, #tpu.memory_space<hbm>> -> memref<10000x128xf32, #tpu.memory_space<hbm>>
      tpu.enqueue_indirect_dma source(%dma_start3A_157 : memref<10000x128xf32, #tpu.memory_space<hbm>>) target(%arg10 : memref<128x128xf32, #tpu.memory_space<vmem>>) offsets(%dma_start3A_154 : memref<128xi32, #tpu.memory_space<vmem>>) semaphore(%arg12 : memref<!tpu.dma_semaphore, #tpu.memory_space<semaphore_mem>>)
    }
    %scan3A_81 = arith.constant 18 : i32
    %dma_wait3A_82 = arith.constant 4608 : i32
    %dma_wait3A_83 = tpu.memref_slice %arg7[%dma_wait3A_82] : memref<5008xi32, #tpu.memory_space<vmem>> -> memref<128xi32, #tpu.memory_space<vmem>>
    %dma_wait3A_84 = arith.constant 0 : i32
    %dma_wait3A_85 = arith.constant 0 : i32
    %dma_wait3A_86 = tpu.memref_slice %arg2[%dma_wait3A_84, %dma_wait3A_85] : memref<10000x128xf32, #tpu.memory_space<hbm>> -> memref<10000x128xf32, #tpu.memory_space<hbm>>
    tpu.wait_indirect_dma semaphore(%arg11 : memref<!tpu.dma_semaphore, #tpu.memory_space<semaphore_mem>>) src(%dma_wait3A_86 : memref<10000x128xf32, #tpu.memory_space<hbm>>) dst(%arg9 : memref<128x128xf32, #tpu.memory_space<vmem>>)
    "tpu.region"() ({
      %run_scoped3A = tpu.sem_alloc : memref<!tpu.dma_semaphore, #tpu.memory_space<semaphore_mem>>
      %dma_start3A_119 = arith.constant 4608 : i32
      %dma_start3A_120 = tpu.memref_slice %arg8[%dma_start3A_119] : memref<5008xi32, #tpu.memory_space<vmem>> -> memref<128xi32, #tpu.memory_space<vmem>>
      %dma_start3A_121 = arith.constant 0 : i32
      %dma_start3A_122 = arith.constant 0 : i32
      %dma_start3A_123 = tpu.memref_slice %arg14[%dma_start3A_121, %dma_start3A_122] : memref<10240x128xf32, #tpu.memory_space<vmem_shared>> -> memref<10240x128xf32, #tpu.memory_space<vmem_shared>>
      tpu.enqueue_indirect_dma source(%arg9 : memref<128x128xf32, #tpu.memory_space<vmem>>) target(%dma_start3A_123 : memref<10240x128xf32, #tpu.memory_space<vmem_shared>>) offsets(%dma_start3A_120 : memref<128xi32, #tpu.memory_space<vmem>>) semaphore(%run_scoped3A : memref<!tpu.dma_semaphore, #tpu.memory_space<semaphore_mem>>) {add = true}
      %dma_wait3A_124 = arith.constant 4608 : i32
      %dma_wait3A_125 = tpu.memref_slice %arg8[%dma_wait3A_124] : memref<5008xi32, #tpu.memory_space<vmem>> -> memref<128xi32, #tpu.memory_space<vmem>>
      %dma_wait3A_126 = arith.constant 0 : i32
      %dma_wait3A_127 = arith.constant 0 : i32
      %dma_wait3A_128 = tpu.memref_slice %arg14[%dma_wait3A_126, %dma_wait3A_127] : memref<10240x128xf32, #tpu.memory_space<vmem_shared>> -> memref<10240x128xf32, #tpu.memory_space<vmem_shared>>
      tpu.wait_indirect_dma semaphore(%run_scoped3A : memref<!tpu.dma_semaphore, #tpu.memory_space<semaphore_mem>>) src(%arg9 : memref<128x128xf32, #tpu.memory_space<vmem>>) dst(%dma_wait3A_128 : memref<10240x128xf32, #tpu.memory_space<vmem_shared>>)
      tpu.yield
    }) : () -> ()
    %dma_start3A_87 = arith.constant 4864 : i32
    %dma_start3A_88 = tpu.memref_slice %arg7[%dma_start3A_87] : memref<5008xi32, #tpu.memory_space<vmem>> -> memref<128xi32, #tpu.memory_space<vmem>>
    %dma_start3A_89 = arith.constant 0 : i32
    %dma_start3A_90 = arith.constant 0 : i32
    %dma_start3A_91 = tpu.memref_slice %arg2[%dma_start3A_89, %dma_start3A_90] : memref<10000x128xf32, #tpu.memory_space<hbm>> -> memref<10000x128xf32, #tpu.memory_space<hbm>>
    tpu.enqueue_indirect_dma source(%dma_start3A_91 : memref<10000x128xf32, #tpu.memory_space<hbm>>) target(%arg9 : memref<128x128xf32, #tpu.memory_space<vmem>>) offsets(%dma_start3A_88 : memref<128xi32, #tpu.memory_space<vmem>>) semaphore(%arg11 : memref<!tpu.dma_semaphore, #tpu.memory_space<semaphore_mem>>)
    %dma_wait3A_92 = arith.constant 4736 : i32
    %dma_wait3A_93 = tpu.memref_slice %arg7[%dma_wait3A_92] : memref<5008xi32, #tpu.memory_space<vmem>> -> memref<128xi32, #tpu.memory_space<vmem>>
    %dma_wait3A_94 = arith.constant 0 : i32
    %dma_wait3A_95 = arith.constant 0 : i32
    %dma_wait3A_96 = tpu.memref_slice %arg2[%dma_wait3A_94, %dma_wait3A_95] : memref<10000x128xf32, #tpu.memory_space<hbm>> -> memref<10000x128xf32, #tpu.memory_space<hbm>>
    tpu.wait_indirect_dma semaphore(%arg12 : memref<!tpu.dma_semaphore, #tpu.memory_space<semaphore_mem>>) src(%dma_wait3A_96 : memref<10000x128xf32, #tpu.memory_space<hbm>>) dst(%arg10 : memref<128x128xf32, #tpu.memory_space<vmem>>)
    "tpu.region"() ({
      %run_scoped3A = tpu.sem_alloc : memref<!tpu.dma_semaphore, #tpu.memory_space<semaphore_mem>>
      %dma_start3A_119 = arith.constant 4736 : i32
      %dma_start3A_120 = tpu.memref_slice %arg8[%dma_start3A_119] : memref<5008xi32, #tpu.memory_space<vmem>> -> memref<128xi32, #tpu.memory_space<vmem>>
      %dma_start3A_121 = arith.constant 0 : i32
      %dma_start3A_122 = arith.constant 0 : i32
      %dma_start3A_123 = tpu.memref_slice %arg14[%dma_start3A_121, %dma_start3A_122] : memref<10240x128xf32, #tpu.memory_space<vmem_shared>> -> memref<10240x128xf32, #tpu.memory_space<vmem_shared>>
      tpu.enqueue_indirect_dma source(%arg10 : memref<128x128xf32, #tpu.memory_space<vmem>>) target(%dma_start3A_123 : memref<10240x128xf32, #tpu.memory_space<vmem_shared>>) offsets(%dma_start3A_120 : memref<128xi32, #tpu.memory_space<vmem>>) semaphore(%run_scoped3A : memref<!tpu.dma_semaphore, #tpu.memory_space<semaphore_mem>>) {add = true}
      %dma_wait3A_124 = arith.constant 4736 : i32
      %dma_wait3A_125 = tpu.memref_slice %arg8[%dma_wait3A_124] : memref<5008xi32, #tpu.memory_space<vmem>> -> memref<128xi32, #tpu.memory_space<vmem>>
      %dma_wait3A_126 = arith.constant 0 : i32
      %dma_wait3A_127 = arith.constant 0 : i32
      %dma_wait3A_128 = tpu.memref_slice %arg14[%dma_wait3A_126, %dma_wait3A_127] : memref<10240x128xf32, #tpu.memory_space<vmem_shared>> -> memref<10240x128xf32, #tpu.memory_space<vmem_shared>>
      tpu.wait_indirect_dma semaphore(%run_scoped3A : memref<!tpu.dma_semaphore, #tpu.memory_space<semaphore_mem>>) src(%arg10 : memref<128x128xf32, #tpu.memory_space<vmem>>) dst(%dma_wait3A_128 : memref<10240x128xf32, #tpu.memory_space<vmem_shared>>)
      tpu.yield
    }) : () -> ()
    %dma_start3A_97 = arith.constant 0 : i32
    %dma_start3A_98 = arith.constant 0 : i32
    %dma_start3A_99 = tpu.memref_slice %arg10[%dma_start3A_97, %dma_start3A_98] : memref<128x128xf32, #tpu.memory_space<vmem>> -> memref<16x128xf32, #tpu.memory_space<vmem>>
    %dma_start3A_100 = arith.constant 4992 : i32
    %dma_start3A_101 = tpu.memref_slice %arg7[%dma_start3A_100] : memref<5008xi32, #tpu.memory_space<vmem>> -> memref<16xi32, #tpu.memory_space<vmem>>
    %dma_start3A_102 = arith.constant 0 : i32
    %dma_start3A_103 = arith.constant 0 : i32
    %dma_start3A_104 = tpu.memref_slice %arg2[%dma_start3A_102, %dma_start3A_103] : memref<10000x128xf32, #tpu.memory_space<hbm>> -> memref<10000x128xf32, #tpu.memory_space<hbm>>
    tpu.enqueue_indirect_dma source(%dma_start3A_104 : memref<10000x128xf32, #tpu.memory_space<hbm>>) target(%dma_start3A_99 : memref<16x128xf32, #tpu.memory_space<vmem>>) offsets(%dma_start3A_101 : memref<16xi32, #tpu.memory_space<vmem>>) semaphore(%arg12 : memref<!tpu.dma_semaphore, #tpu.memory_space<semaphore_mem>>)
    %dma_wait3A_105 = arith.constant 4864 : i32
    %dma_wait3A_106 = tpu.memref_slice %arg7[%dma_wait3A_105] : memref<5008xi32, #tpu.memory_space<vmem>> -> memref<128xi32, #tpu.memory_space<vmem>>
    %dma_wait3A_107 = arith.constant 0 : i32
    %dma_wait3A_108 = arith.constant 0 : i32
    %dma_wait3A_109 = tpu.memref_slice %arg2[%dma_wait3A_107, %dma_wait3A_108] : memref<10000x128xf32, #tpu.memory_space<hbm>> -> memref<10000x128xf32, #tpu.memory_space<hbm>>
    tpu.wait_indirect_dma semaphore(%arg11 : memref<!tpu.dma_semaphore, #tpu.memory_space<semaphore_mem>>) src(%dma_wait3A_109 : memref<10000x128xf32, #tpu.memory_space<hbm>>) dst(%arg9 : memref<128x128xf32, #tpu.memory_space<vmem>>)
    "tpu.region"() ({
      %run_scoped3A = tpu.sem_alloc : memref<!tpu.dma_semaphore, #tpu.memory_space<semaphore_mem>>
      %dma_start3A_119 = arith.constant 4864 : i32
      %dma_start3A_120 = tpu.memref_slice %arg8[%dma_start3A_119] : memref<5008xi32, #tpu.memory_space<vmem>> -> memref<128xi32, #tpu.memory_space<vmem>>
      %dma_start3A_121 = arith.constant 0 : i32
      %dma_start3A_122 = arith.constant 0 : i32
      %dma_start3A_123 = tpu.memref_slice %arg14[%dma_start3A_121, %dma_start3A_122] : memref<10240x128xf32, #tpu.memory_space<vmem_shared>> -> memref<10240x128xf32, #tpu.memory_space<vmem_shared>>
      tpu.enqueue_indirect_dma source(%arg9 : memref<128x128xf32, #tpu.memory_space<vmem>>) target(%dma_start3A_123 : memref<10240x128xf32, #tpu.memory_space<vmem_shared>>) offsets(%dma_start3A_120 : memref<128xi32, #tpu.memory_space<vmem>>) semaphore(%run_scoped3A : memref<!tpu.dma_semaphore, #tpu.memory_space<semaphore_mem>>) {add = true}
      %dma_wait3A_124 = arith.constant 4864 : i32
      %dma_wait3A_125 = tpu.memref_slice %arg8[%dma_wait3A_124] : memref<5008xi32, #tpu.memory_space<vmem>> -> memref<128xi32, #tpu.memory_space<vmem>>
      %dma_wait3A_126 = arith.constant 0 : i32
      %dma_wait3A_127 = arith.constant 0 : i32
      %dma_wait3A_128 = tpu.memref_slice %arg14[%dma_wait3A_126, %dma_wait3A_127] : memref<10240x128xf32, #tpu.memory_space<vmem_shared>> -> memref<10240x128xf32, #tpu.memory_space<vmem_shared>>
      tpu.wait_indirect_dma semaphore(%run_scoped3A : memref<!tpu.dma_semaphore, #tpu.memory_space<semaphore_mem>>) src(%arg9 : memref<128x128xf32, #tpu.memory_space<vmem>>) dst(%dma_wait3A_128 : memref<10240x128xf32, #tpu.memory_space<vmem_shared>>)
      tpu.yield
    }) : () -> ()
    %dma_wait3A_110 = arith.constant 0 : i32
    %dma_wait3A_111 = arith.constant 0 : i32
    %dma_wait3A_112 = tpu.memref_slice %arg10[%dma_wait3A_110, %dma_wait3A_111] : memref<128x128xf32, #tpu.memory_space<vmem>> -> memref<16x128xf32, #tpu.memory_space<vmem>>
    %dma_wait3A_113 = arith.constant 4992 : i32
    %dma_wait3A_114 = tpu.memref_slice %arg7[%dma_wait3A_113] : memref<5008xi32, #tpu.memory_space<vmem>> -> memref<16xi32, #tpu.memory_space<vmem>>
    %dma_wait3A_115 = arith.constant 0 : i32
    %dma_wait3A_116 = arith.constant 0 : i32
    %dma_wait3A_117 = tpu.memref_slice %arg2[%dma_wait3A_115, %dma_wait3A_116] : memref<10000x128xf32, #tpu.memory_space<hbm>> -> memref<10000x128xf32, #tpu.memory_space<hbm>>
    tpu.wait_indirect_dma semaphore(%arg12 : memref<!tpu.dma_semaphore, #tpu.memory_space<semaphore_mem>>) src(%dma_wait3A_117 : memref<10000x128xf32, #tpu.memory_space<hbm>>) dst(%dma_wait3A_112 : memref<16x128xf32, #tpu.memory_space<vmem>>)
    "tpu.region"() ({
      %run_scoped3A = tpu.sem_alloc : memref<!tpu.dma_semaphore, #tpu.memory_space<semaphore_mem>>
      %dma_start3A_119 = arith.constant 0 : i32
      %dma_start3A_120 = arith.constant 0 : i32
      %dma_start3A_121 = tpu.memref_slice %arg10[%dma_start3A_119, %dma_start3A_120] : memref<128x128xf32, #tpu.memory_space<vmem>> -> memref<16x128xf32, #tpu.memory_space<vmem>>
      %dma_start3A_122 = arith.constant 4992 : i32
      %dma_start3A_123 = tpu.memref_slice %arg8[%dma_start3A_122] : memref<5008xi32, #tpu.memory_space<vmem>> -> memref<16xi32, #tpu.memory_space<vmem>>
      %dma_start3A_124 = arith.constant 0 : i32
      %dma_start3A_125 = arith.constant 0 : i32
      %dma_start3A_126 = tpu.memref_slice %arg14[%dma_start3A_124, %dma_start3A_125] : memref<10240x128xf32, #tpu.memory_space<vmem_shared>> -> memref<10240x128xf32, #tpu.memory_space<vmem_shared>>
      tpu.enqueue_indirect_dma source(%dma_start3A_121 : memref<16x128xf32, #tpu.memory_space<vmem>>) target(%dma_start3A_126 : memref<10240x128xf32, #tpu.memory_space<vmem_shared>>) offsets(%dma_start3A_123 : memref<16xi32, #tpu.memory_space<vmem>>) semaphore(%run_scoped3A : memref<!tpu.dma_semaphore, #tpu.memory_space<semaphore_mem>>) {add = true}
      %dma_wait3A_127 = arith.constant 0 : i32
      %dma_wait3A_128 = arith.constant 0 : i32
      %dma_wait3A_129 = tpu.memref_slice %arg10[%dma_wait3A_127, %dma_wait3A_128] : memref<128x128xf32, #tpu.memory_space<vmem>> -> memref<16x128xf32, #tpu.memory_space<vmem>>
      %dma_wait3A_130 = arith.constant 4992 : i32
      %dma_wait3A_131 = tpu.memref_slice %arg8[%dma_wait3A_130] : memref<5008xi32, #tpu.memory_space<vmem>> -> memref<16xi32, #tpu.memory_space<vmem>>
      %dma_wait3A_132 = arith.constant 0 : i32
      %dma_wait3A_133 = arith.constant 0 : i32
      %dma_wait3A_134 = tpu.memref_slice %arg14[%dma_wait3A_132, %dma_wait3A_133] : memref<10240x128xf32, #tpu.memory_space<vmem_shared>> -> memref<10240x128xf32, #tpu.memory_space<vmem_shared>>
      tpu.wait_indirect_dma semaphore(%run_scoped3A : memref<!tpu.dma_semaphore, #tpu.memory_space<semaphore_mem>>) src(%dma_wait3A_129 : memref<16x128xf32, #tpu.memory_space<vmem>>) dst(%dma_wait3A_134 : memref<10240x128xf32, #tpu.memory_space<vmem_shared>>)
      tpu.yield
    }) : () -> ()
    %barrier3A_118 = arith.constant 0 : index
    tpu.barrier barrier_id(%barrier3A_118)
    "tpu.region"() ({
      %run_scoped3A = tpu.sem_alloc : memref<!tpu.dma_semaphore, #tpu.memory_space<semaphore_mem>>
      %dma_start3A_119 = arith.constant 0 : i32
      %dma_start3A_120 = tpu.memref_slice %arg6[%arg0, %mul3A_2, %dma_start3A_119] : memref<2x10240x128xf32, #tpu.memory_space<hbm>> -> memref<1x640x128xf32, #tpu.memory_space<hbm>>
      %dma_start3A_121 = tpu.memref_squeeze %dma_start3A_120 : memref<1x640x128xf32, #tpu.memory_space<hbm>> -> memref<640x128xf32, #tpu.memory_space<hbm>>
      %dma_start3A_122 = arith.constant 0 : i32
      %dma_start3A_123 = tpu.memref_slice %arg14[%mul3A_2, %dma_start3A_122] : memref<10240x128xf32, #tpu.memory_space<vmem_shared>> -> memref<640x128xf32, #tpu.memory_space<vmem_shared>>
      tpu.enqueue_dma source(%dma_start3A_123 : memref<640x128xf32, #tpu.memory_space<vmem_shared>>) target(%dma_start3A_121 : memref<640x128xf32, #tpu.memory_space<hbm>>) target_semaphore(%run_scoped3A : memref<!tpu.dma_semaphore, #tpu.memory_space<semaphore_mem>>)
      %dma_wait3A_124 = arith.constant 0 : i32
      %dma_wait3A_125 = tpu.memref_slice %arg6[%arg0, %mul3A_2, %dma_wait3A_124] : memref<2x10240x128xf32, #tpu.memory_space<hbm>> -> memref<1x640x128xf32, #tpu.memory_space<hbm>>
      %dma_wait3A_126 = tpu.memref_squeeze %dma_wait3A_125 : memref<1x640x128xf32, #tpu.memory_space<hbm>> -> memref<640x128xf32, #tpu.memory_space<hbm>>
      %dma_wait3A_127 = arith.constant 0 : i32
      %dma_wait3A_128 = tpu.memref_slice %arg14[%mul3A_2, %dma_wait3A_127] : memref<10240x128xf32, #tpu.memory_space<vmem_shared>> -> memref<640x128xf32, #tpu.memory_space<vmem_shared>>
      tpu.wait_dma2 semaphore(%run_scoped3A : memref<!tpu.dma_semaphore, #tpu.memory_space<semaphore_mem>>) src(%dma_wait3A_128 : memref<640x128xf32, #tpu.memory_space<vmem_shared>>) dst(%dma_wait3A_126 : memref<640x128xf32, #tpu.memory_space<hbm>>)
      tpu.yield
    }) : () -> ()
    return
  }
}

#map = affine_map<(d0, d1) -> (0, 0)>
#map1 = affine_map<(d0, d1) -> (0)>
#map2 = affine_map<(d0, d1) -> (0, 0, 0)>
module attributes {stable_mosaic.version = 14 : i64} {
  func.func @_sc_segment_sum(%arg0: i32, %arg1: i32, %arg2: memref<10000x128xf32, #tpu.memory_space<hbm>>, %arg3: memref<320000xi32, #tpu.memory_space<hbm>>, %arg4: memref<320000xi32, #tpu.memory_space<hbm>>, %arg5: memref<160x128xf32, #tpu.memory_space<hbm>>, %arg6: memref<2x10240x128xf32, #tpu.memory_space<hbm>>, %arg7: memref<5008xi32, #tpu.memory_space<vmem>>, %arg8: memref<5008xi32, #tpu.memory_space<vmem>>, %arg9: memref<128x128xf32, #tpu.memory_space<vmem>>, %arg10: memref<128x128xf32, #tpu.memory_space<vmem>>, %arg11: memref<!tpu.dma_semaphore, #tpu.memory_space<semaphore_mem>>, %arg12: memref<!tpu.dma_semaphore, #tpu.memory_space<semaphore_mem>>, %arg13: memref<!tpu.dma_semaphore, #tpu.memory_space<semaphore_mem>>, %arg14: memref<10240x128xf32, #tpu.memory_space<vmem_shared>>) attributes {dimension_semantics = [#tpu.dimension_semantics<core_parallel>, #tpu.dimension_semantics<subcore_parallel>], iteration_bounds = array<i64: 2, 16>, scalar_prefetch = 0 : i64, scratch_operands = 8 : i64, tpu.core_type = #tpu.core_type<sc_vector_subcore>, window_params = [{transform_indices = #map}, {transform_indices = #map1}, {transform_indices = #map1}, {transform_indices = #map}, {transform_indices = #map2}]} {
    %mul3A = arith.constant 2 : i32
    %mul3A_0 = arith.muli %arg1, %mul3A : i32
    %add3A = arith.addi %mul3A_0, %arg0 : i32
    %mul3A_1 = arith.constant 640 : i32
    %mul3A_2 = arith.muli %arg1, %mul3A_1 : i32
    %add3A_3 = arith.constant 0 : i32
    %add3A_4 = arith.addi %mul3A_2, %add3A_3 : i32
    %dma_start3A = arith.constant 0 : i32
    %dma_start3A_5 = tpu.memref_slice %arg14[%add3A_4, %dma_start3A] : memref<10240x128xf32, #tpu.memory_space<vmem_shared>> -> memref<160x128xf32, #tpu.memory_space<vmem_shared>>
    tpu.enqueue_dma source(%arg5 : memref<160x128xf32, #tpu.memory_space<hbm>>) target(%dma_start3A_5 : memref<160x128xf32, #tpu.memory_space<vmem_shared>>) target_semaphore(%arg13 : memref<!tpu.dma_semaphore, #tpu.memory_space<semaphore_mem>>)
    %add3A_6 = arith.constant 160 : i32
    %add3A_7 = arith.addi %mul3A_2, %add3A_6 : i32
    %dma_start3A_8 = arith.constant 0 : i32
    %dma_start3A_9 = tpu.memref_slice %arg14[%add3A_7, %dma_start3A_8] : memref<10240x128xf32, #tpu.memory_space<vmem_shared>> -> memref<160x128xf32, #tpu.memory_space<vmem_shared>>
    tpu.enqueue_dma source(%arg5 : memref<160x128xf32, #tpu.memory_space<hbm>>) target(%dma_start3A_9 : memref<160x128xf32, #tpu.memory_space<vmem_shared>>) target_semaphore(%arg13 : memref<!tpu.dma_semaphore, #tpu.memory_space<semaphore_mem>>)
    %add3A_10 = arith.constant 320 : i32
    %add3A_11 = arith.addi %mul3A_2, %add3A_10 : i32
    %dma_start3A_12 = arith.constant 0 : i32
    %dma_start3A_13 = tpu.memref_slice %arg14[%add3A_11, %dma_start3A_12] : memref<10240x128xf32, #tpu.memory_space<vmem_shared>> -> memref<160x128xf32, #tpu.memory_space<vmem_shared>>
    tpu.enqueue_dma source(%arg5 : memref<160x128xf32, #tpu.memory_space<hbm>>) target(%dma_start3A_13 : memref<160x128xf32, #tpu.memory_space<vmem_shared>>) target_semaphore(%arg13 : memref<!tpu.dma_semaphore, #tpu.memory_space<semaphore_mem>>)
    %add3A_14 = arith.constant 480 : i32
    %add3A_15 = arith.addi %mul3A_2, %add3A_14 : i32
    %dma_start3A_16 = arith.constant 0 : i32
    %dma_start3A_17 = tpu.memref_slice %arg14[%add3A_15, %dma_start3A_16] : memref<10240x128xf32, #tpu.memory_space<vmem_shared>> -> memref<160x128xf32, #tpu.memory_space<vmem_shared>>
    tpu.enqueue_dma source(%arg5 : memref<160x128xf32, #tpu.memory_space<hbm>>) target(%dma_start3A_17 : memref<160x128xf32, #tpu.memory_space<vmem_shared>>) target_semaphore(%arg13 : memref<!tpu.dma_semaphore, #tpu.memory_space<semaphore_mem>>)
    %mul3A_18 = arith.constant 10000 : i32
    %mul3A_19 = arith.muli %add3A, %mul3A_18 : i32
    "tpu.region"() ({
      %run_scoped3A = tpu.sem_alloc : memref<!tpu.dma_semaphore, #tpu.memory_space<semaphore_mem>>
      %dma_start3A_119 = arith.constant 0 : i32
      %dma_start3A_120 = tpu.memref_slice %arg7[%dma_start3A_119] : memref<5008xi32, #tpu.memory_space<vmem>> -> memref<4992xi32, #tpu.memory_space<vmem>>
      %dma_start3A_121 = tpu.memref_slice %arg3[%mul3A_19] : memref<320000xi32, #tpu.memory_space<hbm>> -> memref<4992xi32, #tpu.memory_space<hbm>>
      %dma_start3A_122 = arith.constant 0 : i32
      %dma_start3A_123 = tpu.memref_slice %arg7[%dma_start3A_122] : memref<5008xi32, #tpu.memory_space<vmem>> -> memref<4992xi32, #tpu.memory_space<vmem>>
      %dma_start3A_124 = tpu.memref_slice %arg3[%mul3A_19] : memref<320000xi32, #tpu.memory_space<hbm>> -> memref<4992xi32, #tpu.memory_space<hbm>>
      tpu.enqueue_dma source(%dma_start3A_124 : memref<4992xi32, #tpu.memory_space<hbm>>) target(%dma_start3A_123 : memref<4992xi32, #tpu.memory_space<vmem>>) target_semaphore(%run_scoped3A : memref<!tpu.dma_semaphore, #tpu.memory_space<semaphore_mem>>)
      %dma_wait3A_125 = arith.constant 0 : i32
      %dma_wait3A_126 = tpu.memref_slice %arg7[%dma_wait3A_125] : memref<5008xi32, #tpu.memory_space<vmem>> -> memref<4992xi32, #tpu.memory_space<vmem>>
      %dma_wait3A_127 = tpu.memref_slice %arg3[%mul3A_19] : memref<320000xi32, #tpu.memory_space<hbm>> -> memref<4992xi32, #tpu.memory_space<hbm>>
      %dma_wait3A_128 = arith.constant 0 : i32
      %dma_wait3A_129 = tpu.memref_slice %arg7[%dma_wait3A_128] : memref<5008xi32, #tpu.memory_space<vmem>> -> memref<4992xi32, #tpu.memory_space<vmem>>
      %dma_wait3A_130 = tpu.memref_slice %arg3[%mul3A_19] : memref<320000xi32, #tpu.memory_space<hbm>> -> memref<4992xi32, #tpu.memory_space<hbm>>
      tpu.wait_dma2 semaphore(%run_scoped3A : memref<!tpu.dma_semaphore, #tpu.memory_space<semaphore_mem>>) src(%dma_wait3A_130 : memref<4992xi32, #tpu.memory_space<hbm>>) dst(%dma_wait3A_129 : memref<4992xi32, #tpu.memory_space<vmem>>)
      tpu.yield
    }) : () -> ()
    "tpu.region"() ({
      %run_scoped3A = tpu.sem_alloc : memref<!tpu.dma_semaphore, #tpu.memory_space<semaphore_mem>>
      %dma_start3A_119 = arith.constant 0 : i32
      %dma_start3A_120 = tpu.memref_slice %arg8[%dma_start3A_119] : memref<5008xi32, #tpu.memory_space<vmem>> -> memref<4992xi32, #tpu.memory_space<vmem>>
      %dma_start3A_121 = tpu.memref_slice %arg4[%mul3A_19] : memref<320000xi32, #tpu.memory_space<hbm>> -> memref<4992xi32, #tpu.memory_space<hbm>>
      %dma_start3A_122 = arith.constant 0 : i32
      %dma_start3A_123 = tpu.memref_slice %arg8[%dma_start3A_122] : memref<5008xi32, #tpu.memory_space<vmem>> -> memref<4992xi32, #tpu.memory_space<vmem>>
      %dma_start3A_124 = tpu.memref_slice %arg4[%mul3A_19] : memref<320000xi32, #tpu.memory_space<hbm>> -> memref<4992xi32, #tpu.memory_space<hbm>>
      tpu.enqueue_dma source(%dma_start3A_124 : memref<4992xi32, #tpu.memory_space<hbm>>) target(%dma_start3A_123 : memref<4992xi32, #tpu.memory_space<vmem>>) target_semaphore(%run_scoped3A : memref<!tpu.dma_semaphore, #tpu.memory_space<semaphore_mem>>)
      %dma_wait3A_125 = arith.constant 0 : i32
      %dma_wait3A_126 = tpu.memref_slice %arg8[%dma_wait3A_125] : memref<5008xi32, #tpu.memory_space<vmem>> -> memref<4992xi32, #tpu.memory_space<vmem>>
      %dma_wait3A_127 = tpu.memref_slice %arg4[%mul3A_19] : memref<320000xi32, #tpu.memory_space<hbm>> -> memref<4992xi32, #tpu.memory_space<hbm>>
      %dma_wait3A_128 = arith.constant 0 : i32
      %dma_wait3A_129 = tpu.memref_slice %arg8[%dma_wait3A_128] : memref<5008xi32, #tpu.memory_space<vmem>> -> memref<4992xi32, #tpu.memory_space<vmem>>
      %dma_wait3A_130 = tpu.memref_slice %arg4[%mul3A_19] : memref<320000xi32, #tpu.memory_space<hbm>> -> memref<4992xi32, #tpu.memory_space<hbm>>
      tpu.wait_dma2 semaphore(%run_scoped3A : memref<!tpu.dma_semaphore, #tpu.memory_space<semaphore_mem>>) src(%dma_wait3A_130 : memref<4992xi32, #tpu.memory_space<hbm>>) dst(%dma_wait3A_129 : memref<4992xi32, #tpu.memory_space<vmem>>)
      tpu.yield
    }) : () -> ()
    %dma_start3A_20 = arith.constant 0 : i32
    %dma_start3A_21 = tpu.memref_slice %arg7[%dma_start3A_20] : memref<5008xi32, #tpu.memory_space<vmem>> -> memref<128xi32, #tpu.memory_space<vmem>>
    %dma_start3A_22 = arith.constant 0 : i32
    %dma_start3A_23 = arith.constant 0 : i32
    %dma_start3A_24 = tpu.memref_slice %arg2[%dma_start3A_22, %dma_start3A_23] : memref<10000x128xf32, #tpu.memory_space<hbm>> -> memref<10000x128xf32, #tpu.memory_space<hbm>>
    tpu.enqueue_indirect_dma source(%dma_start3A_24 : memref<10000x128xf32, #tpu.memory_space<hbm>>) target(%arg9 : memref<128x128xf32, #tpu.memory_space<vmem>>) offsets(%dma_start3A_21 : memref<128xi32, #tpu.memory_space<vmem>>) semaphore(%arg11 : memref<!tpu.dma_semaphore, #tpu.memory_space<semaphore_mem>>)
    %dma_start3A_25 = arith.constant 128 : i32
    %dma_start3A_26 = tpu.memref_slice %arg7[%dma_start3A_25] : memref<5008xi32, #tpu.memory_space<vmem>> -> memref<128xi32, #tpu.memory_space<vmem>>
    %dma_start3A_27 = arith.constant 0 : i32
    %dma_start3A_28 = arith.constant 0 : i32
    %dma_start3A_29 = tpu.memref_slice %arg2[%dma_start3A_27, %dma_start3A_28] : memref<10000x128xf32, #tpu.memory_space<hbm>> -> memref<10000x128xf32, #tpu.memory_space<hbm>>
    tpu.enqueue_indirect_dma source(%dma_start3A_29 : memref<10000x128xf32, #tpu.memory_space<hbm>>) target(%arg10 : memref<128x128xf32, #tpu.memory_space<vmem>>) offsets(%dma_start3A_26 : memref<128xi32, #tpu.memory_space<vmem>>) semaphore(%arg12 : memref<!tpu.dma_semaphore, #tpu.memory_space<semaphore_mem>>)
    %dma_wait3A = arith.constant 0 : i32
    %dma_wait3A_30 = tpu.memref_slice %arg14[%mul3A_2, %dma_wait3A] : memref<10240x128xf32, #tpu.memory_space<vmem_shared>> -> memref<160x128xf32, #tpu.memory_space<vmem_shared>>
    tpu.wait_dma2 semaphore(%arg13 : memref<!tpu.dma_semaphore, #tpu.memory_space<semaphore_mem>>) src(%arg5 : memref<160x128xf32, #tpu.memory_space<hbm>>) dst(%dma_wait3A_30 : memref<160x128xf32, #tpu.memory_space<vmem_shared>>)
    %dma_wait3A_31 = arith.constant 0 : i32
    %dma_wait3A_32 = tpu.memref_slice %arg14[%mul3A_2, %dma_wait3A_31] : memref<10240x128xf32, #tpu.memory_space<vmem_shared>> -> memref<160x128xf32, #tpu.memory_space<vmem_shared>>
    tpu.wait_dma2 semaphore(%arg13 : memref<!tpu.dma_semaphore, #tpu.memory_space<semaphore_mem>>) src(%arg5 : memref<160x128xf32, #tpu.memory_space<hbm>>) dst(%dma_wait3A_32 : memref<160x128xf32, #tpu.memory_space<vmem_shared>>)
    %dma_wait3A_33 = arith.constant 0 : i32
    %dma_wait3A_34 = tpu.memref_slice %arg14[%mul3A_2, %dma_wait3A_33] : memref<10240x128xf32, #tpu.memory_space<vmem_shared>> -> memref<160x128xf32, #tpu.memory_space<vmem_shared>>
    tpu.wait_dma2 semaphore(%arg13 : memref<!tpu.dma_semaphore, #tpu.memory_space<semaphore_mem>>) src(%arg5 : memref<160x128xf32, #tpu.memory_space<hbm>>) dst(%dma_wait3A_34 : memref<160x128xf32, #tpu.memory_space<vmem_shared>>)
    %dma_wait3A_35 = arith.constant 0 : i32
    %dma_wait3A_36 = tpu.memref_slice %arg14[%mul3A_2, %dma_wait3A_35] : memref<10240x128xf32, #tpu.memory_space<vmem_shared>> -> memref<160x128xf32, #tpu.memory_space<vmem_shared>>
    tpu.wait_dma2 semaphore(%arg13 : memref<!tpu.dma_semaphore, #tpu.memory_space<semaphore_mem>>) src(%arg5 : memref<160x128xf32, #tpu.memory_space<hbm>>) dst(%dma_wait3A_36 : memref<160x128xf32, #tpu.memory_space<vmem_shared>>)
    %barrier3A = arith.constant 0 : index
    tpu.barrier barrier_id(%barrier3A)
    %scan3A = arith.constant 0 : i32
    %scan3A_37 = arith.constant 0 : i32
    %scan3A_38 = arith.constant 18 : i32
    %scan3A_39 = arith.addi %scan3A_37, %scan3A_38 : i32
    %scan3A_40 = arith.constant 1 : i32
    scf.for %scan3A_119 = %scan3A_37 to %scan3A_39 step %scan3A_40  : i32 {
      %mul3A_120 = arith.constant 2 : i32
      %mul3A_121 = arith.muli %scan3A_119, %mul3A_120 : i32
      %mul3A_122 = arith.constant 128 : i32
      %mul3A_123 = arith.muli %mul3A_121, %mul3A_122 : i32
      %dma_wait3A_124 = tpu.memref_slice %arg7[%mul3A_123] : memref<5008xi32, #tpu.memory_space<vmem>> -> memref<128xi32, #tpu.memory_space<vmem>>
      %dma_wait3A_125 = arith.constant 0 : i32
      %dma_wait3A_126 = arith.constant 0 : i32
      %dma_wait3A_127 = tpu.memref_slice %arg2[%dma_wait3A_125, %dma_wait3A_126] : memref<10000x128xf32, #tpu.memory_space<hbm>> -> memref<10000x128xf32, #tpu.memory_space<hbm>>
      tpu.wait_indirect_dma semaphore(%arg11 : memref<!tpu.dma_semaphore, #tpu.memory_space<semaphore_mem>>) src(%dma_wait3A_127 : memref<10000x128xf32, #tpu.memory_space<hbm>>) dst(%arg9 : memref<128x128xf32, #tpu.memory_space<vmem>>)
      %mul3A_128 = arith.constant 128 : i32
      %mul3A_129 = arith.muli %mul3A_121, %mul3A_128 : i32
      "tpu.region"() ({
        %run_scoped3A = tpu.sem_alloc : memref<!tpu.dma_semaphore, #tpu.memory_space<semaphore_mem>>
        %dma_start3A_158 = tpu.memref_slice %arg8[%mul3A_129] : memref<5008xi32, #tpu.memory_space<vmem>> -> memref<128xi32, #tpu.memory_space<vmem>>
        %dma_start3A_159 = arith.constant 0 : i32
        %dma_start3A_160 = arith.constant 0 : i32
        %dma_start3A_161 = tpu.memref_slice %arg14[%dma_start3A_159, %dma_start3A_160] : memref<10240x128xf32, #tpu.memory_space<vmem_shared>> -> memref<10240x128xf32, #tpu.memory_space<vmem_shared>>
        tpu.enqueue_indirect_dma source(%arg9 : memref<128x128xf32, #tpu.memory_space<vmem>>) target(%dma_start3A_161 : memref<10240x128xf32, #tpu.memory_space<vmem_shared>>) offsets(%dma_start3A_158 : memref<128xi32, #tpu.memory_space<vmem>>) semaphore(%run_scoped3A : memref<!tpu.dma_semaphore, #tpu.memory_space<semaphore_mem>>) {add = true}
        %dma_wait3A_162 = tpu.memref_slice %arg8[%mul3A_129] : memref<5008xi32, #tpu.memory_space<vmem>> -> memref<128xi32, #tpu.memory_space<vmem>>
        %dma_wait3A_163 = arith.constant 0 : i32
        %dma_wait3A_164 = arith.constant 0 : i32
        %dma_wait3A_165 = tpu.memref_slice %arg14[%dma_wait3A_163, %dma_wait3A_164] : memref<10240x128xf32, #tpu.memory_space<vmem_shared>> -> memref<10240x128xf32, #tpu.memory_space<vmem_shared>>
        tpu.wait_indirect_dma semaphore(%run_scoped3A : memref<!tpu.dma_semaphore, #tpu.memory_space<semaphore_mem>>) src(%arg9 : memref<128x128xf32, #tpu.memory_space<vmem>>) dst(%dma_wait3A_165 : memref<10240x128xf32, #tpu.memory_space<vmem_shared>>)
        tpu.yield
      }) : () -> ()
      %add3A_130 = arith.constant 2 : i32
      %add3A_131 = arith.addi %mul3A_121, %add3A_130 : i32
      %mul3A_132 = arith.constant 128 : i32
      %mul3A_133 = arith.muli %add3A_131, %mul3A_132 : i32
      %dma_start3A_134 = tpu.memref_slice %arg7[%mul3A_133] : memref<5008xi32, #tpu.memory_space<vmem>> -> memref<128xi32, #tpu.memory_space<vmem>>
      %dma_start3A_135 = arith.constant 0 : i32
      %dma_start3A_136 = arith.constant 0 : i32
      %dma_start3A_137 = tpu.memref_slice %arg2[%dma_start3A_135, %dma_start3A_136] : memref<10000x128xf32, #tpu.memory_space<hbm>> -> memref<10000x128xf32, #tpu.memory_space<hbm>>
      tpu.enqueue_indirect_dma source(%dma_start3A_137 : memref<10000x128xf32, #tpu.memory_space<hbm>>) target(%arg9 : memref<128x128xf32, #tpu.memory_space<vmem>>) offsets(%dma_start3A_134 : memref<128xi32, #tpu.memory_space<vmem>>) semaphore(%arg11 : memref<!tpu.dma_semaphore, #tpu.memory_space<semaphore_mem>>)
      %add3A_138 = arith.constant 1 : i32
      %add3A_139 = arith.addi %mul3A_121, %add3A_138 : i32
      %mul3A_140 = arith.constant 128 : i32
      %mul3A_141 = arith.muli %add3A_139, %mul3A_140 : i32
      %dma_wait3A_142 = tpu.memref_slice %arg7[%mul3A_141] : memref<5008xi32, #tpu.memory_space<vmem>> -> memref<128xi32, #tpu.memory_space<vmem>>
      %dma_wait3A_143 = arith.constant 0 : i32
      %dma_wait3A_144 = arith.constant 0 : i32
      %dma_wait3A_145 = tpu.memref_slice %arg2[%dma_wait3A_143, %dma_wait3A_144] : memref<10000x128xf32, #tpu.memory_space<hbm>> -> memref<10000x128xf32, #tpu.memory_space<hbm>>
      tpu.wait_indirect_dma semaphore(%arg12 : memref<!tpu.dma_semaphore, #tpu.memory_space<semaphore_mem>>) src(%dma_wait3A_145 : memref<10000x128xf32, #tpu.memory_space<hbm>>) dst(%arg10 : memref<128x128xf32, #tpu.memory_space<vmem>>)
      %add3A_146 = arith.constant 1 : i32
      %add3A_147 = arith.addi %mul3A_121, %add3A_146 : i32
      %mul3A_148 = arith.constant 128 : i32
      %mul3A_149 = arith.muli %add3A_147, %mul3A_148 : i32
      "tpu.region"() ({
        %run_scoped3A = tpu.sem_alloc : memref<!tpu.dma_semaphore, #tpu.memory_space<semaphore_mem>>
        %dma_start3A_158 = tpu.memref_slice %arg8[%mul3A_149] : memref<5008xi32, #tpu.memory_space<vmem>> -> memref<128xi32, #tpu.memory_space<vmem>>
        %dma_start3A_159 = arith.constant 0 : i32
        %dma_start3A_160 = arith.constant 0 : i32
        %dma_start3A_161 = tpu.memref_slice %arg14[%dma_start3A_159, %dma_start3A_160] : memref<10240x128xf32, #tpu.memory_space<vmem_shared>> -> memref<10240x128xf32, #tpu.memory_space<vmem_shared>>
        tpu.enqueue_indirect_dma source(%arg10 : memref<128x128xf32, #tpu.memory_space<vmem>>) target(%dma_start3A_161 : memref<10240x128xf32, #tpu.memory_space<vmem_shared>>) offsets(%dma_start3A_158 : memref<128xi32, #tpu.memory_space<vmem>>) semaphore(%run_scoped3A : memref<!tpu.dma_semaphore, #tpu.memory_space<semaphore_mem>>) {add = true}
        %dma_wait3A_162 = tpu.memref_slice %arg8[%mul3A_149] : memref<5008xi32, #tpu.memory_space<vmem>> -> memref<128xi32, #tpu.memory_space<vmem>>
        %dma_wait3A_163 = arith.constant 0 : i32
        %dma_wait3A_164 = arith.constant 0 : i32
        %dma_wait3A_165 = tpu.memref_slice %arg14[%dma_wait3A_163, %dma_wait3A_164] : memref<10240x128xf32, #tpu.memory_space<vmem_shared>> -> memref<10240x128xf32, #tpu.memory_space<vmem_shared>>
        tpu.wait_indirect_dma semaphore(%run_scoped3A : memref<!tpu.dma_semaphore, #tpu.memory_space<semaphore_mem>>) src(%arg10 : memref<128x128xf32, #tpu.memory_space<vmem>>) dst(%dma_wait3A_165 : memref<10240x128xf32, #tpu.memory_space<vmem_shared>>)
        tpu.yield
      }) : () -> ()
      %add3A_150 = arith.constant 3 : i32
      %add3A_151 = arith.addi %mul3A_121, %add3A_150 : i32
      %mul3A_152 = arith.constant 128 : i32
      %mul3A_153 = arith.muli %add3A_151, %mul3A_152 : i32
      %dma_start3A_154 = tpu.memref_slice %arg7[%mul3A_153] : memref<5008xi32, #tpu.memory_space<vmem>> -> memref<128xi32, #tpu.memory_space<vmem>>
      %dma_start3A_155 = arith.constant 0 : i32
      %dma_start3A_156 = arith.constant 0 : i32
      %dma_start3A_157 = tpu.memref_slice %arg2[%dma_start3A_155, %dma_start3A_156] : memref<10000x128xf32, #tpu.memory_space<hbm>> -> memref<10000x128xf32, #tpu.memory_space<hbm>>
      tpu.enqueue_indirect_dma source(%dma_start3A_157 : memref<10000x128xf32, #tpu.memory_space<hbm>>) target(%arg10 : memref<128x128xf32, #tpu.memory_space<vmem>>) offsets(%dma_start3A_154 : memref<128xi32, #tpu.memory_space<vmem>>) semaphore(%arg12 : memref<!tpu.dma_semaphore, #tpu.memory_space<semaphore_mem>>)
    }
    %scan3A_41 = arith.constant 18 : i32
    %dma_wait3A_42 = arith.constant 4608 : i32
    %dma_wait3A_43 = tpu.memref_slice %arg7[%dma_wait3A_42] : memref<5008xi32, #tpu.memory_space<vmem>> -> memref<128xi32, #tpu.memory_space<vmem>>
    %dma_wait3A_44 = arith.constant 0 : i32
    %dma_wait3A_45 = arith.constant 0 : i32
    %dma_wait3A_46 = tpu.memref_slice %arg2[%dma_wait3A_44, %dma_wait3A_45] : memref<10000x128xf32, #tpu.memory_space<hbm>> -> memref<10000x128xf32, #tpu.memory_space<hbm>>
    tpu.wait_indirect_dma semaphore(%arg11 : memref<!tpu.dma_semaphore, #tpu.memory_space<semaphore_mem>>) src(%dma_wait3A_46 : memref<10000x128xf32, #tpu.memory_space<hbm>>) dst(%arg9 : memref<128x128xf32, #tpu.memory_space<vmem>>)
    "tpu.region"() ({
      %run_scoped3A = tpu.sem_alloc : memref<!tpu.dma_semaphore, #tpu.memory_space<semaphore_mem>>
      %dma_start3A_119 = arith.constant 4608 : i32
      %dma_start3A_120 = tpu.memref_slice %arg8[%dma_start3A_119] : memref<5008xi32, #tpu.memory_space<vmem>> -> memref<128xi32, #tpu.memory_space<vmem>>
      %dma_start3A_121 = arith.constant 0 : i32
      %dma_start3A_122 = arith.constant 0 : i32
      %dma_start3A_123 = tpu.memref_slice %arg14[%dma_start3A_121, %dma_start3A_122] : memref<10240x128xf32, #tpu.memory_space<vmem_shared>> -> memref<10240x128xf32, #tpu.memory_space<vmem_shared>>
      tpu.enqueue_indirect_dma source(%arg9 : memref<128x128xf32, #tpu.memory_space<vmem>>) target(%dma_start3A_123 : memref<10240x128xf32, #tpu.memory_space<vmem_shared>>) offsets(%dma_start3A_120 : memref<128xi32, #tpu.memory_space<vmem>>) semaphore(%run_scoped3A : memref<!tpu.dma_semaphore, #tpu.memory_space<semaphore_mem>>) {add = true}
      %dma_wait3A_124 = arith.constant 4608 : i32
      %dma_wait3A_125 = tpu.memref_slice %arg8[%dma_wait3A_124] : memref<5008xi32, #tpu.memory_space<vmem>> -> memref<128xi32, #tpu.memory_space<vmem>>
      %dma_wait3A_126 = arith.constant 0 : i32
      %dma_wait3A_127 = arith.constant 0 : i32
      %dma_wait3A_128 = tpu.memref_slice %arg14[%dma_wait3A_126, %dma_wait3A_127] : memref<10240x128xf32, #tpu.memory_space<vmem_shared>> -> memref<10240x128xf32, #tpu.memory_space<vmem_shared>>
      tpu.wait_indirect_dma semaphore(%run_scoped3A : memref<!tpu.dma_semaphore, #tpu.memory_space<semaphore_mem>>) src(%arg9 : memref<128x128xf32, #tpu.memory_space<vmem>>) dst(%dma_wait3A_128 : memref<10240x128xf32, #tpu.memory_space<vmem_shared>>)
      tpu.yield
    }) : () -> ()
    %dma_start3A_47 = arith.constant 4864 : i32
    %dma_start3A_48 = tpu.memref_slice %arg7[%dma_start3A_47] : memref<5008xi32, #tpu.memory_space<vmem>> -> memref<128xi32, #tpu.memory_space<vmem>>
    %dma_start3A_49 = arith.constant 0 : i32
    %dma_start3A_50 = arith.constant 0 : i32
    %dma_start3A_51 = tpu.memref_slice %arg2[%dma_start3A_49, %dma_start3A_50] : memref<10000x128xf32, #tpu.memory_space<hbm>> -> memref<10000x128xf32, #tpu.memory_space<hbm>>
    tpu.enqueue_indirect_dma source(%dma_start3A_51 : memref<10000x128xf32, #tpu.memory_space<hbm>>) target(%arg9 : memref<128x128xf32, #tpu.memory_space<vmem>>) offsets(%dma_start3A_48 : memref<128xi32, #tpu.memory_space<vmem>>) semaphore(%arg11 : memref<!tpu.dma_semaphore, #tpu.memory_space<semaphore_mem>>)
    %dma_wait3A_52 = arith.constant 4736 : i32
    %dma_wait3A_53 = tpu.memref_slice %arg7[%dma_wait3A_52] : memref<5008xi32, #tpu.memory_space<vmem>> -> memref<128xi32, #tpu.memory_space<vmem>>
    %dma_wait3A_54 = arith.constant 0 : i32
    %dma_wait3A_55 = arith.constant 0 : i32
    %dma_wait3A_56 = tpu.memref_slice %arg2[%dma_wait3A_54, %dma_wait3A_55] : memref<10000x128xf32, #tpu.memory_space<hbm>> -> memref<10000x128xf32, #tpu.memory_space<hbm>>
    tpu.wait_indirect_dma semaphore(%arg12 : memref<!tpu.dma_semaphore, #tpu.memory_space<semaphore_mem>>) src(%dma_wait3A_56 : memref<10000x128xf32, #tpu.memory_space<hbm>>) dst(%arg10 : memref<128x128xf32, #tpu.memory_space<vmem>>)
    "tpu.region"() ({
      %run_scoped3A = tpu.sem_alloc : memref<!tpu.dma_semaphore, #tpu.memory_space<semaphore_mem>>
      %dma_start3A_119 = arith.constant 4736 : i32
      %dma_start3A_120 = tpu.memref_slice %arg8[%dma_start3A_119] : memref<5008xi32, #tpu.memory_space<vmem>> -> memref<128xi32, #tpu.memory_space<vmem>>
      %dma_start3A_121 = arith.constant 0 : i32
      %dma_start3A_122 = arith.constant 0 : i32
      %dma_start3A_123 = tpu.memref_slice %arg14[%dma_start3A_121, %dma_start3A_122] : memref<10240x128xf32, #tpu.memory_space<vmem_shared>> -> memref<10240x128xf32, #tpu.memory_space<vmem_shared>>
      tpu.enqueue_indirect_dma source(%arg10 : memref<128x128xf32, #tpu.memory_space<vmem>>) target(%dma_start3A_123 : memref<10240x128xf32, #tpu.memory_space<vmem_shared>>) offsets(%dma_start3A_120 : memref<128xi32, #tpu.memory_space<vmem>>) semaphore(%run_scoped3A : memref<!tpu.dma_semaphore, #tpu.memory_space<semaphore_mem>>) {add = true}
      %dma_wait3A_124 = arith.constant 4736 : i32
      %dma_wait3A_125 = tpu.memref_slice %arg8[%dma_wait3A_124] : memref<5008xi32, #tpu.memory_space<vmem>> -> memref<128xi32, #tpu.memory_space<vmem>>
      %dma_wait3A_126 = arith.constant 0 : i32
      %dma_wait3A_127 = arith.constant 0 : i32
      %dma_wait3A_128 = tpu.memref_slice %arg14[%dma_wait3A_126, %dma_wait3A_127] : memref<10240x128xf32, #tpu.memory_space<vmem_shared>> -> memref<10240x128xf32, #tpu.memory_space<vmem_shared>>
      tpu.wait_indirect_dma semaphore(%run_scoped3A : memref<!tpu.dma_semaphore, #tpu.memory_space<semaphore_mem>>) src(%arg10 : memref<128x128xf32, #tpu.memory_space<vmem>>) dst(%dma_wait3A_128 : memref<10240x128xf32, #tpu.memory_space<vmem_shared>>)
      tpu.yield
    }) : () -> ()
    %dma_wait3A_57 = arith.constant 4864 : i32
    %dma_wait3A_58 = tpu.memref_slice %arg7[%dma_wait3A_57] : memref<5008xi32, #tpu.memory_space<vmem>> -> memref<128xi32, #tpu.memory_space<vmem>>
    %dma_wait3A_59 = arith.constant 0 : i32
    %dma_wait3A_60 = arith.constant 0 : i32
    %dma_wait3A_61 = tpu.memref_slice %arg2[%dma_wait3A_59, %dma_wait3A_60] : memref<10000x128xf32, #tpu.memory_space<hbm>> -> memref<10000x128xf32, #tpu.memory_space<hbm>>
    tpu.wait_indirect_dma semaphore(%arg11 : memref<!tpu.dma_semaphore, #tpu.memory_space<semaphore_mem>>) src(%dma_wait3A_61 : memref<10000x128xf32, #tpu.memory_space<hbm>>) dst(%arg9 : memref<128x128xf32, #tpu.memory_space<vmem>>)
    "tpu.region"() ({
      %run_scoped3A = tpu.sem_alloc : memref<!tpu.dma_semaphore, #tpu.memory_space<semaphore_mem>>
      %dma_start3A_119 = arith.constant 4864 : i32
      %dma_start3A_120 = tpu.memref_slice %arg8[%dma_start3A_119] : memref<5008xi32, #tpu.memory_space<vmem>> -> memref<128xi32, #tpu.memory_space<vmem>>
      %dma_start3A_121 = arith.constant 0 : i32
      %dma_start3A_122 = arith.constant 0 : i32
      %dma_start3A_123 = tpu.memref_slice %arg14[%dma_start3A_121, %dma_start3A_122] : memref<10240x128xf32, #tpu.memory_space<vmem_shared>> -> memref<10240x128xf32, #tpu.memory_space<vmem_shared>>
      tpu.enqueue_indirect_dma source(%arg9 : memref<128x128xf32, #tpu.memory_space<vmem>>) target(%dma_start3A_123 : memref<10240x128xf32, #tpu.memory_space<vmem_shared>>) offsets(%dma_start3A_120 : memref<128xi32, #tpu.memory_space<vmem>>) semaphore(%run_scoped3A : memref<!tpu.dma_semaphore, #tpu.memory_space<semaphore_mem>>) {add = true}
      %dma_wait3A_124 = arith.constant 4864 : i32
      %dma_wait3A_125 = tpu.memref_slice %arg8[%dma_wait3A_124] : memref<5008xi32, #tpu.memory_space<vmem>> -> memref<128xi32, #tpu.memory_space<vmem>>
      %dma_wait3A_126 = arith.constant 0 : i32
      %dma_wait3A_127 = arith.constant 0 : i32
      %dma_wait3A_128 = tpu.memref_slice %arg14[%dma_wait3A_126, %dma_wait3A_127] : memref<10240x128xf32, #tpu.memory_space<vmem_shared>> -> memref<10240x128xf32, #tpu.memory_space<vmem_shared>>
      tpu.wait_indirect_dma semaphore(%run_scoped3A : memref<!tpu.dma_semaphore, #tpu.memory_space<semaphore_mem>>) src(%arg9 : memref<128x128xf32, #tpu.memory_space<vmem>>) dst(%dma_wait3A_128 : memref<10240x128xf32, #tpu.memory_space<vmem_shared>>)
      tpu.yield
    }) : () -> ()
    %add3A_62 = arith.constant 4992 : i32
    %add3A_63 = arith.addi %mul3A_19, %add3A_62 : i32
    "tpu.region"() ({
      %run_scoped3A = tpu.sem_alloc : memref<!tpu.dma_semaphore, #tpu.memory_space<semaphore_mem>>
      %dma_start3A_119 = tpu.memref_slice %arg3[%add3A_63] : memref<320000xi32, #tpu.memory_space<hbm>> -> memref<5008xi32, #tpu.memory_space<hbm>>
      %dma_start3A_120 = tpu.memref_slice %arg3[%add3A_63] : memref<320000xi32, #tpu.memory_space<hbm>> -> memref<5008xi32, #tpu.memory_space<hbm>>
      tpu.enqueue_dma source(%dma_start3A_120 : memref<5008xi32, #tpu.memory_space<hbm>>) target(%arg7 : memref<5008xi32, #tpu.memory_space<vmem>>) target_semaphore(%run_scoped3A : memref<!tpu.dma_semaphore, #tpu.memory_space<semaphore_mem>>)
      %dma_wait3A_121 = tpu.memref_slice %arg3[%add3A_63] : memref<320000xi32, #tpu.memory_space<hbm>> -> memref<5008xi32, #tpu.memory_space<hbm>>
      %dma_wait3A_122 = tpu.memref_slice %arg3[%add3A_63] : memref<320000xi32, #tpu.memory_space<hbm>> -> memref<5008xi32, #tpu.memory_space<hbm>>
      tpu.wait_dma2 semaphore(%run_scoped3A : memref<!tpu.dma_semaphore, #tpu.memory_space<semaphore_mem>>) src(%dma_wait3A_122 : memref<5008xi32, #tpu.memory_space<hbm>>) dst(%arg7 : memref<5008xi32, #tpu.memory_space<vmem>>)
      tpu.yield
    }) : () -> ()
    %add3A_64 = arith.constant 4992 : i32
    %add3A_65 = arith.addi %mul3A_19, %add3A_64 : i32
    "tpu.region"() ({
      %run_scoped3A = tpu.sem_alloc : memref<!tpu.dma_semaphore, #tpu.memory_space<semaphore_mem>>
      %dma_start3A_119 = tpu.memref_slice %arg4[%add3A_65] : memref<320000xi32, #tpu.memory_space<hbm>> -> memref<5008xi32, #tpu.memory_space<hbm>>
      %dma_start3A_120 = tpu.memref_slice %arg4[%add3A_65] : memref<320000xi32, #tpu.memory_space<hbm>> -> memref<5008xi32, #tpu.memory_space<hbm>>
      tpu.enqueue_dma source(%dma_start3A_120 : memref<5008xi32, #tpu.memory_space<hbm>>) target(%arg8 : memref<5008xi32, #tpu.memory_space<vmem>>) target_semaphore(%run_scoped3A : memref<!tpu.dma_semaphore, #tpu.memory_space<semaphore_mem>>)
      %dma_wait3A_121 = tpu.memref_slice %arg4[%add3A_65] : memref<320000xi32, #tpu.memory_space<hbm>> -> memref<5008xi32, #tpu.memory_space<hbm>>
      %dma_wait3A_122 = tpu.memref_slice %arg4[%add3A_65] : memref<320000xi32, #tpu.memory_space<hbm>> -> memref<5008xi32, #tpu.memory_space<hbm>>
      tpu.wait_dma2 semaphore(%run_scoped3A : memref<!tpu.dma_semaphore, #tpu.memory_space<semaphore_mem>>) src(%dma_wait3A_122 : memref<5008xi32, #tpu.memory_space<hbm>>) dst(%arg8 : memref<5008xi32, #tpu.memory_space<vmem>>)
      tpu.yield
    }) : () -> ()
    %dma_start3A_66 = arith.constant 0 : i32
    %dma_start3A_67 = tpu.memref_slice %arg7[%dma_start3A_66] : memref<5008xi32, #tpu.memory_space<vmem>> -> memref<128xi32, #tpu.memory_space<vmem>>
    %dma_start3A_68 = arith.constant 0 : i32
    %dma_start3A_69 = arith.constant 0 : i32
    %dma_start3A_70 = tpu.memref_slice %arg2[%dma_start3A_68, %dma_start3A_69] : memref<10000x128xf32, #tpu.memory_space<hbm>> -> memref<10000x128xf32, #tpu.memory_space<hbm>>
    tpu.enqueue_indirect_dma source(%dma_start3A_70 : memref<10000x128xf32, #tpu.memory_space<hbm>>) target(%arg9 : memref<128x128xf32, #tpu.memory_space<vmem>>) offsets(%dma_start3A_67 : memref<128xi32, #tpu.memory_space<vmem>>) semaphore(%arg11 : memref<!tpu.dma_semaphore, #tpu.memory_space<semaphore_mem>>)
    %dma_start3A_71 = arith.constant 128 : i32
    %dma_start3A_72 = tpu.memref_slice %arg7[%dma_start3A_71] : memref<5008xi32, #tpu.memory_space<vmem>> -> memref<128xi32, #tpu.memory_space<vmem>>
    %dma_start3A_73 = arith.constant 0 : i32
    %dma_start3A_74 = arith.constant 0 : i32
    %dma_start3A_75 = tpu.memref_slice %arg2[%dma_start3A_73, %dma_start3A_74] : memref<10000x128xf32, #tpu.memory_space<hbm>> -> memref<10000x128xf32, #tpu.memory_space<hbm>>
    tpu.enqueue_indirect_dma source(%dma_start3A_75 : memref<10000x128xf32, #tpu.memory_space<hbm>>) target(%arg10 : memref<128x128xf32, #tpu.memory_space<vmem>>) offsets(%dma_start3A_72 : memref<128xi32, #tpu.memory_space<vmem>>) semaphore(%arg12 : memref<!tpu.dma_semaphore, #tpu.memory_space<semaphore_mem>>)
    %scan3A_76 = arith.constant 0 : i32
    %scan3A_77 = arith.constant 0 : i32
    %scan3A_78 = arith.constant 18 : i32
    %scan3A_79 = arith.addi %scan3A_77, %scan3A_78 : i32
    %scan3A_80 = arith.constant 1 : i32
    scf.for %scan3A_119 = %scan3A_77 to %scan3A_79 step %scan3A_80  : i32 {
      %mul3A_120 = arith.constant 2 : i32
      %mul3A_121 = arith.muli %scan3A_119, %mul3A_120 : i32
      %mul3A_122 = arith.constant 128 : i32
      %mul3A_123 = arith.muli %mul3A_121, %mul3A_122 : i32
      %dma_wait3A_124 = tpu.memref_slice %arg7[%mul3A_123] : memref<5008xi32, #tpu.memory_space<vmem>> -> memref<128xi32, #tpu.memory_space<vmem>>
      %dma_wait3A_125 = arith.constant 0 : i32
      %dma_wait3A_126 = arith.constant 0 : i32
      %dma_wait3A_127 = tpu.memref_slice %arg2[%dma_wait3A_125, %dma_wait3A_126] : memref<10000x128xf32, #tpu.memory_space<hbm>> -> memref<10000x128xf32, #tpu.memory_space<hbm>>
      tpu.wait_indirect_dma semaphore(%arg11 : memref<!tpu.dma_semaphore, #tpu.memory_space<semaphore_mem>>) src(%dma_wait3A_127 : memref<10000x128xf32, #tpu.memory_space<hbm>>) dst(%arg9 : memref<128x128xf32, #tpu.memory_space<vmem>>)
      %mul3A_128 = arith.constant 128 : i32
      %mul3A_129 = arith.muli %mul3A_121, %mul3A_128 : i32
      "tpu.region"() ({
        %run_scoped3A = tpu.sem_alloc : memref<!tpu.dma_semaphore, #tpu.memory_space<semaphore_mem>>
        %dma_start3A_158 = tpu.memref_slice %arg8[%mul3A_129] : memref<5008xi32, #tpu.memory_space<vmem>> -> memref<128xi32, #tpu.memory_space<vmem>>
        %dma_start3A_159 = arith.constant 0 : i32
        %dma_start3A_160 = arith.constant 0 : i32
        %dma_start3A_161 = tpu.memref_slice %arg14[%dma_start3A_159, %dma_start3A_160] : memref<10240x128xf32, #tpu.memory_space<vmem_shared>> -> memref<10240x128xf32, #tpu.memory_space<vmem_shared>>
        tpu.enqueue_indirect_dma source(%arg9 : memref<128x128xf32, #tpu.memory_space<vmem>>) target(%dma_start3A_161 : memref<10240x128xf32, #tpu.memory_space<vmem_shared>>) offsets(%dma_start3A_158 : memref<128xi32, #tpu.memory_space<vmem>>) semaphore(%run_scoped3A : memref<!tpu.dma_semaphore, #tpu.memory_space<semaphore_mem>>) {add = true}
        %dma_wait3A_162 = tpu.memref_slice %arg8[%mul3A_129] : memref<5008xi32, #tpu.memory_space<vmem>> -> memref<128xi32, #tpu.memory_space<vmem>>
        %dma_wait3A_163 = arith.constant 0 : i32
        %dma_wait3A_164 = arith.constant 0 : i32
        %dma_wait3A_165 = tpu.memref_slice %arg14[%dma_wait3A_163, %dma_wait3A_164] : memref<10240x128xf32, #tpu.memory_space<vmem_shared>> -> memref<10240x128xf32, #tpu.memory_space<vmem_shared>>
        tpu.wait_indirect_dma semaphore(%run_scoped3A : memref<!tpu.dma_semaphore, #tpu.memory_space<semaphore_mem>>) src(%arg9 : memref<128x128xf32, #tpu.memory_space<vmem>>) dst(%dma_wait3A_165 : memref<10240x128xf32, #tpu.memory_space<vmem_shared>>)
        tpu.yield
      }) : () -> ()
      %add3A_130 = arith.constant 2 : i32
      %add3A_131 = arith.addi %mul3A_121, %add3A_130 : i32
      %mul3A_132 = arith.constant 128 : i32
      %mul3A_133 = arith.muli %add3A_131, %mul3A_132 : i32
      %dma_start3A_134 = tpu.memref_slice %arg7[%mul3A_133] : memref<5008xi32, #tpu.memory_space<vmem>> -> memref<128xi32, #tpu.memory_space<vmem>>
      %dma_start3A_135 = arith.constant 0 : i32
      %dma_start3A_136 = arith.constant 0 : i32
      %dma_start3A_137 = tpu.memref_slice %arg2[%dma_start3A_135, %dma_start3A_136] : memref<10000x128xf32, #tpu.memory_space<hbm>> -> memref<10000x128xf32, #tpu.memory_space<hbm>>
      tpu.enqueue_indirect_dma source(%dma_start3A_137 : memref<10000x128xf32, #tpu.memory_space<hbm>>) target(%arg9 : memref<128x128xf32, #tpu.memory_space<vmem>>) offsets(%dma_start3A_134 : memref<128xi32, #tpu.memory_space<vmem>>) semaphore(%arg11 : memref<!tpu.dma_semaphore, #tpu.memory_space<semaphore_mem>>)
      %add3A_138 = arith.constant 1 : i32
      %add3A_139 = arith.addi %mul3A_121, %add3A_138 : i32
      %mul3A_140 = arith.constant 128 : i32
      %mul3A_141 = arith.muli %add3A_139, %mul3A_140 : i32
      %dma_wait3A_142 = tpu.memref_slice %arg7[%mul3A_141] : memref<5008xi32, #tpu.memory_space<vmem>> -> memref<128xi32, #tpu.memory_space<vmem>>
      %dma_wait3A_143 = arith.constant 0 : i32
      %dma_wait3A_144 = arith.constant 0 : i32
      %dma_wait3A_145 = tpu.memref_slice %arg2[%dma_wait3A_143, %dma_wait3A_144] : memref<10000x128xf32, #tpu.memory_space<hbm>> -> memref<10000x128xf32, #tpu.memory_space<hbm>>
      tpu.wait_indirect_dma semaphore(%arg12 : memref<!tpu.dma_semaphore, #tpu.memory_space<semaphore_mem>>) src(%dma_wait3A_145 : memref<10000x128xf32, #tpu.memory_space<hbm>>) dst(%arg10 : memref<128x128xf32, #tpu.memory_space<vmem>>)
      %add3A_146 = arith.constant 1 : i32
      %add3A_147 = arith.addi %mul3A_121, %add3A_146 : i32
      %mul3A_148 = arith.constant 128 : i32
      %mul3A_149 = arith.muli %add3A_147, %mul3A_148 : i32
      "tpu.region"() ({
        %run_scoped3A = tpu.sem_alloc : memref<!tpu.dma_semaphore, #tpu.memory_space<semaphore_mem>>
        %dma_start3A_158 = tpu.memref_slice %arg8[%mul3A_149] : memref<5008xi32, #tpu.memory_space<vmem>> -> memref<128xi32, #tpu.memory_space<vmem>>
        %dma_start3A_159 = arith.constant 0 : i32
        %dma_start3A_160 = arith.constant 0 : i32
        %dma_start3A_161 = tpu.memref_slice %arg14[%dma_start3A_159, %dma_start3A_160] : memref<10240x128xf32, #tpu.memory_space<vmem_shared>> -> memref<10240x128xf32, #tpu.memory_space<vmem_shared>>
        tpu.enqueue_indirect_dma source(%arg10 : memref<128x128xf32, #tpu.memory_space<vmem>>) target(%dma_start3A_161 : memref<10240x128xf32, #tpu.memory_space<vmem_shared>>) offsets(%dma_start3A_158 : memref<128xi32, #tpu.memory_space<vmem>>) semaphore(%run_scoped3A : memref<!tpu.dma_semaphore, #tpu.memory_space<semaphore_mem>>) {add = true}
        %dma_wait3A_162 = tpu.memref_slice %arg8[%mul3A_149] : memref<5008xi32, #tpu.memory_space<vmem>> -> memref<128xi32, #tpu.memory_space<vmem>>
        %dma_wait3A_163 = arith.constant 0 : i32
        %dma_wait3A_164 = arith.constant 0 : i32
        %dma_wait3A_165 = tpu.memref_slice %arg14[%dma_wait3A_163, %dma_wait3A_164] : memref<10240x128xf32, #tpu.memory_space<vmem_shared>> -> memref<10240x128xf32, #tpu.memory_space<vmem_shared>>
        tpu.wait_indirect_dma semaphore(%run_scoped3A : memref<!tpu.dma_semaphore, #tpu.memory_space<semaphore_mem>>) src(%arg10 : memref<128x128xf32, #tpu.memory_space<vmem>>) dst(%dma_wait3A_165 : memref<10240x128xf32, #tpu.memory_space<vmem_shared>>)
        tpu.yield
      }) : () -> ()
      %add3A_150 = arith.constant 3 : i32
      %add3A_151 = arith.addi %mul3A_121, %add3A_150 : i32
      %mul3A_152 = arith.constant 128 : i32
      %mul3A_153 = arith.muli %add3A_151, %mul3A_152 : i32
      %dma_start3A_154 = tpu.memref_slice %arg7[%mul3A_153] : memref<5008xi32, #tpu.memory_space<vmem>> -> memref<128xi32, #tpu.memory_space<vmem>>
      %dma_start3A_155 = arith.constant 0 : i32
      %dma_start3A_156 = arith.constant 0 : i32
      %dma_start3A_157 = tpu.memref_slice %arg2[%dma_start3A_155, %dma_start3A_156] : memref<10000x128xf32, #tpu.memory_space<hbm>> -> memref<10000x128xf32, #tpu.memory_space<hbm>>
      tpu.enqueue_indirect_dma source(%dma_start3A_157 : memref<10000x128xf32, #tpu.memory_space<hbm>>) target(%arg10 : memref<128x128xf32, #tpu.memory_space<vmem>>) offsets(%dma_start3A_154 : memref<128xi32, #tpu.memory_space<vmem>>) semaphore(%arg12 : memref<!tpu.dma_semaphore, #tpu.memory_space<semaphore_mem>>)
    }
    %scan3A_81 = arith.constant 18 : i32
    %dma_wait3A_82 = arith.constant 4608 : i32
    %dma_wait3A_83 = tpu.memref_slice %arg7[%dma_wait3A_82] : memref<5008xi32, #tpu.memory_space<vmem>> -> memref<128xi32, #tpu.memory_space<vmem>>
    %dma_wait3A_84 = arith.constant 0 : i32
    %dma_wait3A_85 = arith.constant 0 : i32
    %dma_wait3A_86 = tpu.memref_slice %arg2[%dma_wait3A_84, %dma_wait3A_85] : memref<10000x128xf32, #tpu.memory_space<hbm>> -> memref<10000x128xf32, #tpu.memory_space<hbm>>
    tpu.wait_indirect_dma semaphore(%arg11 : memref<!tpu.dma_semaphore, #tpu.memory_space<semaphore_mem>>) src(%dma_wait3A_86 : memref<10000x128xf32, #tpu.memory_space<hbm>>) dst(%arg9 : memref<128x128xf32, #tpu.memory_space<vmem>>)
    "tpu.region"() ({
      %run_scoped3A = tpu.sem_alloc : memref<!tpu.dma_semaphore, #tpu.memory_space<semaphore_mem>>
      %dma_start3A_119 = arith.constant 4608 : i32
      %dma_start3A_120 = tpu.memref_slice %arg8[%dma_start3A_119] : memref<5008xi32, #tpu.memory_space<vmem>> -> memref<128xi32, #tpu.memory_space<vmem>>
      %dma_start3A_121 = arith.constant 0 : i32
      %dma_start3A_122 = arith.constant 0 : i32
      %dma_start3A_123 = tpu.memref_slice %arg14[%dma_start3A_121, %dma_start3A_122] : memref<10240x128xf32, #tpu.memory_space<vmem_shared>> -> memref<10240x128xf32, #tpu.memory_space<vmem_shared>>
      tpu.enqueue_indirect_dma source(%arg9 : memref<128x128xf32, #tpu.memory_space<vmem>>) target(%dma_start3A_123 : memref<10240x128xf32, #tpu.memory_space<vmem_shared>>) offsets(%dma_start3A_120 : memref<128xi32, #tpu.memory_space<vmem>>) semaphore(%run_scoped3A : memref<!tpu.dma_semaphore, #tpu.memory_space<semaphore_mem>>) {add = true}
      %dma_wait3A_124 = arith.constant 4608 : i32
      %dma_wait3A_125 = tpu.memref_slice %arg8[%dma_wait3A_124] : memref<5008xi32, #tpu.memory_space<vmem>> -> memref<128xi32, #tpu.memory_space<vmem>>
      %dma_wait3A_126 = arith.constant 0 : i32
      %dma_wait3A_127 = arith.constant 0 : i32
      %dma_wait3A_128 = tpu.memref_slice %arg14[%dma_wait3A_126, %dma_wait3A_127] : memref<10240x128xf32, #tpu.memory_space<vmem_shared>> -> memref<10240x128xf32, #tpu.memory_space<vmem_shared>>
      tpu.wait_indirect_dma semaphore(%run_scoped3A : memref<!tpu.dma_semaphore, #tpu.memory_space<semaphore_mem>>) src(%arg9 : memref<128x128xf32, #tpu.memory_space<vmem>>) dst(%dma_wait3A_128 : memref<10240x128xf32, #tpu.memory_space<vmem_shared>>)
      tpu.yield
    }) : () -> ()
    %dma_start3A_87 = arith.constant 4864 : i32
    %dma_start3A_88 = tpu.memref_slice %arg7[%dma_start3A_87] : memref<5008xi32, #tpu.memory_space<vmem>> -> memref<128xi32, #tpu.memory_space<vmem>>
    %dma_start3A_89 = arith.constant 0 : i32
    %dma_start3A_90 = arith.constant 0 : i32
    %dma_start3A_91 = tpu.memref_slice %arg2[%dma_start3A_89, %dma_start3A_90] : memref<10000x128xf32, #tpu.memory_space<hbm>> -> memref<10000x128xf32, #tpu.memory_space<hbm>>
    tpu.enqueue_indirect_dma source(%dma_start3A_91 : memref<10000x128xf32, #tpu.memory_space<hbm>>) target(%arg9 : memref<128x128xf32, #tpu.memory_space<vmem>>) offsets(%dma_start3A_88 : memref<128xi32, #tpu.memory_space<vmem>>) semaphore(%arg11 : memref<!tpu.dma_semaphore, #tpu.memory_space<semaphore_mem>>)
    %dma_wait3A_92 = arith.constant 4736 : i32
    %dma_wait3A_93 = tpu.memref_slice %arg7[%dma_wait3A_92] : memref<5008xi32, #tpu.memory_space<vmem>> -> memref<128xi32, #tpu.memory_space<vmem>>
    %dma_wait3A_94 = arith.constant 0 : i32
    %dma_wait3A_95 = arith.constant 0 : i32
    %dma_wait3A_96 = tpu.memref_slice %arg2[%dma_wait3A_94, %dma_wait3A_95] : memref<10000x128xf32, #tpu.memory_space<hbm>> -> memref<10000x128xf32, #tpu.memory_space<hbm>>
    tpu.wait_indirect_dma semaphore(%arg12 : memref<!tpu.dma_semaphore, #tpu.memory_space<semaphore_mem>>) src(%dma_wait3A_96 : memref<10000x128xf32, #tpu.memory_space<hbm>>) dst(%arg10 : memref<128x128xf32, #tpu.memory_space<vmem>>)
    "tpu.region"() ({
      %run_scoped3A = tpu.sem_alloc : memref<!tpu.dma_semaphore, #tpu.memory_space<semaphore_mem>>
      %dma_start3A_119 = arith.constant 4736 : i32
      %dma_start3A_120 = tpu.memref_slice %arg8[%dma_start3A_119] : memref<5008xi32, #tpu.memory_space<vmem>> -> memref<128xi32, #tpu.memory_space<vmem>>
      %dma_start3A_121 = arith.constant 0 : i32
      %dma_start3A_122 = arith.constant 0 : i32
      %dma_start3A_123 = tpu.memref_slice %arg14[%dma_start3A_121, %dma_start3A_122] : memref<10240x128xf32, #tpu.memory_space<vmem_shared>> -> memref<10240x128xf32, #tpu.memory_space<vmem_shared>>
      tpu.enqueue_indirect_dma source(%arg10 : memref<128x128xf32, #tpu.memory_space<vmem>>) target(%dma_start3A_123 : memref<10240x128xf32, #tpu.memory_space<vmem_shared>>) offsets(%dma_start3A_120 : memref<128xi32, #tpu.memory_space<vmem>>) semaphore(%run_scoped3A : memref<!tpu.dma_semaphore, #tpu.memory_space<semaphore_mem>>) {add = true}
      %dma_wait3A_124 = arith.constant 4736 : i32
      %dma_wait3A_125 = tpu.memref_slice %arg8[%dma_wait3A_124] : memref<5008xi32, #tpu.memory_space<vmem>> -> memref<128xi32, #tpu.memory_space<vmem>>
      %dma_wait3A_126 = arith.constant 0 : i32
      %dma_wait3A_127 = arith.constant 0 : i32
      %dma_wait3A_128 = tpu.memref_slice %arg14[%dma_wait3A_126, %dma_wait3A_127] : memref<10240x128xf32, #tpu.memory_space<vmem_shared>> -> memref<10240x128xf32, #tpu.memory_space<vmem_shared>>
      tpu.wait_indirect_dma semaphore(%run_scoped3A : memref<!tpu.dma_semaphore, #tpu.memory_space<semaphore_mem>>) src(%arg10 : memref<128x128xf32, #tpu.memory_space<vmem>>) dst(%dma_wait3A_128 : memref<10240x128xf32, #tpu.memory_space<vmem_shared>>)
      tpu.yield
    }) : () -> ()
    %dma_start3A_97 = arith.constant 0 : i32
    %dma_start3A_98 = arith.constant 0 : i32
    %dma_start3A_99 = tpu.memref_slice %arg10[%dma_start3A_97, %dma_start3A_98] : memref<128x128xf32, #tpu.memory_space<vmem>> -> memref<16x128xf32, #tpu.memory_space<vmem>>
    %dma_start3A_100 = arith.constant 4992 : i32
    %dma_start3A_101 = tpu.memref_slice %arg7[%dma_start3A_100] : memref<5008xi32, #tpu.memory_space<vmem>> -> memref<16xi32, #tpu.memory_space<vmem>>
    %dma_start3A_102 = arith.constant 0 : i32
    %dma_start3A_103 = arith.constant 0 : i32
    %dma_start3A_104 = tpu.memref_slice %arg2[%dma_start3A_102, %dma_start3A_103] : memref<10000x128xf32, #tpu.memory_space<hbm>> -> memref<10000x128xf32, #tpu.memory_space<hbm>>
    tpu.enqueue_indirect_dma source(%dma_start3A_104 : memref<10000x128xf32, #tpu.memory_space<hbm>>) target(%dma_start3A_99 : memref<16x128xf32, #tpu.memory_space<vmem>>) offsets(%dma_start3A_101 : memref<16xi32, #tpu.memory_space<vmem>>) semaphore(%arg12 : memref<!tpu.dma_semaphore, #tpu.memory_space<semaphore_mem>>)
    %dma_wait3A_105 = arith.constant 4864 : i32
    %dma_wait3A_106 = tpu.memref_slice %arg7[%dma_wait3A_105] : memref<5008xi32, #tpu.memory_space<vmem>> -> memref<128xi32, #tpu.memory_space<vmem>>
    %dma_wait3A_107 = arith.constant 0 : i32
    %dma_wait3A_108 = arith.constant 0 : i32
    %dma_wait3A_109 = tpu.memref_slice %arg2[%dma_wait3A_107, %dma_wait3A_108] : memref<10000x128xf32, #tpu.memory_space<hbm>> -> memref<10000x128xf32, #tpu.memory_space<hbm>>
    tpu.wait_indirect_dma semaphore(%arg11 : memref<!tpu.dma_semaphore, #tpu.memory_space<semaphore_mem>>) src(%dma_wait3A_109 : memref<10000x128xf32, #tpu.memory_space<hbm>>) dst(%arg9 : memref<128x128xf32, #tpu.memory_space<vmem>>)
    "tpu.region"() ({
      %run_scoped3A = tpu.sem_alloc : memref<!tpu.dma_semaphore, #tpu.memory_space<semaphore_mem>>
      %dma_start3A_119 = arith.constant 4864 : i32
      %dma_start3A_120 = tpu.memref_slice %arg8[%dma_start3A_119] : memref<5008xi32, #tpu.memory_space<vmem>> -> memref<128xi32, #tpu.memory_space<vmem>>
      %dma_start3A_121 = arith.constant 0 : i32
      %dma_start3A_122 = arith.constant 0 : i32
      %dma_start3A_123 = tpu.memref_slice %arg14[%dma_start3A_121, %dma_start3A_122] : memref<10240x128xf32, #tpu.memory_space<vmem_shared>> -> memref<10240x128xf32, #tpu.memory_space<vmem_shared>>
      tpu.enqueue_indirect_dma source(%arg9 : memref<128x128xf32, #tpu.memory_space<vmem>>) target(%dma_start3A_123 : memref<10240x128xf32, #tpu.memory_space<vmem_shared>>) offsets(%dma_start3A_120 : memref<128xi32, #tpu.memory_space<vmem>>) semaphore(%run_scoped3A : memref<!tpu.dma_semaphore, #tpu.memory_space<semaphore_mem>>) {add = true}
      %dma_wait3A_124 = arith.constant 4864 : i32
      %dma_wait3A_125 = tpu.memref_slice %arg8[%dma_wait3A_124] : memref<5008xi32, #tpu.memory_space<vmem>> -> memref<128xi32, #tpu.memory_space<vmem>>
      %dma_wait3A_126 = arith.constant 0 : i32
      %dma_wait3A_127 = arith.constant 0 : i32
      %dma_wait3A_128 = tpu.memref_slice %arg14[%dma_wait3A_126, %dma_wait3A_127] : memref<10240x128xf32, #tpu.memory_space<vmem_shared>> -> memref<10240x128xf32, #tpu.memory_space<vmem_shared>>
      tpu.wait_indirect_dma semaphore(%run_scoped3A : memref<!tpu.dma_semaphore, #tpu.memory_space<semaphore_mem>>) src(%arg9 : memref<128x128xf32, #tpu.memory_space<vmem>>) dst(%dma_wait3A_128 : memref<10240x128xf32, #tpu.memory_space<vmem_shared>>)
      tpu.yield
    }) : () -> ()
    %dma_wait3A_110 = arith.constant 0 : i32
    %dma_wait3A_111 = arith.constant 0 : i32
    %dma_wait3A_112 = tpu.memref_slice %arg10[%dma_wait3A_110, %dma_wait3A_111] : memref<128x128xf32, #tpu.memory_space<vmem>> -> memref<16x128xf32, #tpu.memory_space<vmem>>
    %dma_wait3A_113 = arith.constant 4992 : i32
    %dma_wait3A_114 = tpu.memref_slice %arg7[%dma_wait3A_113] : memref<5008xi32, #tpu.memory_space<vmem>> -> memref<16xi32, #tpu.memory_space<vmem>>
    %dma_wait3A_115 = arith.constant 0 : i32
    %dma_wait3A_116 = arith.constant 0 : i32
    %dma_wait3A_117 = tpu.memref_slice %arg2[%dma_wait3A_115, %dma_wait3A_116] : memref<10000x128xf32, #tpu.memory_space<hbm>> -> memref<10000x128xf32, #tpu.memory_space<hbm>>
    tpu.wait_indirect_dma semaphore(%arg12 : memref<!tpu.dma_semaphore, #tpu.memory_space<semaphore_mem>>) src(%dma_wait3A_117 : memref<10000x128xf32, #tpu.memory_space<hbm>>) dst(%dma_wait3A_112 : memref<16x128xf32, #tpu.memory_space<vmem>>)
    "tpu.region"() ({
      %run_scoped3A = tpu.sem_alloc : memref<!tpu.dma_semaphore, #tpu.memory_space<semaphore_mem>>
      %dma_start3A_119 = arith.constant 0 : i32
      %dma_start3A_120 = arith.constant 0 : i32
      %dma_start3A_121 = tpu.memref_slice %arg10[%dma_start3A_119, %dma_start3A_120] : memref<128x128xf32, #tpu.memory_space<vmem>> -> memref<16x128xf32, #tpu.memory_space<vmem>>
      %dma_start3A_122 = arith.constant 4992 : i32
      %dma_start3A_123 = tpu.memref_slice %arg8[%dma_start3A_122] : memref<5008xi32, #tpu.memory_space<vmem>> -> memref<16xi32, #tpu.memory_space<vmem>>
      %dma_start3A_124 = arith.constant 0 : i32
      %dma_start3A_125 = arith.constant 0 : i32
      %dma_start3A_126 = tpu.memref_slice %arg14[%dma_start3A_124, %dma_start3A_125] : memref<10240x128xf32, #tpu.memory_space<vmem_shared>> -> memref<10240x128xf32, #tpu.memory_space<vmem_shared>>
      tpu.enqueue_indirect_dma source(%dma_start3A_121 : memref<16x128xf32, #tpu.memory_space<vmem>>) target(%dma_start3A_126 : memref<10240x128xf32, #tpu.memory_space<vmem_shared>>) offsets(%dma_start3A_123 : memref<16xi32, #tpu.memory_space<vmem>>) semaphore(%run_scoped3A : memref<!tpu.dma_semaphore, #tpu.memory_space<semaphore_mem>>) {add = true}
      %dma_wait3A_127 = arith.constant 0 : i32
      %dma_wait3A_128 = arith.constant 0 : i32
      %dma_wait3A_129 = tpu.memref_slice %arg10[%dma_wait3A_127, %dma_wait3A_128] : memref<128x128xf32, #tpu.memory_space<vmem>> -> memref<16x128xf32, #tpu.memory_space<vmem>>
      %dma_wait3A_130 = arith.constant 4992 : i32
      %dma_wait3A_131 = tpu.memref_slice %arg8[%dma_wait3A_130] : memref<5008xi32, #tpu.memory_space<vmem>> -> memref<16xi32, #tpu.memory_space<vmem>>
      %dma_wait3A_132 = arith.constant 0 : i32
      %dma_wait3A_133 = arith.constant 0 : i32
      %dma_wait3A_134 = tpu.memref_slice %arg14[%dma_wait3A_132, %dma_wait3A_133] : memref<10240x128xf32, #tpu.memory_space<vmem_shared>> -> memref<10240x128xf32, #tpu.memory_space<vmem_shared>>
      tpu.wait_indirect_dma semaphore(%run_scoped3A : memref<!tpu.dma_semaphore, #tpu.memory_space<semaphore_mem>>) src(%dma_wait3A_129 : memref<16x128xf32, #tpu.memory_space<vmem>>) dst(%dma_wait3A_134 : memref<10240x128xf32, #tpu.memory_space<vmem_shared>>)
      tpu.yield
    }) : () -> ()
    %barrier3A_118 = arith.constant 0 : index
    tpu.barrier barrier_id(%barrier3A_118)
    "tpu.region"() ({
      %run_scoped3A = tpu.sem_alloc : memref<!tpu.dma_semaphore, #tpu.memory_space<semaphore_mem>>
      %dma_start3A_119 = arith.constant 0 : i32
      %dma_start3A_120 = tpu.memref_slice %arg6[%arg0, %mul3A_2, %dma_start3A_119] : memref<2x10240x128xf32, #tpu.memory_space<hbm>> -> memref<1x640x128xf32, #tpu.memory_space<hbm>>
      %dma_start3A_121 = tpu.memref_squeeze %dma_start3A_120 : memref<1x640x128xf32, #tpu.memory_space<hbm>> -> memref<640x128xf32, #tpu.memory_space<hbm>>
      %dma_start3A_122 = arith.constant 0 : i32
      %dma_start3A_123 = tpu.memref_slice %arg14[%mul3A_2, %dma_start3A_122] : memref<10240x128xf32, #tpu.memory_space<vmem_shared>> -> memref<640x128xf32, #tpu.memory_space<vmem_shared>>
      tpu.enqueue_dma source(%dma_start3A_123 : memref<640x128xf32, #tpu.memory_space<vmem_shared>>) target(%dma_start3A_121 : memref<640x128xf32, #tpu.memory_space<hbm>>) target_semaphore(%run_scoped3A : memref<!tpu.dma_semaphore, #tpu.memory_space<semaphore_mem>>)
      %dma_wait3A_124 = arith.constant 0 : i32
      %dma_wait3A_125 = tpu.memref_slice %arg6[%arg0, %mul3A_2, %dma_wait3A_124] : memref<2x10240x128xf32, #tpu.memory_space<hbm>> -> memref<1x640x128xf32, #tpu.memory_space<hbm>>
      %dma_wait3A_126 = tpu.memref_squeeze %dma_wait3A_125 : memref<1x640x128xf32, #tpu.memory_space<hbm>> -> memref<640x128xf32, #tpu.memory_space<hbm>>
      %dma_wait3A_127 = arith.constant 0 : i32
      %dma_wait3A_128 = tpu.memref_slice %arg14[%mul3A_2, %dma_wait3A_127] : memref<10240x128xf32, #tpu.memory_space<vmem_shared>> -> memref<640x128xf32, #tpu.memory_space<vmem_shared>>
      tpu.wait_dma2 semaphore(%run_scoped3A : memref<!tpu.dma_semaphore, #tpu.memory_space<semaphore_mem>>) src(%dma_wait3A_128 : memref<640x128xf32, #tpu.memory_space<vmem_shared>>) dst(%dma_wait3A_126 : memref<640x128xf32, #tpu.memory_space<hbm>>)
      tpu.yield
    }) : () -> ()
    return
  }
}

#map = affine_map<(d0, d1) -> (0, 0)>
#map1 = affine_map<(d0, d1) -> (0)>
#map2 = affine_map<(d0, d1) -> (0, 0, 0)>
module attributes {stable_mosaic.version = 14 : i64} {
  func.func @_sc_segment_sum(%arg0: i32, %arg1: i32, %arg2: memref<10000x128xf32, #tpu.memory_space<hbm>>, %arg3: memref<320000xi32, #tpu.memory_space<hbm>>, %arg4: memref<320000xi32, #tpu.memory_space<hbm>>, %arg5: memref<160x128xf32, #tpu.memory_space<hbm>>, %arg6: memref<2x10240x128xf32, #tpu.memory_space<hbm>>, %arg7: memref<5008xi32, #tpu.memory_space<vmem>>, %arg8: memref<5008xi32, #tpu.memory_space<vmem>>, %arg9: memref<128x128xf32, #tpu.memory_space<vmem>>, %arg10: memref<128x128xf32, #tpu.memory_space<vmem>>, %arg11: memref<!tpu.dma_semaphore, #tpu.memory_space<semaphore_mem>>, %arg12: memref<!tpu.dma_semaphore, #tpu.memory_space<semaphore_mem>>, %arg13: memref<!tpu.dma_semaphore, #tpu.memory_space<semaphore_mem>>, %arg14: memref<10240x128xf32, #tpu.memory_space<vmem_shared>>) attributes {dimension_semantics = [#tpu.dimension_semantics<core_parallel>, #tpu.dimension_semantics<subcore_parallel>], iteration_bounds = array<i64: 2, 16>, scalar_prefetch = 0 : i64, scratch_operands = 8 : i64, tpu.core_type = #tpu.core_type<sc_vector_subcore>, window_params = [{transform_indices = #map}, {transform_indices = #map1}, {transform_indices = #map1}, {transform_indices = #map}, {transform_indices = #map2}]} {
    %mul3A = arith.constant 2 : i32
    %mul3A_0 = arith.muli %arg1, %mul3A : i32
    %add3A = arith.addi %mul3A_0, %arg0 : i32
    %mul3A_1 = arith.constant 640 : i32
    %mul3A_2 = arith.muli %arg1, %mul3A_1 : i32
    %add3A_3 = arith.constant 0 : i32
    %add3A_4 = arith.addi %mul3A_2, %add3A_3 : i32
    %dma_start3A = arith.constant 0 : i32
    %dma_start3A_5 = tpu.memref_slice %arg14[%add3A_4, %dma_start3A] : memref<10240x128xf32, #tpu.memory_space<vmem_shared>> -> memref<160x128xf32, #tpu.memory_space<vmem_shared>>
    tpu.enqueue_dma source(%arg5 : memref<160x128xf32, #tpu.memory_space<hbm>>) target(%dma_start3A_5 : memref<160x128xf32, #tpu.memory_space<vmem_shared>>) target_semaphore(%arg13 : memref<!tpu.dma_semaphore, #tpu.memory_space<semaphore_mem>>)
    %add3A_6 = arith.constant 160 : i32
    %add3A_7 = arith.addi %mul3A_2, %add3A_6 : i32
    %dma_start3A_8 = arith.constant 0 : i32
    %dma_start3A_9 = tpu.memref_slice %arg14[%add3A_7, %dma_start3A_8] : memref<10240x128xf32, #tpu.memory_space<vmem_shared>> -> memref<160x128xf32, #tpu.memory_space<vmem_shared>>
    tpu.enqueue_dma source(%arg5 : memref<160x128xf32, #tpu.memory_space<hbm>>) target(%dma_start3A_9 : memref<160x128xf32, #tpu.memory_space<vmem_shared>>) target_semaphore(%arg13 : memref<!tpu.dma_semaphore, #tpu.memory_space<semaphore_mem>>)
    %add3A_10 = arith.constant 320 : i32
    %add3A_11 = arith.addi %mul3A_2, %add3A_10 : i32
    %dma_start3A_12 = arith.constant 0 : i32
    %dma_start3A_13 = tpu.memref_slice %arg14[%add3A_11, %dma_start3A_12] : memref<10240x128xf32, #tpu.memory_space<vmem_shared>> -> memref<160x128xf32, #tpu.memory_space<vmem_shared>>
    tpu.enqueue_dma source(%arg5 : memref<160x128xf32, #tpu.memory_space<hbm>>) target(%dma_start3A_13 : memref<160x128xf32, #tpu.memory_space<vmem_shared>>) target_semaphore(%arg13 : memref<!tpu.dma_semaphore, #tpu.memory_space<semaphore_mem>>)
    %add3A_14 = arith.constant 480 : i32
    %add3A_15 = arith.addi %mul3A_2, %add3A_14 : i32
    %dma_start3A_16 = arith.constant 0 : i32
    %dma_start3A_17 = tpu.memref_slice %arg14[%add3A_15, %dma_start3A_16] : memref<10240x128xf32, #tpu.memory_space<vmem_shared>> -> memref<160x128xf32, #tpu.memory_space<vmem_shared>>
    tpu.enqueue_dma source(%arg5 : memref<160x128xf32, #tpu.memory_space<hbm>>) target(%dma_start3A_17 : memref<160x128xf32, #tpu.memory_space<vmem_shared>>) target_semaphore(%arg13 : memref<!tpu.dma_semaphore, #tpu.memory_space<semaphore_mem>>)
    %mul3A_18 = arith.constant 10000 : i32
    %mul3A_19 = arith.muli %add3A, %mul3A_18 : i32
    "tpu.region"() ({
      %run_scoped3A = tpu.sem_alloc : memref<!tpu.dma_semaphore, #tpu.memory_space<semaphore_mem>>
      %dma_start3A_119 = arith.constant 0 : i32
      %dma_start3A_120 = tpu.memref_slice %arg7[%dma_start3A_119] : memref<5008xi32, #tpu.memory_space<vmem>> -> memref<4992xi32, #tpu.memory_space<vmem>>
      %dma_start3A_121 = tpu.memref_slice %arg3[%mul3A_19] : memref<320000xi32, #tpu.memory_space<hbm>> -> memref<4992xi32, #tpu.memory_space<hbm>>
      %dma_start3A_122 = arith.constant 0 : i32
      %dma_start3A_123 = tpu.memref_slice %arg7[%dma_start3A_122] : memref<5008xi32, #tpu.memory_space<vmem>> -> memref<4992xi32, #tpu.memory_space<vmem>>
      %dma_start3A_124 = tpu.memref_slice %arg3[%mul3A_19] : memref<320000xi32, #tpu.memory_space<hbm>> -> memref<4992xi32, #tpu.memory_space<hbm>>
      tpu.enqueue_dma source(%dma_start3A_124 : memref<4992xi32, #tpu.memory_space<hbm>>) target(%dma_start3A_123 : memref<4992xi32, #tpu.memory_space<vmem>>) target_semaphore(%run_scoped3A : memref<!tpu.dma_semaphore, #tpu.memory_space<semaphore_mem>>)
      %dma_wait3A_125 = arith.constant 0 : i32
      %dma_wait3A_126 = tpu.memref_slice %arg7[%dma_wait3A_125] : memref<5008xi32, #tpu.memory_space<vmem>> -> memref<4992xi32, #tpu.memory_space<vmem>>
      %dma_wait3A_127 = tpu.memref_slice %arg3[%mul3A_19] : memref<320000xi32, #tpu.memory_space<hbm>> -> memref<4992xi32, #tpu.memory_space<hbm>>
      %dma_wait3A_128 = arith.constant 0 : i32
      %dma_wait3A_129 = tpu.memref_slice %arg7[%dma_wait3A_128] : memref<5008xi32, #tpu.memory_space<vmem>> -> memref<4992xi32, #tpu.memory_space<vmem>>
      %dma_wait3A_130 = tpu.memref_slice %arg3[%mul3A_19] : memref<320000xi32, #tpu.memory_space<hbm>> -> memref<4992xi32, #tpu.memory_space<hbm>>
      tpu.wait_dma2 semaphore(%run_scoped3A : memref<!tpu.dma_semaphore, #tpu.memory_space<semaphore_mem>>) src(%dma_wait3A_130 : memref<4992xi32, #tpu.memory_space<hbm>>) dst(%dma_wait3A_129 : memref<4992xi32, #tpu.memory_space<vmem>>)
      tpu.yield
    }) : () -> ()
    "tpu.region"() ({
      %run_scoped3A = tpu.sem_alloc : memref<!tpu.dma_semaphore, #tpu.memory_space<semaphore_mem>>
      %dma_start3A_119 = arith.constant 0 : i32
      %dma_start3A_120 = tpu.memref_slice %arg8[%dma_start3A_119] : memref<5008xi32, #tpu.memory_space<vmem>> -> memref<4992xi32, #tpu.memory_space<vmem>>
      %dma_start3A_121 = tpu.memref_slice %arg4[%mul3A_19] : memref<320000xi32, #tpu.memory_space<hbm>> -> memref<4992xi32, #tpu.memory_space<hbm>>
      %dma_start3A_122 = arith.constant 0 : i32
      %dma_start3A_123 = tpu.memref_slice %arg8[%dma_start3A_122] : memref<5008xi32, #tpu.memory_space<vmem>> -> memref<4992xi32, #tpu.memory_space<vmem>>
      %dma_start3A_124 = tpu.memref_slice %arg4[%mul3A_19] : memref<320000xi32, #tpu.memory_space<hbm>> -> memref<4992xi32, #tpu.memory_space<hbm>>
      tpu.enqueue_dma source(%dma_start3A_124 : memref<4992xi32, #tpu.memory_space<hbm>>) target(%dma_start3A_123 : memref<4992xi32, #tpu.memory_space<vmem>>) target_semaphore(%run_scoped3A : memref<!tpu.dma_semaphore, #tpu.memory_space<semaphore_mem>>)
      %dma_wait3A_125 = arith.constant 0 : i32
      %dma_wait3A_126 = tpu.memref_slice %arg8[%dma_wait3A_125] : memref<5008xi32, #tpu.memory_space<vmem>> -> memref<4992xi32, #tpu.memory_space<vmem>>
      %dma_wait3A_127 = tpu.memref_slice %arg4[%mul3A_19] : memref<320000xi32, #tpu.memory_space<hbm>> -> memref<4992xi32, #tpu.memory_space<hbm>>
      %dma_wait3A_128 = arith.constant 0 : i32
      %dma_wait3A_129 = tpu.memref_slice %arg8[%dma_wait3A_128] : memref<5008xi32, #tpu.memory_space<vmem>> -> memref<4992xi32, #tpu.memory_space<vmem>>
      %dma_wait3A_130 = tpu.memref_slice %arg4[%mul3A_19] : memref<320000xi32, #tpu.memory_space<hbm>> -> memref<4992xi32, #tpu.memory_space<hbm>>
      tpu.wait_dma2 semaphore(%run_scoped3A : memref<!tpu.dma_semaphore, #tpu.memory_space<semaphore_mem>>) src(%dma_wait3A_130 : memref<4992xi32, #tpu.memory_space<hbm>>) dst(%dma_wait3A_129 : memref<4992xi32, #tpu.memory_space<vmem>>)
      tpu.yield
    }) : () -> ()
    %dma_start3A_20 = arith.constant 0 : i32
    %dma_start3A_21 = tpu.memref_slice %arg7[%dma_start3A_20] : memref<5008xi32, #tpu.memory_space<vmem>> -> memref<128xi32, #tpu.memory_space<vmem>>
    %dma_start3A_22 = arith.constant 0 : i32
    %dma_start3A_23 = arith.constant 0 : i32
    %dma_start3A_24 = tpu.memref_slice %arg2[%dma_start3A_22, %dma_start3A_23] : memref<10000x128xf32, #tpu.memory_space<hbm>> -> memref<10000x128xf32, #tpu.memory_space<hbm>>
    tpu.enqueue_indirect_dma source(%dma_start3A_24 : memref<10000x128xf32, #tpu.memory_space<hbm>>) target(%arg9 : memref<128x128xf32, #tpu.memory_space<vmem>>) offsets(%dma_start3A_21 : memref<128xi32, #tpu.memory_space<vmem>>) semaphore(%arg11 : memref<!tpu.dma_semaphore, #tpu.memory_space<semaphore_mem>>)
    %dma_start3A_25 = arith.constant 128 : i32
    %dma_start3A_26 = tpu.memref_slice %arg7[%dma_start3A_25] : memref<5008xi32, #tpu.memory_space<vmem>> -> memref<128xi32, #tpu.memory_space<vmem>>
    %dma_start3A_27 = arith.constant 0 : i32
    %dma_start3A_28 = arith.constant 0 : i32
    %dma_start3A_29 = tpu.memref_slice %arg2[%dma_start3A_27, %dma_start3A_28] : memref<10000x128xf32, #tpu.memory_space<hbm>> -> memref<10000x128xf32, #tpu.memory_space<hbm>>
    tpu.enqueue_indirect_dma source(%dma_start3A_29 : memref<10000x128xf32, #tpu.memory_space<hbm>>) target(%arg10 : memref<128x128xf32, #tpu.memory_space<vmem>>) offsets(%dma_start3A_26 : memref<128xi32, #tpu.memory_space<vmem>>) semaphore(%arg12 : memref<!tpu.dma_semaphore, #tpu.memory_space<semaphore_mem>>)
    %dma_wait3A = arith.constant 0 : i32
    %dma_wait3A_30 = tpu.memref_slice %arg14[%mul3A_2, %dma_wait3A] : memref<10240x128xf32, #tpu.memory_space<vmem_shared>> -> memref<160x128xf32, #tpu.memory_space<vmem_shared>>
    tpu.wait_dma2 semaphore(%arg13 : memref<!tpu.dma_semaphore, #tpu.memory_space<semaphore_mem>>) src(%arg5 : memref<160x128xf32, #tpu.memory_space<hbm>>) dst(%dma_wait3A_30 : memref<160x128xf32, #tpu.memory_space<vmem_shared>>)
    %dma_wait3A_31 = arith.constant 0 : i32
    %dma_wait3A_32 = tpu.memref_slice %arg14[%mul3A_2, %dma_wait3A_31] : memref<10240x128xf32, #tpu.memory_space<vmem_shared>> -> memref<160x128xf32, #tpu.memory_space<vmem_shared>>
    tpu.wait_dma2 semaphore(%arg13 : memref<!tpu.dma_semaphore, #tpu.memory_space<semaphore_mem>>) src(%arg5 : memref<160x128xf32, #tpu.memory_space<hbm>>) dst(%dma_wait3A_32 : memref<160x128xf32, #tpu.memory_space<vmem_shared>>)
    %dma_wait3A_33 = arith.constant 0 : i32
    %dma_wait3A_34 = tpu.memref_slice %arg14[%mul3A_2, %dma_wait3A_33] : memref<10240x128xf32, #tpu.memory_space<vmem_shared>> -> memref<160x128xf32, #tpu.memory_space<vmem_shared>>
    tpu.wait_dma2 semaphore(%arg13 : memref<!tpu.dma_semaphore, #tpu.memory_space<semaphore_mem>>) src(%arg5 : memref<160x128xf32, #tpu.memory_space<hbm>>) dst(%dma_wait3A_34 : memref<160x128xf32, #tpu.memory_space<vmem_shared>>)
    %dma_wait3A_35 = arith.constant 0 : i32
    %dma_wait3A_36 = tpu.memref_slice %arg14[%mul3A_2, %dma_wait3A_35] : memref<10240x128xf32, #tpu.memory_space<vmem_shared>> -> memref<160x128xf32, #tpu.memory_space<vmem_shared>>
    tpu.wait_dma2 semaphore(%arg13 : memref<!tpu.dma_semaphore, #tpu.memory_space<semaphore_mem>>) src(%arg5 : memref<160x128xf32, #tpu.memory_space<hbm>>) dst(%dma_wait3A_36 : memref<160x128xf32, #tpu.memory_space<vmem_shared>>)
    %barrier3A = arith.constant 0 : index
    tpu.barrier barrier_id(%barrier3A)
    %scan3A = arith.constant 0 : i32
    %scan3A_37 = arith.constant 0 : i32
    %scan3A_38 = arith.constant 18 : i32
    %scan3A_39 = arith.addi %scan3A_37, %scan3A_38 : i32
    %scan3A_40 = arith.constant 1 : i32
    scf.for %scan3A_119 = %scan3A_37 to %scan3A_39 step %scan3A_40  : i32 {
      %mul3A_120 = arith.constant 2 : i32
      %mul3A_121 = arith.muli %scan3A_119, %mul3A_120 : i32
      %mul3A_122 = arith.constant 128 : i32
      %mul3A_123 = arith.muli %mul3A_121, %mul3A_122 : i32
      %dma_wait3A_124 = tpu.memref_slice %arg7[%mul3A_123] : memref<5008xi32, #tpu.memory_space<vmem>> -> memref<128xi32, #tpu.memory_space<vmem>>
      %dma_wait3A_125 = arith.constant 0 : i32
      %dma_wait3A_126 = arith.constant 0 : i32
      %dma_wait3A_127 = tpu.memref_slice %arg2[%dma_wait3A_125, %dma_wait3A_126] : memref<10000x128xf32, #tpu.memory_space<hbm>> -> memref<10000x128xf32, #tpu.memory_space<hbm>>
      tpu.wait_indirect_dma semaphore(%arg11 : memref<!tpu.dma_semaphore, #tpu.memory_space<semaphore_mem>>) src(%dma_wait3A_127 : memref<10000x128xf32, #tpu.memory_space<hbm>>) dst(%arg9 : memref<128x128xf32, #tpu.memory_space<vmem>>)
      %mul3A_128 = arith.constant 128 : i32
      %mul3A_129 = arith.muli %mul3A_121, %mul3A_128 : i32
      "tpu.region"() ({
        %run_scoped3A = tpu.sem_alloc : memref<!tpu.dma_semaphore, #tpu.memory_space<semaphore_mem>>
        %dma_start3A_158 = tpu.memref_slice %arg8[%mul3A_129] : memref<5008xi32, #tpu.memory_space<vmem>> -> memref<128xi32, #tpu.memory_space<vmem>>
        %dma_start3A_159 = arith.constant 0 : i32
        %dma_start3A_160 = arith.constant 0 : i32
        %dma_start3A_161 = tpu.memref_slice %arg14[%dma_start3A_159, %dma_start3A_160] : memref<10240x128xf32, #tpu.memory_space<vmem_shared>> -> memref<10240x128xf32, #tpu.memory_space<vmem_shared>>
        tpu.enqueue_indirect_dma source(%arg9 : memref<128x128xf32, #tpu.memory_space<vmem>>) target(%dma_start3A_161 : memref<10240x128xf32, #tpu.memory_space<vmem_shared>>) offsets(%dma_start3A_158 : memref<128xi32, #tpu.memory_space<vmem>>) semaphore(%run_scoped3A : memref<!tpu.dma_semaphore, #tpu.memory_space<semaphore_mem>>) {add = true}
        %dma_wait3A_162 = tpu.memref_slice %arg8[%mul3A_129] : memref<5008xi32, #tpu.memory_space<vmem>> -> memref<128xi32, #tpu.memory_space<vmem>>
        %dma_wait3A_163 = arith.constant 0 : i32
        %dma_wait3A_164 = arith.constant 0 : i32
        %dma_wait3A_165 = tpu.memref_slice %arg14[%dma_wait3A_163, %dma_wait3A_164] : memref<10240x128xf32, #tpu.memory_space<vmem_shared>> -> memref<10240x128xf32, #tpu.memory_space<vmem_shared>>
        tpu.wait_indirect_dma semaphore(%run_scoped3A : memref<!tpu.dma_semaphore, #tpu.memory_space<semaphore_mem>>) src(%arg9 : memref<128x128xf32, #tpu.memory_space<vmem>>) dst(%dma_wait3A_165 : memref<10240x128xf32, #tpu.memory_space<vmem_shared>>)
        tpu.yield
      }) : () -> ()
      %add3A_130 = arith.constant 2 : i32
      %add3A_131 = arith.addi %mul3A_121, %add3A_130 : i32
      %mul3A_132 = arith.constant 128 : i32
      %mul3A_133 = arith.muli %add3A_131, %mul3A_132 : i32
      %dma_start3A_134 = tpu.memref_slice %arg7[%mul3A_133] : memref<5008xi32, #tpu.memory_space<vmem>> -> memref<128xi32, #tpu.memory_space<vmem>>
      %dma_start3A_135 = arith.constant 0 : i32
      %dma_start3A_136 = arith.constant 0 : i32
      %dma_start3A_137 = tpu.memref_slice %arg2[%dma_start3A_135, %dma_start3A_136] : memref<10000x128xf32, #tpu.memory_space<hbm>> -> memref<10000x128xf32, #tpu.memory_space<hbm>>
      tpu.enqueue_indirect_dma source(%dma_start3A_137 : memref<10000x128xf32, #tpu.memory_space<hbm>>) target(%arg9 : memref<128x128xf32, #tpu.memory_space<vmem>>) offsets(%dma_start3A_134 : memref<128xi32, #tpu.memory_space<vmem>>) semaphore(%arg11 : memref<!tpu.dma_semaphore, #tpu.memory_space<semaphore_mem>>)
      %add3A_138 = arith.constant 1 : i32
      %add3A_139 = arith.addi %mul3A_121, %add3A_138 : i32
      %mul3A_140 = arith.constant 128 : i32
      %mul3A_141 = arith.muli %add3A_139, %mul3A_140 : i32
      %dma_wait3A_142 = tpu.memref_slice %arg7[%mul3A_141] : memref<5008xi32, #tpu.memory_space<vmem>> -> memref<128xi32, #tpu.memory_space<vmem>>
      %dma_wait3A_143 = arith.constant 0 : i32
      %dma_wait3A_144 = arith.constant 0 : i32
      %dma_wait3A_145 = tpu.memref_slice %arg2[%dma_wait3A_143, %dma_wait3A_144] : memref<10000x128xf32, #tpu.memory_space<hbm>> -> memref<10000x128xf32, #tpu.memory_space<hbm>>
      tpu.wait_indirect_dma semaphore(%arg12 : memref<!tpu.dma_semaphore, #tpu.memory_space<semaphore_mem>>) src(%dma_wait3A_145 : memref<10000x128xf32, #tpu.memory_space<hbm>>) dst(%arg10 : memref<128x128xf32, #tpu.memory_space<vmem>>)
      %add3A_146 = arith.constant 1 : i32
      %add3A_147 = arith.addi %mul3A_121, %add3A_146 : i32
      %mul3A_148 = arith.constant 128 : i32
      %mul3A_149 = arith.muli %add3A_147, %mul3A_148 : i32
      "tpu.region"() ({
        %run_scoped3A = tpu.sem_alloc : memref<!tpu.dma_semaphore, #tpu.memory_space<semaphore_mem>>
        %dma_start3A_158 = tpu.memref_slice %arg8[%mul3A_149] : memref<5008xi32, #tpu.memory_space<vmem>> -> memref<128xi32, #tpu.memory_space<vmem>>
        %dma_start3A_159 = arith.constant 0 : i32
        %dma_start3A_160 = arith.constant 0 : i32
        %dma_start3A_161 = tpu.memref_slice %arg14[%dma_start3A_159, %dma_start3A_160] : memref<10240x128xf32, #tpu.memory_space<vmem_shared>> -> memref<10240x128xf32, #tpu.memory_space<vmem_shared>>
        tpu.enqueue_indirect_dma source(%arg10 : memref<128x128xf32, #tpu.memory_space<vmem>>) target(%dma_start3A_161 : memref<10240x128xf32, #tpu.memory_space<vmem_shared>>) offsets(%dma_start3A_158 : memref<128xi32, #tpu.memory_space<vmem>>) semaphore(%run_scoped3A : memref<!tpu.dma_semaphore, #tpu.memory_space<semaphore_mem>>) {add = true}
        %dma_wait3A_162 = tpu.memref_slice %arg8[%mul3A_149] : memref<5008xi32, #tpu.memory_space<vmem>> -> memref<128xi32, #tpu.memory_space<vmem>>
        %dma_wait3A_163 = arith.constant 0 : i32
        %dma_wait3A_164 = arith.constant 0 : i32
        %dma_wait3A_165 = tpu.memref_slice %arg14[%dma_wait3A_163, %dma_wait3A_164] : memref<10240x128xf32, #tpu.memory_space<vmem_shared>> -> memref<10240x128xf32, #tpu.memory_space<vmem_shared>>
        tpu.wait_indirect_dma semaphore(%run_scoped3A : memref<!tpu.dma_semaphore, #tpu.memory_space<semaphore_mem>>) src(%arg10 : memref<128x128xf32, #tpu.memory_space<vmem>>) dst(%dma_wait3A_165 : memref<10240x128xf32, #tpu.memory_space<vmem_shared>>)
        tpu.yield
      }) : () -> ()
      %add3A_150 = arith.constant 3 : i32
      %add3A_151 = arith.addi %mul3A_121, %add3A_150 : i32
      %mul3A_152 = arith.constant 128 : i32
      %mul3A_153 = arith.muli %add3A_151, %mul3A_152 : i32
      %dma_start3A_154 = tpu.memref_slice %arg7[%mul3A_153] : memref<5008xi32, #tpu.memory_space<vmem>> -> memref<128xi32, #tpu.memory_space<vmem>>
      %dma_start3A_155 = arith.constant 0 : i32
      %dma_start3A_156 = arith.constant 0 : i32
      %dma_start3A_157 = tpu.memref_slice %arg2[%dma_start3A_155, %dma_start3A_156] : memref<10000x128xf32, #tpu.memory_space<hbm>> -> memref<10000x128xf32, #tpu.memory_space<hbm>>
      tpu.enqueue_indirect_dma source(%dma_start3A_157 : memref<10000x128xf32, #tpu.memory_space<hbm>>) target(%arg10 : memref<128x128xf32, #tpu.memory_space<vmem>>) offsets(%dma_start3A_154 : memref<128xi32, #tpu.memory_space<vmem>>) semaphore(%arg12 : memref<!tpu.dma_semaphore, #tpu.memory_space<semaphore_mem>>)
    }
    %scan3A_41 = arith.constant 18 : i32
    %dma_wait3A_42 = arith.constant 4608 : i32
    %dma_wait3A_43 = tpu.memref_slice %arg7[%dma_wait3A_42] : memref<5008xi32, #tpu.memory_space<vmem>> -> memref<128xi32, #tpu.memory_space<vmem>>
    %dma_wait3A_44 = arith.constant 0 : i32
    %dma_wait3A_45 = arith.constant 0 : i32
    %dma_wait3A_46 = tpu.memref_slice %arg2[%dma_wait3A_44, %dma_wait3A_45] : memref<10000x128xf32, #tpu.memory_space<hbm>> -> memref<10000x128xf32, #tpu.memory_space<hbm>>
    tpu.wait_indirect_dma semaphore(%arg11 : memref<!tpu.dma_semaphore, #tpu.memory_space<semaphore_mem>>) src(%dma_wait3A_46 : memref<10000x128xf32, #tpu.memory_space<hbm>>) dst(%arg9 : memref<128x128xf32, #tpu.memory_space<vmem>>)
    "tpu.region"() ({
      %run_scoped3A = tpu.sem_alloc : memref<!tpu.dma_semaphore, #tpu.memory_space<semaphore_mem>>
      %dma_start3A_119 = arith.constant 4608 : i32
      %dma_start3A_120 = tpu.memref_slice %arg8[%dma_start3A_119] : memref<5008xi32, #tpu.memory_space<vmem>> -> memref<128xi32, #tpu.memory_space<vmem>>
      %dma_start3A_121 = arith.constant 0 : i32
      %dma_start3A_122 = arith.constant 0 : i32
      %dma_start3A_123 = tpu.memref_slice %arg14[%dma_start3A_121, %dma_start3A_122] : memref<10240x128xf32, #tpu.memory_space<vmem_shared>> -> memref<10240x128xf32, #tpu.memory_space<vmem_shared>>
      tpu.enqueue_indirect_dma source(%arg9 : memref<128x128xf32, #tpu.memory_space<vmem>>) target(%dma_start3A_123 : memref<10240x128xf32, #tpu.memory_space<vmem_shared>>) offsets(%dma_start3A_120 : memref<128xi32, #tpu.memory_space<vmem>>) semaphore(%run_scoped3A : memref<!tpu.dma_semaphore, #tpu.memory_space<semaphore_mem>>) {add = true}
      %dma_wait3A_124 = arith.constant 4608 : i32
      %dma_wait3A_125 = tpu.memref_slice %arg8[%dma_wait3A_124] : memref<5008xi32, #tpu.memory_space<vmem>> -> memref<128xi32, #tpu.memory_space<vmem>>
      %dma_wait3A_126 = arith.constant 0 : i32
      %dma_wait3A_127 = arith.constant 0 : i32
      %dma_wait3A_128 = tpu.memref_slice %arg14[%dma_wait3A_126, %dma_wait3A_127] : memref<10240x128xf32, #tpu.memory_space<vmem_shared>> -> memref<10240x128xf32, #tpu.memory_space<vmem_shared>>
      tpu.wait_indirect_dma semaphore(%run_scoped3A : memref<!tpu.dma_semaphore, #tpu.memory_space<semaphore_mem>>) src(%arg9 : memref<128x128xf32, #tpu.memory_space<vmem>>) dst(%dma_wait3A_128 : memref<10240x128xf32, #tpu.memory_space<vmem_shared>>)
      tpu.yield
    }) : () -> ()
    %dma_start3A_47 = arith.constant 4864 : i32
    %dma_start3A_48 = tpu.memref_slice %arg7[%dma_start3A_47] : memref<5008xi32, #tpu.memory_space<vmem>> -> memref<128xi32, #tpu.memory_space<vmem>>
    %dma_start3A_49 = arith.constant 0 : i32
    %dma_start3A_50 = arith.constant 0 : i32
    %dma_start3A_51 = tpu.memref_slice %arg2[%dma_start3A_49, %dma_start3A_50] : memref<10000x128xf32, #tpu.memory_space<hbm>> -> memref<10000x128xf32, #tpu.memory_space<hbm>>
    tpu.enqueue_indirect_dma source(%dma_start3A_51 : memref<10000x128xf32, #tpu.memory_space<hbm>>) target(%arg9 : memref<128x128xf32, #tpu.memory_space<vmem>>) offsets(%dma_start3A_48 : memref<128xi32, #tpu.memory_space<vmem>>) semaphore(%arg11 : memref<!tpu.dma_semaphore, #tpu.memory_space<semaphore_mem>>)
    %dma_wait3A_52 = arith.constant 4736 : i32
    %dma_wait3A_53 = tpu.memref_slice %arg7[%dma_wait3A_52] : memref<5008xi32, #tpu.memory_space<vmem>> -> memref<128xi32, #tpu.memory_space<vmem>>
    %dma_wait3A_54 = arith.constant 0 : i32
    %dma_wait3A_55 = arith.constant 0 : i32
    %dma_wait3A_56 = tpu.memref_slice %arg2[%dma_wait3A_54, %dma_wait3A_55] : memref<10000x128xf32, #tpu.memory_space<hbm>> -> memref<10000x128xf32, #tpu.memory_space<hbm>>
    tpu.wait_indirect_dma semaphore(%arg12 : memref<!tpu.dma_semaphore, #tpu.memory_space<semaphore_mem>>) src(%dma_wait3A_56 : memref<10000x128xf32, #tpu.memory_space<hbm>>) dst(%arg10 : memref<128x128xf32, #tpu.memory_space<vmem>>)
    "tpu.region"() ({
      %run_scoped3A = tpu.sem_alloc : memref<!tpu.dma_semaphore, #tpu.memory_space<semaphore_mem>>
      %dma_start3A_119 = arith.constant 4736 : i32
      %dma_start3A_120 = tpu.memref_slice %arg8[%dma_start3A_119] : memref<5008xi32, #tpu.memory_space<vmem>> -> memref<128xi32, #tpu.memory_space<vmem>>
      %dma_start3A_121 = arith.constant 0 : i32
      %dma_start3A_122 = arith.constant 0 : i32
      %dma_start3A_123 = tpu.memref_slice %arg14[%dma_start3A_121, %dma_start3A_122] : memref<10240x128xf32, #tpu.memory_space<vmem_shared>> -> memref<10240x128xf32, #tpu.memory_space<vmem_shared>>
      tpu.enqueue_indirect_dma source(%arg10 : memref<128x128xf32, #tpu.memory_space<vmem>>) target(%dma_start3A_123 : memref<10240x128xf32, #tpu.memory_space<vmem_shared>>) offsets(%dma_start3A_120 : memref<128xi32, #tpu.memory_space<vmem>>) semaphore(%run_scoped3A : memref<!tpu.dma_semaphore, #tpu.memory_space<semaphore_mem>>) {add = true}
      %dma_wait3A_124 = arith.constant 4736 : i32
      %dma_wait3A_125 = tpu.memref_slice %arg8[%dma_wait3A_124] : memref<5008xi32, #tpu.memory_space<vmem>> -> memref<128xi32, #tpu.memory_space<vmem>>
      %dma_wait3A_126 = arith.constant 0 : i32
      %dma_wait3A_127 = arith.constant 0 : i32
      %dma_wait3A_128 = tpu.memref_slice %arg14[%dma_wait3A_126, %dma_wait3A_127] : memref<10240x128xf32, #tpu.memory_space<vmem_shared>> -> memref<10240x128xf32, #tpu.memory_space<vmem_shared>>
      tpu.wait_indirect_dma semaphore(%run_scoped3A : memref<!tpu.dma_semaphore, #tpu.memory_space<semaphore_mem>>) src(%arg10 : memref<128x128xf32, #tpu.memory_space<vmem>>) dst(%dma_wait3A_128 : memref<10240x128xf32, #tpu.memory_space<vmem_shared>>)
      tpu.yield
    }) : () -> ()
    %dma_wait3A_57 = arith.constant 4864 : i32
    %dma_wait3A_58 = tpu.memref_slice %arg7[%dma_wait3A_57] : memref<5008xi32, #tpu.memory_space<vmem>> -> memref<128xi32, #tpu.memory_space<vmem>>
    %dma_wait3A_59 = arith.constant 0 : i32
    %dma_wait3A_60 = arith.constant 0 : i32
    %dma_wait3A_61 = tpu.memref_slice %arg2[%dma_wait3A_59, %dma_wait3A_60] : memref<10000x128xf32, #tpu.memory_space<hbm>> -> memref<10000x128xf32, #tpu.memory_space<hbm>>
    tpu.wait_indirect_dma semaphore(%arg11 : memref<!tpu.dma_semaphore, #tpu.memory_space<semaphore_mem>>) src(%dma_wait3A_61 : memref<10000x128xf32, #tpu.memory_space<hbm>>) dst(%arg9 : memref<128x128xf32, #tpu.memory_space<vmem>>)
    "tpu.region"() ({
      %run_scoped3A = tpu.sem_alloc : memref<!tpu.dma_semaphore, #tpu.memory_space<semaphore_mem>>
      %dma_start3A_119 = arith.constant 4864 : i32
      %dma_start3A_120 = tpu.memref_slice %arg8[%dma_start3A_119] : memref<5008xi32, #tpu.memory_space<vmem>> -> memref<128xi32, #tpu.memory_space<vmem>>
      %dma_start3A_121 = arith.constant 0 : i32
      %dma_start3A_122 = arith.constant 0 : i32
      %dma_start3A_123 = tpu.memref_slice %arg14[%dma_start3A_121, %dma_start3A_122] : memref<10240x128xf32, #tpu.memory_space<vmem_shared>> -> memref<10240x128xf32, #tpu.memory_space<vmem_shared>>
      tpu.enqueue_indirect_dma source(%arg9 : memref<128x128xf32, #tpu.memory_space<vmem>>) target(%dma_start3A_123 : memref<10240x128xf32, #tpu.memory_space<vmem_shared>>) offsets(%dma_start3A_120 : memref<128xi32, #tpu.memory_space<vmem>>) semaphore(%run_scoped3A : memref<!tpu.dma_semaphore, #tpu.memory_space<semaphore_mem>>) {add = true}
      %dma_wait3A_124 = arith.constant 4864 : i32
      %dma_wait3A_125 = tpu.memref_slice %arg8[%dma_wait3A_124] : memref<5008xi32, #tpu.memory_space<vmem>> -> memref<128xi32, #tpu.memory_space<vmem>>
      %dma_wait3A_126 = arith.constant 0 : i32
      %dma_wait3A_127 = arith.constant 0 : i32
      %dma_wait3A_128 = tpu.memref_slice %arg14[%dma_wait3A_126, %dma_wait3A_127] : memref<10240x128xf32, #tpu.memory_space<vmem_shared>> -> memref<10240x128xf32, #tpu.memory_space<vmem_shared>>
      tpu.wait_indirect_dma semaphore(%run_scoped3A : memref<!tpu.dma_semaphore, #tpu.memory_space<semaphore_mem>>) src(%arg9 : memref<128x128xf32, #tpu.memory_space<vmem>>) dst(%dma_wait3A_128 : memref<10240x128xf32, #tpu.memory_space<vmem_shared>>)
      tpu.yield
    }) : () -> ()
    %add3A_62 = arith.constant 4992 : i32
    %add3A_63 = arith.addi %mul3A_19, %add3A_62 : i32
    "tpu.region"() ({
      %run_scoped3A = tpu.sem_alloc : memref<!tpu.dma_semaphore, #tpu.memory_space<semaphore_mem>>
      %dma_start3A_119 = tpu.memref_slice %arg3[%add3A_63] : memref<320000xi32, #tpu.memory_space<hbm>> -> memref<5008xi32, #tpu.memory_space<hbm>>
      %dma_start3A_120 = tpu.memref_slice %arg3[%add3A_63] : memref<320000xi32, #tpu.memory_space<hbm>> -> memref<5008xi32, #tpu.memory_space<hbm>>
      tpu.enqueue_dma source(%dma_start3A_120 : memref<5008xi32, #tpu.memory_space<hbm>>) target(%arg7 : memref<5008xi32, #tpu.memory_space<vmem>>) target_semaphore(%run_scoped3A : memref<!tpu.dma_semaphore, #tpu.memory_space<semaphore_mem>>)
      %dma_wait3A_121 = tpu.memref_slice %arg3[%add3A_63] : memref<320000xi32, #tpu.memory_space<hbm>> -> memref<5008xi32, #tpu.memory_space<hbm>>
      %dma_wait3A_122 = tpu.memref_slice %arg3[%add3A_63] : memref<320000xi32, #tpu.memory_space<hbm>> -> memref<5008xi32, #tpu.memory_space<hbm>>
      tpu.wait_dma2 semaphore(%run_scoped3A : memref<!tpu.dma_semaphore, #tpu.memory_space<semaphore_mem>>) src(%dma_wait3A_122 : memref<5008xi32, #tpu.memory_space<hbm>>) dst(%arg7 : memref<5008xi32, #tpu.memory_space<vmem>>)
      tpu.yield
    }) : () -> ()
    %add3A_64 = arith.constant 4992 : i32
    %add3A_65 = arith.addi %mul3A_19, %add3A_64 : i32
    "tpu.region"() ({
      %run_scoped3A = tpu.sem_alloc : memref<!tpu.dma_semaphore, #tpu.memory_space<semaphore_mem>>
      %dma_start3A_119 = tpu.memref_slice %arg4[%add3A_65] : memref<320000xi32, #tpu.memory_space<hbm>> -> memref<5008xi32, #tpu.memory_space<hbm>>
      %dma_start3A_120 = tpu.memref_slice %arg4[%add3A_65] : memref<320000xi32, #tpu.memory_space<hbm>> -> memref<5008xi32, #tpu.memory_space<hbm>>
      tpu.enqueue_dma source(%dma_start3A_120 : memref<5008xi32, #tpu.memory_space<hbm>>) target(%arg8 : memref<5008xi32, #tpu.memory_space<vmem>>) target_semaphore(%run_scoped3A : memref<!tpu.dma_semaphore, #tpu.memory_space<semaphore_mem>>)
      %dma_wait3A_121 = tpu.memref_slice %arg4[%add3A_65] : memref<320000xi32, #tpu.memory_space<hbm>> -> memref<5008xi32, #tpu.memory_space<hbm>>
      %dma_wait3A_122 = tpu.memref_slice %arg4[%add3A_65] : memref<320000xi32, #tpu.memory_space<hbm>> -> memref<5008xi32, #tpu.memory_space<hbm>>
      tpu.wait_dma2 semaphore(%run_scoped3A : memref<!tpu.dma_semaphore, #tpu.memory_space<semaphore_mem>>) src(%dma_wait3A_122 : memref<5008xi32, #tpu.memory_space<hbm>>) dst(%arg8 : memref<5008xi32, #tpu.memory_space<vmem>>)
      tpu.yield
    }) : () -> ()
    %dma_start3A_66 = arith.constant 0 : i32
    %dma_start3A_67 = tpu.memref_slice %arg7[%dma_start3A_66] : memref<5008xi32, #tpu.memory_space<vmem>> -> memref<128xi32, #tpu.memory_space<vmem>>
    %dma_start3A_68 = arith.constant 0 : i32
    %dma_start3A_69 = arith.constant 0 : i32
    %dma_start3A_70 = tpu.memref_slice %arg2[%dma_start3A_68, %dma_start3A_69] : memref<10000x128xf32, #tpu.memory_space<hbm>> -> memref<10000x128xf32, #tpu.memory_space<hbm>>
    tpu.enqueue_indirect_dma source(%dma_start3A_70 : memref<10000x128xf32, #tpu.memory_space<hbm>>) target(%arg9 : memref<128x128xf32, #tpu.memory_space<vmem>>) offsets(%dma_start3A_67 : memref<128xi32, #tpu.memory_space<vmem>>) semaphore(%arg11 : memref<!tpu.dma_semaphore, #tpu.memory_space<semaphore_mem>>)
    %dma_start3A_71 = arith.constant 128 : i32
    %dma_start3A_72 = tpu.memref_slice %arg7[%dma_start3A_71] : memref<5008xi32, #tpu.memory_space<vmem>> -> memref<128xi32, #tpu.memory_space<vmem>>
    %dma_start3A_73 = arith.constant 0 : i32
    %dma_start3A_74 = arith.constant 0 : i32
    %dma_start3A_75 = tpu.memref_slice %arg2[%dma_start3A_73, %dma_start3A_74] : memref<10000x128xf32, #tpu.memory_space<hbm>> -> memref<10000x128xf32, #tpu.memory_space<hbm>>
    tpu.enqueue_indirect_dma source(%dma_start3A_75 : memref<10000x128xf32, #tpu.memory_space<hbm>>) target(%arg10 : memref<128x128xf32, #tpu.memory_space<vmem>>) offsets(%dma_start3A_72 : memref<128xi32, #tpu.memory_space<vmem>>) semaphore(%arg12 : memref<!tpu.dma_semaphore, #tpu.memory_space<semaphore_mem>>)
    %scan3A_76 = arith.constant 0 : i32
    %scan3A_77 = arith.constant 0 : i32
    %scan3A_78 = arith.constant 18 : i32
    %scan3A_79 = arith.addi %scan3A_77, %scan3A_78 : i32
    %scan3A_80 = arith.constant 1 : i32
    scf.for %scan3A_119 = %scan3A_77 to %scan3A_79 step %scan3A_80  : i32 {
      %mul3A_120 = arith.constant 2 : i32
      %mul3A_121 = arith.muli %scan3A_119, %mul3A_120 : i32
      %mul3A_122 = arith.constant 128 : i32
      %mul3A_123 = arith.muli %mul3A_121, %mul3A_122 : i32
      %dma_wait3A_124 = tpu.memref_slice %arg7[%mul3A_123] : memref<5008xi32, #tpu.memory_space<vmem>> -> memref<128xi32, #tpu.memory_space<vmem>>
      %dma_wait3A_125 = arith.constant 0 : i32
      %dma_wait3A_126 = arith.constant 0 : i32
      %dma_wait3A_127 = tpu.memref_slice %arg2[%dma_wait3A_125, %dma_wait3A_126] : memref<10000x128xf32, #tpu.memory_space<hbm>> -> memref<10000x128xf32, #tpu.memory_space<hbm>>
      tpu.wait_indirect_dma semaphore(%arg11 : memref<!tpu.dma_semaphore, #tpu.memory_space<semaphore_mem>>) src(%dma_wait3A_127 : memref<10000x128xf32, #tpu.memory_space<hbm>>) dst(%arg9 : memref<128x128xf32, #tpu.memory_space<vmem>>)
      %mul3A_128 = arith.constant 128 : i32
      %mul3A_129 = arith.muli %mul3A_121, %mul3A_128 : i32
      "tpu.region"() ({
        %run_scoped3A = tpu.sem_alloc : memref<!tpu.dma_semaphore, #tpu.memory_space<semaphore_mem>>
        %dma_start3A_158 = tpu.memref_slice %arg8[%mul3A_129] : memref<5008xi32, #tpu.memory_space<vmem>> -> memref<128xi32, #tpu.memory_space<vmem>>
        %dma_start3A_159 = arith.constant 0 : i32
        %dma_start3A_160 = arith.constant 0 : i32
        %dma_start3A_161 = tpu.memref_slice %arg14[%dma_start3A_159, %dma_start3A_160] : memref<10240x128xf32, #tpu.memory_space<vmem_shared>> -> memref<10240x128xf32, #tpu.memory_space<vmem_shared>>
        tpu.enqueue_indirect_dma source(%arg9 : memref<128x128xf32, #tpu.memory_space<vmem>>) target(%dma_start3A_161 : memref<10240x128xf32, #tpu.memory_space<vmem_shared>>) offsets(%dma_start3A_158 : memref<128xi32, #tpu.memory_space<vmem>>) semaphore(%run_scoped3A : memref<!tpu.dma_semaphore, #tpu.memory_space<semaphore_mem>>) {add = true}
        %dma_wait3A_162 = tpu.memref_slice %arg8[%mul3A_129] : memref<5008xi32, #tpu.memory_space<vmem>> -> memref<128xi32, #tpu.memory_space<vmem>>
        %dma_wait3A_163 = arith.constant 0 : i32
        %dma_wait3A_164 = arith.constant 0 : i32
        %dma_wait3A_165 = tpu.memref_slice %arg14[%dma_wait3A_163, %dma_wait3A_164] : memref<10240x128xf32, #tpu.memory_space<vmem_shared>> -> memref<10240x128xf32, #tpu.memory_space<vmem_shared>>
        tpu.wait_indirect_dma semaphore(%run_scoped3A : memref<!tpu.dma_semaphore, #tpu.memory_space<semaphore_mem>>) src(%arg9 : memref<128x128xf32, #tpu.memory_space<vmem>>) dst(%dma_wait3A_165 : memref<10240x128xf32, #tpu.memory_space<vmem_shared>>)
        tpu.yield
      }) : () -> ()
      %add3A_130 = arith.constant 2 : i32
      %add3A_131 = arith.addi %mul3A_121, %add3A_130 : i32
      %mul3A_132 = arith.constant 128 : i32
      %mul3A_133 = arith.muli %add3A_131, %mul3A_132 : i32
      %dma_start3A_134 = tpu.memref_slice %arg7[%mul3A_133] : memref<5008xi32, #tpu.memory_space<vmem>> -> memref<128xi32, #tpu.memory_space<vmem>>
      %dma_start3A_135 = arith.constant 0 : i32
      %dma_start3A_136 = arith.constant 0 : i32
      %dma_start3A_137 = tpu.memref_slice %arg2[%dma_start3A_135, %dma_start3A_136] : memref<10000x128xf32, #tpu.memory_space<hbm>> -> memref<10000x128xf32, #tpu.memory_space<hbm>>
      tpu.enqueue_indirect_dma source(%dma_start3A_137 : memref<10000x128xf32, #tpu.memory_space<hbm>>) target(%arg9 : memref<128x128xf32, #tpu.memory_space<vmem>>) offsets(%dma_start3A_134 : memref<128xi32, #tpu.memory_space<vmem>>) semaphore(%arg11 : memref<!tpu.dma_semaphore, #tpu.memory_space<semaphore_mem>>)
      %add3A_138 = arith.constant 1 : i32
      %add3A_139 = arith.addi %mul3A_121, %add3A_138 : i32
      %mul3A_140 = arith.constant 128 : i32
      %mul3A_141 = arith.muli %add3A_139, %mul3A_140 : i32
      %dma_wait3A_142 = tpu.memref_slice %arg7[%mul3A_141] : memref<5008xi32, #tpu.memory_space<vmem>> -> memref<128xi32, #tpu.memory_space<vmem>>
      %dma_wait3A_143 = arith.constant 0 : i32
      %dma_wait3A_144 = arith.constant 0 : i32
      %dma_wait3A_145 = tpu.memref_slice %arg2[%dma_wait3A_143, %dma_wait3A_144] : memref<10000x128xf32, #tpu.memory_space<hbm>> -> memref<10000x128xf32, #tpu.memory_space<hbm>>
      tpu.wait_indirect_dma semaphore(%arg12 : memref<!tpu.dma_semaphore, #tpu.memory_space<semaphore_mem>>) src(%dma_wait3A_145 : memref<10000x128xf32, #tpu.memory_space<hbm>>) dst(%arg10 : memref<128x128xf32, #tpu.memory_space<vmem>>)
      %add3A_146 = arith.constant 1 : i32
      %add3A_147 = arith.addi %mul3A_121, %add3A_146 : i32
      %mul3A_148 = arith.constant 128 : i32
      %mul3A_149 = arith.muli %add3A_147, %mul3A_148 : i32
      "tpu.region"() ({
        %run_scoped3A = tpu.sem_alloc : memref<!tpu.dma_semaphore, #tpu.memory_space<semaphore_mem>>
        %dma_start3A_158 = tpu.memref_slice %arg8[%mul3A_149] : memref<5008xi32, #tpu.memory_space<vmem>> -> memref<128xi32, #tpu.memory_space<vmem>>
        %dma_start3A_159 = arith.constant 0 : i32
        %dma_start3A_160 = arith.constant 0 : i32
        %dma_start3A_161 = tpu.memref_slice %arg14[%dma_start3A_159, %dma_start3A_160] : memref<10240x128xf32, #tpu.memory_space<vmem_shared>> -> memref<10240x128xf32, #tpu.memory_space<vmem_shared>>
        tpu.enqueue_indirect_dma source(%arg10 : memref<128x128xf32, #tpu.memory_space<vmem>>) target(%dma_start3A_161 : memref<10240x128xf32, #tpu.memory_space<vmem_shared>>) offsets(%dma_start3A_158 : memref<128xi32, #tpu.memory_space<vmem>>) semaphore(%run_scoped3A : memref<!tpu.dma_semaphore, #tpu.memory_space<semaphore_mem>>) {add = true}
        %dma_wait3A_162 = tpu.memref_slice %arg8[%mul3A_149] : memref<5008xi32, #tpu.memory_space<vmem>> -> memref<128xi32, #tpu.memory_space<vmem>>
        %dma_wait3A_163 = arith.constant 0 : i32
        %dma_wait3A_164 = arith.constant 0 : i32
        %dma_wait3A_165 = tpu.memref_slice %arg14[%dma_wait3A_163, %dma_wait3A_164] : memref<10240x128xf32, #tpu.memory_space<vmem_shared>> -> memref<10240x128xf32, #tpu.memory_space<vmem_shared>>
        tpu.wait_indirect_dma semaphore(%run_scoped3A : memref<!tpu.dma_semaphore, #tpu.memory_space<semaphore_mem>>) src(%arg10 : memref<128x128xf32, #tpu.memory_space<vmem>>) dst(%dma_wait3A_165 : memref<10240x128xf32, #tpu.memory_space<vmem_shared>>)
        tpu.yield
      }) : () -> ()
      %add3A_150 = arith.constant 3 : i32
      %add3A_151 = arith.addi %mul3A_121, %add3A_150 : i32
      %mul3A_152 = arith.constant 128 : i32
      %mul3A_153 = arith.muli %add3A_151, %mul3A_152 : i32
      %dma_start3A_154 = tpu.memref_slice %arg7[%mul3A_153] : memref<5008xi32, #tpu.memory_space<vmem>> -> memref<128xi32, #tpu.memory_space<vmem>>
      %dma_start3A_155 = arith.constant 0 : i32
      %dma_start3A_156 = arith.constant 0 : i32
      %dma_start3A_157 = tpu.memref_slice %arg2[%dma_start3A_155, %dma_start3A_156] : memref<10000x128xf32, #tpu.memory_space<hbm>> -> memref<10000x128xf32, #tpu.memory_space<hbm>>
      tpu.enqueue_indirect_dma source(%dma_start3A_157 : memref<10000x128xf32, #tpu.memory_space<hbm>>) target(%arg10 : memref<128x128xf32, #tpu.memory_space<vmem>>) offsets(%dma_start3A_154 : memref<128xi32, #tpu.memory_space<vmem>>) semaphore(%arg12 : memref<!tpu.dma_semaphore, #tpu.memory_space<semaphore_mem>>)
    }
    %scan3A_81 = arith.constant 18 : i32
    %dma_wait3A_82 = arith.constant 4608 : i32
    %dma_wait3A_83 = tpu.memref_slice %arg7[%dma_wait3A_82] : memref<5008xi32, #tpu.memory_space<vmem>> -> memref<128xi32, #tpu.memory_space<vmem>>
    %dma_wait3A_84 = arith.constant 0 : i32
    %dma_wait3A_85 = arith.constant 0 : i32
    %dma_wait3A_86 = tpu.memref_slice %arg2[%dma_wait3A_84, %dma_wait3A_85] : memref<10000x128xf32, #tpu.memory_space<hbm>> -> memref<10000x128xf32, #tpu.memory_space<hbm>>
    tpu.wait_indirect_dma semaphore(%arg11 : memref<!tpu.dma_semaphore, #tpu.memory_space<semaphore_mem>>) src(%dma_wait3A_86 : memref<10000x128xf32, #tpu.memory_space<hbm>>) dst(%arg9 : memref<128x128xf32, #tpu.memory_space<vmem>>)
    "tpu.region"() ({
      %run_scoped3A = tpu.sem_alloc : memref<!tpu.dma_semaphore, #tpu.memory_space<semaphore_mem>>
      %dma_start3A_119 = arith.constant 4608 : i32
      %dma_start3A_120 = tpu.memref_slice %arg8[%dma_start3A_119] : memref<5008xi32, #tpu.memory_space<vmem>> -> memref<128xi32, #tpu.memory_space<vmem>>
      %dma_start3A_121 = arith.constant 0 : i32
      %dma_start3A_122 = arith.constant 0 : i32
      %dma_start3A_123 = tpu.memref_slice %arg14[%dma_start3A_121, %dma_start3A_122] : memref<10240x128xf32, #tpu.memory_space<vmem_shared>> -> memref<10240x128xf32, #tpu.memory_space<vmem_shared>>
      tpu.enqueue_indirect_dma source(%arg9 : memref<128x128xf32, #tpu.memory_space<vmem>>) target(%dma_start3A_123 : memref<10240x128xf32, #tpu.memory_space<vmem_shared>>) offsets(%dma_start3A_120 : memref<128xi32, #tpu.memory_space<vmem>>) semaphore(%run_scoped3A : memref<!tpu.dma_semaphore, #tpu.memory_space<semaphore_mem>>) {add = true}
      %dma_wait3A_124 = arith.constant 4608 : i32
      %dma_wait3A_125 = tpu.memref_slice %arg8[%dma_wait3A_124] : memref<5008xi32, #tpu.memory_space<vmem>> -> memref<128xi32, #tpu.memory_space<vmem>>
      %dma_wait3A_126 = arith.constant 0 : i32
      %dma_wait3A_127 = arith.constant 0 : i32
      %dma_wait3A_128 = tpu.memref_slice %arg14[%dma_wait3A_126, %dma_wait3A_127] : memref<10240x128xf32, #tpu.memory_space<vmem_shared>> -> memref<10240x128xf32, #tpu.memory_space<vmem_shared>>
      tpu.wait_indirect_dma semaphore(%run_scoped3A : memref<!tpu.dma_semaphore, #tpu.memory_space<semaphore_mem>>) src(%arg9 : memref<128x128xf32, #tpu.memory_space<vmem>>) dst(%dma_wait3A_128 : memref<10240x128xf32, #tpu.memory_space<vmem_shared>>)
      tpu.yield
    }) : () -> ()
    %dma_start3A_87 = arith.constant 4864 : i32
    %dma_start3A_88 = tpu.memref_slice %arg7[%dma_start3A_87] : memref<5008xi32, #tpu.memory_space<vmem>> -> memref<128xi32, #tpu.memory_space<vmem>>
    %dma_start3A_89 = arith.constant 0 : i32
    %dma_start3A_90 = arith.constant 0 : i32
    %dma_start3A_91 = tpu.memref_slice %arg2[%dma_start3A_89, %dma_start3A_90] : memref<10000x128xf32, #tpu.memory_space<hbm>> -> memref<10000x128xf32, #tpu.memory_space<hbm>>
    tpu.enqueue_indirect_dma source(%dma_start3A_91 : memref<10000x128xf32, #tpu.memory_space<hbm>>) target(%arg9 : memref<128x128xf32, #tpu.memory_space<vmem>>) offsets(%dma_start3A_88 : memref<128xi32, #tpu.memory_space<vmem>>) semaphore(%arg11 : memref<!tpu.dma_semaphore, #tpu.memory_space<semaphore_mem>>)
    %dma_wait3A_92 = arith.constant 4736 : i32
    %dma_wait3A_93 = tpu.memref_slice %arg7[%dma_wait3A_92] : memref<5008xi32, #tpu.memory_space<vmem>> -> memref<128xi32, #tpu.memory_space<vmem>>
    %dma_wait3A_94 = arith.constant 0 : i32
    %dma_wait3A_95 = arith.constant 0 : i32
    %dma_wait3A_96 = tpu.memref_slice %arg2[%dma_wait3A_94, %dma_wait3A_95] : memref<10000x128xf32, #tpu.memory_space<hbm>> -> memref<10000x128xf32, #tpu.memory_space<hbm>>
    tpu.wait_indirect_dma semaphore(%arg12 : memref<!tpu.dma_semaphore, #tpu.memory_space<semaphore_mem>>) src(%dma_wait3A_96 : memref<10000x128xf32, #tpu.memory_space<hbm>>) dst(%arg10 : memref<128x128xf32, #tpu.memory_space<vmem>>)
    "tpu.region"() ({
      %run_scoped3A = tpu.sem_alloc : memref<!tpu.dma_semaphore, #tpu.memory_space<semaphore_mem>>
      %dma_start3A_119 = arith.constant 4736 : i32
      %dma_start3A_120 = tpu.memref_slice %arg8[%dma_start3A_119] : memref<5008xi32, #tpu.memory_space<vmem>> -> memref<128xi32, #tpu.memory_space<vmem>>
      %dma_start3A_121 = arith.constant 0 : i32
      %dma_start3A_122 = arith.constant 0 : i32
      %dma_start3A_123 = tpu.memref_slice %arg14[%dma_start3A_121, %dma_start3A_122] : memref<10240x128xf32, #tpu.memory_space<vmem_shared>> -> memref<10240x128xf32, #tpu.memory_space<vmem_shared>>
      tpu.enqueue_indirect_dma source(%arg10 : memref<128x128xf32, #tpu.memory_space<vmem>>) target(%dma_start3A_123 : memref<10240x128xf32, #tpu.memory_space<vmem_shared>>) offsets(%dma_start3A_120 : memref<128xi32, #tpu.memory_space<vmem>>) semaphore(%run_scoped3A : memref<!tpu.dma_semaphore, #tpu.memory_space<semaphore_mem>>) {add = true}
      %dma_wait3A_124 = arith.constant 4736 : i32
      %dma_wait3A_125 = tpu.memref_slice %arg8[%dma_wait3A_124] : memref<5008xi32, #tpu.memory_space<vmem>> -> memref<128xi32, #tpu.memory_space<vmem>>
      %dma_wait3A_126 = arith.constant 0 : i32
      %dma_wait3A_127 = arith.constant 0 : i32
      %dma_wait3A_128 = tpu.memref_slice %arg14[%dma_wait3A_126, %dma_wait3A_127] : memref<10240x128xf32, #tpu.memory_space<vmem_shared>> -> memref<10240x128xf32, #tpu.memory_space<vmem_shared>>
      tpu.wait_indirect_dma semaphore(%run_scoped3A : memref<!tpu.dma_semaphore, #tpu.memory_space<semaphore_mem>>) src(%arg10 : memref<128x128xf32, #tpu.memory_space<vmem>>) dst(%dma_wait3A_128 : memref<10240x128xf32, #tpu.memory_space<vmem_shared>>)
      tpu.yield
    }) : () -> ()
    %dma_start3A_97 = arith.constant 0 : i32
    %dma_start3A_98 = arith.constant 0 : i32
    %dma_start3A_99 = tpu.memref_slice %arg10[%dma_start3A_97, %dma_start3A_98] : memref<128x128xf32, #tpu.memory_space<vmem>> -> memref<16x128xf32, #tpu.memory_space<vmem>>
    %dma_start3A_100 = arith.constant 4992 : i32
    %dma_start3A_101 = tpu.memref_slice %arg7[%dma_start3A_100] : memref<5008xi32, #tpu.memory_space<vmem>> -> memref<16xi32, #tpu.memory_space<vmem>>
    %dma_start3A_102 = arith.constant 0 : i32
    %dma_start3A_103 = arith.constant 0 : i32
    %dma_start3A_104 = tpu.memref_slice %arg2[%dma_start3A_102, %dma_start3A_103] : memref<10000x128xf32, #tpu.memory_space<hbm>> -> memref<10000x128xf32, #tpu.memory_space<hbm>>
    tpu.enqueue_indirect_dma source(%dma_start3A_104 : memref<10000x128xf32, #tpu.memory_space<hbm>>) target(%dma_start3A_99 : memref<16x128xf32, #tpu.memory_space<vmem>>) offsets(%dma_start3A_101 : memref<16xi32, #tpu.memory_space<vmem>>) semaphore(%arg12 : memref<!tpu.dma_semaphore, #tpu.memory_space<semaphore_mem>>)
    %dma_wait3A_105 = arith.constant 4864 : i32
    %dma_wait3A_106 = tpu.memref_slice %arg7[%dma_wait3A_105] : memref<5008xi32, #tpu.memory_space<vmem>> -> memref<128xi32, #tpu.memory_space<vmem>>
    %dma_wait3A_107 = arith.constant 0 : i32
    %dma_wait3A_108 = arith.constant 0 : i32
    %dma_wait3A_109 = tpu.memref_slice %arg2[%dma_wait3A_107, %dma_wait3A_108] : memref<10000x128xf32, #tpu.memory_space<hbm>> -> memref<10000x128xf32, #tpu.memory_space<hbm>>
    tpu.wait_indirect_dma semaphore(%arg11 : memref<!tpu.dma_semaphore, #tpu.memory_space<semaphore_mem>>) src(%dma_wait3A_109 : memref<10000x128xf32, #tpu.memory_space<hbm>>) dst(%arg9 : memref<128x128xf32, #tpu.memory_space<vmem>>)
    "tpu.region"() ({
      %run_scoped3A = tpu.sem_alloc : memref<!tpu.dma_semaphore, #tpu.memory_space<semaphore_mem>>
      %dma_start3A_119 = arith.constant 4864 : i32
      %dma_start3A_120 = tpu.memref_slice %arg8[%dma_start3A_119] : memref<5008xi32, #tpu.memory_space<vmem>> -> memref<128xi32, #tpu.memory_space<vmem>>
      %dma_start3A_121 = arith.constant 0 : i32
      %dma_start3A_122 = arith.constant 0 : i32
      %dma_start3A_123 = tpu.memref_slice %arg14[%dma_start3A_121, %dma_start3A_122] : memref<10240x128xf32, #tpu.memory_space<vmem_shared>> -> memref<10240x128xf32, #tpu.memory_space<vmem_shared>>
      tpu.enqueue_indirect_dma source(%arg9 : memref<128x128xf32, #tpu.memory_space<vmem>>) target(%dma_start3A_123 : memref<10240x128xf32, #tpu.memory_space<vmem_shared>>) offsets(%dma_start3A_120 : memref<128xi32, #tpu.memory_space<vmem>>) semaphore(%run_scoped3A : memref<!tpu.dma_semaphore, #tpu.memory_space<semaphore_mem>>) {add = true}
      %dma_wait3A_124 = arith.constant 4864 : i32
      %dma_wait3A_125 = tpu.memref_slice %arg8[%dma_wait3A_124] : memref<5008xi32, #tpu.memory_space<vmem>> -> memref<128xi32, #tpu.memory_space<vmem>>
      %dma_wait3A_126 = arith.constant 0 : i32
      %dma_wait3A_127 = arith.constant 0 : i32
      %dma_wait3A_128 = tpu.memref_slice %arg14[%dma_wait3A_126, %dma_wait3A_127] : memref<10240x128xf32, #tpu.memory_space<vmem_shared>> -> memref<10240x128xf32, #tpu.memory_space<vmem_shared>>
      tpu.wait_indirect_dma semaphore(%run_scoped3A : memref<!tpu.dma_semaphore, #tpu.memory_space<semaphore_mem>>) src(%arg9 : memref<128x128xf32, #tpu.memory_space<vmem>>) dst(%dma_wait3A_128 : memref<10240x128xf32, #tpu.memory_space<vmem_shared>>)
      tpu.yield
    }) : () -> ()
    %dma_wait3A_110 = arith.constant 0 : i32
    %dma_wait3A_111 = arith.constant 0 : i32
    %dma_wait3A_112 = tpu.memref_slice %arg10[%dma_wait3A_110, %dma_wait3A_111] : memref<128x128xf32, #tpu.memory_space<vmem>> -> memref<16x128xf32, #tpu.memory_space<vmem>>
    %dma_wait3A_113 = arith.constant 4992 : i32
    %dma_wait3A_114 = tpu.memref_slice %arg7[%dma_wait3A_113] : memref<5008xi32, #tpu.memory_space<vmem>> -> memref<16xi32, #tpu.memory_space<vmem>>
    %dma_wait3A_115 = arith.constant 0 : i32
    %dma_wait3A_116 = arith.constant 0 : i32
    %dma_wait3A_117 = tpu.memref_slice %arg2[%dma_wait3A_115, %dma_wait3A_116] : memref<10000x128xf32, #tpu.memory_space<hbm>> -> memref<10000x128xf32, #tpu.memory_space<hbm>>
    tpu.wait_indirect_dma semaphore(%arg12 : memref<!tpu.dma_semaphore, #tpu.memory_space<semaphore_mem>>) src(%dma_wait3A_117 : memref<10000x128xf32, #tpu.memory_space<hbm>>) dst(%dma_wait3A_112 : memref<16x128xf32, #tpu.memory_space<vmem>>)
    "tpu.region"() ({
      %run_scoped3A = tpu.sem_alloc : memref<!tpu.dma_semaphore, #tpu.memory_space<semaphore_mem>>
      %dma_start3A_119 = arith.constant 0 : i32
      %dma_start3A_120 = arith.constant 0 : i32
      %dma_start3A_121 = tpu.memref_slice %arg10[%dma_start3A_119, %dma_start3A_120] : memref<128x128xf32, #tpu.memory_space<vmem>> -> memref<16x128xf32, #tpu.memory_space<vmem>>
      %dma_start3A_122 = arith.constant 4992 : i32
      %dma_start3A_123 = tpu.memref_slice %arg8[%dma_start3A_122] : memref<5008xi32, #tpu.memory_space<vmem>> -> memref<16xi32, #tpu.memory_space<vmem>>
      %dma_start3A_124 = arith.constant 0 : i32
      %dma_start3A_125 = arith.constant 0 : i32
      %dma_start3A_126 = tpu.memref_slice %arg14[%dma_start3A_124, %dma_start3A_125] : memref<10240x128xf32, #tpu.memory_space<vmem_shared>> -> memref<10240x128xf32, #tpu.memory_space<vmem_shared>>
      tpu.enqueue_indirect_dma source(%dma_start3A_121 : memref<16x128xf32, #tpu.memory_space<vmem>>) target(%dma_start3A_126 : memref<10240x128xf32, #tpu.memory_space<vmem_shared>>) offsets(%dma_start3A_123 : memref<16xi32, #tpu.memory_space<vmem>>) semaphore(%run_scoped3A : memref<!tpu.dma_semaphore, #tpu.memory_space<semaphore_mem>>) {add = true}
      %dma_wait3A_127 = arith.constant 0 : i32
      %dma_wait3A_128 = arith.constant 0 : i32
      %dma_wait3A_129 = tpu.memref_slice %arg10[%dma_wait3A_127, %dma_wait3A_128] : memref<128x128xf32, #tpu.memory_space<vmem>> -> memref<16x128xf32, #tpu.memory_space<vmem>>
      %dma_wait3A_130 = arith.constant 4992 : i32
      %dma_wait3A_131 = tpu.memref_slice %arg8[%dma_wait3A_130] : memref<5008xi32, #tpu.memory_space<vmem>> -> memref<16xi32, #tpu.memory_space<vmem>>
      %dma_wait3A_132 = arith.constant 0 : i32
      %dma_wait3A_133 = arith.constant 0 : i32
      %dma_wait3A_134 = tpu.memref_slice %arg14[%dma_wait3A_132, %dma_wait3A_133] : memref<10240x128xf32, #tpu.memory_space<vmem_shared>> -> memref<10240x128xf32, #tpu.memory_space<vmem_shared>>
      tpu.wait_indirect_dma semaphore(%run_scoped3A : memref<!tpu.dma_semaphore, #tpu.memory_space<semaphore_mem>>) src(%dma_wait3A_129 : memref<16x128xf32, #tpu.memory_space<vmem>>) dst(%dma_wait3A_134 : memref<10240x128xf32, #tpu.memory_space<vmem_shared>>)
      tpu.yield
    }) : () -> ()
    %barrier3A_118 = arith.constant 0 : index
    tpu.barrier barrier_id(%barrier3A_118)
    "tpu.region"() ({
      %run_scoped3A = tpu.sem_alloc : memref<!tpu.dma_semaphore, #tpu.memory_space<semaphore_mem>>
      %dma_start3A_119 = arith.constant 0 : i32
      %dma_start3A_120 = tpu.memref_slice %arg6[%arg0, %mul3A_2, %dma_start3A_119] : memref<2x10240x128xf32, #tpu.memory_space<hbm>> -> memref<1x640x128xf32, #tpu.memory_space<hbm>>
      %dma_start3A_121 = tpu.memref_squeeze %dma_start3A_120 : memref<1x640x128xf32, #tpu.memory_space<hbm>> -> memref<640x128xf32, #tpu.memory_space<hbm>>
      %dma_start3A_122 = arith.constant 0 : i32
      %dma_start3A_123 = tpu.memref_slice %arg14[%mul3A_2, %dma_start3A_122] : memref<10240x128xf32, #tpu.memory_space<vmem_shared>> -> memref<640x128xf32, #tpu.memory_space<vmem_shared>>
      tpu.enqueue_dma source(%dma_start3A_123 : memref<640x128xf32, #tpu.memory_space<vmem_shared>>) target(%dma_start3A_121 : memref<640x128xf32, #tpu.memory_space<hbm>>) target_semaphore(%run_scoped3A : memref<!tpu.dma_semaphore, #tpu.memory_space<semaphore_mem>>)
      %dma_wait3A_124 = arith.constant 0 : i32
      %dma_wait3A_125 = tpu.memref_slice %arg6[%arg0, %mul3A_2, %dma_wait3A_124] : memref<2x10240x128xf32, #tpu.memory_space<hbm>> -> memref<1x640x128xf32, #tpu.memory_space<hbm>>
      %dma_wait3A_126 = tpu.memref_squeeze %dma_wait3A_125 : memref<1x640x128xf32, #tpu.memory_space<hbm>> -> memref<640x128xf32, #tpu.memory_space<hbm>>
      %dma_wait3A_127 = arith.constant 0 : i32
      %dma_wait3A_128 = tpu.memref_slice %arg14[%mul3A_2, %dma_wait3A_127] : memref<10240x128xf32, #tpu.memory_space<vmem_shared>> -> memref<640x128xf32, #tpu.memory_space<vmem_shared>>
      tpu.wait_dma2 semaphore(%run_scoped3A : memref<!tpu.dma_semaphore, #tpu.memory_space<semaphore_mem>>) src(%dma_wait3A_128 : memref<640x128xf32, #tpu.memory_space<vmem_shared>>) dst(%dma_wait3A_126 : memref<640x128xf32, #tpu.memory_space<hbm>>)
      tpu.yield
    }) : () -> ()
    return
  }
}

module attributes {stable_mosaic.version = 14 : i64} {
  func.func @_mm_body(%arg0: i32, %arg1: memref<1000x128xf32, #tpu.memory_space<vmem>>, %arg2: memref<128x128xf32, #tpu.memory_space<vmem>>, %arg3: memref<1000x128xf32, #tpu.memory_space<vmem>>) attributes {dimension_semantics = [#tpu.dimension_semantics<arbitrary>], iteration_bounds = array<i64: 10>, scalar_prefetch = 0 : i64, scratch_operands = 0 : i64, tpu.core_type = #tpu.core_type<tc>, window_params = [{transform_indices = @transform_0, window_bounds = array<i64: 1000, 128>}, {pipeline_mode = #tpu.pipeline_mode<synchronous>, transform_indices = @transform_1, window_bounds = array<i64: 128, 128>}, {transform_indices = @transform_2, window_bounds = array<i64: 1000, 128>}]} {
    %get3A = arith.constant 0 : index
    %get3A_0 = arith.constant 0 : index
    %get3A_1 = vector.load %arg1[%get3A, %get3A_0] : memref<1000x128xf32, #tpu.memory_space<vmem>>, vector<1000x128xf32>
    %get3A_2 = arith.constant 0 : index
    %get3A_3 = arith.constant 0 : index
    %get3A_4 = vector.load %arg2[%get3A_2, %get3A_3] : memref<128x128xf32, #tpu.memory_space<vmem>>, vector<128x128xf32>
    %dot_general3A = arith.constant dense<0.000000e+00> : vector<1000x128xf32>
    %dot_general3A_5 = tpu.matmul %get3A_1, %get3A_4, %dot_general3A {dimension_numbers = #tpu.dot_dimension_numbers<[1], [0], [0], [1], [0, 0, 1, 1], [], []>, transpose_lhs_hint = false} : vector<1000x128xf32>, vector<128x128xf32>, vector<1000x128xf32> -> vector<1000x128xf32>
    %swap3A = arith.constant 0 : index
    %swap3A_6 = arith.constant 0 : index
    %swap3A_7 = vector.load %arg3[%swap3A, %swap3A_6] : memref<1000x128xf32, #tpu.memory_space<vmem>>, vector<1000x128xf32>
    tpu.vector_store %arg3[%swap3A, %swap3A_6], %dot_general3A_5 {strides = array<i32>} : memref<1000x128xf32, #tpu.memory_space<vmem>>, vector<1000x128xf32>,
    return
  }
  func.func @transform_0(%arg0: i32) -> (i32, i32) {
    %c0_i32 = arith.constant 0 : i32
    %c0_i32_0 = arith.constant 0 : i32
    return %arg0, %c0_i32 : i32, i32
  }
  func.func @transform_1(%arg0: i32) -> (i32, i32) {
    %c0_i32 = arith.constant 0 : i32
    %c0_i32_0 = arith.constant 0 : i32
    %c0_i32_1 = arith.constant 0 : i32
    return %c0_i32, %c0_i32_0 : i32, i32
  }
  func.func @transform_2(%arg0: i32) -> (i32, i32) {
    %c0_i32 = arith.constant 0 : i32
    %c0_i32_0 = arith.constant 0 : i32
    return %arg0, %c0_i32 : i32, i32
  }
}

module attributes {stable_mosaic.version = 14 : i64} {
  func.func @_gru_body(%arg0: i32, %arg1: memref<1000x128xf32, #tpu.memory_space<vmem>>, %arg2: memref<2x1000x128xf32, #tpu.memory_space<vmem>>, %arg3: memref<128x128xf32, #tpu.memory_space<vmem>>, %arg4: memref<128x128xf32, #tpu.memory_space<vmem>>, %arg5: memref<128x128xf32, #tpu.memory_space<vmem>>, %arg6: memref<128x128xf32, #tpu.memory_space<vmem>>, %arg7: memref<128x128xf32, #tpu.memory_space<vmem>>, %arg8: memref<128x128xf32, #tpu.memory_space<vmem>>, %arg9: memref<3x128xf32, #tpu.memory_space<vmem>>, %arg10: memref<128x128xf32, #tpu.memory_space<vmem>>, %arg11: memref<1000x128xf32, #tpu.memory_space<vmem>>, %arg12: memref<1000x128xf32, #tpu.memory_space<vmem>>) attributes {dimension_semantics = [#tpu.dimension_semantics<arbitrary>], iteration_bounds = array<i64: 10>, scalar_prefetch = 0 : i64, scratch_operands = 0 : i64, tpu.core_type = #tpu.core_type<tc>, window_params = [{transform_indices = @transform_0, window_bounds = array<i64: 1000, 128>}, {transform_indices = @transform_1, window_bounds = array<i64: 2, 1000, 128>}, {pipeline_mode = #tpu.pipeline_mode<synchronous>, transform_indices = @transform_2, window_bounds = array<i64: 128, 128>}, {pipeline_mode = #tpu.pipeline_mode<synchronous>, transform_indices = @transform_3, window_bounds = array<i64: 128, 128>}, {pipeline_mode = #tpu.pipeline_mode<synchronous>, transform_indices = @transform_4, window_bounds = array<i64: 128, 128>}, {pipeline_mode = #tpu.pipeline_mode<synchronous>, transform_indices = @transform_5, window_bounds = array<i64: 128, 128>}, {pipeline_mode = #tpu.pipeline_mode<synchronous>, transform_indices = @transform_6, window_bounds = array<i64: 128, 128>}, {pipeline_mode = #tpu.pipeline_mode<synchronous>, transform_indices = @transform_7, window_bounds = array<i64: 128, 128>}, {pipeline_mode = #tpu.pipeline_mode<synchronous>, transform_indices = @transform_8, window_bounds = array<i64: 3, 128>}, {pipeline_mode = #tpu.pipeline_mode<synchronous>, transform_indices = @transform_9, window_bounds = array<i64: 128, 128>}, {transform_indices = @transform_10, window_bounds = array<i64: 1000, 128>}, {transform_indices = @transform_11, window_bounds = array<i64: 1000, 128>}]} {
    %get3A = arith.constant 0 : index
    %get3A_0 = arith.constant 0 : index
    %get3A_1 = vector.load %arg1[%get3A, %get3A_0] : memref<1000x128xf32, #tpu.memory_space<vmem>>, vector<1000x128xf32>
    %get3A_2 = arith.constant 0 : index
    %get3A_3 = arith.constant 0 : index
    %get3A_4 = arith.constant 0 : index
    %get3A_5 = vector.load %arg2[%get3A_2, %get3A_3, %get3A_4] : memref<2x1000x128xf32, #tpu.memory_space<vmem>>, vector<1x1000x128xf32>
    %get3A_6 = vector.shape_cast %get3A_5 : vector<1x1000x128xf32> to vector<1000x128xf32>
    %get3A_7 = arith.constant 1 : index
    %get3A_8 = arith.constant 0 : index
    %get3A_9 = arith.constant 0 : index
    %get3A_10 = vector.load %arg2[%get3A_7, %get3A_8, %get3A_9] : memref<2x1000x128xf32, #tpu.memory_space<vmem>>, vector<1x1000x128xf32>
    %get3A_11 = vector.shape_cast %get3A_10 : vector<1x1000x128xf32> to vector<1000x128xf32>
    %add3A = arith.addf %get3A_6, %get3A_11 : vector<1000x128xf32>
    %get3A_12 = arith.constant 0 : index
    %get3A_13 = arith.constant 0 : index
    %get3A_14 = vector.load %arg3[%get3A_12, %get3A_13] : memref<128x128xf32, #tpu.memory_space<vmem>>, vector<128x128xf32>
    %dot_general3A = arith.constant dense<0.000000e+00> : vector<1000x128xf32>
    %dot_general3A_15 = tpu.matmul %add3A, %get3A_14, %dot_general3A {dimension_numbers = #tpu.dot_dimension_numbers<[1], [0], [0], [1], [0, 0, 1, 1], [], []>, transpose_lhs_hint = false} : vector<1000x128xf32>, vector<128x128xf32>, vector<1000x128xf32> -> vector<1000x128xf32>
    %get3A_16 = arith.constant 0 : index
    %get3A_17 = arith.constant 0 : index
    %get3A_18 = vector.load %arg4[%get3A_16, %get3A_17] : memref<128x128xf32, #tpu.memory_space<vmem>>, vector<128x128xf32>
    %dot_general3A_19 = arith.constant dense<0.000000e+00> : vector<1000x128xf32>
    %dot_general3A_20 = tpu.matmul %get3A_1, %get3A_18, %dot_general3A_19 {dimension_numbers = #tpu.dot_dimension_numbers<[1], [0], [0], [1], [0, 0, 1, 1], [], []>, transpose_lhs_hint = false} : vector<1000x128xf32>, vector<128x128xf32>, vector<1000x128xf32> -> vector<1000x128xf32>
    %add3A_21 = arith.addf %dot_general3A_15, %dot_general3A_20 : vector<1000x128xf32>
    %get3A_22 = arith.constant 0 : index
    %get3A_23 = arith.constant 0 : index
    %get3A_24 = vector.load %arg9[%get3A_22, %get3A_23] : memref<3x128xf32, #tpu.memory_space<vmem>>, vector<1x128xf32>
    %get3A_25 = vector.shape_cast %get3A_24 : vector<1x128xf32> to vector<128xf32>
    %broadcast_in_dim3A = vector.shape_cast %get3A_25 : vector<128xf32> to vector<1x128xf32>
    %add3A_26 = vector.broadcast %broadcast_in_dim3A : vector<1x128xf32> to vector<1000x128xf32>
    %add3A_27 = arith.addf %add3A_21, %add3A_26 : vector<1000x128xf32>
    %logistic3A = arith.negf %add3A_27 : vector<1000x128xf32>
    %logistic3A_28 = math.exp %logistic3A : vector<1000x128xf32>
    %logistic3A_29 = arith.constant 1.000000e+00 : f32
    %logistic3A_30 = vector.broadcast %logistic3A_29 : f32 to vector<1000x128xf32>
    %logistic3A_31 = arith.addf %logistic3A_30, %logistic3A_28 : vector<1000x128xf32>
    %logistic3A_32 = arith.divf %logistic3A_30, %logistic3A_31 : vector<1000x128xf32>
    %get3A_33 = arith.constant 0 : index
    %get3A_34 = arith.constant 0 : index
    %get3A_35 = vector.load %arg5[%get3A_33, %get3A_34] : memref<128x128xf32, #tpu.memory_space<vmem>>, vector<128x128xf32>
    %dot_general3A_36 = arith.constant dense<0.000000e+00> : vector<1000x128xf32>
    %dot_general3A_37 = tpu.matmul %add3A, %get3A_35, %dot_general3A_36 {dimension_numbers = #tpu.dot_dimension_numbers<[1], [0], [0], [1], [0, 0, 1, 1], [], []>, transpose_lhs_hint = false} : vector<1000x128xf32>, vector<128x128xf32>, vector<1000x128xf32> -> vector<1000x128xf32>
    %get3A_38 = arith.constant 0 : index
    %get3A_39 = arith.constant 0 : index
    %get3A_40 = vector.load %arg6[%get3A_38, %get3A_39] : memref<128x128xf32, #tpu.memory_space<vmem>>, vector<128x128xf32>
    %dot_general3A_41 = arith.constant dense<0.000000e+00> : vector<1000x128xf32>
    %dot_general3A_42 = tpu.matmul %get3A_1, %get3A_40, %dot_general3A_41 {dimension_numbers = #tpu.dot_dimension_numbers<[1], [0], [0], [1], [0, 0, 1, 1], [], []>, transpose_lhs_hint = false} : vector<1000x128xf32>, vector<128x128xf32>, vector<1000x128xf32> -> vector<1000x128xf32>
    %add3A_43 = arith.addf %dot_general3A_37, %dot_general3A_42 : vector<1000x128xf32>
    %get3A_44 = arith.constant 1 : index
    %get3A_45 = arith.constant 0 : index
    %get3A_46 = vector.load %arg9[%get3A_44, %get3A_45] : memref<3x128xf32, #tpu.memory_space<vmem>>, vector<1x128xf32>
    %get3A_47 = vector.shape_cast %get3A_46 : vector<1x128xf32> to vector<128xf32>
    %broadcast_in_dim3A_48 = vector.shape_cast %get3A_47 : vector<128xf32> to vector<1x128xf32>
    %add3A_49 = vector.broadcast %broadcast_in_dim3A_48 : vector<1x128xf32> to vector<1000x128xf32>
    %add3A_50 = arith.addf %add3A_43, %add3A_49 : vector<1000x128xf32>
    %logistic3A_51 = arith.negf %add3A_50 : vector<1000x128xf32>
    %logistic3A_52 = math.exp %logistic3A_51 : vector<1000x128xf32>
    %logistic3A_53 = arith.constant 1.000000e+00 : f32
    %logistic3A_54 = vector.broadcast %logistic3A_53 : f32 to vector<1000x128xf32>
    %logistic3A_55 = arith.addf %logistic3A_54, %logistic3A_52 : vector<1000x128xf32>
    %logistic3A_56 = arith.divf %logistic3A_54, %logistic3A_55 : vector<1000x128xf32>
    %get3A_57 = arith.constant 0 : index
    %get3A_58 = arith.constant 0 : index
    %get3A_59 = vector.load %arg7[%get3A_57, %get3A_58] : memref<128x128xf32, #tpu.memory_space<vmem>>, vector<128x128xf32>
    %dot_general3A_60 = arith.constant dense<0.000000e+00> : vector<1000x128xf32>
    %dot_general3A_61 = tpu.matmul %add3A, %get3A_59, %dot_general3A_60 {dimension_numbers = #tpu.dot_dimension_numbers<[1], [0], [0], [1], [0, 0, 1, 1], [], []>, transpose_lhs_hint = false} : vector<1000x128xf32>, vector<128x128xf32>, vector<1000x128xf32> -> vector<1000x128xf32>
    %mul3A = arith.mulf %logistic3A_56, %get3A_1 : vector<1000x128xf32>
    %get3A_62 = arith.constant 0 : index
    %get3A_63 = arith.constant 0 : index
    %get3A_64 = vector.load %arg8[%get3A_62, %get3A_63] : memref<128x128xf32, #tpu.memory_space<vmem>>, vector<128x128xf32>
    %dot_general3A_65 = arith.constant dense<0.000000e+00> : vector<1000x128xf32>
    %dot_general3A_66 = tpu.matmul %mul3A, %get3A_64, %dot_general3A_65 {dimension_numbers = #tpu.dot_dimension_numbers<[1], [0], [0], [1], [0, 0, 1, 1], [], []>, transpose_lhs_hint = false} : vector<1000x128xf32>, vector<128x128xf32>, vector<1000x128xf32> -> vector<1000x128xf32>
    %add3A_67 = arith.addf %dot_general3A_61, %dot_general3A_66 : vector<1000x128xf32>
    %get3A_68 = arith.constant 2 : index
    %get3A_69 = arith.constant 0 : index
    %get3A_70 = vector.load %arg9[%get3A_68, %get3A_69] : memref<3x128xf32, #tpu.memory_space<vmem>>, vector<1x128xf32>
    %get3A_71 = vector.shape_cast %get3A_70 : vector<1x128xf32> to vector<128xf32>
    %broadcast_in_dim3A_72 = vector.shape_cast %get3A_71 : vector<128xf32> to vector<1x128xf32>
    %add3A_73 = vector.broadcast %broadcast_in_dim3A_72 : vector<1x128xf32> to vector<1000x128xf32>
    %add3A_74 = arith.addf %add3A_67, %add3A_73 : vector<1000x128xf32>
    %tanh3A = math.tanh %add3A_74 : vector<1000x128xf32>
    %sub3A = arith.constant 1.000000e+00 : f32
    %sub3A_75 = vector.broadcast %sub3A : f32 to vector<1000x128xf32>
    %sub3A_76 = arith.subf %sub3A_75, %logistic3A_32 : vector<1000x128xf32>
    %mul3A_77 = arith.mulf %sub3A_76, %get3A_1 : vector<1000x128xf32>
    %mul3A_78 = arith.mulf %logistic3A_32, %tanh3A : vector<1000x128xf32>
    %add3A_79 = arith.addf %mul3A_77, %mul3A_78 : vector<1000x128xf32>
    %swap3A = arith.constant 0 : index
    %swap3A_80 = arith.constant 0 : index
    %swap3A_81 = vector.load %arg11[%swap3A, %swap3A_80] : memref<1000x128xf32, #tpu.memory_space<vmem>>, vector<1000x128xf32>
    tpu.vector_store %arg11[%swap3A, %swap3A_80], %add3A_79 {strides = array<i32>} : memref<1000x128xf32, #tpu.memory_space<vmem>>, vector<1000x128xf32>,
    %get3A_82 = arith.constant 0 : index
    %get3A_83 = arith.constant 0 : index
    %get3A_84 = vector.load %arg10[%get3A_82, %get3A_83] : memref<128x128xf32, #tpu.memory_space<vmem>>, vector<128x128xf32>
    %dot_general3A_85 = arith.constant dense<0.000000e+00> : vector<1000x128xf32>
    %dot_general3A_86 = tpu.matmul %add3A_79, %get3A_84, %dot_general3A_85 {dimension_numbers = #tpu.dot_dimension_numbers<[1], [0], [0], [1], [0, 0, 1, 1], [], []>, transpose_lhs_hint = false} : vector<1000x128xf32>, vector<128x128xf32>, vector<1000x128xf32> -> vector<1000x128xf32>
    %swap3A_87 = arith.constant 0 : index
    %swap3A_88 = arith.constant 0 : index
    %swap3A_89 = vector.load %arg12[%swap3A_87, %swap3A_88] : memref<1000x128xf32, #tpu.memory_space<vmem>>, vector<1000x128xf32>
    tpu.vector_store %arg12[%swap3A_87, %swap3A_88], %dot_general3A_86 {strides = array<i32>} : memref<1000x128xf32, #tpu.memory_space<vmem>>, vector<1000x128xf32>,
    return
  }
  func.func @transform_0(%arg0: i32) -> (i32, i32) {
    %c0_i32 = arith.constant 0 : i32
    %c0_i32_0 = arith.constant 0 : i32
    return %arg0, %c0_i32 : i32, i32
  }
  func.func @transform_1(%arg0: i32) -> (i32, i32, i32) {
    %c0_i32 = arith.constant 0 : i32
    %c0_i32_0 = arith.constant 0 : i32
    %c0_i32_1 = arith.constant 0 : i32
    return %c0_i32, %arg0, %c0_i32_0 : i32, i32, i32
  }
  func.func @transform_2(%arg0: i32) -> (i32, i32) {
    %c0_i32 = arith.constant 0 : i32
    %c0_i32_0 = arith.constant 0 : i32
    %c0_i32_1 = arith.constant 0 : i32
    return %c0_i32, %c0_i32_0 : i32, i32
  }
  func.func @transform_3(%arg0: i32) -> (i32, i32) {
    %c0_i32 = arith.constant 0 : i32
    %c0_i32_0 = arith.constant 0 : i32
    %c0_i32_1 = arith.constant 0 : i32
    return %c0_i32, %c0_i32_0 : i32, i32
  }
  func.func @transform_4(%arg0: i32) -> (i32, i32) {
    %c0_i32 = arith.constant 0 : i32
    %c0_i32_0 = arith.constant 0 : i32
    %c0_i32_1 = arith.constant 0 : i32
    return %c0_i32, %c0_i32_0 : i32, i32
  }
  func.func @transform_5(%arg0: i32) -> (i32, i32) {
    %c0_i32 = arith.constant 0 : i32
    %c0_i32_0 = arith.constant 0 : i32
    %c0_i32_1 = arith.constant 0 : i32
    return %c0_i32, %c0_i32_0 : i32, i32
  }
  func.func @transform_6(%arg0: i32) -> (i32, i32) {
    %c0_i32 = arith.constant 0 : i32
    %c0_i32_0 = arith.constant 0 : i32
    %c0_i32_1 = arith.constant 0 : i32
    return %c0_i32, %c0_i32_0 : i32, i32
  }
  func.func @transform_7(%arg0: i32) -> (i32, i32) {
    %c0_i32 = arith.constant 0 : i32
    %c0_i32_0 = arith.constant 0 : i32
    %c0_i32_1 = arith.constant 0 : i32
    return %c0_i32, %c0_i32_0 : i32, i32
  }
  func.func @transform_8(%arg0: i32) -> (i32, i32) {
    %c0_i32 = arith.constant 0 : i32
    %c0_i32_0 = arith.constant 0 : i32
    %c0_i32_1 = arith.constant 0 : i32
    return %c0_i32, %c0_i32_0 : i32, i32
  }
  func.func @transform_9(%arg0: i32) -> (i32, i32) {
    %c0_i32 = arith.constant 0 : i32
    %c0_i32_0 = arith.constant 0 : i32
    %c0_i32_1 = arith.constant 0 : i32
    return %c0_i32, %c0_i32_0 : i32, i32
  }
  func.func @transform_10(%arg0: i32) -> (i32, i32) {
    %c0_i32 = arith.constant 0 : i32
    %c0_i32_0 = arith.constant 0 : i32
    return %arg0, %c0_i32 : i32, i32
  }
  func.func @transform_11(%arg0: i32) -> (i32, i32) {
    %c0_i32 = arith.constant 0 : i32
    %c0_i32_0 = arith.constant 0 : i32
    return %arg0, %c0_i32 : i32, i32
  }
}

module attributes {stable_mosaic.version = 14 : i64} {
  func.func @_gru_body(%arg0: i32, %arg1: memref<1000x128xf32, #tpu.memory_space<vmem>>, %arg2: memref<2x1000x128xf32, #tpu.memory_space<vmem>>, %arg3: memref<128x128xf32, #tpu.memory_space<vmem>>, %arg4: memref<128x128xf32, #tpu.memory_space<vmem>>, %arg5: memref<128x128xf32, #tpu.memory_space<vmem>>, %arg6: memref<128x128xf32, #tpu.memory_space<vmem>>, %arg7: memref<128x128xf32, #tpu.memory_space<vmem>>, %arg8: memref<128x128xf32, #tpu.memory_space<vmem>>, %arg9: memref<3x128xf32, #tpu.memory_space<vmem>>, %arg10: memref<128x128xf32, #tpu.memory_space<vmem>>, %arg11: memref<1000x128xf32, #tpu.memory_space<vmem>>, %arg12: memref<1000x128xf32, #tpu.memory_space<vmem>>) attributes {dimension_semantics = [#tpu.dimension_semantics<arbitrary>], iteration_bounds = array<i64: 10>, scalar_prefetch = 0 : i64, scratch_operands = 0 : i64, tpu.core_type = #tpu.core_type<tc>, window_params = [{transform_indices = @transform_0, window_bounds = array<i64: 1000, 128>}, {transform_indices = @transform_1, window_bounds = array<i64: 2, 1000, 128>}, {pipeline_mode = #tpu.pipeline_mode<synchronous>, transform_indices = @transform_2, window_bounds = array<i64: 128, 128>}, {pipeline_mode = #tpu.pipeline_mode<synchronous>, transform_indices = @transform_3, window_bounds = array<i64: 128, 128>}, {pipeline_mode = #tpu.pipeline_mode<synchronous>, transform_indices = @transform_4, window_bounds = array<i64: 128, 128>}, {pipeline_mode = #tpu.pipeline_mode<synchronous>, transform_indices = @transform_5, window_bounds = array<i64: 128, 128>}, {pipeline_mode = #tpu.pipeline_mode<synchronous>, transform_indices = @transform_6, window_bounds = array<i64: 128, 128>}, {pipeline_mode = #tpu.pipeline_mode<synchronous>, transform_indices = @transform_7, window_bounds = array<i64: 128, 128>}, {pipeline_mode = #tpu.pipeline_mode<synchronous>, transform_indices = @transform_8, window_bounds = array<i64: 3, 128>}, {pipeline_mode = #tpu.pipeline_mode<synchronous>, transform_indices = @transform_9, window_bounds = array<i64: 128, 128>}, {transform_indices = @transform_10, window_bounds = array<i64: 1000, 128>}, {transform_indices = @transform_11, window_bounds = array<i64: 1000, 128>}]} {
    %get3A = arith.constant 0 : index
    %get3A_0 = arith.constant 0 : index
    %get3A_1 = vector.load %arg1[%get3A, %get3A_0] : memref<1000x128xf32, #tpu.memory_space<vmem>>, vector<1000x128xf32>
    %get3A_2 = arith.constant 0 : index
    %get3A_3 = arith.constant 0 : index
    %get3A_4 = arith.constant 0 : index
    %get3A_5 = vector.load %arg2[%get3A_2, %get3A_3, %get3A_4] : memref<2x1000x128xf32, #tpu.memory_space<vmem>>, vector<1x1000x128xf32>
    %get3A_6 = vector.shape_cast %get3A_5 : vector<1x1000x128xf32> to vector<1000x128xf32>
    %get3A_7 = arith.constant 1 : index
    %get3A_8 = arith.constant 0 : index
    %get3A_9 = arith.constant 0 : index
    %get3A_10 = vector.load %arg2[%get3A_7, %get3A_8, %get3A_9] : memref<2x1000x128xf32, #tpu.memory_space<vmem>>, vector<1x1000x128xf32>
    %get3A_11 = vector.shape_cast %get3A_10 : vector<1x1000x128xf32> to vector<1000x128xf32>
    %add3A = arith.addf %get3A_6, %get3A_11 : vector<1000x128xf32>
    %get3A_12 = arith.constant 0 : index
    %get3A_13 = arith.constant 0 : index
    %get3A_14 = vector.load %arg3[%get3A_12, %get3A_13] : memref<128x128xf32, #tpu.memory_space<vmem>>, vector<128x128xf32>
    %dot_general3A = arith.constant dense<0.000000e+00> : vector<1000x128xf32>
    %dot_general3A_15 = tpu.matmul %add3A, %get3A_14, %dot_general3A {dimension_numbers = #tpu.dot_dimension_numbers<[1], [0], [0], [1], [0, 0, 1, 1], [], []>, transpose_lhs_hint = false} : vector<1000x128xf32>, vector<128x128xf32>, vector<1000x128xf32> -> vector<1000x128xf32>
    %get3A_16 = arith.constant 0 : index
    %get3A_17 = arith.constant 0 : index
    %get3A_18 = vector.load %arg4[%get3A_16, %get3A_17] : memref<128x128xf32, #tpu.memory_space<vmem>>, vector<128x128xf32>
    %dot_general3A_19 = arith.constant dense<0.000000e+00> : vector<1000x128xf32>
    %dot_general3A_20 = tpu.matmul %get3A_1, %get3A_18, %dot_general3A_19 {dimension_numbers = #tpu.dot_dimension_numbers<[1], [0], [0], [1], [0, 0, 1, 1], [], []>, transpose_lhs_hint = false} : vector<1000x128xf32>, vector<128x128xf32>, vector<1000x128xf32> -> vector<1000x128xf32>
    %add3A_21 = arith.addf %dot_general3A_15, %dot_general3A_20 : vector<1000x128xf32>
    %get3A_22 = arith.constant 0 : index
    %get3A_23 = arith.constant 0 : index
    %get3A_24 = vector.load %arg9[%get3A_22, %get3A_23] : memref<3x128xf32, #tpu.memory_space<vmem>>, vector<1x128xf32>
    %get3A_25 = vector.shape_cast %get3A_24 : vector<1x128xf32> to vector<128xf32>
    %broadcast_in_dim3A = vector.shape_cast %get3A_25 : vector<128xf32> to vector<1x128xf32>
    %add3A_26 = vector.broadcast %broadcast_in_dim3A : vector<1x128xf32> to vector<1000x128xf32>
    %add3A_27 = arith.addf %add3A_21, %add3A_26 : vector<1000x128xf32>
    %logistic3A = arith.negf %add3A_27 : vector<1000x128xf32>
    %logistic3A_28 = math.exp %logistic3A : vector<1000x128xf32>
    %logistic3A_29 = arith.constant 1.000000e+00 : f32
    %logistic3A_30 = vector.broadcast %logistic3A_29 : f32 to vector<1000x128xf32>
    %logistic3A_31 = arith.addf %logistic3A_30, %logistic3A_28 : vector<1000x128xf32>
    %logistic3A_32 = arith.divf %logistic3A_30, %logistic3A_31 : vector<1000x128xf32>
    %get3A_33 = arith.constant 0 : index
    %get3A_34 = arith.constant 0 : index
    %get3A_35 = vector.load %arg5[%get3A_33, %get3A_34] : memref<128x128xf32, #tpu.memory_space<vmem>>, vector<128x128xf32>
    %dot_general3A_36 = arith.constant dense<0.000000e+00> : vector<1000x128xf32>
    %dot_general3A_37 = tpu.matmul %add3A, %get3A_35, %dot_general3A_36 {dimension_numbers = #tpu.dot_dimension_numbers<[1], [0], [0], [1], [0, 0, 1, 1], [], []>, transpose_lhs_hint = false} : vector<1000x128xf32>, vector<128x128xf32>, vector<1000x128xf32> -> vector<1000x128xf32>
    %get3A_38 = arith.constant 0 : index
    %get3A_39 = arith.constant 0 : index
    %get3A_40 = vector.load %arg6[%get3A_38, %get3A_39] : memref<128x128xf32, #tpu.memory_space<vmem>>, vector<128x128xf32>
    %dot_general3A_41 = arith.constant dense<0.000000e+00> : vector<1000x128xf32>
    %dot_general3A_42 = tpu.matmul %get3A_1, %get3A_40, %dot_general3A_41 {dimension_numbers = #tpu.dot_dimension_numbers<[1], [0], [0], [1], [0, 0, 1, 1], [], []>, transpose_lhs_hint = false} : vector<1000x128xf32>, vector<128x128xf32>, vector<1000x128xf32> -> vector<1000x128xf32>
    %add3A_43 = arith.addf %dot_general3A_37, %dot_general3A_42 : vector<1000x128xf32>
    %get3A_44 = arith.constant 1 : index
    %get3A_45 = arith.constant 0 : index
    %get3A_46 = vector.load %arg9[%get3A_44, %get3A_45] : memref<3x128xf32, #tpu.memory_space<vmem>>, vector<1x128xf32>
    %get3A_47 = vector.shape_cast %get3A_46 : vector<1x128xf32> to vector<128xf32>
    %broadcast_in_dim3A_48 = vector.shape_cast %get3A_47 : vector<128xf32> to vector<1x128xf32>
    %add3A_49 = vector.broadcast %broadcast_in_dim3A_48 : vector<1x128xf32> to vector<1000x128xf32>
    %add3A_50 = arith.addf %add3A_43, %add3A_49 : vector<1000x128xf32>
    %logistic3A_51 = arith.negf %add3A_50 : vector<1000x128xf32>
    %logistic3A_52 = math.exp %logistic3A_51 : vector<1000x128xf32>
    %logistic3A_53 = arith.constant 1.000000e+00 : f32
    %logistic3A_54 = vector.broadcast %logistic3A_53 : f32 to vector<1000x128xf32>
    %logistic3A_55 = arith.addf %logistic3A_54, %logistic3A_52 : vector<1000x128xf32>
    %logistic3A_56 = arith.divf %logistic3A_54, %logistic3A_55 : vector<1000x128xf32>
    %get3A_57 = arith.constant 0 : index
    %get3A_58 = arith.constant 0 : index
    %get3A_59 = vector.load %arg7[%get3A_57, %get3A_58] : memref<128x128xf32, #tpu.memory_space<vmem>>, vector<128x128xf32>
    %dot_general3A_60 = arith.constant dense<0.000000e+00> : vector<1000x128xf32>
    %dot_general3A_61 = tpu.matmul %add3A, %get3A_59, %dot_general3A_60 {dimension_numbers = #tpu.dot_dimension_numbers<[1], [0], [0], [1], [0, 0, 1, 1], [], []>, transpose_lhs_hint = false} : vector<1000x128xf32>, vector<128x128xf32>, vector<1000x128xf32> -> vector<1000x128xf32>
    %mul3A = arith.mulf %logistic3A_56, %get3A_1 : vector<1000x128xf32>
    %get3A_62 = arith.constant 0 : index
    %get3A_63 = arith.constant 0 : index
    %get3A_64 = vector.load %arg8[%get3A_62, %get3A_63] : memref<128x128xf32, #tpu.memory_space<vmem>>, vector<128x128xf32>
    %dot_general3A_65 = arith.constant dense<0.000000e+00> : vector<1000x128xf32>
    %dot_general3A_66 = tpu.matmul %mul3A, %get3A_64, %dot_general3A_65 {dimension_numbers = #tpu.dot_dimension_numbers<[1], [0], [0], [1], [0, 0, 1, 1], [], []>, transpose_lhs_hint = false} : vector<1000x128xf32>, vector<128x128xf32>, vector<1000x128xf32> -> vector<1000x128xf32>
    %add3A_67 = arith.addf %dot_general3A_61, %dot_general3A_66 : vector<1000x128xf32>
    %get3A_68 = arith.constant 2 : index
    %get3A_69 = arith.constant 0 : index
    %get3A_70 = vector.load %arg9[%get3A_68, %get3A_69] : memref<3x128xf32, #tpu.memory_space<vmem>>, vector<1x128xf32>
    %get3A_71 = vector.shape_cast %get3A_70 : vector<1x128xf32> to vector<128xf32>
    %broadcast_in_dim3A_72 = vector.shape_cast %get3A_71 : vector<128xf32> to vector<1x128xf32>
    %add3A_73 = vector.broadcast %broadcast_in_dim3A_72 : vector<1x128xf32> to vector<1000x128xf32>
    %add3A_74 = arith.addf %add3A_67, %add3A_73 : vector<1000x128xf32>
    %tanh3A = math.tanh %add3A_74 : vector<1000x128xf32>
    %sub3A = arith.constant 1.000000e+00 : f32
    %sub3A_75 = vector.broadcast %sub3A : f32 to vector<1000x128xf32>
    %sub3A_76 = arith.subf %sub3A_75, %logistic3A_32 : vector<1000x128xf32>
    %mul3A_77 = arith.mulf %sub3A_76, %get3A_1 : vector<1000x128xf32>
    %mul3A_78 = arith.mulf %logistic3A_32, %tanh3A : vector<1000x128xf32>
    %add3A_79 = arith.addf %mul3A_77, %mul3A_78 : vector<1000x128xf32>
    %swap3A = arith.constant 0 : index
    %swap3A_80 = arith.constant 0 : index
    %swap3A_81 = vector.load %arg11[%swap3A, %swap3A_80] : memref<1000x128xf32, #tpu.memory_space<vmem>>, vector<1000x128xf32>
    tpu.vector_store %arg11[%swap3A, %swap3A_80], %add3A_79 {strides = array<i32>} : memref<1000x128xf32, #tpu.memory_space<vmem>>, vector<1000x128xf32>,
    %get3A_82 = arith.constant 0 : index
    %get3A_83 = arith.constant 0 : index
    %get3A_84 = vector.load %arg10[%get3A_82, %get3A_83] : memref<128x128xf32, #tpu.memory_space<vmem>>, vector<128x128xf32>
    %dot_general3A_85 = arith.constant dense<0.000000e+00> : vector<1000x128xf32>
    %dot_general3A_86 = tpu.matmul %add3A_79, %get3A_84, %dot_general3A_85 {dimension_numbers = #tpu.dot_dimension_numbers<[1], [0], [0], [1], [0, 0, 1, 1], [], []>, transpose_lhs_hint = false} : vector<1000x128xf32>, vector<128x128xf32>, vector<1000x128xf32> -> vector<1000x128xf32>
    %swap3A_87 = arith.constant 0 : index
    %swap3A_88 = arith.constant 0 : index
    %swap3A_89 = vector.load %arg12[%swap3A_87, %swap3A_88] : memref<1000x128xf32, #tpu.memory_space<vmem>>, vector<1000x128xf32>
    tpu.vector_store %arg12[%swap3A_87, %swap3A_88], %dot_general3A_86 {strides = array<i32>} : memref<1000x128xf32, #tpu.memory_space<vmem>>, vector<1000x128xf32>,
    return
  }
  func.func @transform_0(%arg0: i32) -> (i32, i32) {
    %c0_i32 = arith.constant 0 : i32
    %c0_i32_0 = arith.constant 0 : i32
    return %arg0, %c0_i32 : i32, i32
  }
  func.func @transform_1(%arg0: i32) -> (i32, i32, i32) {
    %c0_i32 = arith.constant 0 : i32
    %c0_i32_0 = arith.constant 0 : i32
    %c0_i32_1 = arith.constant 0 : i32
    return %c0_i32, %arg0, %c0_i32_0 : i32, i32, i32
  }
  func.func @transform_2(%arg0: i32) -> (i32, i32) {
    %c0_i32 = arith.constant 0 : i32
    %c0_i32_0 = arith.constant 0 : i32
    %c0_i32_1 = arith.constant 0 : i32
    return %c0_i32, %c0_i32_0 : i32, i32
  }
  func.func @transform_3(%arg0: i32) -> (i32, i32) {
    %c0_i32 = arith.constant 0 : i32
    %c0_i32_0 = arith.constant 0 : i32
    %c0_i32_1 = arith.constant 0 : i32
    return %c0_i32, %c0_i32_0 : i32, i32
  }
  func.func @transform_4(%arg0: i32) -> (i32, i32) {
    %c0_i32 = arith.constant 0 : i32
    %c0_i32_0 = arith.constant 0 : i32
    %c0_i32_1 = arith.constant 0 : i32
    return %c0_i32, %c0_i32_0 : i32, i32
  }
  func.func @transform_5(%arg0: i32) -> (i32, i32) {
    %c0_i32 = arith.constant 0 : i32
    %c0_i32_0 = arith.constant 0 : i32
    %c0_i32_1 = arith.constant 0 : i32
    return %c0_i32, %c0_i32_0 : i32, i32
  }
  func.func @transform_6(%arg0: i32) -> (i32, i32) {
    %c0_i32 = arith.constant 0 : i32
    %c0_i32_0 = arith.constant 0 : i32
    %c0_i32_1 = arith.constant 0 : i32
    return %c0_i32, %c0_i32_0 : i32, i32
  }
  func.func @transform_7(%arg0: i32) -> (i32, i32) {
    %c0_i32 = arith.constant 0 : i32
    %c0_i32_0 = arith.constant 0 : i32
    %c0_i32_1 = arith.constant 0 : i32
    return %c0_i32, %c0_i32_0 : i32, i32
  }
  func.func @transform_8(%arg0: i32) -> (i32, i32) {
    %c0_i32 = arith.constant 0 : i32
    %c0_i32_0 = arith.constant 0 : i32
    %c0_i32_1 = arith.constant 0 : i32
    return %c0_i32, %c0_i32_0 : i32, i32
  }
  func.func @transform_9(%arg0: i32) -> (i32, i32) {
    %c0_i32 = arith.constant 0 : i32
    %c0_i32_0 = arith.constant 0 : i32
    %c0_i32_1 = arith.constant 0 : i32
    return %c0_i32, %c0_i32_0 : i32, i32
  }
  func.func @transform_10(%arg0: i32) -> (i32, i32) {
    %c0_i32 = arith.constant 0 : i32
    %c0_i32_0 = arith.constant 0 : i32
    return %arg0, %c0_i32 : i32, i32
  }
  func.func @transform_11(%arg0: i32) -> (i32, i32) {
    %c0_i32 = arith.constant 0 : i32
    %c0_i32_0 = arith.constant 0 : i32
    return %arg0, %c0_i32 : i32, i32
  }
}

module attributes {stable_mosaic.version = 14 : i64} {
  func.func @_readout_body(%arg0: memref<10000x128xf32, #tpu.memory_space<vmem>>, %arg1: memref<10000x128xf32, #tpu.memory_space<vmem>>, %arg2: memref<3x256x128xf32, #tpu.memory_space<vmem>>, %arg3: memref<1x128xf32, #tpu.memory_space<vmem>>, %arg4: memref<3x128x128xf32, #tpu.memory_space<vmem>>, %arg5: memref<1x128xf32, #tpu.memory_space<vmem>>, %arg6: memref<3x128x128xf32, #tpu.memory_space<vmem>>, %arg7: memref<1x128xf32, #tpu.memory_space<vmem>>, %arg8: memref<3x128x128xf32, #tpu.memory_space<vmem>>, %arg9: memref<1x128xf32, #tpu.memory_space<vmem>>, %arg10: memref<128x2xf32, #tpu.memory_space<vmem>>, %arg11: memref<1x2xf32, #tpu.memory_space<vmem>>, %arg12: memref<128x2xf32, #tpu.memory_space<vmem>>, %arg13: memref<1x2xf32, #tpu.memory_space<vmem>>, %arg14: memref<1x2xf32, #tpu.memory_space<vmem>>) attributes {dimension_semantics = [], scalar_prefetch = 0 : i64, scratch_operands = 0 : i64, tpu.core_type = #tpu.core_type<tc>} {
    %get3A = arith.constant 0 : index
    %get3A_0 = arith.constant 0 : index
    %get3A_1 = vector.load %arg0[%get3A, %get3A_0] : memref<10000x128xf32, #tpu.memory_space<vmem>>, vector<10000x128xf32>
    %get3A_2 = arith.constant 0 : index
    %get3A_3 = arith.constant 0 : index
    %get3A_4 = vector.load %arg1[%get3A_2, %get3A_3] : memref<10000x128xf32, #tpu.memory_space<vmem>>, vector<10000x128xf32>
    %concatenate3A = tpu.concatenate %get3A_1, %get3A_4 in 1 : vector<10000x128xf32>, vector<10000x128xf32> -> vector<10000x256xf32>
    %broadcast_in_dim3A = arith.constant 0.000000e+00 : f32
    %broadcast_in_dim3A_5 = vector.broadcast %broadcast_in_dim3A : f32 to vector<1x256xf32>
    %slice3A = vector.extract_strided_slice %concatenate3A {offsets = [0, 0], sizes = [9999, 256], strides = [1, 1]} : vector<10000x256xf32> to vector<9999x256xf32>
    %concatenate3A_6 = tpu.concatenate %broadcast_in_dim3A_5, %slice3A in 0 : vector<1x256xf32>, vector<9999x256xf32> -> vector<10000x256xf32>
    %get3A_7 = arith.constant 0 : index
    %get3A_8 = arith.constant 0 : index
    %get3A_9 = arith.constant 0 : index
    %get3A_10 = vector.load %arg2[%get3A_7, %get3A_8, %get3A_9] : memref<3x256x128xf32, #tpu.memory_space<vmem>>, vector<1x256x128xf32>
    %get3A_11 = vector.shape_cast %get3A_10 : vector<1x256x128xf32> to vector<256x128xf32>
    %dot_general3A = arith.constant dense<0.000000e+00> : vector<10000x128xf32>
    %dot_general3A_12 = tpu.matmul %concatenate3A_6, %get3A_11, %dot_general3A {dimension_numbers = #tpu.dot_dimension_numbers<[1], [0], [0], [1], [0, 0, 1, 1], [], []>, transpose_lhs_hint = false} : vector<10000x256xf32>, vector<256x128xf32>, vector<10000x128xf32> -> vector<10000x128xf32>
    %get3A_13 = arith.constant 1 : index
    %get3A_14 = arith.constant 0 : index
    %get3A_15 = arith.constant 0 : index
    %get3A_16 = vector.load %arg2[%get3A_13, %get3A_14, %get3A_15] : memref<3x256x128xf32, #tpu.memory_space<vmem>>, vector<1x256x128xf32>
    %get3A_17 = vector.shape_cast %get3A_16 : vector<1x256x128xf32> to vector<256x128xf32>
    %dot_general3A_18 = arith.constant dense<0.000000e+00> : vector<10000x128xf32>
    %dot_general3A_19 = tpu.matmul %concatenate3A, %get3A_17, %dot_general3A_18 {dimension_numbers = #tpu.dot_dimension_numbers<[1], [0], [0], [1], [0, 0, 1, 1], [], []>, transpose_lhs_hint = false} : vector<10000x256xf32>, vector<256x128xf32>, vector<10000x128xf32> -> vector<10000x128xf32>
    %add3A = arith.addf %dot_general3A_12, %dot_general3A_19 : vector<10000x128xf32>
    %slice3A_20 = vector.extract_strided_slice %concatenate3A {offsets = [1, 0], sizes = [9999, 256], strides = [1, 1]} : vector<10000x256xf32> to vector<9999x256xf32>
    %broadcast_in_dim3A_21 = arith.constant 0.000000e+00 : f32
    %broadcast_in_dim3A_22 = vector.broadcast %broadcast_in_dim3A_21 : f32 to vector<1x256xf32>
    %concatenate3A_23 = tpu.concatenate %slice3A_20, %broadcast_in_dim3A_22 in 0 : vector<9999x256xf32>, vector<1x256xf32> -> vector<10000x256xf32>
    %get3A_24 = arith.constant 2 : index
    %get3A_25 = arith.constant 0 : index
    %get3A_26 = arith.constant 0 : index
    %get3A_27 = vector.load %arg2[%get3A_24, %get3A_25, %get3A_26] : memref<3x256x128xf32, #tpu.memory_space<vmem>>, vector<1x256x128xf32>
    %get3A_28 = vector.shape_cast %get3A_27 : vector<1x256x128xf32> to vector<256x128xf32>
    %dot_general3A_29 = arith.constant dense<0.000000e+00> : vector<10000x128xf32>
    %dot_general3A_30 = tpu.matmul %concatenate3A_23, %get3A_28, %dot_general3A_29 {dimension_numbers = #tpu.dot_dimension_numbers<[1], [0], [0], [1], [0, 0, 1, 1], [], []>, transpose_lhs_hint = false} : vector<10000x256xf32>, vector<256x128xf32>, vector<10000x128xf32> -> vector<10000x128xf32>
    %add3A_31 = arith.addf %add3A, %dot_general3A_30 : vector<10000x128xf32>
    %get3A_32 = arith.constant 0 : index
    %get3A_33 = arith.constant 0 : index
    %get3A_34 = vector.load %arg3[%get3A_32, %get3A_33] : memref<1x128xf32, #tpu.memory_space<vmem>>, vector<1x128xf32>
    %get3A_35 = vector.shape_cast %get3A_34 : vector<1x128xf32> to vector<128xf32>
    %broadcast_in_dim3A_36 = vector.shape_cast %get3A_35 : vector<128xf32> to vector<1x128xf32>
    %add3A_37 = vector.broadcast %broadcast_in_dim3A_36 : vector<1x128xf32> to vector<10000x128xf32>
    %add3A_38 = arith.addf %add3A_31, %add3A_37 : vector<10000x128xf32>
    %max3A = arith.constant 0.000000e+00 : f32
    %max3A_39 = vector.broadcast %max3A : f32 to vector<10000x128xf32>
    %max3A_40 = arith.maximumf %add3A_38, %max3A_39 : vector<10000x128xf32>
    %reshape3A = vector.shape_cast %max3A_40 : vector<10000x128xf32> to vector<5000x2x128xf32>
    %slice3A_41 = vector.extract_strided_slice %reshape3A {offsets = [0, 0, 0], sizes = [5000, 1, 128], strides = [1, 1, 1]} : vector<5000x2x128xf32> to vector<5000x1x128xf32>
    %squeeze3A = vector.shape_cast %slice3A_41 : vector<5000x1x128xf32> to vector<5000x128xf32>
    %slice3A_42 = vector.extract_strided_slice %reshape3A {offsets = [0, 1, 0], sizes = [5000, 1, 128], strides = [1, 1, 1]} : vector<5000x2x128xf32> to vector<5000x1x128xf32>
    %squeeze3A_43 = vector.shape_cast %slice3A_42 : vector<5000x1x128xf32> to vector<5000x128xf32>
    %max3A_44 = arith.maximumf %squeeze3A, %squeeze3A_43 : vector<5000x128xf32>
    %broadcast_in_dim3A_45 = arith.constant 0.000000e+00 : f32
    %broadcast_in_dim3A_46 = vector.broadcast %broadcast_in_dim3A_45 : f32 to vector<1x128xf32>
    %slice3A_47 = vector.extract_strided_slice %squeeze3A_43 {offsets = [0, 0], sizes = [4999, 128], strides = [1, 1]} : vector<5000x128xf32> to vector<4999x128xf32>
    %concatenate3A_48 = tpu.concatenate %broadcast_in_dim3A_46, %slice3A_47 in 0 : vector<1x128xf32>, vector<4999x128xf32> -> vector<5000x128xf32>
    %max3A_49 = arith.maximumf %max3A_44, %concatenate3A_48 : vector<5000x128xf32>
    %broadcast_in_dim3A_50 = arith.constant 0.000000e+00 : f32
    %broadcast_in_dim3A_51 = vector.broadcast %broadcast_in_dim3A_50 : f32 to vector<1x128xf32>
    %slice3A_52 = vector.extract_strided_slice %get3A_1 {offsets = [0, 0], sizes = [9999, 128], strides = [1, 1]} : vector<10000x128xf32> to vector<9999x128xf32>
    %concatenate3A_53 = tpu.concatenate %broadcast_in_dim3A_51, %slice3A_52 in 0 : vector<1x128xf32>, vector<9999x128xf32> -> vector<10000x128xf32>
    %get3A_54 = arith.constant 0 : index
    %get3A_55 = arith.constant 0 : index
    %get3A_56 = arith.constant 0 : index
    %get3A_57 = vector.load %arg4[%get3A_54, %get3A_55, %get3A_56] : memref<3x128x128xf32, #tpu.memory_space<vmem>>, vector<1x128x128xf32>
    %get3A_58 = vector.shape_cast %get3A_57 : vector<1x128x128xf32> to vector<128x128xf32>
    %dot_general3A_59 = arith.constant dense<0.000000e+00> : vector<10000x128xf32>
    %dot_general3A_60 = tpu.matmul %concatenate3A_53, %get3A_58, %dot_general3A_59 {dimension_numbers = #tpu.dot_dimension_numbers<[1], [0], [0], [1], [0, 0, 1, 1], [], []>, transpose_lhs_hint = false} : vector<10000x128xf32>, vector<128x128xf32>, vector<10000x128xf32> -> vector<10000x128xf32>
    %get3A_61 = arith.constant 1 : index
    %get3A_62 = arith.constant 0 : index
    %get3A_63 = arith.constant 0 : index
    %get3A_64 = vector.load %arg4[%get3A_61, %get3A_62, %get3A_63] : memref<3x128x128xf32, #tpu.memory_space<vmem>>, vector<1x128x128xf32>
    %get3A_65 = vector.shape_cast %get3A_64 : vector<1x128x128xf32> to vector<128x128xf32>
    %dot_general3A_66 = arith.constant dense<0.000000e+00> : vector<10000x128xf32>
    %dot_general3A_67 = tpu.matmul %get3A_1, %get3A_65, %dot_general3A_66 {dimension_numbers = #tpu.dot_dimension_numbers<[1], [0], [0], [1], [0, 0, 1, 1], [], []>, transpose_lhs_hint = false} : vector<10000x128xf32>, vector<128x128xf32>, vector<10000x128xf32> -> vector<10000x128xf32>
    %add3A_68 = arith.addf %dot_general3A_60, %dot_general3A_67 : vector<10000x128xf32>
    %slice3A_69 = vector.extract_strided_slice %get3A_1 {offsets = [1, 0], sizes = [9999, 128], strides = [1, 1]} : vector<10000x128xf32> to vector<9999x128xf32>
    %broadcast_in_dim3A_70 = arith.constant 0.000000e+00 : f32
    %broadcast_in_dim3A_71 = vector.broadcast %broadcast_in_dim3A_70 : f32 to vector<1x128xf32>
    %concatenate3A_72 = tpu.concatenate %slice3A_69, %broadcast_in_dim3A_71 in 0 : vector<9999x128xf32>, vector<1x128xf32> -> vector<10000x128xf32>
    %get3A_73 = arith.constant 2 : index
    %get3A_74 = arith.constant 0 : index
    %get3A_75 = arith.constant 0 : index
    %get3A_76 = vector.load %arg4[%get3A_73, %get3A_74, %get3A_75] : memref<3x128x128xf32, #tpu.memory_space<vmem>>, vector<1x128x128xf32>
    %get3A_77 = vector.shape_cast %get3A_76 : vector<1x128x128xf32> to vector<128x128xf32>
    %dot_general3A_78 = arith.constant dense<0.000000e+00> : vector<10000x128xf32>
    %dot_general3A_79 = tpu.matmul %concatenate3A_72, %get3A_77, %dot_general3A_78 {dimension_numbers = #tpu.dot_dimension_numbers<[1], [0], [0], [1], [0, 0, 1, 1], [], []>, transpose_lhs_hint = false} : vector<10000x128xf32>, vector<128x128xf32>, vector<10000x128xf32> -> vector<10000x128xf32>
    %add3A_80 = arith.addf %add3A_68, %dot_general3A_79 : vector<10000x128xf32>
    %get3A_81 = arith.constant 0 : index
    %get3A_82 = arith.constant 0 : index
    %get3A_83 = vector.load %arg5[%get3A_81, %get3A_82] : memref<1x128xf32, #tpu.memory_space<vmem>>, vector<1x128xf32>
    %get3A_84 = vector.shape_cast %get3A_83 : vector<1x128xf32> to vector<128xf32>
    %broadcast_in_dim3A_85 = vector.shape_cast %get3A_84 : vector<128xf32> to vector<1x128xf32>
    %add3A_86 = vector.broadcast %broadcast_in_dim3A_85 : vector<1x128xf32> to vector<10000x128xf32>
    %add3A_87 = arith.addf %add3A_80, %add3A_86 : vector<10000x128xf32>
    %max3A_88 = arith.constant 0.000000e+00 : f32
    %max3A_89 = vector.broadcast %max3A_88 : f32 to vector<10000x128xf32>
    %max3A_90 = arith.maximumf %add3A_87, %max3A_89 : vector<10000x128xf32>
    %reshape3A_91 = vector.shape_cast %max3A_90 : vector<10000x128xf32> to vector<5000x2x128xf32>
    %slice3A_92 = vector.extract_strided_slice %reshape3A_91 {offsets = [0, 0, 0], sizes = [5000, 1, 128], strides = [1, 1, 1]} : vector<5000x2x128xf32> to vector<5000x1x128xf32>
    %squeeze3A_93 = vector.shape_cast %slice3A_92 : vector<5000x1x128xf32> to vector<5000x128xf32>
    %slice3A_94 = vector.extract_strided_slice %reshape3A_91 {offsets = [0, 1, 0], sizes = [5000, 1, 128], strides = [1, 1, 1]} : vector<5000x2x128xf32> to vector<5000x1x128xf32>
    %squeeze3A_95 = vector.shape_cast %slice3A_94 : vector<5000x1x128xf32> to vector<5000x128xf32>
    %max3A_96 = arith.maximumf %squeeze3A_93, %squeeze3A_95 : vector<5000x128xf32>
    %broadcast_in_dim3A_97 = arith.constant 0.000000e+00 : f32
    %broadcast_in_dim3A_98 = vector.broadcast %broadcast_in_dim3A_97 : f32 to vector<1x128xf32>
    %slice3A_99 = vector.extract_strided_slice %squeeze3A_95 {offsets = [0, 0], sizes = [4999, 128], strides = [1, 1]} : vector<5000x128xf32> to vector<4999x128xf32>
    %concatenate3A_100 = tpu.concatenate %broadcast_in_dim3A_98, %slice3A_99 in 0 : vector<1x128xf32>, vector<4999x128xf32> -> vector<5000x128xf32>
    %max3A_101 = arith.maximumf %max3A_96, %concatenate3A_100 : vector<5000x128xf32>
    %broadcast_in_dim3A_102 = arith.constant 0.000000e+00 : f32
    %broadcast_in_dim3A_103 = vector.broadcast %broadcast_in_dim3A_102 : f32 to vector<1x128xf32>
    %slice3A_104 = vector.extract_strided_slice %max3A_49 {offsets = [0, 0], sizes = [4999, 128], strides = [1, 1]} : vector<5000x128xf32> to vector<4999x128xf32>
    %concatenate3A_105 = tpu.concatenate %broadcast_in_dim3A_103, %slice3A_104 in 0 : vector<1x128xf32>, vector<4999x128xf32> -> vector<5000x128xf32>
    %get3A_106 = arith.constant 0 : index
    %get3A_107 = arith.constant 0 : index
    %get3A_108 = arith.constant 0 : index
    %get3A_109 = vector.load %arg6[%get3A_106, %get3A_107, %get3A_108] : memref<3x128x128xf32, #tpu.memory_space<vmem>>, vector<1x128x128xf32>
    %get3A_110 = vector.shape_cast %get3A_109 : vector<1x128x128xf32> to vector<128x128xf32>
    %dot_general3A_111 = arith.constant dense<0.000000e+00> : vector<5000x128xf32>
    %dot_general3A_112 = tpu.matmul %concatenate3A_105, %get3A_110, %dot_general3A_111 {dimension_numbers = #tpu.dot_dimension_numbers<[1], [0], [0], [1], [0, 0, 1, 1], [], []>, transpose_lhs_hint = false} : vector<5000x128xf32>, vector<128x128xf32>, vector<5000x128xf32> -> vector<5000x128xf32>
    %get3A_113 = arith.constant 1 : index
    %get3A_114 = arith.constant 0 : index
    %get3A_115 = arith.constant 0 : index
    %get3A_116 = vector.load %arg6[%get3A_113, %get3A_114, %get3A_115] : memref<3x128x128xf32, #tpu.memory_space<vmem>>, vector<1x128x128xf32>
    %get3A_117 = vector.shape_cast %get3A_116 : vector<1x128x128xf32> to vector<128x128xf32>
    %dot_general3A_118 = arith.constant dense<0.000000e+00> : vector<5000x128xf32>
    %dot_general3A_119 = tpu.matmul %max3A_49, %get3A_117, %dot_general3A_118 {dimension_numbers = #tpu.dot_dimension_numbers<[1], [0], [0], [1], [0, 0, 1, 1], [], []>, transpose_lhs_hint = false} : vector<5000x128xf32>, vector<128x128xf32>, vector<5000x128xf32> -> vector<5000x128xf32>
    %add3A_120 = arith.addf %dot_general3A_112, %dot_general3A_119 : vector<5000x128xf32>
    %slice3A_121 = vector.extract_strided_slice %max3A_49 {offsets = [1, 0], sizes = [4999, 128], strides = [1, 1]} : vector<5000x128xf32> to vector<4999x128xf32>
    %broadcast_in_dim3A_122 = arith.constant 0.000000e+00 : f32
    %broadcast_in_dim3A_123 = vector.broadcast %broadcast_in_dim3A_122 : f32 to vector<1x128xf32>
    %concatenate3A_124 = tpu.concatenate %slice3A_121, %broadcast_in_dim3A_123 in 0 : vector<4999x128xf32>, vector<1x128xf32> -> vector<5000x128xf32>
    %get3A_125 = arith.constant 2 : index
    %get3A_126 = arith.constant 0 : index
    %get3A_127 = arith.constant 0 : index
    %get3A_128 = vector.load %arg6[%get3A_125, %get3A_126, %get3A_127] : memref<3x128x128xf32, #tpu.memory_space<vmem>>, vector<1x128x128xf32>
    %get3A_129 = vector.shape_cast %get3A_128 : vector<1x128x128xf32> to vector<128x128xf32>
    %dot_general3A_130 = arith.constant dense<0.000000e+00> : vector<5000x128xf32>
    %dot_general3A_131 = tpu.matmul %concatenate3A_124, %get3A_129, %dot_general3A_130 {dimension_numbers = #tpu.dot_dimension_numbers<[1], [0], [0], [1], [0, 0, 1, 1], [], []>, transpose_lhs_hint = false} : vector<5000x128xf32>, vector<128x128xf32>, vector<5000x128xf32> -> vector<5000x128xf32>
    %add3A_132 = arith.addf %add3A_120, %dot_general3A_131 : vector<5000x128xf32>
    %get3A_133 = arith.constant 0 : index
    %get3A_134 = arith.constant 0 : index
    %get3A_135 = vector.load %arg7[%get3A_133, %get3A_134] : memref<1x128xf32, #tpu.memory_space<vmem>>, vector<1x128xf32>
    %get3A_136 = vector.shape_cast %get3A_135 : vector<1x128xf32> to vector<128xf32>
    %broadcast_in_dim3A_137 = vector.shape_cast %get3A_136 : vector<128xf32> to vector<1x128xf32>
    %add3A_138 = vector.broadcast %broadcast_in_dim3A_137 : vector<1x128xf32> to vector<5000x128xf32>
    %add3A_139 = arith.addf %add3A_132, %add3A_138 : vector<5000x128xf32>
    %max3A_140 = arith.constant 0.000000e+00 : f32
    %max3A_141 = vector.broadcast %max3A_140 : f32 to vector<5000x128xf32>
    %max3A_142 = arith.maximumf %add3A_139, %max3A_141 : vector<5000x128xf32>
    %reshape3A_143 = vector.shape_cast %max3A_142 : vector<5000x128xf32> to vector<2500x2x128xf32>
    %slice3A_144 = vector.extract_strided_slice %reshape3A_143 {offsets = [0, 0, 0], sizes = [2500, 1, 128], strides = [1, 1, 1]} : vector<2500x2x128xf32> to vector<2500x1x128xf32>
    %squeeze3A_145 = vector.shape_cast %slice3A_144 : vector<2500x1x128xf32> to vector<2500x128xf32>
    %slice3A_146 = vector.extract_strided_slice %reshape3A_143 {offsets = [0, 1, 0], sizes = [2500, 1, 128], strides = [1, 1, 1]} : vector<2500x2x128xf32> to vector<2500x1x128xf32>
    %squeeze3A_147 = vector.shape_cast %slice3A_146 : vector<2500x1x128xf32> to vector<2500x128xf32>
    %max3A_148 = arith.maximumf %squeeze3A_145, %squeeze3A_147 : vector<2500x128xf32>
    %broadcast_in_dim3A_149 = arith.constant 0.000000e+00 : f32
    %broadcast_in_dim3A_150 = vector.broadcast %broadcast_in_dim3A_149 : f32 to vector<1x128xf32>
    %slice3A_151 = vector.extract_strided_slice %squeeze3A_147 {offsets = [0, 0], sizes = [2499, 128], strides = [1, 1]} : vector<2500x128xf32> to vector<2499x128xf32>
    %concatenate3A_152 = tpu.concatenate %broadcast_in_dim3A_150, %slice3A_151 in 0 : vector<1x128xf32>, vector<2499x128xf32> -> vector<2500x128xf32>
    %max3A_153 = arith.maximumf %max3A_148, %concatenate3A_152 : vector<2500x128xf32>
    %broadcast_in_dim3A_154 = arith.constant 0.000000e+00 : f32
    %broadcast_in_dim3A_155 = vector.broadcast %broadcast_in_dim3A_154 : f32 to vector<1x128xf32>
    %slice3A_156 = vector.extract_strided_slice %max3A_101 {offsets = [0, 0], sizes = [4999, 128], strides = [1, 1]} : vector<5000x128xf32> to vector<4999x128xf32>
    %concatenate3A_157 = tpu.concatenate %broadcast_in_dim3A_155, %slice3A_156 in 0 : vector<1x128xf32>, vector<4999x128xf32> -> vector<5000x128xf32>
    %get3A_158 = arith.constant 0 : index
    %get3A_159 = arith.constant 0 : index
    %get3A_160 = arith.constant 0 : index
    %get3A_161 = vector.load %arg8[%get3A_158, %get3A_159, %get3A_160] : memref<3x128x128xf32, #tpu.memory_space<vmem>>, vector<1x128x128xf32>
    %get3A_162 = vector.shape_cast %get3A_161 : vector<1x128x128xf32> to vector<128x128xf32>
    %dot_general3A_163 = arith.constant dense<0.000000e+00> : vector<5000x128xf32>
    %dot_general3A_164 = tpu.matmul %concatenate3A_157, %get3A_162, %dot_general3A_163 {dimension_numbers = #tpu.dot_dimension_numbers<[1], [0], [0], [1], [0, 0, 1, 1], [], []>, transpose_lhs_hint = false} : vector<5000x128xf32>, vector<128x128xf32>, vector<5000x128xf32> -> vector<5000x128xf32>
    %get3A_165 = arith.constant 1 : index
    %get3A_166 = arith.constant 0 : index
    %get3A_167 = arith.constant 0 : index
    %get3A_168 = vector.load %arg8[%get3A_165, %get3A_166, %get3A_167] : memref<3x128x128xf32, #tpu.memory_space<vmem>>, vector<1x128x128xf32>
    %get3A_169 = vector.shape_cast %get3A_168 : vector<1x128x128xf32> to vector<128x128xf32>
    %dot_general3A_170 = arith.constant dense<0.000000e+00> : vector<5000x128xf32>
    %dot_general3A_171 = tpu.matmul %max3A_101, %get3A_169, %dot_general3A_170 {dimension_numbers = #tpu.dot_dimension_numbers<[1], [0], [0], [1], [0, 0, 1, 1], [], []>, transpose_lhs_hint = false} : vector<5000x128xf32>, vector<128x128xf32>, vector<5000x128xf32> -> vector<5000x128xf32>
    %add3A_172 = arith.addf %dot_general3A_164, %dot_general3A_171 : vector<5000x128xf32>
    %slice3A_173 = vector.extract_strided_slice %max3A_101 {offsets = [1, 0], sizes = [4999, 128], strides = [1, 1]} : vector<5000x128xf32> to vector<4999x128xf32>
    %broadcast_in_dim3A_174 = arith.constant 0.000000e+00 : f32
    %broadcast_in_dim3A_175 = vector.broadcast %broadcast_in_dim3A_174 : f32 to vector<1x128xf32>
    %concatenate3A_176 = tpu.concatenate %slice3A_173, %broadcast_in_dim3A_175 in 0 : vector<4999x128xf32>, vector<1x128xf32> -> vector<5000x128xf32>
    %get3A_177 = arith.constant 2 : index
    %get3A_178 = arith.constant 0 : index
    %get3A_179 = arith.constant 0 : index
    %get3A_180 = vector.load %arg8[%get3A_177, %get3A_178, %get3A_179] : memref<3x128x128xf32, #tpu.memory_space<vmem>>, vector<1x128x128xf32>
    %get3A_181 = vector.shape_cast %get3A_180 : vector<1x128x128xf32> to vector<128x128xf32>
    %dot_general3A_182 = arith.constant dense<0.000000e+00> : vector<5000x128xf32>
    %dot_general3A_183 = tpu.matmul %concatenate3A_176, %get3A_181, %dot_general3A_182 {dimension_numbers = #tpu.dot_dimension_numbers<[1], [0], [0], [1], [0, 0, 1, 1], [], []>, transpose_lhs_hint = false} : vector<5000x128xf32>, vector<128x128xf32>, vector<5000x128xf32> -> vector<5000x128xf32>
    %add3A_184 = arith.addf %add3A_172, %dot_general3A_183 : vector<5000x128xf32>
    %get3A_185 = arith.constant 0 : index
    %get3A_186 = arith.constant 0 : index
    %get3A_187 = vector.load %arg9[%get3A_185, %get3A_186] : memref<1x128xf32, #tpu.memory_space<vmem>>, vector<1x128xf32>
    %get3A_188 = vector.shape_cast %get3A_187 : vector<1x128xf32> to vector<128xf32>
    %broadcast_in_dim3A_189 = vector.shape_cast %get3A_188 : vector<128xf32> to vector<1x128xf32>
    %add3A_190 = vector.broadcast %broadcast_in_dim3A_189 : vector<1x128xf32> to vector<5000x128xf32>
    %add3A_191 = arith.addf %add3A_184, %add3A_190 : vector<5000x128xf32>
    %max3A_192 = arith.constant 0.000000e+00 : f32
    %max3A_193 = vector.broadcast %max3A_192 : f32 to vector<5000x128xf32>
    %max3A_194 = arith.maximumf %add3A_191, %max3A_193 : vector<5000x128xf32>
    %reshape3A_195 = vector.shape_cast %max3A_194 : vector<5000x128xf32> to vector<2500x2x128xf32>
    %slice3A_196 = vector.extract_strided_slice %reshape3A_195 {offsets = [0, 0, 0], sizes = [2500, 1, 128], strides = [1, 1, 1]} : vector<2500x2x128xf32> to vector<2500x1x128xf32>
    %squeeze3A_197 = vector.shape_cast %slice3A_196 : vector<2500x1x128xf32> to vector<2500x128xf32>
    %slice3A_198 = vector.extract_strided_slice %reshape3A_195 {offsets = [0, 1, 0], sizes = [2500, 1, 128], strides = [1, 1, 1]} : vector<2500x2x128xf32> to vector<2500x1x128xf32>
    %squeeze3A_199 = vector.shape_cast %slice3A_198 : vector<2500x1x128xf32> to vector<2500x128xf32>
    %max3A_200 = arith.maximumf %squeeze3A_197, %squeeze3A_199 : vector<2500x128xf32>
    %broadcast_in_dim3A_201 = arith.constant 0.000000e+00 : f32
    %broadcast_in_dim3A_202 = vector.broadcast %broadcast_in_dim3A_201 : f32 to vector<1x128xf32>
    %slice3A_203 = vector.extract_strided_slice %squeeze3A_199 {offsets = [0, 0], sizes = [2499, 128], strides = [1, 1]} : vector<2500x128xf32> to vector<2499x128xf32>
    %concatenate3A_204 = tpu.concatenate %broadcast_in_dim3A_202, %slice3A_203 in 0 : vector<1x128xf32>, vector<2499x128xf32> -> vector<2500x128xf32>
    %max3A_205 = arith.maximumf %max3A_200, %concatenate3A_204 : vector<2500x128xf32>
    %get3A_206 = arith.constant 0 : index
    %get3A_207 = arith.constant 0 : index
    %get3A_208 = vector.load %arg10[%get3A_206, %get3A_207] : memref<128x2xf32, #tpu.memory_space<vmem>>, vector<128x2xf32>
    %dot_general3A_209 = arith.constant dense<0.000000e+00> : vector<2500x2xf32>
    %dot_general3A_210 = tpu.matmul %max3A_153, %get3A_208, %dot_general3A_209 {dimension_numbers = #tpu.dot_dimension_numbers<[1], [0], [0], [1], [0, 0, 1, 1], [], []>, transpose_lhs_hint = false} : vector<2500x128xf32>, vector<128x2xf32>, vector<2500x2xf32> -> vector<2500x2xf32>
    %get3A_211 = arith.constant 0 : index
    %get3A_212 = arith.constant 0 : index
    %get3A_213 = vector.load %arg11[%get3A_211, %get3A_212] : memref<1x2xf32, #tpu.memory_space<vmem>>, vector<1x2xf32>
    %get3A_214 = vector.shape_cast %get3A_213 : vector<1x2xf32> to vector<2xf32>
    %broadcast_in_dim3A_215 = vector.shape_cast %get3A_214 : vector<2xf32> to vector<1x2xf32>
    %add3A_216 = vector.broadcast %broadcast_in_dim3A_215 : vector<1x2xf32> to vector<2500x2xf32>
    %add3A_217 = arith.addf %dot_general3A_210, %add3A_216 : vector<2500x2xf32>
    %get3A_218 = arith.constant 0 : index
    %get3A_219 = arith.constant 0 : index
    %get3A_220 = vector.load %arg12[%get3A_218, %get3A_219] : memref<128x2xf32, #tpu.memory_space<vmem>>, vector<128x2xf32>
    %dot_general3A_221 = arith.constant dense<0.000000e+00> : vector<2500x2xf32>
    %dot_general3A_222 = tpu.matmul %max3A_205, %get3A_220, %dot_general3A_221 {dimension_numbers = #tpu.dot_dimension_numbers<[1], [0], [0], [1], [0, 0, 1, 1], [], []>, transpose_lhs_hint = false} : vector<2500x128xf32>, vector<128x2xf32>, vector<2500x2xf32> -> vector<2500x2xf32>
    %get3A_223 = arith.constant 0 : index
    %get3A_224 = arith.constant 0 : index
    %get3A_225 = vector.load %arg13[%get3A_223, %get3A_224] : memref<1x2xf32, #tpu.memory_space<vmem>>, vector<1x2xf32>
    %get3A_226 = vector.shape_cast %get3A_225 : vector<1x2xf32> to vector<2xf32>
    %broadcast_in_dim3A_227 = vector.shape_cast %get3A_226 : vector<2xf32> to vector<1x2xf32>
    %add3A_228 = vector.broadcast %broadcast_in_dim3A_227 : vector<1x2xf32> to vector<2500x2xf32>
    %add3A_229 = arith.addf %dot_general3A_222, %add3A_228 : vector<2500x2xf32>
    %mul3A = arith.mulf %add3A_217, %add3A_229 : vector<2500x2xf32>
    %reduce_sum3A = arith.constant dense<0.000000e+00> : vector<2xf32>
    %reduce_sum3A_230 = vector.multi_reduction <add>, %mul3A, %reduce_sum3A [0] : vector<2500x2xf32> to vector<2xf32>
    %broadcast_in_dim3A_231 = vector.shape_cast %reduce_sum3A_230 : vector<2xf32> to vector<1x2xf32>
    %mul3A_232 = arith.constant 4.000000e-04 : f32
    %mul3A_233 = vector.broadcast %mul3A_232 : f32 to vector<1x2xf32>
    %mul3A_234 = arith.mulf %broadcast_in_dim3A_231, %mul3A_233 : vector<1x2xf32>
    %swap3A = arith.constant 0 : index
    %swap3A_235 = arith.constant 0 : index
    %swap3A_236 = vector.load %arg14[%swap3A, %swap3A_235] : memref<1x2xf32, #tpu.memory_space<vmem>>, vector<1x2xf32>
    tpu.vector_store %arg14[%swap3A, %swap3A_235], %mul3A_234 {strides = array<i32>} : memref<1x2xf32, #tpu.memory_space<vmem>>, vector<1x2xf32>,
    return
  }
}

</mosaic_0001>

<sc_bundles>
// kernel: kernel.12.cloned.1.call-start
scs
__scs_entry_jumppad:
0x0: {  	(pc) =	sbr.rel $0x88, $3  }
0x1: {  	(tag) =	ssettag $0x0;
	lr =	simm.s32 $0x1  }
0x2: {  	[smem:$0x3F86] =	sst lr;
	_ =	strace $0xD0000000  }
0x3: {  	_ = 	snop  }
0x4: {  	_ = 	snop  }
0x5: {  	_ = 	snop  }
0x6: {  	_ = 	snop  }
0x7: {  	_ = 	snop  }
__scs_overlays_trampoline_lowered:
0x8: {  	[smem:$0x3F95] =	sst s0  }
0x9: {  	[smem:$0x3F96] =	sst s1  }
0xa: {  	[smem:$0x3F97] =	sst s2  }
0xb: {  	[smem:$0x3F98] =	sst s3  }
0xc: {  	[smem:$0x3F99] =	sst s4  }
0xd: {  	[smem:$0x3F9A] =	sst s5  }
0xe: {  	[smem:$0x3F9B] =	sst s6  }
0xf: {  	[smem:$0x3F9C] =	sst s7  }
0x10: {  	[smem:$0x3F9D] =	sst s8  }
0x11: {  	[smem:$0x3F9E] =	sst s9;
	s0 =	simm.s32 @!p0 $0x0  }
0x12: {  	s1 =	sld [smem:$0x3F84];
	s0 =	simm.s32 @p0 $0x1  }
0x13: {  	[smem:$0x3F9F] =	sst s0;
	s0 =	simm.s32 @!p1 $0x0  }
0x14: {  	s2 =	sld [smem:$0x3F83];
	s0 =	simm.s32 @p1 $0x1  }
0x15: {  	[smem:$0x3FA0] =	sst s0;
	s0 =	simm.s32 @!p2 $0x0  }
0x16: {  	s3 =	sld [smem:$0x3FDB];
	s0 =	simm.s32 @p2 $0x1  }
0x17: {  	s4 =	simm.s32 $0x1BF5;
	[smem:$0x3FA2] =	sst s0  }
0x18: {  	s0 =	sld [smem:$0x3F85];
	_ =	swait.ge [sflag:s4], $0x0  }
0x19: {  	s7 =	sld [smem:$0x3F86]  }
0x1a: {  	s8 =	sadd.s32 $0xFFFFE003, lr  }
0x1b: {  	s9 =	sadd.s32 $0xFFFFFEF7, lr;
	s5 =	simm.s32 $0xFFFFFFFF;
	p2 =	slt.u32 s8, $0xFFFFF086  }
0x1c: {  	p1 =	slt.u32 s9, $0xF7A;
	s5 =	simm.s32 @!p2 $0x0  }
0x1d: {  	s5 =	simm.s32 @p1 $0x1;
	p0 =	seq.s32 s7, s2  }
0x1e: {  	s7 =	smul.u32 @!p0 $0xF7A, s2;
	p2 =	seq.s32 @!p0 s5, $0x0  }
0x1f: {  	s9 =	smul.u32 $0xF7A, s1;
	s8 =	simm.s32 @!p0 $0x1BF5;
	p2 =	por !p2, p0  }
0x20: {  	[sflag:s8] =	ssyncset.s32 @!p0 $0xFFFFF086;
	s6 =	sadd.s32 @!p0 s3, s7;
	s7 =	simm.s32 @!p0 $0x108  }
0x21: {  	s3 =	sadd.s32 s3, s9;
	s6 =	sadd.s32 @!p0 $0x88, s6;
	s7 =	simm.s32 @p2 $0x1082  }
0x22: {  	[simem:s7], [sflag:s8] =	dma.local @!p0 [hbm:s6], $0xF7A  }
0x23: {  	s9 =	sor.u32 $0xD0000000, s2;
	s6 =	simm.s32 $0x108;
	_ =	swait.ge @!p0 [sflag:s8], $0x0  }
0x24: {  	s3 =	sadd.s32 $0x88, s3;
	s6 =	simm.s32 @!p1 $0x1082;
	[sflag:s4] =	ssyncset.s32 $0xFFFFF086  }
0x25: {  	[simem:s6], [sflag:s4] =	dma.local [hbm:s3], $0xF7A  }
0x26: {  	[smem:$0x3F86] =	sst s1;
	(tag) =	ssettag s2;
	_ =	strace s9  }
0x27: {  	s1 =	sld [smem:$0x3F96]  }
0x28: {  	s2 =	sld [smem:$0x3F97]  }
0x29: {  	s4 =	sld [smem:$0x3F99]  }
0x2a: {  	p0 =	seq.s32 s5, $0x0;
	s5 =	sld [smem:$0x3F9A]  }
0x2b: {  	s6 =	sld [smem:$0x3F9B]  }
0x2c: {  	s7 =	sld [smem:$0x3F9C]  }
0x2d: {  	s3 =	simm.s32 $0x108;
	s8 =	sld [smem:$0x3F9D]  }
0x2e: {  	s3 =	simm.s32 @!p0 $0x1082;
	s9 =	sld [smem:$0x3F9E]  }
0x2f: {  	lr =	sadd.s32 s0, s3;
	s0 =	sld [smem:$0x3F95]  }
0x30: {  	s3 =	sld [smem:$0x3F98]  }
0x31: {  	[smem:$0x3FA1] =	sst s10  }
0x32: {  	s10 =	sld [smem:$0x3F9F];
	_ =	sdelay $0x3  }
0x33: {  	p0 =	seq.s32 s10, $0x1;
	s10 =	sld [smem:$0x3FA1];
	_ =	sdelay $0x3  }
0x34: {  	[smem:$0x3FA1] =	sst s10  }
0x35: {  	s10 =	sld [smem:$0x3FA0];
	_ =	sdelay $0x3  }
0x36: {  	p1 =	seq.s32 s10, $0x1;
	s10 =	sld [smem:$0x3FA1];
	_ =	sdelay $0x3  }
0x37: {  	[smem:$0x3FA1] =	sst s10  }
0x38: {  	s10 =	sld [smem:$0x3FA2]  }
0x39: {  	_ = 	snop;
	(pc) =	sbr.ind lr, $3  }
0x3a: {  	_ = 	snop  }
0x3b: {  	_ = 	snop  }
0x3c: {  	p2 =	seq.s32 s10, $0x1;
	s10 =	sld [smem:$0x3FA1]  }
0x3d: {  	_ =	shalt  }
0x3e: {  	_ =	shalt  }
0x3f: {  	_ =	shalt  }
0x40: {  	_ =	shalt  }
0x41: {  	_ =	shalt  }
0x42: {  	_ =	shalt  }
0x43: {  	_ =	shalt  }
0x44: {  	_ =	shalt  }
0x45: {  	_ =	shalt  }
0x46: {  	_ =	shalt  }
0x47: {  	_ =	shalt  }
0x48: {  	_ =	shalt  }
0x49: {  	_ =	shalt  }
0x4a: {  	_ =	shalt  }
0x4b: {  	_ =	shalt  }
0x4c: {  	_ =	shalt  }
0x4d: {  	_ =	shalt  }
0x4e: {  	_ =	shalt  }
0x4f: {  	_ =	shalt  }
0x50: {  	_ =	shalt  }
0x51: {  	_ =	shalt  }
0x52: {  	_ =	shalt  }
0x53: {  	_ =	shalt  }
0x54: {  	_ =	shalt  }
0x55: {  	_ =	shalt  }
0x56: {  	_ =	shalt  }
0x57: {  	_ =	shalt  }
0x58: {  	_ =	shalt  }
0x59: {  	_ =	shalt  }
0x5a: {  	_ =	shalt  }
0x5b: {  	_ =	shalt  }
0x5c: {  	_ =	shalt  }
0x5d: {  	_ =	shalt  }
0x5e: {  	_ =	shalt  }
0x5f: {  	_ =	shalt  }
0x60: {  	_ =	shalt  }
0x61: {  	_ =	shalt  }
0x62: {  	_ =	shalt  }
0x63: {  	_ =	shalt  }
0x64: {  	_ =	shalt  }
0x65: {  	_ =	shalt  }
0x66: {  	_ =	shalt  }
0x67: {  	_ =	shalt  }
0x68: {  	_ =	shalt  }
0x69: {  	_ =	shalt  }
0x6a: {  	_ =	shalt  }
0x6b: {  	_ =	shalt  }
0x6c: {  	_ =	shalt  }
0x6d: {  	_ =	shalt  }
0x6e: {  	_ =	shalt  }
0x6f: {  	_ =	shalt  }
0x70: {  	_ =	shalt  }
0x71: {  	_ =	shalt  }
0x72: {  	_ =	shalt  }
0x73: {  	_ =	shalt  }
0x74: {  	_ =	shalt  }
0x75: {  	_ =	shalt  }
0x76: {  	_ =	shalt  }
0x77: {  	_ =	shalt  }
0x78: {  	_ =	shalt  }
0x79: {  	_ =	shalt  }
0x7a: {  	_ =	shalt  }
0x7b: {  	_ =	shalt  }
0x7c: {  	_ =	shalt  }
0x7d: {  	_ =	shalt  }
0x7e: {  	_ =	shalt  }
0x7f: {  	_ =	shalt  }
0x80: {  	_ =	shalt  }
0x81: {  	_ =	shalt  }
0x82: {  	_ =	shalt  }
0x83: {  	_ =	shalt  }
0x84: {  	_ =	shalt  }
0x85: {  	_ =	shalt  }
0x86: {  	_ =	shalt  }
0x87: {  	_ =	shalt  }
.Lfunc_end0:
.L_simem_size_0:
called_computation_lowered:
.L_overlay_start_0:
0x88: {  	s2 =	sld [smem:$0x3FD9]  }
0x89: {  	s3 =	sld [smem:$0x3FFE];
	_ =	sdelay $0x1  }
0x8a: {  	s1 =	srdreg.scid  }
0x8b: {  	s0 =	sand.u32 $0x1, s1  }
0x8c: {  	s16 =	sshll.u32 s0, $0xA;
	s2 =	sadd.s32 s3, s2  }
0x8d: {  	s2 =	sadd.s32 s2, s16  }
0x8e: {  	[smem:$0x3FAD] =	sst s2  }
0x8f: {  	_ = 	snop  }
0x90: {  	(tm) =	ssettm $0x1  }
0x91: {  	s17 =	sld [smem:$0x3FFB];
	_ =	sdelay $0x3  }
0x92: {  	_ =	strace s17  }
0x93: {  	s2 =	sld [smem:$0x3FFC];
	_ =	sdelay $0x3  }
0x94: {  	_ =	strace s2  }
0x95: {  	s2 =	sld [smem:$0x3FFD];
	_ =	sdelay $0x3  }
0x96: {  	_ =	strace s2  }
0x97: {  	_ =	strace $0x8FFFFFFF  }
0x98: {  	s18 =	sld [smem:$0x3FDB];
	_ =	sdelay $0x1  }
0x99: {  	s19 =	simm.s32 $_scs_section_size  }
0x9a: {  	s4 =	simm.s32 $_size__tile_overlayer_lowered;
	s5 =	simm.s32 $_tile_overlayer_lowered  }
0x9b: {  	s22 =	simm.s32 $0x1BFF;
	s21 =	sshll.u32 s5, $0x1;
	s2 =	sadd.s32 s19, s18  }
0x9c: {  	s6 =	simm.s32 $0x0;
	s20 =	sshll.u32 s4, $0x1;
	s4 =	sadd.s32 s21, s2  }
0x9d: {  	[timem:s6], [sflag:s22] =	dma.local [hbm:s4], s20  }
0x9e: {  	_ =	swait.ge [sflag:s22], s20  }
0x9f: {  	s3 =	ssub.s32 $0x0, s20;
	[sflag:s22] =	ssyncset.done $0x0  }
0xa0: {  	[sflag:s22] =	ssyncadd.s32 s3;
	_ =	sdelay $0x1  }
0xa1: {  	s23 =	simm.s32 $0x1B8B  }
0xa2: {  	_ =	swait.ge [sflag:s23], $0x1  }
0xa3: {  	[sflag:s23] =	ssyncset.done $0x0  }
0xa4: {  	s25 =	simm.s32 $0x1B8E;
	s24 =	sld [smem:$0x3FFE];
	[sflag:s23] =	ssyncadd.s32 $0xFFFFFFFF  }
0xa5: {  	s26 =	simm.s32 $execute0_lowered;
	[smem:$0x3FD2] =	sst s25  }
0xa6: {  	s4 =	sshll.u32 s26, $0x1;
	_ =	strace $0x80000046;
	[dreg:$0x1] =	wrdreg $0xFFFFFFFF  }
0xa7: {  	s28 =	simm.s32 $_size_execute0_lowered;
	s2 =	sadd.s32 s2, s4;
	[dreg:$0x0] =	wrdreg $0x0  }
0xa8: {  	s4 =	sshll.u32 s28, $0x1;
	[dreg:$0x2] =	wrdreg s2  }
0xa9: {  	[dreg:$0x3] =	wrdreg s4  }
0xaa: {  	[dreg:$0x4] =	wrdreg $0xC0  }
0xab: {  	_ =	task [dreg:s6], $0x5FFFF  }
0xac: {  	[dreg:$0x1] =	wrdreg $0xFFFFFFFF  }
0xad: {  	[dreg:$0x0] =	wrdreg $0x60  }
0xae: {  	[dreg:$0x2] =	wrdreg s24  }
0xaf: {  	[dreg:$0x3] =	wrdreg $0xA7200  }
0xb0: {  	[dreg:$0x4] =	wrdreg $0x9  }
0xb1: {  	_ =	task.clear_ibuf [dreg:s6], $0x5FFFF;
	_ =	strace $0x90000046  }
0xb2: {  	s29 =	simm.s32 $0x9;
	_ =	strace $0x80000048  }
0xb3: {  	_ =	swait.ge [sflag:s29], $0x1  }
0xb4: {  	[sflag:s29] =	ssyncadd.s32 $0xFFFFFFFF  }
0xb5: {  	_ =	strace $0x90000048  }
0xb6: {  	_ =	sfence  }
0xb7: {  	s30 =	sld [smem:$0x0];
	_ =	sdelay $0x2  }
0xb8: {  	s31 =	sshll.u32 s1, $0xD;
	s1 =	sshrl.u32 s1, $0x2  }
0xb9: {  	s3 =	sand.u32 $0x4000, s31;
	s1 =	sadd.s32 s1, s30  }
0xba: {  	s0 =	sor.u32 s3, s0;
	s1 =	sshll.u32 s1, $0x11  }
0xbb: {  	s0 =	sor.u32 s1, s0  }
0xbc: {  	s0 =	sadd.s32 $0x8F2B, s0  }
0xbd: {  	[sflag:s0] =	ssyncadd.remote.s32 $0x1  }
0xbe: {  	_ =	sfence.sel $0xFFFF  }
0xbf: {  	[dreg:$0x0] =	wrdreg $0xFFFFFFFF;
	(pc) =	sbr.abs _section_cstart, $3  }
0xc0: {  	[dreg:$0x1] =	wrdreg $0xFFFFFFFF  }
0xc1: {  	_ =	task.clear_ibuf [dreg:s6], $0x2FFFF;
	_ =	strace $0x9FFFFFFF  }
0xc2: {  	(tm) =	ssettm $0x7FFFFFFF  }
0xc3: {  	_ =	shalt  }
tec
execute0_lowered:
.L_overlay_start_1:
0x0: {  	(tag) =	ssettag $0x1  }
0x1: {  	s0 =	rddreg [dreg:$0x0]  }
0x2: {  	s2 =	rddreg [dreg:$0x1];
	s1 =	srdreg.scid  }
0x3: {  	s14 =	stileid.u32;
	s3 =	simm.s32 $0x0;
	s18 =	simm.s32 $0x4  }
0x4: {  	s19 =	simm.s32 $0x1390;
	s20 =	simm.s32 $0x80;
	s21 =	simm.s32 $0x2720  }
0x5: {  	s28 =	simm.s32 $0x1300;
	s29 =	simm.s32 $0x2610;
	s30 =	simm.s32 $0x2690  }
0x6: {  	s31 =	simm.s32 $0x10;
	s1 =	sand.u32 $0x1, s1;
	s6 =	smul.u32 $0x14000, s14  }
0x7: {  	[smem:$0x7FF] =	sst s3;
	s4 =	sadd.s32 $0x15800, s0;
	s10 =	sadd.s32 $0xBA00, s0  }
0x8: {  	s11 =	sadd.s32 $0x1C00, s0;
	s5 =	sadd.s32 $0x3CA00, s0;
	s9 =	smul.u32 $0x50000, s14  }
0x9: {  	s12 =	sshll.u32 s14, $0x1;
	s24 =	sshll.u32 s14, $0x6;
	s7 =	smul.u32 $0x140000, s1  }
0xa: {  	_ =	strace $0x80000047;
	s8 =	ssub.s32 $0x2, s1;
	s1 =	sor.u32 s1, s12  }
0xb: {  	[dreg:$0x3] =	wrdreg s24;
	s22 =	sshrl.u32 s8, $0x1;
	s23 =	sshrl.u32 s9, $0x2  }
0xc: {  	s1 =	smul.u32 $0x2710, s1;
	s7 =	sadd.s32 s6, s7;
	s13 =	ssub.s32 s8, s22  }
0xd: {  	s25 =	sadd.s32 s23, s2;
	s6 =	sadd.s32 s6, s2;
	s22 =	simm.s32 $0x6720  }
0xe: {  	s23 =	simm.s32 $0x3;
	s7 =	sshrl.u32 s7, $0x3;
	s15 =	sadd.s32 $0x5000, s25  }
0xf: {  	s16 =	sadd.s32 $0xA000, s25;
	s17 =	sadd.s32 $0xF000, s25;
	s1 =	sshrl.u32 s1, $0x3  }
0x10: {  	s13 =	smax.u32 s13, $0x1;
	s14 =	sshrl.u32 s6, $0x3;
	s25 =	simm.s32 $0x2  }
0x11: {  	s0 =	sadd.s32 s7, s0;
	s7 =	sor.u32 $0x1C03, s24;
	s26 =	sadd.s32 s10, s1  }
0x12: {  	s9 =	sadd.s32 s11, s1;
	s1 =	sadd.s32 $0x270, s1;
	s15 =	sshrl.u32 s15, $0x3  }
0x13: {  	s16 =	sshrl.u32 s16, $0x3;
	s17 =	sshrl.u32 s17, $0x3;
	s24 =	simm.s32 $0x1  }
0x14: {  	[dreg:$0x4] =	wrdreg s26;
	s10 =	sadd.s32 s10, s1;
	s11 =	sadd.s32 s11, s1  }
0x15: {  	s12 =	sadd.s32 $0x3D400, s0;
	s26 =	simm.s32 $0x2590;
	s0 =	simm.s32 $0x0  }
.LBB2_1:
0x16: {  	[spmem:s14], [sflag:s7] =	dma.local [hbm:s5], $0xA00  }
0x17: {  	[spmem:s15], [sflag:s7] =	dma.local [hbm:s5], $0xA00  }
0x18: {  	[spmem:s16], [sflag:s7] =	dma.local [hbm:s5], $0xA00  }
0x19: {  	[spmem:s17], [sflag:s7] =	dma.local [hbm:s5], $0xA00  }
0x1a: {  	s1 =	rddreg [dreg:$0x4]  }
0x1b: {  	[tilespmem:s3], [sflag:$0x4] =	stream.linear.gather [hbm4b:s1+s3], $0x1380, $0x38;
	[tilespmem:$0x1E720] =	vst v63  }
0x1c: {  	_ =	swait.ge [sflag:s18], $0x1380  }
0x1d: {  	[sflag:s18] =	ssyncset.done $0x0  }
0x1e: {  	[sflag:s18] =	ssyncadd.s32 $0xFFFFEC80  }
0x1f: {  	[tilespmem:s19], [sflag:$0x4] =	stream.linear.gather [hbm4b:s9+s3], $0x1380, $0x38;
	[tilespmem:$0x1E720] =	vst v63  }
0x20: {  	_ =	swait.ge [sflag:s18], $0x1380  }
0x21: {  	[sflag:s18] =	ssyncset.done $0x0  }
0x22: {  	[sflag:s18] =	ssyncadd.s32 $0xFFFFEC80  }
0x23: {  	[tilespmem:s21], [sflag:$0x1] =	stream.indirect.gather [hbm4b:s4+s20], $0x80, s3, s20, $0xb8;
	[tilespmem:$0x1E720] =	vst v63  }
0x24: {  	_ = 	snop  }
0x25: {  	[tilespmem:s22], [sflag:$0x2] =	stream.indirect.gather [hbm4b:s4+s20], $0x80, s20, s20, $0xb8;
	[tilespmem:$0x1E720] =	vst v63  }
0x26: {  	_ =	swait.ge [sflag:s23], $0xA00  }
0x27: {  	[sflag:s23] =	ssyncset.done $0x0  }
0x28: {  	[sflag:s23] =	ssyncadd.s32 $0xFFFFF600  }
0x29: {  	_ =	swait.ge [sflag:s23], $0xA00  }
0x2a: {  	[sflag:s23] =	ssyncset.done $0x0  }
0x2b: {  	[sflag:s23] =	ssyncadd.s32 $0xFFFFF600  }
0x2c: {  	_ =	swait.ge [sflag:s23], $0xA00  }
0x2d: {  	[sflag:s23] =	ssyncset.done $0x0  }
0x2e: {  	[sflag:s23] =	ssyncadd.s32 $0xFFFFF600  }
0x2f: {  	_ =	swait.ge [sflag:s23], $0xA00  }
0x30: {  	[sflag:s23] =	ssyncset.done $0x0  }
0x31: {  	[sflag:s23] =	ssyncadd.s32 $0xFFFFF600  }
0x32: {  	[bflag:$0x0] =	sbarrier.arrive $0xFFFF  }
0x33: {  	_ =	swait.ge [sflag:s24], $0x4000  }
0x34: {  	[sflag:s24] =	ssyncset.done $0x0  }
0x35: {  	s8 =	simm.s32 $0x1390;
	[sflag:s24] =	ssyncadd.s32 $0xFFFFC000  }
0x36: {  	[spmem:s2] =	stream.indirect.scatter.add.f32 [tilespmem:s21], [sflag:$0x4], $0x80, s8, s20, $0xb8;
	[tilespmem:$0x1E720] =	vst v63  }
0x37: {  	_ =	swait.ge [sflag:s18], $0x4000  }
0x38: {  	[sflag:s18] =	ssyncset.done $0x0  }
0x39: {  	s6 =	simm.s32 $0x100;
	[sflag:s18] =	ssyncadd.s32 $0xFFFFC000  }
0x3a: {  	[tilespmem:s21], [sflag:$0x1] =	stream.indirect.gather [hbm4b:s4+s20], $0x80, s6, s20, $0xb8;
	[tilespmem:$0x1E720] =	vst v63  }
0x3b: {  	_ =	swait.ge [sflag:s25], $0x4000  }
0x3c: {  	[sflag:s25] =	ssyncset.done $0x0  }
0x3d: {  	s8 =	simm.s32 $0x1410;
	[sflag:s25] =	ssyncadd.s32 $0xFFFFC000  }
0x3e: {  	[spmem:s2] =	stream.indirect.scatter.add.f32 [tilespmem:s22], [sflag:$0x4], $0x80, s8, s20, $0xb8;
	[tilespmem:$0x1E720] =	vst v63  }
0x3f: {  	_ =	swait.ge [sflag:s18], $0x4000  }
0x40: {  	[sflag:s18] =	ssyncset.done $0x0  }
0x41: {  	s1 =	simm.s32 $0x400;
	s6 =	simm.s32 $0x180;
	[sflag:s18] =	ssyncadd.s32 $0xFFFFC000  }
.LBB2_2:
0x42: {  	[tilespmem:s22], [sflag:$0x2] =	stream.indirect.gather [hbm4b:s4+s20], $0x80, s6, s20, $0xb8;
	[tilespmem:$0x1E720] =	vst v63  }
0x43: {  	s6 =	smov.u32 s1  }
0x44: {  	p0 =	sne.s32 s1, $0x4400;
	s1 =	sadd.s32 $0x400, s1;
	_ =	swait.ge [sflag:s24], $0x4000  }
0x45: {  	s6 =	sshra.s32 s6, $0x2;
	[sflag:s24] =	ssyncset.done $0x0  }
0x46: {  	s8 =	sadd.s32 $0x1390, s6;
	[sflag:s24] =	ssyncadd.s32 $0xFFFFC000  }
0x47: {  	[spmem:s2] =	stream.indirect.scatter.add.f32 [tilespmem:s21], [sflag:$0x4], $0x80, s8, s20, $0xb8;
	[tilespmem:$0x1E720] =	vst v63  }
0x48: {  	_ =	swait.ge [sflag:s18], $0x4000  }
0x49: {  	[sflag:s18] =	ssyncset.done $0x0  }
0x4a: {  	s8 =	sadd.s32 $0x100, s6;
	[sflag:s18] =	ssyncadd.s32 $0xFFFFC000  }
0x4b: {  	[tilespmem:s21], [sflag:$0x1] =	stream.indirect.gather [hbm4b:s4+s20], $0x80, s8, s20, $0xb8;
	[tilespmem:$0x1E720] =	vst v63  }
0x4c: {  	_ =	swait.ge [sflag:s25], $0x4000  }
0x4d: {  	[sflag:s25] =	ssyncset.done $0x0  }
.Ltmp0:
0x4e: {  	s8 =	sadd.s32 $0x1410, s6;
	[sflag:s25] =	ssyncadd.s32 $0xFFFFC000;
	(pc) =	sbr.rel @p0 .LBB2_2-.Ltmp0, $4  }
0x4f: {  	[spmem:s2] =	stream.indirect.scatter.add.f32 [tilespmem:s22], [sflag:$0x4], $0x80, s8, s20, $0xb8;
	[tilespmem:$0x1E720] =	vst v63  }
0x50: {  	_ =	swait.ge [sflag:s18], $0x4000  }
0x51: {  	[sflag:s18] =	ssyncset.done $0x0  }
0x52: {  	s6 =	sadd.s32 $0x180, s6;
	[sflag:s18] =	ssyncadd.s32 $0xFFFFC000  }
0x53: {  	[tilespmem:s22], [sflag:$0x2] =	stream.indirect.gather [hbm4b:s4+s20], $0x80, s6, s20, $0xb8;
	[tilespmem:$0x1E720] =	vst v63  }
0x54: {  	_ =	swait.ge [sflag:s24], $0x4000  }
0x55: {  	[sflag:s24] =	ssyncset.done $0x0  }
0x56: {  	[sflag:s24] =	ssyncadd.s32 $0xFFFFC000  }
0x57: {  	[spmem:s2] =	stream.indirect.scatter.add.f32 [tilespmem:s21], [sflag:$0x4], $0x80, s26, s20, $0xb8;
	[tilespmem:$0x1E720] =	vst v63  }
0x58: {  	_ =	swait.ge [sflag:s18], $0x4000  }
0x59: {  	[sflag:s18] =	ssyncset.done $0x0  }
0x5a: {  	[sflag:s18] =	ssyncadd.s32 $0xFFFFC000  }
0x5b: {  	[tilespmem:s21], [sflag:$0x1] =	stream.indirect.gather [hbm4b:s4+s20], $0x80, s28, s20, $0xb8;
	[tilespmem:$0x1E720] =	vst v63  }
0x5c: {  	_ =	swait.ge [sflag:s25], $0x4000  }
0x5d: {  	[sflag:s25] =	ssyncset.done $0x0  }
0x5e: {  	[sflag:s25] =	ssyncadd.s32 $0xFFFFC000  }
0x5f: {  	[spmem:s2] =	stream.indirect.scatter.add.f32 [tilespmem:s22], [sflag:$0x4], $0x80, s29, s20, $0xb8;
	[tilespmem:$0x1E720] =	vst v63  }
0x60: {  	_ =	swait.ge [sflag:s18], $0x4000  }
0x61: {  	[sflag:s18] =	ssyncset.done $0x0  }
0x62: {  	[sflag:s18] =	ssyncadd.s32 $0xFFFFC000  }
0x63: {  	_ =	swait.ge [sflag:s24], $0x4000  }
0x64: {  	[sflag:s24] =	ssyncset.done $0x0  }
0x65: {  	[sflag:s24] =	ssyncadd.s32 $0xFFFFC000  }
0x66: {  	[spmem:s2] =	stream.indirect.scatter.add.f32 [tilespmem:s21], [sflag:$0x4], $0x80, s30, s20, $0xb8;
	[tilespmem:$0x1E720] =	vst v63  }
0x67: {  	_ =	swait.ge [sflag:s18], $0x4000  }
0x68: {  	[sflag:s18] =	ssyncset.done $0x0  }
0x69: {  	s1 =	simm.s32 $0x0;
	[sflag:s18] =	ssyncadd.s32 $0xFFFFC000  }
0x6a: {  	[tilespmem:s1], [sflag:$0x4] =	stream.linear.gather [hbm4b:s10+s1], $0x1390, $0x38;
	[tilespmem:$0x1E720] =	vst v63  }
0x6b: {  	_ =	swait.ge [sflag:s18], $0x1390  }
0x6c: {  	[sflag:s18] =	ssyncset.done $0x0  }
0x6d: {  	[sflag:s18] =	ssyncadd.s32 $0xFFFFEC70  }
0x6e: {  	[tilespmem:s19], [sflag:$0x4] =	stream.linear.gather [hbm4b:s11+s1], $0x1390, $0x38;
	[tilespmem:$0x1E720] =	vst v63  }
0x6f: {  	_ =	swait.ge [sflag:s18], $0x1390  }
0x70: {  	[sflag:s18] =	ssyncset.done $0x0  }
0x71: {  	[sflag:s18] =	ssyncadd.s32 $0xFFFFEC70  }
0x72: {  	[tilespmem:s21], [sflag:$0x1] =	stream.indirect.gather [hbm4b:s4+s20], $0x80, s1, s20, $0xb8;
	[tilespmem:$0x1E720] =	vst v63  }
0x73: {  	_ = 	snop  }
0x74: {  	[tilespmem:s22], [sflag:$0x2] =	stream.indirect.gather [hbm4b:s4+s20], $0x80, s20, s20, $0xb8;
	[tilespmem:$0x1E720] =	vst v63  }
0x75: {  	_ =	swait.ge [sflag:s24], $0x4000  }
0x76: {  	[sflag:s24] =	ssyncset.done $0x0  }
0x77: {  	s8 =	simm.s32 $0x1390;
	[sflag:s24] =	ssyncadd.s32 $0xFFFFC000  }
0x78: {  	[spmem:s2] =	stream.indirect.scatter.add.f32 [tilespmem:s21], [sflag:$0x4], $0x80, s8, s20, $0xb8;
	[tilespmem:$0x1E720] =	vst v63  }
0x79: {  	_ =	swait.ge [sflag:s18], $0x4000  }
0x7a: {  	[sflag:s18] =	ssyncset.done $0x0  }
0x7b: {  	s6 =	simm.s32 $0x100;
	[sflag:s18] =	ssyncadd.s32 $0xFFFFC000  }
0x7c: {  	[tilespmem:s21], [sflag:$0x1] =	stream.indirect.gather [hbm4b:s4+s20], $0x80, s6, s20, $0xb8;
	[tilespmem:$0x1E720] =	vst v63  }
0x7d: {  	_ =	swait.ge [sflag:s25], $0x4000  }
0x7e: {  	[sflag:s25] =	ssyncset.done $0x0  }
0x7f: {  	s8 =	simm.s32 $0x1410;
	[sflag:s25] =	ssyncadd.s32 $0xFFFFC000  }
0x80: {  	[spmem:s2] =	stream.indirect.scatter.add.f32 [tilespmem:s22], [sflag:$0x4], $0x80, s8, s20, $0xb8;
	[tilespmem:$0x1E720] =	vst v63  }
0x81: {  	_ =	swait.ge [sflag:s18], $0x4000  }
0x82: {  	[sflag:s18] =	ssyncset.done $0x0  }
0x83: {  	s1 =	simm.s32 $0x400;
	s6 =	simm.s32 $0x180;
	[sflag:s18] =	ssyncadd.s32 $0xFFFFC000  }
.LBB2_4:
0x84: {  	[tilespmem:s22], [sflag:$0x2] =	stream.indirect.gather [hbm4b:s4+s20], $0x80, s6, s20, $0xb8;
	[tilespmem:$0x1E720] =	vst v63  }
0x85: {  	s6 =	smov.u32 s1  }
0x86: {  	p0 =	sne.s32 s1, $0x4400;
	s1 =	sadd.s32 $0x400, s1;
	_ =	swait.ge [sflag:s24], $0x4000  }
0x87: {  	s6 =	sshra.s32 s6, $0x2;
	[sflag:s24] =	ssyncset.done $0x0  }
0x88: {  	s8 =	sadd.s32 $0x1390, s6;
	[sflag:s24] =	ssyncadd.s32 $0xFFFFC000  }
0x89: {  	[spmem:s2] =	stream.indirect.scatter.add.f32 [tilespmem:s21], [sflag:$0x4], $0x80, s8, s20, $0xb8;
	[tilespmem:$0x1E720] =	vst v63  }
0x8a: {  	_ =	swait.ge [sflag:s18], $0x4000  }
0x8b: {  	[sflag:s18] =	ssyncset.done $0x0  }
0x8c: {  	s8 =	sadd.s32 $0x100, s6;
	[sflag:s18] =	ssyncadd.s32 $0xFFFFC000  }
0x8d: {  	[tilespmem:s21], [sflag:$0x1] =	stream.indirect.gather [hbm4b:s4+s20], $0x80, s8, s20, $0xb8;
	[tilespmem:$0x1E720] =	vst v63  }
0x8e: {  	_ =	swait.ge [sflag:s25], $0x4000  }
0x8f: {  	[sflag:s25] =	ssyncset.done $0x0  }
.Ltmp1:
0x90: {  	s8 =	sadd.s32 $0x1410, s6;
	[sflag:s25] =	ssyncadd.s32 $0xFFFFC000;
	(pc) =	sbr.rel @p0 .LBB2_4-.Ltmp1, $4  }
0x91: {  	[spmem:s2] =	stream.indirect.scatter.add.f32 [tilespmem:s22], [sflag:$0x4], $0x80, s8, s20, $0xb8;
	[tilespmem:$0x1E720] =	vst v63  }
0x92: {  	_ =	swait.ge [sflag:s18], $0x4000  }
0x93: {  	[sflag:s18] =	ssyncset.done $0x0  }
0x94: {  	s6 =	sadd.s32 $0x180, s6;
	[sflag:s18] =	ssyncadd.s32 $0xFFFFC000  }
0x95: {  	[tilespmem:s22], [sflag:$0x2] =	stream.indirect.gather [hbm4b:s4+s20], $0x80, s6, s20, $0xb8;
	[tilespmem:$0x1E720] =	vst v63  }
0x96: {  	_ =	swait.ge [sflag:s24], $0x4000  }
0x97: {  	[sflag:s24] =	ssyncset.done $0x0  }
0x98: {  	[sflag:s24] =	ssyncadd.s32 $0xFFFFC000  }
0x99: {  	[spmem:s2] =	stream.indirect.scatter.add.f32 [tilespmem:s21], [sflag:$0x4], $0x80, s26, s20, $0xb8;
	[tilespmem:$0x1E720] =	vst v63  }
0x9a: {  	_ =	swait.ge [sflag:s18], $0x4000  }
0x9b: {  	[sflag:s18] =	ssyncset.done $0x0  }
0x9c: {  	[sflag:s18] =	ssyncadd.s32 $0xFFFFC000  }
0x9d: {  	[tilespmem:s21], [sflag:$0x1] =	stream.indirect.gather [hbm4b:s4+s20], $0x80, s28, s20, $0xb8;
	[tilespmem:$0x1E720] =	vst v63  }
0x9e: {  	_ =	swait.ge [sflag:s25], $0x4000  }
0x9f: {  	[sflag:s25] =	ssyncset.done $0x0  }
0xa0: {  	[sflag:s25] =	ssyncadd.s32 $0xFFFFC000  }
0xa1: {  	[spmem:s2] =	stream.indirect.scatter.add.f32 [tilespmem:s22], [sflag:$0x4], $0x80, s29, s20, $0xb8;
	[tilespmem:$0x1E720] =	vst v63  }
0xa2: {  	_ =	swait.ge [sflag:s18], $0x4000  }
0xa3: {  	[sflag:s18] =	ssyncset.done $0x0  }
0xa4: {  	s1 =	simm.s32 $0x1380;
	[sflag:s18] =	ssyncadd.s32 $0xFFFFC000  }
0xa5: {  	[tilespmem:s22], [sflag:$0x2] =	stream.indirect.gather [hbm4b:s4+s31], $0x80, s1, s31, $0xb8;
	[tilespmem:$0x1E720] =	vst v63  }
0xa6: {  	_ =	swait.ge [sflag:s24], $0x4000  }
0xa7: {  	[sflag:s24] =	ssyncset.done $0x0  }
0xa8: {  	[sflag:s24] =	ssyncadd.s32 $0xFFFFC000  }
0xa9: {  	[spmem:s2] =	stream.indirect.scatter.add.f32 [tilespmem:s21], [sflag:$0x4], $0x80, s30, s20, $0xb8;
	[tilespmem:$0x1E720] =	vst v63  }
0xaa: {  	_ =	swait.ge [sflag:s18], $0x4000  }
0xab: {  	[sflag:s18] =	ssyncset.done $0x0  }
0xac: {  	[sflag:s18] =	ssyncadd.s32 $0xFFFFC000  }
0xad: {  	_ =	swait.ge [sflag:s25], $0x800  }
0xae: {  	[sflag:s25] =	ssyncset.done $0x0  }
0xaf: {  	s6 =	simm.s32 $0x2710;
	[sflag:s25] =	ssyncadd.s32 $0xFFFFF800  }
0xb0: {  	[spmem:s2] =	stream.indirect.scatter.add.f32 [tilespmem:s22], [sflag:$0x4], $0x80, s6, s31, $0xb8;
	[tilespmem:$0x1E720] =	vst v63  }
0xb1: {  	_ =	swait.ge [sflag:s18], $0x800  }
0xb2: {  	[sflag:s18] =	ssyncset.done $0x0  }
0xb3: {  	[sflag:s18] =	ssyncadd.s32 $0xFFFFF800  }
0xb4: {  	s0 =	sadd.s32 $0x1, s0;
	[bflag:$0x0] =	sbarrier.arrive $0xFFFF  }
0xb5: {  	p0 =	sne.s32 s0, s13;
	s8 =	rddreg [dreg:$0x3]  }
.Ltmp2:
0xb6: {  	s1 =	sor.u32 $0x1C04, s8;
	(pc) =	sbr.rel @p0 .LBB2_1-.Ltmp2, $4  }
0xb7: {  	[hbm:s12], [sflag:s1] =	dma.local [spmem:s14], $0x2800  }
0xb8: {  	_ =	swait.ge [sflag:s18], $0x2800  }
0xb9: {  	[sflag:s18] =	ssyncset.done $0x0  }
0xba: {  	[sflag:s18] =	ssyncadd.s32 $0xFFFFD800  }
0xbb: {  	_ =	sfence.sel $0x180000  }
0xbc: {  	[bflag:$0x0] =	sbarrier.arrive $0xFFFF  }
0xbd: {  	_ =	strace $0x90000047  }
0xbe: {  	s0 =	stileid.u32;
	[bflag:$0x2] =	sbarrier.arrive $0xFFFF  }
0xbf: {  	p0 =	sne.s32 s0, $0x0;
	s0 =	rddreg [dreg:$0x2]  }
0xc0: {  	s0 =	sadd.s32 @!p0 $0x100000, s0  }
0xc1: {  	[sflag:s0] =	ssyncadd.tile.s32 @!p0 $0x1;
	_ =	shalt  }
.Lfunc_end2:
_tile_overlayer_lowered:
.L_overlay_start_2:
0xc2: {  	(tag) =	ssettag $0x2  }
0xc3: {  	s0 =	rddreg [dreg:$0x0];
	s2 =	stileid.u32  }
0xc4: {  	s1 =	rddreg [dreg:$0x1];
	p0 =	sne.s32 s2, $0x0  }
0xc5: {  	s3 =	rddreg [dreg:$0x2];
	[bflag:$0x3] =	sbarrier.arrive $0xFFFF;
	s2 =	simm.s32 @!p0 $0x1C04  }
0xc6: {  	[timem:s3], [sflag:s2] =	dma.local @!p0 [hbm:s0], s1  }
0xc7: {  	s0 =	simm.s32 @!p0 $0x4  }
0xc8: {  	_ =	swait.ge @!p0 [sflag:s0], s1  }
0xc9: {  	s1 =	ssub.s32 @!p0 $0x0, s1;
	[sflag:s0] =	ssyncset.done @!p0 $0x0  }
0xca: {  	[sflag:s0] =	ssyncadd.s32 @!p0 s1  }
0xcb: {  	[bflag:$0x3] =	sbarrier.arrive $0xFFFF  }
0xcc: {  	_ =	shalt  }

// kernel: kernel.15.cloned.1.call-start
scs
__scs_entry_jumppad:
0x0: {  	(pc) =	sbr.rel $0x88, $3  }
0x1: {  	(tag) =	ssettag $0x0;
	lr =	simm.s32 $0x1  }
0x2: {  	[smem:$0x3F86] =	sst lr;
	_ =	strace $0xD0000000  }
0x3: {  	_ = 	snop  }
0x4: {  	_ = 	snop  }
0x5: {  	_ = 	snop  }
0x6: {  	_ = 	snop  }
0x7: {  	_ = 	snop  }
__scs_overlays_trampoline_lowered:
0x8: {  	[smem:$0x3F95] =	sst s0  }
0x9: {  	[smem:$0x3F96] =	sst s1  }
0xa: {  	[smem:$0x3F97] =	sst s2  }
0xb: {  	[smem:$0x3F98] =	sst s3  }
0xc: {  	[smem:$0x3F99] =	sst s4  }
0xd: {  	[smem:$0x3F9A] =	sst s5  }
0xe: {  	[smem:$0x3F9B] =	sst s6  }
0xf: {  	[smem:$0x3F9C] =	sst s7  }
0x10: {  	[smem:$0x3F9D] =	sst s8  }
0x11: {  	[smem:$0x3F9E] =	sst s9;
	s0 =	simm.s32 @!p0 $0x0  }
0x12: {  	s1 =	sld [smem:$0x3F84];
	s0 =	simm.s32 @p0 $0x1  }
0x13: {  	[smem:$0x3F9F] =	sst s0;
	s0 =	simm.s32 @!p1 $0x0  }
0x14: {  	s2 =	sld [smem:$0x3F83];
	s0 =	simm.s32 @p1 $0x1  }
0x15: {  	[smem:$0x3FA0] =	sst s0;
	s0 =	simm.s32 @!p2 $0x0  }
0x16: {  	s3 =	sld [smem:$0x3FDB];
	s0 =	simm.s32 @p2 $0x1  }
0x17: {  	s4 =	simm.s32 $0x1BF5;
	[smem:$0x3FA2] =	sst s0  }
0x18: {  	s0 =	sld [smem:$0x3F85];
	_ =	swait.ge [sflag:s4], $0x0  }
0x19: {  	s7 =	sld [smem:$0x3F86]  }
0x1a: {  	s8 =	sadd.s32 $0xFFFFE003, lr  }
0x1b: {  	s9 =	sadd.s32 $0xFFFFFEF7, lr;
	s5 =	simm.s32 $0xFFFFFFFF;
	p2 =	slt.u32 s8, $0xFFFFF086  }
0x1c: {  	p1 =	slt.u32 s9, $0xF7A;
	s5 =	simm.s32 @!p2 $0x0  }
0x1d: {  	s5 =	simm.s32 @p1 $0x1;
	p0 =	seq.s32 s7, s2  }
0x1e: {  	s7 =	smul.u32 @!p0 $0xF7A, s2;
	p2 =	seq.s32 @!p0 s5, $0x0  }
0x1f: {  	s9 =	smul.u32 $0xF7A, s1;
	s8 =	simm.s32 @!p0 $0x1BF5;
	p2 =	por !p2, p0  }
0x20: {  	[sflag:s8] =	ssyncset.s32 @!p0 $0xFFFFF086;
	s6 =	sadd.s32 @!p0 s3, s7;
	s7 =	simm.s32 @!p0 $0x108  }
0x21: {  	s3 =	sadd.s32 s3, s9;
	s6 =	sadd.s32 @!p0 $0x88, s6;
	s7 =	simm.s32 @p2 $0x1082  }
0x22: {  	[simem:s7], [sflag:s8] =	dma.local @!p0 [hbm:s6], $0xF7A  }
0x23: {  	s9 =	sor.u32 $0xD0000000, s2;
	s6 =	simm.s32 $0x108;
	_ =	swait.ge @!p0 [sflag:s8], $0x0  }
0x24: {  	s3 =	sadd.s32 $0x88, s3;
	s6 =	simm.s32 @!p1 $0x1082;
	[sflag:s4] =	ssyncset.s32 $0xFFFFF086  }
0x25: {  	[simem:s6], [sflag:s4] =	dma.local [hbm:s3], $0xF7A  }
0x26: {  	[smem:$0x3F86] =	sst s1;
	(tag) =	ssettag s2;
	_ =	strace s9  }
0x27: {  	s1 =	sld [smem:$0x3F96]  }
0x28: {  	s2 =	sld [smem:$0x3F97]  }
0x29: {  	s4 =	sld [smem:$0x3F99]  }
0x2a: {  	p0 =	seq.s32 s5, $0x0;
	s5 =	sld [smem:$0x3F9A]  }
0x2b: {  	s6 =	sld [smem:$0x3F9B]  }
0x2c: {  	s7 =	sld [smem:$0x3F9C]  }
0x2d: {  	s3 =	simm.s32 $0x108;
	s8 =	sld [smem:$0x3F9D]  }
0x2e: {  	s3 =	simm.s32 @!p0 $0x1082;
	s9 =	sld [smem:$0x3F9E]  }
0x2f: {  	lr =	sadd.s32 s0, s3;
	s0 =	sld [smem:$0x3F95]  }
0x30: {  	s3 =	sld [smem:$0x3F98]  }
0x31: {  	[smem:$0x3FA1] =	sst s10  }
0x32: {  	s10 =	sld [smem:$0x3F9F];
	_ =	sdelay $0x3  }
0x33: {  	p0 =	seq.s32 s10, $0x1;
	s10 =	sld [smem:$0x3FA1];
	_ =	sdelay $0x3  }
0x34: {  	[smem:$0x3FA1] =	sst s10  }
0x35: {  	s10 =	sld [smem:$0x3FA0];
	_ =	sdelay $0x3  }
0x36: {  	p1 =	seq.s32 s10, $0x1;
	s10 =	sld [smem:$0x3FA1];
	_ =	sdelay $0x3  }
0x37: {  	[smem:$0x3FA1] =	sst s10  }
0x38: {  	s10 =	sld [smem:$0x3FA2]  }
0x39: {  	_ = 	snop;
	(pc) =	sbr.ind lr, $3  }
0x3a: {  	_ = 	snop  }
0x3b: {  	_ = 	snop  }
0x3c: {  	p2 =	seq.s32 s10, $0x1;
	s10 =	sld [smem:$0x3FA1]  }
0x3d: {  	_ =	shalt  }
0x3e: {  	_ =	shalt  }
0x3f: {  	_ =	shalt  }
0x40: {  	_ =	shalt  }
0x41: {  	_ =	shalt  }
0x42: {  	_ =	shalt  }
0x43: {  	_ =	shalt  }
0x44: {  	_ =	shalt  }
0x45: {  	_ =	shalt  }
0x46: {  	_ =	shalt  }
0x47: {  	_ =	shalt  }
0x48: {  	_ =	shalt  }
0x49: {  	_ =	shalt  }
0x4a: {  	_ =	shalt  }
0x4b: {  	_ =	shalt  }
0x4c: {  	_ =	shalt  }
0x4d: {  	_ =	shalt  }
0x4e: {  	_ =	shalt  }
0x4f: {  	_ =	shalt  }
0x50: {  	_ =	shalt  }
0x51: {  	_ =	shalt  }
0x52: {  	_ =	shalt  }
0x53: {  	_ =	shalt  }
0x54: {  	_ =	shalt  }
0x55: {  	_ =	shalt  }
0x56: {  	_ =	shalt  }
0x57: {  	_ =	shalt  }
0x58: {  	_ =	shalt  }
0x59: {  	_ =	shalt  }
0x5a: {  	_ =	shalt  }
0x5b: {  	_ =	shalt  }
0x5c: {  	_ =	shalt  }
0x5d: {  	_ =	shalt  }
0x5e: {  	_ =	shalt  }
0x5f: {  	_ =	shalt  }
0x60: {  	_ =	shalt  }
0x61: {  	_ =	shalt  }
0x62: {  	_ =	shalt  }
0x63: {  	_ =	shalt  }
0x64: {  	_ =	shalt  }
0x65: {  	_ =	shalt  }
0x66: {  	_ =	shalt  }
0x67: {  	_ =	shalt  }
0x68: {  	_ =	shalt  }
0x69: {  	_ =	shalt  }
0x6a: {  	_ =	shalt  }
0x6b: {  	_ =	shalt  }
0x6c: {  	_ =	shalt  }
0x6d: {  	_ =	shalt  }
0x6e: {  	_ =	shalt  }
0x6f: {  	_ =	shalt  }
0x70: {  	_ =	shalt  }
0x71: {  	_ =	shalt  }
0x72: {  	_ =	shalt  }
0x73: {  	_ =	shalt  }
0x74: {  	_ =	shalt  }
0x75: {  	_ =	shalt  }
0x76: {  	_ =	shalt  }
0x77: {  	_ =	shalt  }
0x78: {  	_ =	shalt  }
0x79: {  	_ =	shalt  }
0x7a: {  	_ =	shalt  }
0x7b: {  	_ =	shalt  }
0x7c: {  	_ =	shalt  }
0x7d: {  	_ =	shalt  }
0x7e: {  	_ =	shalt  }
0x7f: {  	_ =	shalt  }
0x80: {  	_ =	shalt  }
0x81: {  	_ =	shalt  }
0x82: {  	_ =	shalt  }
0x83: {  	_ =	shalt  }
0x84: {  	_ =	shalt  }
0x85: {  	_ =	shalt  }
0x86: {  	_ =	shalt  }
0x87: {  	_ =	shalt  }
.Lfunc_end0:
.L_simem_size_0:
called_computation.1_lowered:
.L_overlay_start_0:
0x88: {  	s2 =	sld [smem:$0x3FD9]  }
0x89: {  	s3 =	sld [smem:$0x3FFE];
	_ =	sdelay $0x1  }
0x8a: {  	s1 =	srdreg.scid  }
0x8b: {  	s0 =	sand.u32 $0x1, s1  }
0x8c: {  	s16 =	sshll.u32 s0, $0xA;
	s2 =	sadd.s32 s3, s2  }
0x8d: {  	s2 =	sadd.s32 s2, s16  }
0x8e: {  	[smem:$0x3FAD] =	sst s2  }
0x8f: {  	_ = 	snop  }
0x90: {  	(tm) =	ssettm $0x1  }
0x91: {  	s17 =	sld [smem:$0x3FFB];
	_ =	sdelay $0x3  }
0x92: {  	_ =	strace s17  }
0x93: {  	s2 =	sld [smem:$0x3FFC];
	_ =	sdelay $0x3  }
0x94: {  	_ =	strace s2  }
0x95: {  	s2 =	sld [smem:$0x3FFD];
	_ =	sdelay $0x3  }
0x96: {  	_ =	strace s2  }
0x97: {  	_ =	strace $0x8FFFFFFF  }
0x98: {  	s18 =	sld [smem:$0x3FDB];
	_ =	sdelay $0x1  }
0x99: {  	s19 =	simm.s32 $_scs_section_size  }
0x9a: {  	s4 =	simm.s32 $_size__tile_overlayer_lowered;
	s5 =	simm.s32 $_tile_overlayer_lowered  }
0x9b: {  	s22 =	simm.s32 $0x1BFF;
	s21 =	sshll.u32 s5, $0x1;
	s2 =	sadd.s32 s19, s18  }
0x9c: {  	s6 =	simm.s32 $0x0;
	s20 =	sshll.u32 s4, $0x1;
	s4 =	sadd.s32 s21, s2  }
0x9d: {  	[timem:s6], [sflag:s22] =	dma.local [hbm:s4], s20  }
0x9e: {  	_ =	swait.ge [sflag:s22], s20  }
0x9f: {  	s3 =	ssub.s32 $0x0, s20;
	[sflag:s22] =	ssyncset.done $0x0  }
0xa0: {  	[sflag:s22] =	ssyncadd.s32 s3;
	_ =	sdelay $0x1  }
0xa1: {  	s23 =	simm.s32 $0x1B8B  }
0xa2: {  	_ =	swait.ge [sflag:s23], $0x1  }
0xa3: {  	[sflag:s23] =	ssyncset.done $0x0  }
0xa4: {  	s25 =	simm.s32 $0x1B8E;
	s24 =	sld [smem:$0x3FFE];
	[sflag:s23] =	ssyncadd.s32 $0xFFFFFFFF  }
0xa5: {  	s26 =	simm.s32 $execute0_lowered;
	[smem:$0x3FD2] =	sst s25  }
0xa6: {  	s4 =	sshll.u32 s26, $0x1;
	_ =	strace $0x80000049;
	[dreg:$0x1] =	wrdreg $0xFFFFFFFF  }
0xa7: {  	s28 =	simm.s32 $_size_execute0_lowered;
	s2 =	sadd.s32 s2, s4;
	[dreg:$0x0] =	wrdreg $0x0  }
0xa8: {  	s4 =	sshll.u32 s28, $0x1;
	[dreg:$0x2] =	wrdreg s2  }
0xa9: {  	[dreg:$0x3] =	wrdreg s4  }
0xaa: {  	[dreg:$0x4] =	wrdreg $0xC0  }
0xab: {  	_ =	task [dreg:s6], $0x5FFFF  }
0xac: {  	[dreg:$0x1] =	wrdreg $0xFFFFFFFF  }
0xad: {  	[dreg:$0x0] =	wrdreg $0x60  }
0xae: {  	[dreg:$0x2] =	wrdreg s24  }
0xaf: {  	[dreg:$0x3] =	wrdreg $0xA7200  }
0xb0: {  	[dreg:$0x4] =	wrdreg $0x9  }
0xb1: {  	_ =	task.clear_ibuf [dreg:s6], $0x5FFFF;
	_ =	strace $0x90000049  }
0xb2: {  	s29 =	simm.s32 $0x9;
	_ =	strace $0x8000004B  }
0xb3: {  	_ =	swait.ge [sflag:s29], $0x1  }
0xb4: {  	[sflag:s29] =	ssyncadd.s32 $0xFFFFFFFF  }
0xb5: {  	_ =	strace $0x9000004B  }
0xb6: {  	_ =	sfence  }
0xb7: {  	s30 =	sld [smem:$0x0];
	_ =	sdelay $0x2  }
0xb8: {  	s31 =	sshll.u32 s1, $0xD;
	s1 =	sshrl.u32 s1, $0x2  }
0xb9: {  	s3 =	sand.u32 $0x4000, s31;
	s1 =	sadd.s32 s1, s30  }
0xba: {  	s0 =	sor.u32 s3, s0;
	s1 =	sshll.u32 s1, $0x11  }
0xbb: {  	s0 =	sor.u32 s1, s0  }
0xbc: {  	s0 =	sadd.s32 $0x8F2B, s0  }
0xbd: {  	[sflag:s0] =	ssyncadd.remote.s32 $0x1  }
0xbe: {  	_ =	sfence.sel $0xFFFF  }
0xbf: {  	[dreg:$0x0] =	wrdreg $0xFFFFFFFF;
	(pc) =	sbr.abs _section_cstart, $3  }
0xc0: {  	[dreg:$0x1] =	wrdreg $0xFFFFFFFF  }
0xc1: {  	_ =	task.clear_ibuf [dreg:s6], $0x2FFFF;
	_ =	strace $0x9FFFFFFF  }
0xc2: {  	(tm) =	ssettm $0x7FFFFFFF  }
0xc3: {  	_ =	shalt  }
tec
execute0_lowered:
.L_overlay_start_1:
0x0: {  	(tag) =	ssettag $0x1  }
0x1: {  	s0 =	rddreg [dreg:$0x0]  }
0x2: {  	s2 =	rddreg [dreg:$0x1];
	s1 =	srdreg.scid  }
0x3: {  	s14 =	stileid.u32;
	s3 =	simm.s32 $0x0;
	s18 =	simm.s32 $0x4  }
0x4: {  	s19 =	simm.s32 $0x1390;
	s20 =	simm.s32 $0x80;
	s21 =	simm.s32 $0x2720  }
0x5: {  	s28 =	simm.s32 $0x1300;
	s29 =	simm.s32 $0x2610;
	s30 =	simm.s32 $0x2690  }
0x6: {  	s31 =	simm.s32 $0x10;
	s1 =	sand.u32 $0x1, s1;
	s6 =	smul.u32 $0x14000, s14  }
0x7: {  	[smem:$0x7FF] =	sst s3;
	s4 =	sadd.s32 $0x1C00, s0;
	s10 =	sadd.s32 $0x97200, s0  }
0x8: {  	s11 =	sadd.s32 $0x8D400, s0;
	s5 =	sadd.s32 $0x3CA00, s0;
	s9 =	smul.u32 $0x50000, s14  }
0x9: {  	s12 =	sshll.u32 s14, $0x1;
	s24 =	sshll.u32 s14, $0x6;
	s7 =	smul.u32 $0x140000, s1  }
0xa: {  	_ =	strace $0x8000004A;
	s8 =	ssub.s32 $0x2, s1;
	s1 =	sor.u32 s1, s12  }
0xb: {  	[dreg:$0x3] =	wrdreg s24;
	s22 =	sshrl.u32 s8, $0x1;
	s23 =	sshrl.u32 s9, $0x2  }
0xc: {  	s1 =	smul.u32 $0x2710, s1;
	s7 =	sadd.s32 s6, s7;
	s13 =	ssub.s32 s8, s22  }
0xd: {  	s25 =	sadd.s32 s23, s2;
	s6 =	sadd.s32 s6, s2;
	s22 =	simm.s32 $0x6720  }
0xe: {  	s23 =	simm.s32 $0x3;
	s7 =	sshrl.u32 s7, $0x3;
	s15 =	sadd.s32 $0x5000, s25  }
0xf: {  	s16 =	sadd.s32 $0xA000, s25;
	s17 =	sadd.s32 $0xF000, s25;
	s1 =	sshrl.u32 s1, $0x3  }
0x10: {  	s13 =	smax.u32 s13, $0x1;
	s14 =	sshrl.u32 s6, $0x3;
	s25 =	simm.s32 $0x2  }
0x11: {  	s0 =	sadd.s32 s7, s0;
	s7 =	sor.u32 $0x1C03, s24;
	s26 =	sadd.s32 s10, s1  }
0x12: {  	s9 =	sadd.s32 s11, s1;
	s1 =	sadd.s32 $0x270, s1;
	s15 =	sshrl.u32 s15, $0x3  }
0x13: {  	s16 =	sshrl.u32 s16, $0x3;
	s17 =	sshrl.u32 s17, $0x3;
	s24 =	simm.s32 $0x1  }
0x14: {  	[dreg:$0x4] =	wrdreg s26;
	s10 =	sadd.s32 s10, s1;
	s11 =	sadd.s32 s11, s1  }
0x15: {  	s12 =	sadd.s32 $0x3D400, s0;
	s26 =	simm.s32 $0x2590;
	s0 =	simm.s32 $0x0  }
.LBB2_1:
0x16: {  	[spmem:s14], [sflag:s7] =	dma.local [hbm:s5], $0xA00  }
0x17: {  	[spmem:s15], [sflag:s7] =	dma.local [hbm:s5], $0xA00  }
0x18: {  	[spmem:s16], [sflag:s7] =	dma.local [hbm:s5], $0xA00  }
0x19: {  	[spmem:s17], [sflag:s7] =	dma.local [hbm:s5], $0xA00  }
0x1a: {  	s1 =	rddreg [dreg:$0x4]  }
0x1b: {  	[tilespmem:s3], [sflag:$0x4] =	stream.linear.gather [hbm4b:s1+s3], $0x1380, $0x38;
	[tilespmem:$0x1E720] =	vst v63  }
0x1c: {  	_ =	swait.ge [sflag:s18], $0x1380  }
0x1d: {  	[sflag:s18] =	ssyncset.done $0x0  }
0x1e: {  	[sflag:s18] =	ssyncadd.s32 $0xFFFFEC80  }
0x1f: {  	[tilespmem:s19], [sflag:$0x4] =	stream.linear.gather [hbm4b:s9+s3], $0x1380, $0x38;
	[tilespmem:$0x1E720] =	vst v63  }
0x20: {  	_ =	swait.ge [sflag:s18], $0x1380  }
0x21: {  	[sflag:s18] =	ssyncset.done $0x0  }
0x22: {  	[sflag:s18] =	ssyncadd.s32 $0xFFFFEC80  }
0x23: {  	[tilespmem:s21], [sflag:$0x1] =	stream.indirect.gather [hbm4b:s4+s20], $0x80, s3, s20, $0xb8;
	[tilespmem:$0x1E720] =	vst v63  }
0x24: {  	_ = 	snop  }
0x25: {  	[tilespmem:s22], [sflag:$0x2] =	stream.indirect.gather [hbm4b:s4+s20], $0x80, s20, s20, $0xb8;
	[tilespmem:$0x1E720] =	vst v63  }
0x26: {  	_ =	swait.ge [sflag:s23], $0xA00  }
0x27: {  	[sflag:s23] =	ssyncset.done $0x0  }
0x28: {  	[sflag:s23] =	ssyncadd.s32 $0xFFFFF600  }
0x29: {  	_ =	swait.ge [sflag:s23], $0xA00  }
0x2a: {  	[sflag:s23] =	ssyncset.done $0x0  }
0x2b: {  	[sflag:s23] =	ssyncadd.s32 $0xFFFFF600  }
0x2c: {  	_ =	swait.ge [sflag:s23], $0xA00  }
0x2d: {  	[sflag:s23] =	ssyncset.done $0x0  }
0x2e: {  	[sflag:s23] =	ssyncadd.s32 $0xFFFFF600  }
0x2f: {  	_ =	swait.ge [sflag:s23], $0xA00  }
0x30: {  	[sflag:s23] =	ssyncset.done $0x0  }
0x31: {  	[sflag:s23] =	ssyncadd.s32 $0xFFFFF600  }
0x32: {  	[bflag:$0x0] =	sbarrier.arrive $0xFFFF  }
0x33: {  	_ =	swait.ge [sflag:s24], $0x4000  }
0x34: {  	[sflag:s24] =	ssyncset.done $0x0  }
0x35: {  	s8 =	simm.s32 $0x1390;
	[sflag:s24] =	ssyncadd.s32 $0xFFFFC000  }
0x36: {  	[spmem:s2] =	stream.indirect.scatter.add.f32 [tilespmem:s21], [sflag:$0x4], $0x80, s8, s20, $0xb8;
	[tilespmem:$0x1E720] =	vst v63  }
0x37: {  	_ =	swait.ge [sflag:s18], $0x4000  }
0x38: {  	[sflag:s18] =	ssyncset.done $0x0  }
0x39: {  	s6 =	simm.s32 $0x100;
	[sflag:s18] =	ssyncadd.s32 $0xFFFFC000  }
0x3a: {  	[tilespmem:s21], [sflag:$0x1] =	stream.indirect.gather [hbm4b:s4+s20], $0x80, s6, s20, $0xb8;
	[tilespmem:$0x1E720] =	vst v63  }
0x3b: {  	_ =	swait.ge [sflag:s25], $0x4000  }
0x3c: {  	[sflag:s25] =	ssyncset.done $0x0  }
0x3d: {  	s8 =	simm.s32 $0x1410;
	[sflag:s25] =	ssyncadd.s32 $0xFFFFC000  }
0x3e: {  	[spmem:s2] =	stream.indirect.scatter.add.f32 [tilespmem:s22], [sflag:$0x4], $0x80, s8, s20, $0xb8;
	[tilespmem:$0x1E720] =	vst v63  }
0x3f: {  	_ =	swait.ge [sflag:s18], $0x4000  }
0x40: {  	[sflag:s18] =	ssyncset.done $0x0  }
0x41: {  	s1 =	simm.s32 $0x400;
	s6 =	simm.s32 $0x180;
	[sflag:s18] =	ssyncadd.s32 $0xFFFFC000  }
.LBB2_2:
0x42: {  	[tilespmem:s22], [sflag:$0x2] =	stream.indirect.gather [hbm4b:s4+s20], $0x80, s6, s20, $0xb8;
	[tilespmem:$0x1E720] =	vst v63  }
0x43: {  	s6 =	smov.u32 s1  }
0x44: {  	p0 =	sne.s32 s1, $0x4400;
	s1 =	sadd.s32 $0x400, s1;
	_ =	swait.ge [sflag:s24], $0x4000  }
0x45: {  	s6 =	sshra.s32 s6, $0x2;
	[sflag:s24] =	ssyncset.done $0x0  }
0x46: {  	s8 =	sadd.s32 $0x1390, s6;
	[sflag:s24] =	ssyncadd.s32 $0xFFFFC000  }
0x47: {  	[spmem:s2] =	stream.indirect.scatter.add.f32 [tilespmem:s21], [sflag:$0x4], $0x80, s8, s20, $0xb8;
	[tilespmem:$0x1E720] =	vst v63  }
0x48: {  	_ =	swait.ge [sflag:s18], $0x4000  }
0x49: {  	[sflag:s18] =	ssyncset.done $0x0  }
0x4a: {  	s8 =	sadd.s32 $0x100, s6;
	[sflag:s18] =	ssyncadd.s32 $0xFFFFC000  }
0x4b: {  	[tilespmem:s21], [sflag:$0x1] =	stream.indirect.gather [hbm4b:s4+s20], $0x80, s8, s20, $0xb8;
	[tilespmem:$0x1E720] =	vst v63  }
0x4c: {  	_ =	swait.ge [sflag:s25], $0x4000  }
0x4d: {  	[sflag:s25] =	ssyncset.done $0x0  }
.Ltmp0:
0x4e: {  	s8 =	sadd.s32 $0x1410, s6;
	[sflag:s25] =	ssyncadd.s32 $0xFFFFC000;
	(pc) =	sbr.rel @p0 .LBB2_2-.Ltmp0, $4  }
0x4f: {  	[spmem:s2] =	stream.indirect.scatter.add.f32 [tilespmem:s22], [sflag:$0x4], $0x80, s8, s20, $0xb8;
	[tilespmem:$0x1E720] =	vst v63  }
0x50: {  	_ =	swait.ge [sflag:s18], $0x4000  }
0x51: {  	[sflag:s18] =	ssyncset.done $0x0  }
0x52: {  	s6 =	sadd.s32 $0x180, s6;
	[sflag:s18] =	ssyncadd.s32 $0xFFFFC000  }
0x53: {  	[tilespmem:s22], [sflag:$0x2] =	stream.indirect.gather [hbm4b:s4+s20], $0x80, s6, s20, $0xb8;
	[tilespmem:$0x1E720] =	vst v63  }
0x54: {  	_ =	swait.ge [sflag:s24], $0x4000  }
0x55: {  	[sflag:s24] =	ssyncset.done $0x0  }
0x56: {  	[sflag:s24] =	ssyncadd.s32 $0xFFFFC000  }
0x57: {  	[spmem:s2] =	stream.indirect.scatter.add.f32 [tilespmem:s21], [sflag:$0x4], $0x80, s26, s20, $0xb8;
	[tilespmem:$0x1E720] =	vst v63  }
0x58: {  	_ =	swait.ge [sflag:s18], $0x4000  }
0x59: {  	[sflag:s18] =	ssyncset.done $0x0  }
0x5a: {  	[sflag:s18] =	ssyncadd.s32 $0xFFFFC000  }
0x5b: {  	[tilespmem:s21], [sflag:$0x1] =	stream.indirect.gather [hbm4b:s4+s20], $0x80, s28, s20, $0xb8;
	[tilespmem:$0x1E720] =	vst v63  }
0x5c: {  	_ =	swait.ge [sflag:s25], $0x4000  }
0x5d: {  	[sflag:s25] =	ssyncset.done $0x0  }
0x5e: {  	[sflag:s25] =	ssyncadd.s32 $0xFFFFC000  }
0x5f: {  	[spmem:s2] =	stream.indirect.scatter.add.f32 [tilespmem:s22], [sflag:$0x4], $0x80, s29, s20, $0xb8;
	[tilespmem:$0x1E720] =	vst v63  }
0x60: {  	_ =	swait.ge [sflag:s18], $0x4000  }
0x61: {  	[sflag:s18] =	ssyncset.done $0x0  }
0x62: {  	[sflag:s18] =	ssyncadd.s32 $0xFFFFC000  }
0x63: {  	_ =	swait.ge [sflag:s24], $0x4000  }
0x64: {  	[sflag:s24] =	ssyncset.done $0x0  }
0x65: {  	[sflag:s24] =	ssyncadd.s32 $0xFFFFC000  }
0x66: {  	[spmem:s2] =	stream.indirect.scatter.add.f32 [tilespmem:s21], [sflag:$0x4], $0x80, s30, s20, $0xb8;
	[tilespmem:$0x1E720] =	vst v63  }
0x67: {  	_ =	swait.ge [sflag:s18], $0x4000  }
0x68: {  	[sflag:s18] =	ssyncset.done $0x0  }
0x69: {  	s1 =	simm.s32 $0x0;
	[sflag:s18] =	ssyncadd.s32 $0xFFFFC000  }
0x6a: {  	[tilespmem:s1], [sflag:$0x4] =	stream.linear.gather [hbm4b:s10+s1], $0x1390, $0x38;
	[tilespmem:$0x1E720] =	vst v63  }
0x6b: {  	_ =	swait.ge [sflag:s18], $0x1390  }
0x6c: {  	[sflag:s18] =	ssyncset.done $0x0  }
0x6d: {  	[sflag:s18] =	ssyncadd.s32 $0xFFFFEC70  }
0x6e: {  	[tilespmem:s19], [sflag:$0x4] =	stream.linear.gather [hbm4b:s11+s1], $0x1390, $0x38;
	[tilespmem:$0x1E720] =	vst v63  }
0x6f: {  	_ =	swait.ge [sflag:s18], $0x1390  }
0x70: {  	[sflag:s18] =	ssyncset.done $0x0  }
0x71: {  	[sflag:s18] =	ssyncadd.s32 $0xFFFFEC70  }
0x72: {  	[tilespmem:s21], [sflag:$0x1] =	stream.indirect.gather [hbm4b:s4+s20], $0x80, s1, s20, $0xb8;
	[tilespmem:$0x1E720] =	vst v63  }
0x73: {  	_ = 	snop  }
0x74: {  	[tilespmem:s22], [sflag:$0x2] =	stream.indirect.gather [hbm4b:s4+s20], $0x80, s20, s20, $0xb8;
	[tilespmem:$0x1E720] =	vst v63  }
0x75: {  	_ =	swait.ge [sflag:s24], $0x4000  }
0x76: {  	[sflag:s24] =	ssyncset.done $0x0  }
0x77: {  	s8 =	simm.s32 $0x1390;
	[sflag:s24] =	ssyncadd.s32 $0xFFFFC000  }
0x78: {  	[spmem:s2] =	stream.indirect.scatter.add.f32 [tilespmem:s21], [sflag:$0x4], $0x80, s8, s20, $0xb8;
	[tilespmem:$0x1E720] =	vst v63  }
0x79: {  	_ =	swait.ge [sflag:s18], $0x4000  }
0x7a: {  	[sflag:s18] =	ssyncset.done $0x0  }
0x7b: {  	s6 =	simm.s32 $0x100;
	[sflag:s18] =	ssyncadd.s32 $0xFFFFC000  }
0x7c: {  	[tilespmem:s21], [sflag:$0x1] =	stream.indirect.gather [hbm4b:s4+s20], $0x80, s6, s20, $0xb8;
	[tilespmem:$0x1E720] =	vst v63  }
0x7d: {  	_ =	swait.ge [sflag:s25], $0x4000  }
0x7e: {  	[sflag:s25] =	ssyncset.done $0x0  }
0x7f: {  	s8 =	simm.s32 $0x1410;
	[sflag:s25] =	ssyncadd.s32 $0xFFFFC000  }
0x80: {  	[spmem:s2] =	stream.indirect.scatter.add.f32 [tilespmem:s22], [sflag:$0x4], $0x80, s8, s20, $0xb8;
	[tilespmem:$0x1E720] =	vst v63  }
0x81: {  	_ =	swait.ge [sflag:s18], $0x4000  }
0x82: {  	[sflag:s18] =	ssyncset.done $0x0  }
0x83: {  	s1 =	simm.s32 $0x400;
	s6 =	simm.s32 $0x180;
	[sflag:s18] =	ssyncadd.s32 $0xFFFFC000  }
.LBB2_4:
0x84: {  	[tilespmem:s22], [sflag:$0x2] =	stream.indirect.gather [hbm4b:s4+s20], $0x80, s6, s20, $0xb8;
	[tilespmem:$0x1E720] =	vst v63  }
0x85: {  	s6 =	smov.u32 s1  }
0x86: {  	p0 =	sne.s32 s1, $0x4400;
	s1 =	sadd.s32 $0x400, s1;
	_ =	swait.ge [sflag:s24], $0x4000  }
0x87: {  	s6 =	sshra.s32 s6, $0x2;
	[sflag:s24] =	ssyncset.done $0x0  }
0x88: {  	s8 =	sadd.s32 $0x1390, s6;
	[sflag:s24] =	ssyncadd.s32 $0xFFFFC000  }
0x89: {  	[spmem:s2] =	stream.indirect.scatter.add.f32 [tilespmem:s21], [sflag:$0x4], $0x80, s8, s20, $0xb8;
	[tilespmem:$0x1E720] =	vst v63  }
0x8a: {  	_ =	swait.ge [sflag:s18], $0x4000  }
0x8b: {  	[sflag:s18] =	ssyncset.done $0x0  }
0x8c: {  	s8 =	sadd.s32 $0x100, s6;
	[sflag:s18] =	ssyncadd.s32 $0xFFFFC000  }
0x8d: {  	[tilespmem:s21], [sflag:$0x1] =	stream.indirect.gather [hbm4b:s4+s20], $0x80, s8, s20, $0xb8;
	[tilespmem:$0x1E720] =	vst v63  }
0x8e: {  	_ =	swait.ge [sflag:s25], $0x4000  }
0x8f: {  	[sflag:s25] =	ssyncset.done $0x0  }
.Ltmp1:
0x90: {  	s8 =	sadd.s32 $0x1410, s6;
	[sflag:s25] =	ssyncadd.s32 $0xFFFFC000;
	(pc) =	sbr.rel @p0 .LBB2_4-.Ltmp1, $4  }
0x91: {  	[spmem:s2] =	stream.indirect.scatter.add.f32 [tilespmem:s22], [sflag:$0x4], $0x80, s8, s20, $0xb8;
	[tilespmem:$0x1E720] =	vst v63  }
0x92: {  	_ =	swait.ge [sflag:s18], $0x4000  }
0x93: {  	[sflag:s18] =	ssyncset.done $0x0  }
0x94: {  	s6 =	sadd.s32 $0x180, s6;
	[sflag:s18] =	ssyncadd.s32 $0xFFFFC000  }
0x95: {  	[tilespmem:s22], [sflag:$0x2] =	stream.indirect.gather [hbm4b:s4+s20], $0x80, s6, s20, $0xb8;
	[tilespmem:$0x1E720] =	vst v63  }
0x96: {  	_ =	swait.ge [sflag:s24], $0x4000  }
0x97: {  	[sflag:s24] =	ssyncset.done $0x0  }
0x98: {  	[sflag:s24] =	ssyncadd.s32 $0xFFFFC000  }
0x99: {  	[spmem:s2] =	stream.indirect.scatter.add.f32 [tilespmem:s21], [sflag:$0x4], $0x80, s26, s20, $0xb8;
	[tilespmem:$0x1E720] =	vst v63  }
0x9a: {  	_ =	swait.ge [sflag:s18], $0x4000  }
0x9b: {  	[sflag:s18] =	ssyncset.done $0x0  }
0x9c: {  	[sflag:s18] =	ssyncadd.s32 $0xFFFFC000  }
0x9d: {  	[tilespmem:s21], [sflag:$0x1] =	stream.indirect.gather [hbm4b:s4+s20], $0x80, s28, s20, $0xb8;
	[tilespmem:$0x1E720] =	vst v63  }
0x9e: {  	_ =	swait.ge [sflag:s25], $0x4000  }
0x9f: {  	[sflag:s25] =	ssyncset.done $0x0  }
0xa0: {  	[sflag:s25] =	ssyncadd.s32 $0xFFFFC000  }
0xa1: {  	[spmem:s2] =	stream.indirect.scatter.add.f32 [tilespmem:s22], [sflag:$0x4], $0x80, s29, s20, $0xb8;
	[tilespmem:$0x1E720] =	vst v63  }
0xa2: {  	_ =	swait.ge [sflag:s18], $0x4000  }
0xa3: {  	[sflag:s18] =	ssyncset.done $0x0  }
0xa4: {  	s1 =	simm.s32 $0x1380;
	[sflag:s18] =	ssyncadd.s32 $0xFFFFC000  }
0xa5: {  	[tilespmem:s22], [sflag:$0x2] =	stream.indirect.gather [hbm4b:s4+s31], $0x80, s1, s31, $0xb8;
	[tilespmem:$0x1E720] =	vst v63  }
0xa6: {  	_ =	swait.ge [sflag:s24], $0x4000  }
0xa7: {  	[sflag:s24] =	ssyncset.done $0x0  }
0xa8: {  	[sflag:s24] =	ssyncadd.s32 $0xFFFFC000  }
0xa9: {  	[spmem:s2] =	stream.indirect.scatter.add.f32 [tilespmem:s21], [sflag:$0x4], $0x80, s30, s20, $0xb8;
	[tilespmem:$0x1E720] =	vst v63  }
0xaa: {  	_ =	swait.ge [sflag:s18], $0x4000  }
0xab: {  	[sflag:s18] =	ssyncset.done $0x0  }
0xac: {  	[sflag:s18] =	ssyncadd.s32 $0xFFFFC000  }
0xad: {  	_ =	swait.ge [sflag:s25], $0x800  }
0xae: {  	[sflag:s25] =	ssyncset.done $0x0  }
0xaf: {  	s6 =	simm.s32 $0x2710;
	[sflag:s25] =	ssyncadd.s32 $0xFFFFF800  }
0xb0: {  	[spmem:s2] =	stream.indirect.scatter.add.f32 [tilespmem:s22], [sflag:$0x4], $0x80, s6, s31, $0xb8;
	[tilespmem:$0x1E720] =	vst v63  }
0xb1: {  	_ =	swait.ge [sflag:s18], $0x800  }
0xb2: {  	[sflag:s18] =	ssyncset.done $0x0  }
0xb3: {  	[sflag:s18] =	ssyncadd.s32 $0xFFFFF800  }
0xb4: {  	s0 =	sadd.s32 $0x1, s0;
	[bflag:$0x0] =	sbarrier.arrive $0xFFFF  }
0xb5: {  	p0 =	sne.s32 s0, s13;
	s8 =	rddreg [dreg:$0x3]  }
.Ltmp2:
0xb6: {  	s1 =	sor.u32 $0x1C04, s8;
	(pc) =	sbr.rel @p0 .LBB2_1-.Ltmp2, $4  }
0xb7: {  	[hbm:s12], [sflag:s1] =	dma.local [spmem:s14], $0x2800  }
0xb8: {  	_ =	swait.ge [sflag:s18], $0x2800  }
0xb9: {  	[sflag:s18] =	ssyncset.done $0x0  }
0xba: {  	[sflag:s18] =	ssyncadd.s32 $0xFFFFD800  }
0xbb: {  	_ =	sfence.sel $0x180000  }
0xbc: {  	[bflag:$0x0] =	sbarrier.arrive $0xFFFF  }
0xbd: {  	_ =	strace $0x9000004A  }
0xbe: {  	s0 =	stileid.u32;
	[bflag:$0x2] =	sbarrier.arrive $0xFFFF  }
0xbf: {  	p0 =	sne.s32 s0, $0x0;
	s0 =	rddreg [dreg:$0x2]  }
0xc0: {  	s0 =	sadd.s32 @!p0 $0x100000, s0  }
0xc1: {  	[sflag:s0] =	ssyncadd.tile.s32 @!p0 $0x1;
	_ =	shalt  }
.Lfunc_end2:
_tile_overlayer_lowered:
.L_overlay_start_2:
0xc2: {  	(tag) =	ssettag $0x2  }
0xc3: {  	s0 =	rddreg [dreg:$0x0];
	s2 =	stileid.u32  }
0xc4: {  	s1 =	rddreg [dreg:$0x1];
	p0 =	sne.s32 s2, $0x0  }
0xc5: {  	s3 =	rddreg [dreg:$0x2];
	[bflag:$0x3] =	sbarrier.arrive $0xFFFF;
	s2 =	simm.s32 @!p0 $0x1C04  }
0xc6: {  	[timem:s3], [sflag:s2] =	dma.local @!p0 [hbm:s0], s1  }
0xc7: {  	s0 =	simm.s32 @!p0 $0x4  }
0xc8: {  	_ =	swait.ge @!p0 [sflag:s0], s1  }
0xc9: {  	s1 =	ssub.s32 @!p0 $0x0, s1;
	[sflag:s0] =	ssyncset.done @!p0 $0x0  }
0xca: {  	[sflag:s0] =	ssyncadd.s32 @!p0 s1  }
0xcb: {  	[bflag:$0x3] =	sbarrier.arrive $0xFFFF  }
0xcc: {  	_ =	shalt  }

// kernel: kernel.18.cloned.1.call-start
scs
__scs_entry_jumppad:
0x0: {  	(pc) =	sbr.rel $0x88, $3  }
0x1: {  	(tag) =	ssettag $0x0;
	lr =	simm.s32 $0x1  }
0x2: {  	[smem:$0x3F86] =	sst lr;
	_ =	strace $0xD0000000  }
0x3: {  	_ = 	snop  }
0x4: {  	_ = 	snop  }
0x5: {  	_ = 	snop  }
0x6: {  	_ = 	snop  }
0x7: {  	_ = 	snop  }
__scs_overlays_trampoline_lowered:
0x8: {  	[smem:$0x3F95] =	sst s0  }
0x9: {  	[smem:$0x3F96] =	sst s1  }
0xa: {  	[smem:$0x3F97] =	sst s2  }
0xb: {  	[smem:$0x3F98] =	sst s3  }
0xc: {  	[smem:$0x3F99] =	sst s4  }
0xd: {  	[smem:$0x3F9A] =	sst s5  }
0xe: {  	[smem:$0x3F9B] =	sst s6  }
0xf: {  	[smem:$0x3F9C] =	sst s7  }
0x10: {  	[smem:$0x3F9D] =	sst s8  }
0x11: {  	[smem:$0x3F9E] =	sst s9;
	s0 =	simm.s32 @!p0 $0x0  }
0x12: {  	s1 =	sld [smem:$0x3F84];
	s0 =	simm.s32 @p0 $0x1  }
0x13: {  	[smem:$0x3F9F] =	sst s0;
	s0 =	simm.s32 @!p1 $0x0  }
0x14: {  	s2 =	sld [smem:$0x3F83];
	s0 =	simm.s32 @p1 $0x1  }
0x15: {  	[smem:$0x3FA0] =	sst s0;
	s0 =	simm.s32 @!p2 $0x0  }
0x16: {  	s3 =	sld [smem:$0x3FDB];
	s0 =	simm.s32 @p2 $0x1  }
0x17: {  	s4 =	simm.s32 $0x1BF5;
	[smem:$0x3FA2] =	sst s0  }
0x18: {  	s0 =	sld [smem:$0x3F85];
	_ =	swait.ge [sflag:s4], $0x0  }
0x19: {  	s7 =	sld [smem:$0x3F86]  }
0x1a: {  	s8 =	sadd.s32 $0xFFFFE003, lr  }
0x1b: {  	s9 =	sadd.s32 $0xFFFFFEF7, lr;
	s5 =	simm.s32 $0xFFFFFFFF;
	p2 =	slt.u32 s8, $0xFFFFF086  }
0x1c: {  	p1 =	slt.u32 s9, $0xF7A;
	s5 =	simm.s32 @!p2 $0x0  }
0x1d: {  	s5 =	simm.s32 @p1 $0x1;
	p0 =	seq.s32 s7, s2  }
0x1e: {  	s7 =	smul.u32 @!p0 $0xF7A, s2;
	p2 =	seq.s32 @!p0 s5, $0x0  }
0x1f: {  	s9 =	smul.u32 $0xF7A, s1;
	s8 =	simm.s32 @!p0 $0x1BF5;
	p2 =	por !p2, p0  }
0x20: {  	[sflag:s8] =	ssyncset.s32 @!p0 $0xFFFFF086;
	s6 =	sadd.s32 @!p0 s3, s7;
	s7 =	simm.s32 @!p0 $0x108  }
0x21: {  	s3 =	sadd.s32 s3, s9;
	s6 =	sadd.s32 @!p0 $0x88, s6;
	s7 =	simm.s32 @p2 $0x1082  }
0x22: {  	[simem:s7], [sflag:s8] =	dma.local @!p0 [hbm:s6], $0xF7A  }
0x23: {  	s9 =	sor.u32 $0xD0000000, s2;
	s6 =	simm.s32 $0x108;
	_ =	swait.ge @!p0 [sflag:s8], $0x0  }
0x24: {  	s3 =	sadd.s32 $0x88, s3;
	s6 =	simm.s32 @!p1 $0x1082;
	[sflag:s4] =	ssyncset.s32 $0xFFFFF086  }
0x25: {  	[simem:s6], [sflag:s4] =	dma.local [hbm:s3], $0xF7A  }
0x26: {  	[smem:$0x3F86] =	sst s1;
	(tag) =	ssettag s2;
	_ =	strace s9  }
0x27: {  	s1 =	sld [smem:$0x3F96]  }
0x28: {  	s2 =	sld [smem:$0x3F97]  }
0x29: {  	s4 =	sld [smem:$0x3F99]  }
0x2a: {  	p0 =	seq.s32 s5, $0x0;
	s5 =	sld [smem:$0x3F9A]  }
0x2b: {  	s6 =	sld [smem:$0x3F9B]  }
0x2c: {  	s7 =	sld [smem:$0x3F9C]  }
0x2d: {  	s3 =	simm.s32 $0x108;
	s8 =	sld [smem:$0x3F9D]  }
0x2e: {  	s3 =	simm.s32 @!p0 $0x1082;
	s9 =	sld [smem:$0x3F9E]  }
0x2f: {  	lr =	sadd.s32 s0, s3;
	s0 =	sld [smem:$0x3F95]  }
0x30: {  	s3 =	sld [smem:$0x3F98]  }
0x31: {  	[smem:$0x3FA1] =	sst s10  }
0x32: {  	s10 =	sld [smem:$0x3F9F];
	_ =	sdelay $0x3  }
0x33: {  	p0 =	seq.s32 s10, $0x1;
	s10 =	sld [smem:$0x3FA1];
	_ =	sdelay $0x3  }
0x34: {  	[smem:$0x3FA1] =	sst s10  }
0x35: {  	s10 =	sld [smem:$0x3FA0];
	_ =	sdelay $0x3  }
0x36: {  	p1 =	seq.s32 s10, $0x1;
	s10 =	sld [smem:$0x3FA1];
	_ =	sdelay $0x3  }
0x37: {  	[smem:$0x3FA1] =	sst s10  }
0x38: {  	s10 =	sld [smem:$0x3FA2]  }
0x39: {  	_ = 	snop;
	(pc) =	sbr.ind lr, $3  }
0x3a: {  	_ = 	snop  }
0x3b: {  	_ = 	snop  }
0x3c: {  	p2 =	seq.s32 s10, $0x1;
	s10 =	sld [smem:$0x3FA1]  }
0x3d: {  	_ =	shalt  }
0x3e: {  	_ =	shalt  }
0x3f: {  	_ =	shalt  }
0x40: {  	_ =	shalt  }
0x41: {  	_ =	shalt  }
0x42: {  	_ =	shalt  }
0x43: {  	_ =	shalt  }
0x44: {  	_ =	shalt  }
0x45: {  	_ =	shalt  }
0x46: {  	_ =	shalt  }
0x47: {  	_ =	shalt  }
0x48: {  	_ =	shalt  }
0x49: {  	_ =	shalt  }
0x4a: {  	_ =	shalt  }
0x4b: {  	_ =	shalt  }
0x4c: {  	_ =	shalt  }
0x4d: {  	_ =	shalt  }
0x4e: {  	_ =	shalt  }
0x4f: {  	_ =	shalt  }
0x50: {  	_ =	shalt  }
0x51: {  	_ =	shalt  }
0x52: {  	_ =	shalt  }
0x53: {  	_ =	shalt  }
0x54: {  	_ =	shalt  }
0x55: {  	_ =	shalt  }
0x56: {  	_ =	shalt  }
0x57: {  	_ =	shalt  }
0x58: {  	_ =	shalt  }
0x59: {  	_ =	shalt  }
0x5a: {  	_ =	shalt  }
0x5b: {  	_ =	shalt  }
0x5c: {  	_ =	shalt  }
0x5d: {  	_ =	shalt  }
0x5e: {  	_ =	shalt  }
0x5f: {  	_ =	shalt  }
0x60: {  	_ =	shalt  }
0x61: {  	_ =	shalt  }
0x62: {  	_ =	shalt  }
0x63: {  	_ =	shalt  }
0x64: {  	_ =	shalt  }
0x65: {  	_ =	shalt  }
0x66: {  	_ =	shalt  }
0x67: {  	_ =	shalt  }
0x68: {  	_ =	shalt  }
0x69: {  	_ =	shalt  }
0x6a: {  	_ =	shalt  }
0x6b: {  	_ =	shalt  }
0x6c: {  	_ =	shalt  }
0x6d: {  	_ =	shalt  }
0x6e: {  	_ =	shalt  }
0x6f: {  	_ =	shalt  }
0x70: {  	_ =	shalt  }
0x71: {  	_ =	shalt  }
0x72: {  	_ =	shalt  }
0x73: {  	_ =	shalt  }
0x74: {  	_ =	shalt  }
0x75: {  	_ =	shalt  }
0x76: {  	_ =	shalt  }
0x77: {  	_ =	shalt  }
0x78: {  	_ =	shalt  }
0x79: {  	_ =	shalt  }
0x7a: {  	_ =	shalt  }
0x7b: {  	_ =	shalt  }
0x7c: {  	_ =	shalt  }
0x7d: {  	_ =	shalt  }
0x7e: {  	_ =	shalt  }
0x7f: {  	_ =	shalt  }
0x80: {  	_ =	shalt  }
0x81: {  	_ =	shalt  }
0x82: {  	_ =	shalt  }
0x83: {  	_ =	shalt  }
0x84: {  	_ =	shalt  }
0x85: {  	_ =	shalt  }
0x86: {  	_ =	shalt  }
0x87: {  	_ =	shalt  }
.Lfunc_end0:
.L_simem_size_0:
called_computation.2_lowered:
.L_overlay_start_0:
0x88: {  	s2 =	sld [smem:$0x3FD9]  }
0x89: {  	s3 =	sld [smem:$0x3FFE];
	_ =	sdelay $0x1  }
0x8a: {  	s1 =	srdreg.scid  }
0x8b: {  	s0 =	sand.u32 $0x1, s1  }
0x8c: {  	s16 =	sshll.u32 s0, $0xA;
	s2 =	sadd.s32 s3, s2  }
0x8d: {  	s2 =	sadd.s32 s2, s16  }
0x8e: {  	[smem:$0x3FAD] =	sst s2  }
0x8f: {  	_ = 	snop  }
0x90: {  	(tm) =	ssettm $0x1  }
0x91: {  	s17 =	sld [smem:$0x3FFB];
	_ =	sdelay $0x3  }
0x92: {  	_ =	strace s17  }
0x93: {  	s2 =	sld [smem:$0x3FFC];
	_ =	sdelay $0x3  }
0x94: {  	_ =	strace s2  }
0x95: {  	s2 =	sld [smem:$0x3FFD];
	_ =	sdelay $0x3  }
0x96: {  	_ =	strace s2  }
0x97: {  	_ =	strace $0x8FFFFFFF  }
0x98: {  	s18 =	sld [smem:$0x3FDB];
	_ =	sdelay $0x1  }
0x99: {  	s19 =	simm.s32 $_scs_section_size  }
0x9a: {  	s4 =	simm.s32 $_size__tile_overlayer_lowered;
	s5 =	simm.s32 $_tile_overlayer_lowered  }
0x9b: {  	s22 =	simm.s32 $0x1BFF;
	s21 =	sshll.u32 s5, $0x1;
	s2 =	sadd.s32 s19, s18  }
0x9c: {  	s6 =	simm.s32 $0x0;
	s20 =	sshll.u32 s4, $0x1;
	s4 =	sadd.s32 s21, s2  }
0x9d: {  	[timem:s6], [sflag:s22] =	dma.local [hbm:s4], s20  }
0x9e: {  	_ =	swait.ge [sflag:s22], s20  }
0x9f: {  	s3 =	ssub.s32 $0x0, s20;
	[sflag:s22] =	ssyncset.done $0x0  }
0xa0: {  	[sflag:s22] =	ssyncadd.s32 s3;
	_ =	sdelay $0x1  }
0xa1: {  	s23 =	simm.s32 $0x1B8B  }
0xa2: {  	_ =	swait.ge [sflag:s23], $0x1  }
0xa3: {  	[sflag:s23] =	ssyncset.done $0x0  }
0xa4: {  	s25 =	simm.s32 $0x1B8E;
	s24 =	sld [smem:$0x3FFE];
	[sflag:s23] =	ssyncadd.s32 $0xFFFFFFFF  }
0xa5: {  	s26 =	simm.s32 $execute0_lowered;
	[smem:$0x3FD2] =	sst s25  }
0xa6: {  	s4 =	sshll.u32 s26, $0x1;
	_ =	strace $0x8000004C;
	[dreg:$0x1] =	wrdreg $0xFFFFFFFF  }
0xa7: {  	s28 =	simm.s32 $_size_execute0_lowered;
	s2 =	sadd.s32 s2, s4;
	[dreg:$0x0] =	wrdreg $0x0  }
0xa8: {  	s4 =	sshll.u32 s28, $0x1;
	[dreg:$0x2] =	wrdreg s2  }
0xa9: {  	[dreg:$0x3] =	wrdreg s4  }
0xaa: {  	[dreg:$0x4] =	wrdreg $0xC0  }
0xab: {  	_ =	task [dreg:s6], $0x5FFFF  }
0xac: {  	[dreg:$0x1] =	wrdreg $0xFFFFFFFF  }
0xad: {  	[dreg:$0x0] =	wrdreg $0x60  }
0xae: {  	[dreg:$0x2] =	wrdreg s24  }
0xaf: {  	[dreg:$0x3] =	wrdreg $0xA7200  }
0xb0: {  	[dreg:$0x4] =	wrdreg $0x9  }
0xb1: {  	_ =	task.clear_ibuf [dreg:s6], $0x5FFFF;
	_ =	strace $0x9000004C  }
0xb2: {  	s29 =	simm.s32 $0x9;
	_ =	strace $0x8000004E  }
0xb3: {  	_ =	swait.ge [sflag:s29], $0x1  }
0xb4: {  	[sflag:s29] =	ssyncadd.s32 $0xFFFFFFFF  }
0xb5: {  	_ =	strace $0x9000004E  }
0xb6: {  	_ =	sfence  }
0xb7: {  	s30 =	sld [smem:$0x0];
	_ =	sdelay $0x2  }
0xb8: {  	s31 =	sshll.u32 s1, $0xD;
	s1 =	sshrl.u32 s1, $0x2  }
0xb9: {  	s3 =	sand.u32 $0x4000, s31;
	s1 =	sadd.s32 s1, s30  }
0xba: {  	s0 =	sor.u32 s3, s0;
	s1 =	sshll.u32 s1, $0x11  }
0xbb: {  	s0 =	sor.u32 s1, s0  }
0xbc: {  	s0 =	sadd.s32 $0x8F2B, s0  }
0xbd: {  	[sflag:s0] =	ssyncadd.remote.s32 $0x1  }
0xbe: {  	_ =	sfence.sel $0xFFFF  }
0xbf: {  	[dreg:$0x0] =	wrdreg $0xFFFFFFFF;
	(pc) =	sbr.abs _section_cstart, $3  }
0xc0: {  	[dreg:$0x1] =	wrdreg $0xFFFFFFFF  }
0xc1: {  	_ =	task.clear_ibuf [dreg:s6], $0x2FFFF;
	_ =	strace $0x9FFFFFFF  }
0xc2: {  	(tm) =	ssettm $0x7FFFFFFF  }
0xc3: {  	_ =	shalt  }
tec
execute0_lowered:
.L_overlay_start_1:
0x0: {  	(tag) =	ssettag $0x1  }
0x1: {  	s0 =	rddreg [dreg:$0x0]  }
0x2: {  	s2 =	rddreg [dreg:$0x1];
	s1 =	srdreg.scid  }
0x3: {  	s14 =	stileid.u32;
	s3 =	simm.s32 $0x0;
	s18 =	simm.s32 $0x4  }
0x4: {  	s19 =	simm.s32 $0x1390;
	s20 =	simm.s32 $0x80;
	s21 =	simm.s32 $0x2720  }
0x5: {  	s28 =	simm.s32 $0x1300;
	s29 =	simm.s32 $0x2610;
	s30 =	simm.s32 $0x2690  }
0x6: {  	s31 =	simm.s32 $0x10;
	s1 =	sand.u32 $0x1, s1;
	s6 =	smul.u32 $0x14000, s14  }
0x7: {  	[smem:$0x7FF] =	sst s3;
	s4 =	sadd.s32 $0x1C00, s0;
	s10 =	sadd.s32 $0x32C00, s0  }
0x8: {  	s11 =	sadd.s32 $0x28E00, s0;
	s5 =	sadd.s32 $0x3CA00, s0;
	s9 =	smul.u32 $0x50000, s14  }
0x9: {  	s12 =	sshll.u32 s14, $0x1;
	s24 =	sshll.u32 s14, $0x6;
	s7 =	smul.u32 $0x140000, s1  }
0xa: {  	_ =	strace $0x8000004D;
	s8 =	ssub.s32 $0x2, s1;
	s1 =	sor.u32 s1, s12  }
0xb: {  	[dreg:$0x3] =	wrdreg s24;
	s22 =	sshrl.u32 s8, $0x1;
	s23 =	sshrl.u32 s9, $0x2  }
0xc: {  	s1 =	smul.u32 $0x2710, s1;
	s7 =	sadd.s32 s6, s7;
	s13 =	ssub.s32 s8, s22  }
0xd: {  	s25 =	sadd.s32 s23, s2;
	s6 =	sadd.s32 s6, s2;
	s22 =	simm.s32 $0x6720  }
0xe: {  	s23 =	simm.s32 $0x3;
	s7 =	sshrl.u32 s7, $0x3;
	s15 =	sadd.s32 $0x5000, s25  }
0xf: {  	s16 =	sadd.s32 $0xA000, s25;
	s17 =	sadd.s32 $0xF000, s25;
	s1 =	sshrl.u32 s1, $0x3  }
0x10: {  	s13 =	smax.u32 s13, $0x1;
	s14 =	sshrl.u32 s6, $0x3;
	s25 =	simm.s32 $0x2  }
0x11: {  	s0 =	sadd.s32 s7, s0;
	s7 =	sor.u32 $0x1C03, s24;
	s26 =	sadd.s32 s10, s1  }
0x12: {  	s9 =	sadd.s32 s11, s1;
	s1 =	sadd.s32 $0x270, s1;
	s15 =	sshrl.u32 s15, $0x3  }
0x13: {  	s16 =	sshrl.u32 s16, $0x3;
	s17 =	sshrl.u32 s17, $0x3;
	s24 =	simm.s32 $0x1  }
0x14: {  	[dreg:$0x4] =	wrdreg s26;
	s10 =	sadd.s32 s10, s1;
	s11 =	sadd.s32 s11, s1  }
0x15: {  	s12 =	sadd.s32 $0x3D400, s0;
	s26 =	simm.s32 $0x2590;
	s0 =	simm.s32 $0x0  }
.LBB2_1:
0x16: {  	[spmem:s14], [sflag:s7] =	dma.local [hbm:s5], $0xA00  }
0x17: {  	[spmem:s15], [sflag:s7] =	dma.local [hbm:s5], $0xA00  }
0x18: {  	[spmem:s16], [sflag:s7] =	dma.local [hbm:s5], $0xA00  }
0x19: {  	[spmem:s17], [sflag:s7] =	dma.local [hbm:s5], $0xA00  }
0x1a: {  	s1 =	rddreg [dreg:$0x4]  }
0x1b: {  	[tilespmem:s3], [sflag:$0x4] =	stream.linear.gather [hbm4b:s1+s3], $0x1380, $0x38;
	[tilespmem:$0x1E720] =	vst v63  }
0x1c: {  	_ =	swait.ge [sflag:s18], $0x1380  }
0x1d: {  	[sflag:s18] =	ssyncset.done $0x0  }
0x1e: {  	[sflag:s18] =	ssyncadd.s32 $0xFFFFEC80  }
0x1f: {  	[tilespmem:s19], [sflag:$0x4] =	stream.linear.gather [hbm4b:s9+s3], $0x1380, $0x38;
	[tilespmem:$0x1E720] =	vst v63  }
0x20: {  	_ =	swait.ge [sflag:s18], $0x1380  }
0x21: {  	[sflag:s18] =	ssyncset.done $0x0  }
0x22: {  	[sflag:s18] =	ssyncadd.s32 $0xFFFFEC80  }
0x23: {  	[tilespmem:s21], [sflag:$0x1] =	stream.indirect.gather [hbm4b:s4+s20], $0x80, s3, s20, $0xb8;
	[tilespmem:$0x1E720] =	vst v63  }
0x24: {  	_ = 	snop  }
0x25: {  	[tilespmem:s22], [sflag:$0x2] =	stream.indirect.gather [hbm4b:s4+s20], $0x80, s20, s20, $0xb8;
	[tilespmem:$0x1E720] =	vst v63  }
0x26: {  	_ =	swait.ge [sflag:s23], $0xA00  }
0x27: {  	[sflag:s23] =	ssyncset.done $0x0  }
0x28: {  	[sflag:s23] =	ssyncadd.s32 $0xFFFFF600  }
0x29: {  	_ =	swait.ge [sflag:s23], $0xA00  }
0x2a: {  	[sflag:s23] =	ssyncset.done $0x0  }
0x2b: {  	[sflag:s23] =	ssyncadd.s32 $0xFFFFF600  }
0x2c: {  	_ =	swait.ge [sflag:s23], $0xA00  }
0x2d: {  	[sflag:s23] =	ssyncset.done $0x0  }
0x2e: {  	[sflag:s23] =	ssyncadd.s32 $0xFFFFF600  }
0x2f: {  	_ =	swait.ge [sflag:s23], $0xA00  }
0x30: {  	[sflag:s23] =	ssyncset.done $0x0  }
0x31: {  	[sflag:s23] =	ssyncadd.s32 $0xFFFFF600  }
0x32: {  	[bflag:$0x0] =	sbarrier.arrive $0xFFFF  }
0x33: {  	_ =	swait.ge [sflag:s24], $0x4000  }
0x34: {  	[sflag:s24] =	ssyncset.done $0x0  }
0x35: {  	s8 =	simm.s32 $0x1390;
	[sflag:s24] =	ssyncadd.s32 $0xFFFFC000  }
0x36: {  	[spmem:s2] =	stream.indirect.scatter.add.f32 [tilespmem:s21], [sflag:$0x4], $0x80, s8, s20, $0xb8;
	[tilespmem:$0x1E720] =	vst v63  }
0x37: {  	_ =	swait.ge [sflag:s18], $0x4000  }
0x38: {  	[sflag:s18] =	ssyncset.done $0x0  }
0x39: {  	s6 =	simm.s32 $0x100;
	[sflag:s18] =	ssyncadd.s32 $0xFFFFC000  }
0x3a: {  	[tilespmem:s21], [sflag:$0x1] =	stream.indirect.gather [hbm4b:s4+s20], $0x80, s6, s20, $0xb8;
	[tilespmem:$0x1E720] =	vst v63  }
0x3b: {  	_ =	swait.ge [sflag:s25], $0x4000  }
0x3c: {  	[sflag:s25] =	ssyncset.done $0x0  }
0x3d: {  	s8 =	simm.s32 $0x1410;
	[sflag:s25] =	ssyncadd.s32 $0xFFFFC000  }
0x3e: {  	[spmem:s2] =	stream.indirect.scatter.add.f32 [tilespmem:s22], [sflag:$0x4], $0x80, s8, s20, $0xb8;
	[tilespmem:$0x1E720] =	vst v63  }
0x3f: {  	_ =	swait.ge [sflag:s18], $0x4000  }
0x40: {  	[sflag:s18] =	ssyncset.done $0x0  }
0x41: {  	s1 =	simm.s32 $0x400;
	s6 =	simm.s32 $0x180;
	[sflag:s18] =	ssyncadd.s32 $0xFFFFC000  }
.LBB2_2:
0x42: {  	[tilespmem:s22], [sflag:$0x2] =	stream.indirect.gather [hbm4b:s4+s20], $0x80, s6, s20, $0xb8;
	[tilespmem:$0x1E720] =	vst v63  }
0x43: {  	s6 =	smov.u32 s1  }
0x44: {  	p0 =	sne.s32 s1, $0x4400;
	s1 =	sadd.s32 $0x400, s1;
	_ =	swait.ge [sflag:s24], $0x4000  }
0x45: {  	s6 =	sshra.s32 s6, $0x2;
	[sflag:s24] =	ssyncset.done $0x0  }
0x46: {  	s8 =	sadd.s32 $0x1390, s6;
	[sflag:s24] =	ssyncadd.s32 $0xFFFFC000  }
0x47: {  	[spmem:s2] =	stream.indirect.scatter.add.f32 [tilespmem:s21], [sflag:$0x4], $0x80, s8, s20, $0xb8;
	[tilespmem:$0x1E720] =	vst v63  }
0x48: {  	_ =	swait.ge [sflag:s18], $0x4000  }
0x49: {  	[sflag:s18] =	ssyncset.done $0x0  }
0x4a: {  	s8 =	sadd.s32 $0x100, s6;
	[sflag:s18] =	ssyncadd.s32 $0xFFFFC000  }
0x4b: {  	[tilespmem:s21], [sflag:$0x1] =	stream.indirect.gather [hbm4b:s4+s20], $0x80, s8, s20, $0xb8;
	[tilespmem:$0x1E720] =	vst v63  }
0x4c: {  	_ =	swait.ge [sflag:s25], $0x4000  }
0x4d: {  	[sflag:s25] =	ssyncset.done $0x0  }
.Ltmp0:
0x4e: {  	s8 =	sadd.s32 $0x1410, s6;
	[sflag:s25] =	ssyncadd.s32 $0xFFFFC000;
	(pc) =	sbr.rel @p0 .LBB2_2-.Ltmp0, $4  }
0x4f: {  	[spmem:s2] =	stream.indirect.scatter.add.f32 [tilespmem:s22], [sflag:$0x4], $0x80, s8, s20, $0xb8;
	[tilespmem:$0x1E720] =	vst v63  }
0x50: {  	_ =	swait.ge [sflag:s18], $0x4000  }
0x51: {  	[sflag:s18] =	ssyncset.done $0x0  }
0x52: {  	s6 =	sadd.s32 $0x180, s6;
	[sflag:s18] =	ssyncadd.s32 $0xFFFFC000  }
0x53: {  	[tilespmem:s22], [sflag:$0x2] =	stream.indirect.gather [hbm4b:s4+s20], $0x80, s6, s20, $0xb8;
	[tilespmem:$0x1E720] =	vst v63  }
0x54: {  	_ =	swait.ge [sflag:s24], $0x4000  }
0x55: {  	[sflag:s24] =	ssyncset.done $0x0  }
0x56: {  	[sflag:s24] =	ssyncadd.s32 $0xFFFFC000  }
0x57: {  	[spmem:s2] =	stream.indirect.scatter.add.f32 [tilespmem:s21], [sflag:$0x4], $0x80, s26, s20, $0xb8;
	[tilespmem:$0x1E720] =	vst v63  }
0x58: {  	_ =	swait.ge [sflag:s18], $0x4000  }
0x59: {  	[sflag:s18] =	ssyncset.done $0x0  }
0x5a: {  	[sflag:s18] =	ssyncadd.s32 $0xFFFFC000  }
0x5b: {  	[tilespmem:s21], [sflag:$0x1] =	stream.indirect.gather [hbm4b:s4+s20], $0x80, s28, s20, $0xb8;
	[tilespmem:$0x1E720] =	vst v63  }
0x5c: {  	_ =	swait.ge [sflag:s25], $0x4000  }
0x5d: {  	[sflag:s25] =	ssyncset.done $0x0  }
0x5e: {  	[sflag:s25] =	ssyncadd.s32 $0xFFFFC000  }
0x5f: {  	[spmem:s2] =	stream.indirect.scatter.add.f32 [tilespmem:s22], [sflag:$0x4], $0x80, s29, s20, $0xb8;
	[tilespmem:$0x1E720] =	vst v63  }
0x60: {  	_ =	swait.ge [sflag:s18], $0x4000  }
0x61: {  	[sflag:s18] =	ssyncset.done $0x0  }
0x62: {  	[sflag:s18] =	ssyncadd.s32 $0xFFFFC000  }
0x63: {  	_ =	swait.ge [sflag:s24], $0x4000  }
0x64: {  	[sflag:s24] =	ssyncset.done $0x0  }
0x65: {  	[sflag:s24] =	ssyncadd.s32 $0xFFFFC000  }
0x66: {  	[spmem:s2] =	stream.indirect.scatter.add.f32 [tilespmem:s21], [sflag:$0x4], $0x80, s30, s20, $0xb8;
	[tilespmem:$0x1E720] =	vst v63  }
0x67: {  	_ =	swait.ge [sflag:s18], $0x4000  }
0x68: {  	[sflag:s18] =	ssyncset.done $0x0  }
0x69: {  	s1 =	simm.s32 $0x0;
	[sflag:s18] =	ssyncadd.s32 $0xFFFFC000  }
0x6a: {  	[tilespmem:s1], [sflag:$0x4] =	stream.linear.gather [hbm4b:s10+s1], $0x1390, $0x38;
	[tilespmem:$0x1E720] =	vst v63  }
0x6b: {  	_ =	swait.ge [sflag:s18], $0x1390  }
0x6c: {  	[sflag:s18] =	ssyncset.done $0x0  }
0x6d: {  	[sflag:s18] =	ssyncadd.s32 $0xFFFFEC70  }
0x6e: {  	[tilespmem:s19], [sflag:$0x4] =	stream.linear.gather [hbm4b:s11+s1], $0x1390, $0x38;
	[tilespmem:$0x1E720] =	vst v63  }
0x6f: {  	_ =	swait.ge [sflag:s18], $0x1390  }
0x70: {  	[sflag:s18] =	ssyncset.done $0x0  }
0x71: {  	[sflag:s18] =	ssyncadd.s32 $0xFFFFEC70  }
0x72: {  	[tilespmem:s21], [sflag:$0x1] =	stream.indirect.gather [hbm4b:s4+s20], $0x80, s1, s20, $0xb8;
	[tilespmem:$0x1E720] =	vst v63  }
0x73: {  	_ = 	snop  }
0x74: {  	[tilespmem:s22], [sflag:$0x2] =	stream.indirect.gather [hbm4b:s4+s20], $0x80, s20, s20, $0xb8;
	[tilespmem:$0x1E720] =	vst v63  }
0x75: {  	_ =	swait.ge [sflag:s24], $0x4000  }
0x76: {  	[sflag:s24] =	ssyncset.done $0x0  }
0x77: {  	s8 =	simm.s32 $0x1390;
	[sflag:s24] =	ssyncadd.s32 $0xFFFFC000  }
0x78: {  	[spmem:s2] =	stream.indirect.scatter.add.f32 [tilespmem:s21], [sflag:$0x4], $0x80, s8, s20, $0xb8;
	[tilespmem:$0x1E720] =	vst v63  }
0x79: {  	_ =	swait.ge [sflag:s18], $0x4000  }
0x7a: {  	[sflag:s18] =	ssyncset.done $0x0  }
0x7b: {  	s6 =	simm.s32 $0x100;
	[sflag:s18] =	ssyncadd.s32 $0xFFFFC000  }
0x7c: {  	[tilespmem:s21], [sflag:$0x1] =	stream.indirect.gather [hbm4b:s4+s20], $0x80, s6, s20, $0xb8;
	[tilespmem:$0x1E720] =	vst v63  }
0x7d: {  	_ =	swait.ge [sflag:s25], $0x4000  }
0x7e: {  	[sflag:s25] =	ssyncset.done $0x0  }
0x7f: {  	s8 =	simm.s32 $0x1410;
	[sflag:s25] =	ssyncadd.s32 $0xFFFFC000  }
0x80: {  	[spmem:s2] =	stream.indirect.scatter.add.f32 [tilespmem:s22], [sflag:$0x4], $0x80, s8, s20, $0xb8;
	[tilespmem:$0x1E720] =	vst v63  }
0x81: {  	_ =	swait.ge [sflag:s18], $0x4000  }
0x82: {  	[sflag:s18] =	ssyncset.done $0x0  }
0x83: {  	s1 =	simm.s32 $0x400;
	s6 =	simm.s32 $0x180;
	[sflag:s18] =	ssyncadd.s32 $0xFFFFC000  }
.LBB2_4:
0x84: {  	[tilespmem:s22], [sflag:$0x2] =	stream.indirect.gather [hbm4b:s4+s20], $0x80, s6, s20, $0xb8;
	[tilespmem:$0x1E720] =	vst v63  }
0x85: {  	s6 =	smov.u32 s1  }
0x86: {  	p0 =	sne.s32 s1, $0x4400;
	s1 =	sadd.s32 $0x400, s1;
	_ =	swait.ge [sflag:s24], $0x4000  }
0x87: {  	s6 =	sshra.s32 s6, $0x2;
	[sflag:s24] =	ssyncset.done $0x0  }
0x88: {  	s8 =	sadd.s32 $0x1390, s6;
	[sflag:s24] =	ssyncadd.s32 $0xFFFFC000  }
0x89: {  	[spmem:s2] =	stream.indirect.scatter.add.f32 [tilespmem:s21], [sflag:$0x4], $0x80, s8, s20, $0xb8;
	[tilespmem:$0x1E720] =	vst v63  }
0x8a: {  	_ =	swait.ge [sflag:s18], $0x4000  }
0x8b: {  	[sflag:s18] =	ssyncset.done $0x0  }
0x8c: {  	s8 =	sadd.s32 $0x100, s6;
	[sflag:s18] =	ssyncadd.s32 $0xFFFFC000  }
0x8d: {  	[tilespmem:s21], [sflag:$0x1] =	stream.indirect.gather [hbm4b:s4+s20], $0x80, s8, s20, $0xb8;
	[tilespmem:$0x1E720] =	vst v63  }
0x8e: {  	_ =	swait.ge [sflag:s25], $0x4000  }
0x8f: {  	[sflag:s25] =	ssyncset.done $0x0  }
.Ltmp1:
0x90: {  	s8 =	sadd.s32 $0x1410, s6;
	[sflag:s25] =	ssyncadd.s32 $0xFFFFC000;
	(pc) =	sbr.rel @p0 .LBB2_4-.Ltmp1, $4  }
0x91: {  	[spmem:s2] =	stream.indirect.scatter.add.f32 [tilespmem:s22], [sflag:$0x4], $0x80, s8, s20, $0xb8;
	[tilespmem:$0x1E720] =	vst v63  }
0x92: {  	_ =	swait.ge [sflag:s18], $0x4000  }
0x93: {  	[sflag:s18] =	ssyncset.done $0x0  }
0x94: {  	s6 =	sadd.s32 $0x180, s6;
	[sflag:s18] =	ssyncadd.s32 $0xFFFFC000  }
0x95: {  	[tilespmem:s22], [sflag:$0x2] =	stream.indirect.gather [hbm4b:s4+s20], $0x80, s6, s20, $0xb8;
	[tilespmem:$0x1E720] =	vst v63  }
0x96: {  	_ =	swait.ge [sflag:s24], $0x4000  }
0x97: {  	[sflag:s24] =	ssyncset.done $0x0  }
0x98: {  	[sflag:s24] =	ssyncadd.s32 $0xFFFFC000  }
0x99: {  	[spmem:s2] =	stream.indirect.scatter.add.f32 [tilespmem:s21], [sflag:$0x4], $0x80, s26, s20, $0xb8;
	[tilespmem:$0x1E720] =	vst v63  }
0x9a: {  	_ =	swait.ge [sflag:s18], $0x4000  }
0x9b: {  	[sflag:s18] =	ssyncset.done $0x0  }
0x9c: {  	[sflag:s18] =	ssyncadd.s32 $0xFFFFC000  }
0x9d: {  	[tilespmem:s21], [sflag:$0x1] =	stream.indirect.gather [hbm4b:s4+s20], $0x80, s28, s20, $0xb8;
	[tilespmem:$0x1E720] =	vst v63  }
0x9e: {  	_ =	swait.ge [sflag:s25], $0x4000  }
0x9f: {  	[sflag:s25] =	ssyncset.done $0x0  }
0xa0: {  	[sflag:s25] =	ssyncadd.s32 $0xFFFFC000  }
0xa1: {  	[spmem:s2] =	stream.indirect.scatter.add.f32 [tilespmem:s22], [sflag:$0x4], $0x80, s29, s20, $0xb8;
	[tilespmem:$0x1E720] =	vst v63  }
0xa2: {  	_ =	swait.ge [sflag:s18], $0x4000  }
0xa3: {  	[sflag:s18] =	ssyncset.done $0x0  }
0xa4: {  	s1 =	simm.s32 $0x1380;
	[sflag:s18] =	ssyncadd.s32 $0xFFFFC000  }
0xa5: {  	[tilespmem:s22], [sflag:$0x2] =	stream.indirect.gather [hbm4b:s4+s31], $0x80, s1, s31, $0xb8;
	[tilespmem:$0x1E720] =	vst v63  }
0xa6: {  	_ =	swait.ge [sflag:s24], $0x4000  }
0xa7: {  	[sflag:s24] =	ssyncset.done $0x0  }
0xa8: {  	[sflag:s24] =	ssyncadd.s32 $0xFFFFC000  }
0xa9: {  	[spmem:s2] =	stream.indirect.scatter.add.f32 [tilespmem:s21], [sflag:$0x4], $0x80, s30, s20, $0xb8;
	[tilespmem:$0x1E720] =	vst v63  }
0xaa: {  	_ =	swait.ge [sflag:s18], $0x4000  }
0xab: {  	[sflag:s18] =	ssyncset.done $0x0  }
0xac: {  	[sflag:s18] =	ssyncadd.s32 $0xFFFFC000  }
0xad: {  	_ =	swait.ge [sflag:s25], $0x800  }
0xae: {  	[sflag:s25] =	ssyncset.done $0x0  }
0xaf: {  	s6 =	simm.s32 $0x2710;
	[sflag:s25] =	ssyncadd.s32 $0xFFFFF800  }
0xb0: {  	[spmem:s2] =	stream.indirect.scatter.add.f32 [tilespmem:s22], [sflag:$0x4], $0x80, s6, s31, $0xb8;
	[tilespmem:$0x1E720] =	vst v63  }
0xb1: {  	_ =	swait.ge [sflag:s18], $0x800  }
0xb2: {  	[sflag:s18] =	ssyncset.done $0x0  }
0xb3: {  	[sflag:s18] =	ssyncadd.s32 $0xFFFFF800  }
0xb4: {  	s0 =	sadd.s32 $0x1, s0;
	[bflag:$0x0] =	sbarrier.arrive $0xFFFF  }
0xb5: {  	p0 =	sne.s32 s0, s13;
	s8 =	rddreg [dreg:$0x3]  }
.Ltmp2:
0xb6: {  	s1 =	sor.u32 $0x1C04, s8;
	(pc) =	sbr.rel @p0 .LBB2_1-.Ltmp2, $4  }
0xb7: {  	[hbm:s12], [sflag:s1] =	dma.local [spmem:s14], $0x2800  }
0xb8: {  	_ =	swait.ge [sflag:s18], $0x2800  }
0xb9: {  	[sflag:s18] =	ssyncset.done $0x0  }
0xba: {  	[sflag:s18] =	ssyncadd.s32 $0xFFFFD800  }
0xbb: {  	_ =	sfence.sel $0x180000  }
0xbc: {  	[bflag:$0x0] =	sbarrier.arrive $0xFFFF  }
0xbd: {  	_ =	strace $0x9000004D  }
0xbe: {  	s0 =	stileid.u32;
	[bflag:$0x2] =	sbarrier.arrive $0xFFFF  }
0xbf: {  	p0 =	sne.s32 s0, $0x0;
	s0 =	rddreg [dreg:$0x2]  }
0xc0: {  	s0 =	sadd.s32 @!p0 $0x100000, s0  }
0xc1: {  	[sflag:s0] =	ssyncadd.tile.s32 @!p0 $0x1;
	_ =	shalt  }
.Lfunc_end2:
_tile_overlayer_lowered:
.L_overlay_start_2:
0xc2: {  	(tag) =	ssettag $0x2  }
0xc3: {  	s0 =	rddreg [dreg:$0x0];
	s2 =	stileid.u32  }
0xc4: {  	s1 =	rddreg [dreg:$0x1];
	p0 =	sne.s32 s2, $0x0  }
0xc5: {  	s3 =	rddreg [dreg:$0x2];
	[bflag:$0x3] =	sbarrier.arrive $0xFFFF;
	s2 =	simm.s32 @!p0 $0x1C04  }
0xc6: {  	[timem:s3], [sflag:s2] =	dma.local @!p0 [hbm:s0], s1  }
0xc7: {  	s0 =	simm.s32 @!p0 $0x4  }
0xc8: {  	_ =	swait.ge @!p0 [sflag:s0], s1  }
0xc9: {  	s1 =	ssub.s32 @!p0 $0x0, s1;
	[sflag:s0] =	ssyncset.done @!p0 $0x0  }
0xca: {  	[sflag:s0] =	ssyncadd.s32 @!p0 s1  }
0xcb: {  	[bflag:$0x3] =	sbarrier.arrive $0xFFFF  }
0xcc: {  	_ =	shalt  }

// kernel: kernel.21.cloned.1.call-start
scs
__scs_entry_jumppad:
0x0: {  	(pc) =	sbr.rel $0x88, $3  }
0x1: {  	(tag) =	ssettag $0x0;
	lr =	simm.s32 $0x1  }
0x2: {  	[smem:$0x3F86] =	sst lr;
	_ =	strace $0xD0000000  }
0x3: {  	_ = 	snop  }
0x4: {  	_ = 	snop  }
0x5: {  	_ = 	snop  }
0x6: {  	_ = 	snop  }
0x7: {  	_ = 	snop  }
__scs_overlays_trampoline_lowered:
0x8: {  	[smem:$0x3F95] =	sst s0  }
0x9: {  	[smem:$0x3F96] =	sst s1  }
0xa: {  	[smem:$0x3F97] =	sst s2  }
0xb: {  	[smem:$0x3F98] =	sst s3  }
0xc: {  	[smem:$0x3F99] =	sst s4  }
0xd: {  	[smem:$0x3F9A] =	sst s5  }
0xe: {  	[smem:$0x3F9B] =	sst s6  }
0xf: {  	[smem:$0x3F9C] =	sst s7  }
0x10: {  	[smem:$0x3F9D] =	sst s8  }
0x11: {  	[smem:$0x3F9E] =	sst s9;
	s0 =	simm.s32 @!p0 $0x0  }
0x12: {  	s1 =	sld [smem:$0x3F84];
	s0 =	simm.s32 @p0 $0x1  }
0x13: {  	[smem:$0x3F9F] =	sst s0;
	s0 =	simm.s32 @!p1 $0x0  }
0x14: {  	s2 =	sld [smem:$0x3F83];
	s0 =	simm.s32 @p1 $0x1  }
0x15: {  	[smem:$0x3FA0] =	sst s0;
	s0 =	simm.s32 @!p2 $0x0  }
0x16: {  	s3 =	sld [smem:$0x3FDB];
	s0 =	simm.s32 @p2 $0x1  }
0x17: {  	s4 =	simm.s32 $0x1BF5;
	[smem:$0x3FA2] =	sst s0  }
0x18: {  	s0 =	sld [smem:$0x3F85];
	_ =	swait.ge [sflag:s4], $0x0  }
0x19: {  	s7 =	sld [smem:$0x3F86]  }
0x1a: {  	s8 =	sadd.s32 $0xFFFFE003, lr  }
0x1b: {  	s9 =	sadd.s32 $0xFFFFFEF7, lr;
	s5 =	simm.s32 $0xFFFFFFFF;
	p2 =	slt.u32 s8, $0xFFFFF086  }
0x1c: {  	p1 =	slt.u32 s9, $0xF7A;
	s5 =	simm.s32 @!p2 $0x0  }
0x1d: {  	s5 =	simm.s32 @p1 $0x1;
	p0 =	seq.s32 s7, s2  }
0x1e: {  	s7 =	smul.u32 @!p0 $0xF7A, s2;
	p2 =	seq.s32 @!p0 s5, $0x0  }
0x1f: {  	s9 =	smul.u32 $0xF7A, s1;
	s8 =	simm.s32 @!p0 $0x1BF5;
	p2 =	por !p2, p0  }
0x20: {  	[sflag:s8] =	ssyncset.s32 @!p0 $0xFFFFF086;
	s6 =	sadd.s32 @!p0 s3, s7;
	s7 =	simm.s32 @!p0 $0x108  }
0x21: {  	s3 =	sadd.s32 s3, s9;
	s6 =	sadd.s32 @!p0 $0x88, s6;
	s7 =	simm.s32 @p2 $0x1082  }
0x22: {  	[simem:s7], [sflag:s8] =	dma.local @!p0 [hbm:s6], $0xF7A  }
0x23: {  	s9 =	sor.u32 $0xD0000000, s2;
	s6 =	simm.s32 $0x108;
	_ =	swait.ge @!p0 [sflag:s8], $0x0  }
0x24: {  	s3 =	sadd.s32 $0x88, s3;
	s6 =	simm.s32 @!p1 $0x1082;
	[sflag:s4] =	ssyncset.s32 $0xFFFFF086  }
0x25: {  	[simem:s6], [sflag:s4] =	dma.local [hbm:s3], $0xF7A  }
0x26: {  	[smem:$0x3F86] =	sst s1;
	(tag) =	ssettag s2;
	_ =	strace s9  }
0x27: {  	s1 =	sld [smem:$0x3F96]  }
0x28: {  	s2 =	sld [smem:$0x3F97]  }
0x29: {  	s4 =	sld [smem:$0x3F99]  }
0x2a: {  	p0 =	seq.s32 s5, $0x0;
	s5 =	sld [smem:$0x3F9A]  }
0x2b: {  	s6 =	sld [smem:$0x3F9B]  }
0x2c: {  	s7 =	sld [smem:$0x3F9C]  }
0x2d: {  	s3 =	simm.s32 $0x108;
	s8 =	sld [smem:$0x3F9D]  }
0x2e: {  	s3 =	simm.s32 @!p0 $0x1082;
	s9 =	sld [smem:$0x3F9E]  }
0x2f: {  	lr =	sadd.s32 s0, s3;
	s0 =	sld [smem:$0x3F95]  }
0x30: {  	s3 =	sld [smem:$0x3F98]  }
0x31: {  	[smem:$0x3FA1] =	sst s10  }
0x32: {  	s10 =	sld [smem:$0x3F9F];
	_ =	sdelay $0x3  }
0x33: {  	p0 =	seq.s32 s10, $0x1;
	s10 =	sld [smem:$0x3FA1];
	_ =	sdelay $0x3  }
0x34: {  	[smem:$0x3FA1] =	sst s10  }
0x35: {  	s10 =	sld [smem:$0x3FA0];
	_ =	sdelay $0x3  }
0x36: {  	p1 =	seq.s32 s10, $0x1;
	s10 =	sld [smem:$0x3FA1];
	_ =	sdelay $0x3  }
0x37: {  	[smem:$0x3FA1] =	sst s10  }
0x38: {  	s10 =	sld [smem:$0x3FA2]  }
0x39: {  	_ = 	snop;
	(pc) =	sbr.ind lr, $3  }
0x3a: {  	_ = 	snop  }
0x3b: {  	_ = 	snop  }
0x3c: {  	p2 =	seq.s32 s10, $0x1;
	s10 =	sld [smem:$0x3FA1]  }
0x3d: {  	_ =	shalt  }
0x3e: {  	_ =	shalt  }
0x3f: {  	_ =	shalt  }
0x40: {  	_ =	shalt  }
0x41: {  	_ =	shalt  }
0x42: {  	_ =	shalt  }
0x43: {  	_ =	shalt  }
0x44: {  	_ =	shalt  }
0x45: {  	_ =	shalt  }
0x46: {  	_ =	shalt  }
0x47: {  	_ =	shalt  }
0x48: {  	_ =	shalt  }
0x49: {  	_ =	shalt  }
0x4a: {  	_ =	shalt  }
0x4b: {  	_ =	shalt  }
0x4c: {  	_ =	shalt  }
0x4d: {  	_ =	shalt  }
0x4e: {  	_ =	shalt  }
0x4f: {  	_ =	shalt  }
0x50: {  	_ =	shalt  }
0x51: {  	_ =	shalt  }
0x52: {  	_ =	shalt  }
0x53: {  	_ =	shalt  }
0x54: {  	_ =	shalt  }
0x55: {  	_ =	shalt  }
0x56: {  	_ =	shalt  }
0x57: {  	_ =	shalt  }
0x58: {  	_ =	shalt  }
0x59: {  	_ =	shalt  }
0x5a: {  	_ =	shalt  }
0x5b: {  	_ =	shalt  }
0x5c: {  	_ =	shalt  }
0x5d: {  	_ =	shalt  }
0x5e: {  	_ =	shalt  }
0x5f: {  	_ =	shalt  }
0x60: {  	_ =	shalt  }
0x61: {  	_ =	shalt  }
0x62: {  	_ =	shalt  }
0x63: {  	_ =	shalt  }
0x64: {  	_ =	shalt  }
0x65: {  	_ =	shalt  }
0x66: {  	_ =	shalt  }
0x67: {  	_ =	shalt  }
0x68: {  	_ =	shalt  }
0x69: {  	_ =	shalt  }
0x6a: {  	_ =	shalt  }
0x6b: {  	_ =	shalt  }
0x6c: {  	_ =	shalt  }
0x6d: {  	_ =	shalt  }
0x6e: {  	_ =	shalt  }
0x6f: {  	_ =	shalt  }
0x70: {  	_ =	shalt  }
0x71: {  	_ =	shalt  }
0x72: {  	_ =	shalt  }
0x73: {  	_ =	shalt  }
0x74: {  	_ =	shalt  }
0x75: {  	_ =	shalt  }
0x76: {  	_ =	shalt  }
0x77: {  	_ =	shalt  }
0x78: {  	_ =	shalt  }
0x79: {  	_ =	shalt  }
0x7a: {  	_ =	shalt  }
0x7b: {  	_ =	shalt  }
0x7c: {  	_ =	shalt  }
0x7d: {  	_ =	shalt  }
0x7e: {  	_ =	shalt  }
0x7f: {  	_ =	shalt  }
0x80: {  	_ =	shalt  }
0x81: {  	_ =	shalt  }
0x82: {  	_ =	shalt  }
0x83: {  	_ =	shalt  }
0x84: {  	_ =	shalt  }
0x85: {  	_ =	shalt  }
0x86: {  	_ =	shalt  }
0x87: {  	_ =	shalt  }
.Lfunc_end0:
.L_simem_size_0:
called_computation.3_lowered:
.L_overlay_start_0:
0x88: {  	s2 =	sld [smem:$0x3FD9]  }
0x89: {  	s3 =	sld [smem:$0x3FFE];
	_ =	sdelay $0x1  }
0x8a: {  	s1 =	srdreg.scid  }
0x8b: {  	s0 =	sand.u32 $0x1, s1  }
0x8c: {  	s16 =	sshll.u32 s0, $0xA;
	s2 =	sadd.s32 s3, s2  }
0x8d: {  	s2 =	sadd.s32 s2, s16  }
0x8e: {  	[smem:$0x3FAD] =	sst s2  }
0x8f: {  	_ = 	snop  }
0x90: {  	(tm) =	ssettm $0x1  }
0x91: {  	s17 =	sld [smem:$0x3FFB];
	_ =	sdelay $0x3  }
0x92: {  	_ =	strace s17  }
0x93: {  	s2 =	sld [smem:$0x3FFC];
	_ =	sdelay $0x3  }
0x94: {  	_ =	strace s2  }
0x95: {  	s2 =	sld [smem:$0x3FFD];
	_ =	sdelay $0x3  }
0x96: {  	_ =	strace s2  }
0x97: {  	_ =	strace $0x8FFFFFFF  }
0x98: {  	s18 =	sld [smem:$0x3FDB];
	_ =	sdelay $0x1  }
0x99: {  	s19 =	simm.s32 $_scs_section_size  }
0x9a: {  	s4 =	simm.s32 $_size__tile_overlayer_lowered;
	s5 =	simm.s32 $_tile_overlayer_lowered  }
0x9b: {  	s22 =	simm.s32 $0x1BFF;
	s21 =	sshll.u32 s5, $0x1;
	s2 =	sadd.s32 s19, s18  }
0x9c: {  	s6 =	simm.s32 $0x0;
	s20 =	sshll.u32 s4, $0x1;
	s4 =	sadd.s32 s21, s2  }
0x9d: {  	[timem:s6], [sflag:s22] =	dma.local [hbm:s4], s20  }
0x9e: {  	_ =	swait.ge [sflag:s22], s20  }
0x9f: {  	s3 =	ssub.s32 $0x0, s20;
	[sflag:s22] =	ssyncset.done $0x0  }
0xa0: {  	[sflag:s22] =	ssyncadd.s32 s3;
	_ =	sdelay $0x1  }
0xa1: {  	s23 =	simm.s32 $0x1B8B  }
0xa2: {  	_ =	swait.ge [sflag:s23], $0x1  }
0xa3: {  	[sflag:s23] =	ssyncset.done $0x0  }
0xa4: {  	s25 =	simm.s32 $0x1B8E;
	s24 =	sld [smem:$0x3FFE];
	[sflag:s23] =	ssyncadd.s32 $0xFFFFFFFF  }
0xa5: {  	s26 =	simm.s32 $execute0_lowered;
	[smem:$0x3FD2] =	sst s25  }
0xa6: {  	s4 =	sshll.u32 s26, $0x1;
	_ =	strace $0x8000004F;
	[dreg:$0x1] =	wrdreg $0xFFFFFFFF  }
0xa7: {  	s28 =	simm.s32 $_size_execute0_lowered;
	s2 =	sadd.s32 s2, s4;
	[dreg:$0x0] =	wrdreg $0x0  }
0xa8: {  	s4 =	sshll.u32 s28, $0x1;
	[dreg:$0x2] =	wrdreg s2  }
0xa9: {  	[dreg:$0x3] =	wrdreg s4  }
0xaa: {  	[dreg:$0x4] =	wrdreg $0xC0  }
0xab: {  	_ =	task [dreg:s6], $0x5FFFF  }
0xac: {  	[dreg:$0x1] =	wrdreg $0xFFFFFFFF  }
0xad: {  	[dreg:$0x0] =	wrdreg $0x60  }
0xae: {  	[dreg:$0x2] =	wrdreg s24  }
0xaf: {  	[dreg:$0x3] =	wrdreg $0xA7200  }
0xb0: {  	[dreg:$0x4] =	wrdreg $0x9  }
0xb1: {  	_ =	task.clear_ibuf [dreg:s6], $0x5FFFF;
	_ =	strace $0x9000004F  }
0xb2: {  	s29 =	simm.s32 $0x9;
	_ =	strace $0x80000051  }
0xb3: {  	_ =	swait.ge [sflag:s29], $0x1  }
0xb4: {  	[sflag:s29] =	ssyncadd.s32 $0xFFFFFFFF  }
0xb5: {  	_ =	strace $0x90000051  }
0xb6: {  	_ =	sfence  }
0xb7: {  	s30 =	sld [smem:$0x0];
	_ =	sdelay $0x2  }
0xb8: {  	s31 =	sshll.u32 s1, $0xD;
	s1 =	sshrl.u32 s1, $0x2  }
0xb9: {  	s3 =	sand.u32 $0x4000, s31;
	s1 =	sadd.s32 s1, s30  }
0xba: {  	s0 =	sor.u32 s3, s0;
	s1 =	sshll.u32 s1, $0x11  }
0xbb: {  	s0 =	sor.u32 s1, s0  }
0xbc: {  	s0 =	sadd.s32 $0x8F2B, s0  }
0xbd: {  	[sflag:s0] =	ssyncadd.remote.s32 $0x1  }
0xbe: {  	_ =	sfence.sel $0xFFFF  }
0xbf: {  	[dreg:$0x0] =	wrdreg $0xFFFFFFFF;
	(pc) =	sbr.abs _section_cstart, $3  }
0xc0: {  	[dreg:$0x1] =	wrdreg $0xFFFFFFFF  }
0xc1: {  	_ =	task.clear_ibuf [dreg:s6], $0x2FFFF;
	_ =	strace $0x9FFFFFFF  }
0xc2: {  	(tm) =	ssettm $0x7FFFFFFF  }
0xc3: {  	_ =	shalt  }
tec
execute0_lowered:
.L_overlay_start_1:
0x0: {  	(tag) =	ssettag $0x1  }
0x1: {  	s0 =	rddreg [dreg:$0x0]  }
0x2: {  	s2 =	rddreg [dreg:$0x1];
	s1 =	srdreg.scid  }
0x3: {  	s14 =	stileid.u32;
	s3 =	simm.s32 $0x0;
	s18 =	simm.s32 $0x4  }
0x4: {  	s19 =	simm.s32 $0x1390;
	s20 =	simm.s32 $0x80;
	s21 =	simm.s32 $0x2720  }
0x5: {  	s28 =	simm.s32 $0x1300;
	s29 =	simm.s32 $0x2610;
	s30 =	simm.s32 $0x2690  }
0x6: {  	s31 =	simm.s32 $0x10;
	s1 =	sand.u32 $0x1, s1;
	s6 =	smul.u32 $0x14000, s14  }
0x7: {  	[smem:$0x7FF] =	sst s3;
	s4 =	sadd.s32 $0x1C00, s0;
	s10 =	sadd.s32 $0x97200, s0  }
0x8: {  	s11 =	sadd.s32 $0x8D400, s0;
	s5 =	sadd.s32 $0x3CA00, s0;
	s9 =	smul.u32 $0x50000, s14  }
0x9: {  	s12 =	sshll.u32 s14, $0x1;
	s24 =	sshll.u32 s14, $0x6;
	s7 =	smul.u32 $0x140000, s1  }
0xa: {  	_ =	strace $0x80000050;
	s8 =	ssub.s32 $0x2, s1;
	s1 =	sor.u32 s1, s12  }
0xb: {  	[dreg:$0x3] =	wrdreg s24;
	s22 =	sshrl.u32 s8, $0x1;
	s23 =	sshrl.u32 s9, $0x2  }
0xc: {  	s1 =	smul.u32 $0x2710, s1;
	s7 =	sadd.s32 s6, s7;
	s13 =	ssub.s32 s8, s22  }
0xd: {  	s25 =	sadd.s32 s23, s2;
	s6 =	sadd.s32 s6, s2;
	s22 =	simm.s32 $0x6720  }
0xe: {  	s23 =	simm.s32 $0x3;
	s7 =	sshrl.u32 s7, $0x3;
	s15 =	sadd.s32 $0x5000, s25  }
0xf: {  	s16 =	sadd.s32 $0xA000, s25;
	s17 =	sadd.s32 $0xF000, s25;
	s1 =	sshrl.u32 s1, $0x3  }
0x10: {  	s13 =	smax.u32 s13, $0x1;
	s14 =	sshrl.u32 s6, $0x3;
	s25 =	simm.s32 $0x2  }
0x11: {  	s0 =	sadd.s32 s7, s0;
	s7 =	sor.u32 $0x1C03, s24;
	s26 =	sadd.s32 s10, s1  }
0x12: {  	s9 =	sadd.s32 s11, s1;
	s1 =	sadd.s32 $0x270, s1;
	s15 =	sshrl.u32 s15, $0x3  }
0x13: {  	s16 =	sshrl.u32 s16, $0x3;
	s17 =	sshrl.u32 s17, $0x3;
	s24 =	simm.s32 $0x1  }
0x14: {  	[dreg:$0x4] =	wrdreg s26;
	s10 =	sadd.s32 s10, s1;
	s11 =	sadd.s32 s11, s1  }
0x15: {  	s12 =	sadd.s32 $0x3D400, s0;
	s26 =	simm.s32 $0x2590;
	s0 =	simm.s32 $0x0  }
.LBB2_1:
0x16: {  	[spmem:s14], [sflag:s7] =	dma.local [hbm:s5], $0xA00  }
0x17: {  	[spmem:s15], [sflag:s7] =	dma.local [hbm:s5], $0xA00  }
0x18: {  	[spmem:s16], [sflag:s7] =	dma.local [hbm:s5], $0xA00  }
0x19: {  	[spmem:s17], [sflag:s7] =	dma.local [hbm:s5], $0xA00  }
0x1a: {  	s1 =	rddreg [dreg:$0x4]  }
0x1b: {  	[tilespmem:s3], [sflag:$0x4] =	stream.linear.gather [hbm4b:s1+s3], $0x1380, $0x38;
	[tilespmem:$0x1E720] =	vst v63  }
0x1c: {  	_ =	swait.ge [sflag:s18], $0x1380  }
0x1d: {  	[sflag:s18] =	ssyncset.done $0x0  }
0x1e: {  	[sflag:s18] =	ssyncadd.s32 $0xFFFFEC80  }
0x1f: {  	[tilespmem:s19], [sflag:$0x4] =	stream.linear.gather [hbm4b:s9+s3], $0x1380, $0x38;
	[tilespmem:$0x1E720] =	vst v63  }
0x20: {  	_ =	swait.ge [sflag:s18], $0x1380  }
0x21: {  	[sflag:s18] =	ssyncset.done $0x0  }
0x22: {  	[sflag:s18] =	ssyncadd.s32 $0xFFFFEC80  }
0x23: {  	[tilespmem:s21], [sflag:$0x1] =	stream.indirect.gather [hbm4b:s4+s20], $0x80, s3, s20, $0xb8;
	[tilespmem:$0x1E720] =	vst v63  }
0x24: {  	_ = 	snop  }
0x25: {  	[tilespmem:s22], [sflag:$0x2] =	stream.indirect.gather [hbm4b:s4+s20], $0x80, s20, s20, $0xb8;
	[tilespmem:$0x1E720] =	vst v63  }
0x26: {  	_ =	swait.ge [sflag:s23], $0xA00  }
0x27: {  	[sflag:s23] =	ssyncset.done $0x0  }
0x28: {  	[sflag:s23] =	ssyncadd.s32 $0xFFFFF600  }
0x29: {  	_ =	swait.ge [sflag:s23], $0xA00  }
0x2a: {  	[sflag:s23] =	ssyncset.done $0x0  }
0x2b: {  	[sflag:s23] =	ssyncadd.s32 $0xFFFFF600  }
0x2c: {  	_ =	swait.ge [sflag:s23], $0xA00  }
0x2d: {  	[sflag:s23] =	ssyncset.done $0x0  }
0x2e: {  	[sflag:s23] =	ssyncadd.s32 $0xFFFFF600  }
0x2f: {  	_ =	swait.ge [sflag:s23], $0xA00  }
0x30: {  	[sflag:s23] =	ssyncset.done $0x0  }
0x31: {  	[sflag:s23] =	ssyncadd.s32 $0xFFFFF600  }
0x32: {  	[bflag:$0x0] =	sbarrier.arrive $0xFFFF  }
0x33: {  	_ =	swait.ge [sflag:s24], $0x4000  }
0x34: {  	[sflag:s24] =	ssyncset.done $0x0  }
0x35: {  	s8 =	simm.s32 $0x1390;
	[sflag:s24] =	ssyncadd.s32 $0xFFFFC000  }
0x36: {  	[spmem:s2] =	stream.indirect.scatter.add.f32 [tilespmem:s21], [sflag:$0x4], $0x80, s8, s20, $0xb8;
	[tilespmem:$0x1E720] =	vst v63  }
0x37: {  	_ =	swait.ge [sflag:s18], $0x4000  }
0x38: {  	[sflag:s18] =	ssyncset.done $0x0  }
0x39: {  	s6 =	simm.s32 $0x100;
	[sflag:s18] =	ssyncadd.s32 $0xFFFFC000  }
0x3a: {  	[tilespmem:s21], [sflag:$0x1] =	stream.indirect.gather [hbm4b:s4+s20], $0x80, s6, s20, $0xb8;
	[tilespmem:$0x1E720] =	vst v63  }
0x3b: {  	_ =	swait.ge [sflag:s25], $0x4000  }
0x3c: {  	[sflag:s25] =	ssyncset.done $0x0  }
0x3d: {  	s8 =	simm.s32 $0x1410;
	[sflag:s25] =	ssyncadd.s32 $0xFFFFC000  }
0x3e: {  	[spmem:s2] =	stream.indirect.scatter.add.f32 [tilespmem:s22], [sflag:$0x4], $0x80, s8, s20, $0xb8;
	[tilespmem:$0x1E720] =	vst v63  }
0x3f: {  	_ =	swait.ge [sflag:s18], $0x4000  }
0x40: {  	[sflag:s18] =	ssyncset.done $0x0  }
0x41: {  	s1 =	simm.s32 $0x400;
	s6 =	simm.s32 $0x180;
	[sflag:s18] =	ssyncadd.s32 $0xFFFFC000  }
.LBB2_2:
0x42: {  	[tilespmem:s22], [sflag:$0x2] =	stream.indirect.gather [hbm4b:s4+s20], $0x80, s6, s20, $0xb8;
	[tilespmem:$0x1E720] =	vst v63  }
0x43: {  	s6 =	smov.u32 s1  }
0x44: {  	p0 =	sne.s32 s1, $0x4400;
	s1 =	sadd.s32 $0x400, s1;
	_ =	swait.ge [sflag:s24], $0x4000  }
0x45: {  	s6 =	sshra.s32 s6, $0x2;
	[sflag:s24] =	ssyncset.done $0x0  }
0x46: {  	s8 =	sadd.s32 $0x1390, s6;
	[sflag:s24] =	ssyncadd.s32 $0xFFFFC000  }
0x47: {  	[spmem:s2] =	stream.indirect.scatter.add.f32 [tilespmem:s21], [sflag:$0x4], $0x80, s8, s20, $0xb8;
	[tilespmem:$0x1E720] =	vst v63  }
0x48: {  	_ =	swait.ge [sflag:s18], $0x4000  }
0x49: {  	[sflag:s18] =	ssyncset.done $0x0  }
0x4a: {  	s8 =	sadd.s32 $0x100, s6;
	[sflag:s18] =	ssyncadd.s32 $0xFFFFC000  }
0x4b: {  	[tilespmem:s21], [sflag:$0x1] =	stream.indirect.gather [hbm4b:s4+s20], $0x80, s8, s20, $0xb8;
	[tilespmem:$0x1E720] =	vst v63  }
0x4c: {  	_ =	swait.ge [sflag:s25], $0x4000  }
0x4d: {  	[sflag:s25] =	ssyncset.done $0x0  }
.Ltmp0:
0x4e: {  	s8 =	sadd.s32 $0x1410, s6;
	[sflag:s25] =	ssyncadd.s32 $0xFFFFC000;
	(pc) =	sbr.rel @p0 .LBB2_2-.Ltmp0, $4  }
0x4f: {  	[spmem:s2] =	stream.indirect.scatter.add.f32 [tilespmem:s22], [sflag:$0x4], $0x80, s8, s20, $0xb8;
	[tilespmem:$0x1E720] =	vst v63  }
0x50: {  	_ =	swait.ge [sflag:s18], $0x4000  }
0x51: {  	[sflag:s18] =	ssyncset.done $0x0  }
0x52: {  	s6 =	sadd.s32 $0x180, s6;
	[sflag:s18] =	ssyncadd.s32 $0xFFFFC000  }
0x53: {  	[tilespmem:s22], [sflag:$0x2] =	stream.indirect.gather [hbm4b:s4+s20], $0x80, s6, s20, $0xb8;
	[tilespmem:$0x1E720] =	vst v63  }
0x54: {  	_ =	swait.ge [sflag:s24], $0x4000  }
0x55: {  	[sflag:s24] =	ssyncset.done $0x0  }
0x56: {  	[sflag:s24] =	ssyncadd.s32 $0xFFFFC000  }
0x57: {  	[spmem:s2] =	stream.indirect.scatter.add.f32 [tilespmem:s21], [sflag:$0x4], $0x80, s26, s20, $0xb8;
	[tilespmem:$0x1E720] =	vst v63  }
0x58: {  	_ =	swait.ge [sflag:s18], $0x4000  }
0x59: {  	[sflag:s18] =	ssyncset.done $0x0  }
0x5a: {  	[sflag:s18] =	ssyncadd.s32 $0xFFFFC000  }
0x5b: {  	[tilespmem:s21], [sflag:$0x1] =	stream.indirect.gather [hbm4b:s4+s20], $0x80, s28, s20, $0xb8;
	[tilespmem:$0x1E720] =	vst v63  }
0x5c: {  	_ =	swait.ge [sflag:s25], $0x4000  }
0x5d: {  	[sflag:s25] =	ssyncset.done $0x0  }
0x5e: {  	[sflag:s25] =	ssyncadd.s32 $0xFFFFC000  }
0x5f: {  	[spmem:s2] =	stream.indirect.scatter.add.f32 [tilespmem:s22], [sflag:$0x4], $0x80, s29, s20, $0xb8;
	[tilespmem:$0x1E720] =	vst v63  }
0x60: {  	_ =	swait.ge [sflag:s18], $0x4000  }
0x61: {  	[sflag:s18] =	ssyncset.done $0x0  }
0x62: {  	[sflag:s18] =	ssyncadd.s32 $0xFFFFC000  }
0x63: {  	_ =	swait.ge [sflag:s24], $0x4000  }
0x64: {  	[sflag:s24] =	ssyncset.done $0x0  }
0x65: {  	[sflag:s24] =	ssyncadd.s32 $0xFFFFC000  }
0x66: {  	[spmem:s2] =	stream.indirect.scatter.add.f32 [tilespmem:s21], [sflag:$0x4], $0x80, s30, s20, $0xb8;
	[tilespmem:$0x1E720] =	vst v63  }
0x67: {  	_ =	swait.ge [sflag:s18], $0x4000  }
0x68: {  	[sflag:s18] =	ssyncset.done $0x0  }
0x69: {  	s1 =	simm.s32 $0x0;
	[sflag:s18] =	ssyncadd.s32 $0xFFFFC000  }
0x6a: {  	[tilespmem:s1], [sflag:$0x4] =	stream.linear.gather [hbm4b:s10+s1], $0x1390, $0x38;
	[tilespmem:$0x1E720] =	vst v63  }
0x6b: {  	_ =	swait.ge [sflag:s18], $0x1390  }
0x6c: {  	[sflag:s18] =	ssyncset.done $0x0  }
0x6d: {  	[sflag:s18] =	ssyncadd.s32 $0xFFFFEC70  }
0x6e: {  	[tilespmem:s19], [sflag:$0x4] =	stream.linear.gather [hbm4b:s11+s1], $0x1390, $0x38;
	[tilespmem:$0x1E720] =	vst v63  }
0x6f: {  	_ =	swait.ge [sflag:s18], $0x1390  }
0x70: {  	[sflag:s18] =	ssyncset.done $0x0  }
0x71: {  	[sflag:s18] =	ssyncadd.s32 $0xFFFFEC70  }
0x72: {  	[tilespmem:s21], [sflag:$0x1] =	stream.indirect.gather [hbm4b:s4+s20], $0x80, s1, s20, $0xb8;
	[tilespmem:$0x1E720] =	vst v63  }
0x73: {  	_ = 	snop  }
0x74: {  	[tilespmem:s22], [sflag:$0x2] =	stream.indirect.gather [hbm4b:s4+s20], $0x80, s20, s20, $0xb8;
	[tilespmem:$0x1E720] =	vst v63  }
0x75: {  	_ =	swait.ge [sflag:s24], $0x4000  }
0x76: {  	[sflag:s24] =	ssyncset.done $0x0  }
0x77: {  	s8 =	simm.s32 $0x1390;
	[sflag:s24] =	ssyncadd.s32 $0xFFFFC000  }
0x78: {  	[spmem:s2] =	stream.indirect.scatter.add.f32 [tilespmem:s21], [sflag:$0x4], $0x80, s8, s20, $0xb8;
	[tilespmem:$0x1E720] =	vst v63  }
0x79: {  	_ =	swait.ge [sflag:s18], $0x4000  }
0x7a: {  	[sflag:s18] =	ssyncset.done $0x0  }
0x7b: {  	s6 =	simm.s32 $0x100;
	[sflag:s18] =	ssyncadd.s32 $0xFFFFC000  }
0x7c: {  	[tilespmem:s21], [sflag:$0x1] =	stream.indirect.gather [hbm4b:s4+s20], $0x80, s6, s20, $0xb8;
	[tilespmem:$0x1E720] =	vst v63  }
0x7d: {  	_ =	swait.ge [sflag:s25], $0x4000  }
0x7e: {  	[sflag:s25] =	ssyncset.done $0x0  }
0x7f: {  	s8 =	simm.s32 $0x1410;
	[sflag:s25] =	ssyncadd.s32 $0xFFFFC000  }
0x80: {  	[spmem:s2] =	stream.indirect.scatter.add.f32 [tilespmem:s22], [sflag:$0x4], $0x80, s8, s20, $0xb8;
	[tilespmem:$0x1E720] =	vst v63  }
0x81: {  	_ =	swait.ge [sflag:s18], $0x4000  }
0x82: {  	[sflag:s18] =	ssyncset.done $0x0  }
0x83: {  	s1 =	simm.s32 $0x400;
	s6 =	simm.s32 $0x180;
	[sflag:s18] =	ssyncadd.s32 $0xFFFFC000  }
.LBB2_4:
0x84: {  	[tilespmem:s22], [sflag:$0x2] =	stream.indirect.gather [hbm4b:s4+s20], $0x80, s6, s20, $0xb8;
	[tilespmem:$0x1E720] =	vst v63  }
0x85: {  	s6 =	smov.u32 s1  }
0x86: {  	p0 =	sne.s32 s1, $0x4400;
	s1 =	sadd.s32 $0x400, s1;
	_ =	swait.ge [sflag:s24], $0x4000  }
0x87: {  	s6 =	sshra.s32 s6, $0x2;
	[sflag:s24] =	ssyncset.done $0x0  }
0x88: {  	s8 =	sadd.s32 $0x1390, s6;
	[sflag:s24] =	ssyncadd.s32 $0xFFFFC000  }
0x89: {  	[spmem:s2] =	stream.indirect.scatter.add.f32 [tilespmem:s21], [sflag:$0x4], $0x80, s8, s20, $0xb8;
	[tilespmem:$0x1E720] =	vst v63  }
0x8a: {  	_ =	swait.ge [sflag:s18], $0x4000  }
0x8b: {  	[sflag:s18] =	ssyncset.done $0x0  }
0x8c: {  	s8 =	sadd.s32 $0x100, s6;
	[sflag:s18] =	ssyncadd.s32 $0xFFFFC000  }
0x8d: {  	[tilespmem:s21], [sflag:$0x1] =	stream.indirect.gather [hbm4b:s4+s20], $0x80, s8, s20, $0xb8;
	[tilespmem:$0x1E720] =	vst v63  }
0x8e: {  	_ =	swait.ge [sflag:s25], $0x4000  }
0x8f: {  	[sflag:s25] =	ssyncset.done $0x0  }
.Ltmp1:
0x90: {  	s8 =	sadd.s32 $0x1410, s6;
	[sflag:s25] =	ssyncadd.s32 $0xFFFFC000;
	(pc) =	sbr.rel @p0 .LBB2_4-.Ltmp1, $4  }
0x91: {  	[spmem:s2] =	stream.indirect.scatter.add.f32 [tilespmem:s22], [sflag:$0x4], $0x80, s8, s20, $0xb8;
	[tilespmem:$0x1E720] =	vst v63  }
0x92: {  	_ =	swait.ge [sflag:s18], $0x4000  }
0x93: {  	[sflag:s18] =	ssyncset.done $0x0  }
0x94: {  	s6 =	sadd.s32 $0x180, s6;
	[sflag:s18] =	ssyncadd.s32 $0xFFFFC000  }
0x95: {  	[tilespmem:s22], [sflag:$0x2] =	stream.indirect.gather [hbm4b:s4+s20], $0x80, s6, s20, $0xb8;
	[tilespmem:$0x1E720] =	vst v63  }
0x96: {  	_ =	swait.ge [sflag:s24], $0x4000  }
0x97: {  	[sflag:s24] =	ssyncset.done $0x0  }
0x98: {  	[sflag:s24] =	ssyncadd.s32 $0xFFFFC000  }
0x99: {  	[spmem:s2] =	stream.indirect.scatter.add.f32 [tilespmem:s21], [sflag:$0x4], $0x80, s26, s20, $0xb8;
	[tilespmem:$0x1E720] =	vst v63  }
0x9a: {  	_ =	swait.ge [sflag:s18], $0x4000  }
0x9b: {  	[sflag:s18] =	ssyncset.done $0x0  }
0x9c: {  	[sflag:s18] =	ssyncadd.s32 $0xFFFFC000  }
0x9d: {  	[tilespmem:s21], [sflag:$0x1] =	stream.indirect.gather [hbm4b:s4+s20], $0x80, s28, s20, $0xb8;
	[tilespmem:$0x1E720] =	vst v63  }
0x9e: {  	_ =	swait.ge [sflag:s25], $0x4000  }
0x9f: {  	[sflag:s25] =	ssyncset.done $0x0  }
0xa0: {  	[sflag:s25] =	ssyncadd.s32 $0xFFFFC000  }
0xa1: {  	[spmem:s2] =	stream.indirect.scatter.add.f32 [tilespmem:s22], [sflag:$0x4], $0x80, s29, s20, $0xb8;
	[tilespmem:$0x1E720] =	vst v63  }
0xa2: {  	_ =	swait.ge [sflag:s18], $0x4000  }
0xa3: {  	[sflag:s18] =	ssyncset.done $0x0  }
0xa4: {  	s1 =	simm.s32 $0x1380;
	[sflag:s18] =	ssyncadd.s32 $0xFFFFC000  }
0xa5: {  	[tilespmem:s22], [sflag:$0x2] =	stream.indirect.gather [hbm4b:s4+s31], $0x80, s1, s31, $0xb8;
	[tilespmem:$0x1E720] =	vst v63  }
0xa6: {  	_ =	swait.ge [sflag:s24], $0x4000  }
0xa7: {  	[sflag:s24] =	ssyncset.done $0x0  }
0xa8: {  	[sflag:s24] =	ssyncadd.s32 $0xFFFFC000  }
0xa9: {  	[spmem:s2] =	stream.indirect.scatter.add.f32 [tilespmem:s21], [sflag:$0x4], $0x80, s30, s20, $0xb8;
	[tilespmem:$0x1E720] =	vst v63  }
0xaa: {  	_ =	swait.ge [sflag:s18], $0x4000  }
0xab: {  	[sflag:s18] =	ssyncset.done $0x0  }
0xac: {  	[sflag:s18] =	ssyncadd.s32 $0xFFFFC000  }
0xad: {  	_ =	swait.ge [sflag:s25], $0x800  }
0xae: {  	[sflag:s25] =	ssyncset.done $0x0  }
0xaf: {  	s6 =	simm.s32 $0x2710;
	[sflag:s25] =	ssyncadd.s32 $0xFFFFF800  }
0xb0: {  	[spmem:s2] =	stream.indirect.scatter.add.f32 [tilespmem:s22], [sflag:$0x4], $0x80, s6, s31, $0xb8;
	[tilespmem:$0x1E720] =	vst v63  }
0xb1: {  	_ =	swait.ge [sflag:s18], $0x800  }
0xb2: {  	[sflag:s18] =	ssyncset.done $0x0  }
0xb3: {  	[sflag:s18] =	ssyncadd.s32 $0xFFFFF800  }
0xb4: {  	s0 =	sadd.s32 $0x1, s0;
	[bflag:$0x0] =	sbarrier.arrive $0xFFFF  }
0xb5: {  	p0 =	sne.s32 s0, s13;
	s8 =	rddreg [dreg:$0x3]  }
.Ltmp2:
0xb6: {  	s1 =	sor.u32 $0x1C04, s8;
	(pc) =	sbr.rel @p0 .LBB2_1-.Ltmp2, $4  }
0xb7: {  	[hbm:s12], [sflag:s1] =	dma.local [spmem:s14], $0x2800  }
0xb8: {  	_ =	swait.ge [sflag:s18], $0x2800  }
0xb9: {  	[sflag:s18] =	ssyncset.done $0x0  }
0xba: {  	[sflag:s18] =	ssyncadd.s32 $0xFFFFD800  }
0xbb: {  	_ =	sfence.sel $0x180000  }
0xbc: {  	[bflag:$0x0] =	sbarrier.arrive $0xFFFF  }
0xbd: {  	_ =	strace $0x90000050  }
0xbe: {  	s0 =	stileid.u32;
	[bflag:$0x2] =	sbarrier.arrive $0xFFFF  }
0xbf: {  	p0 =	sne.s32 s0, $0x0;
	s0 =	rddreg [dreg:$0x2]  }
0xc0: {  	s0 =	sadd.s32 @!p0 $0x100000, s0  }
0xc1: {  	[sflag:s0] =	ssyncadd.tile.s32 @!p0 $0x1;
	_ =	shalt  }
.Lfunc_end2:
_tile_overlayer_lowered:
.L_overlay_start_2:
0xc2: {  	(tag) =	ssettag $0x2  }
0xc3: {  	s0 =	rddreg [dreg:$0x0];
	s2 =	stileid.u32  }
0xc4: {  	s1 =	rddreg [dreg:$0x1];
	p0 =	sne.s32 s2, $0x0  }
0xc5: {  	s3 =	rddreg [dreg:$0x2];
	[bflag:$0x3] =	sbarrier.arrive $0xFFFF;
	s2 =	simm.s32 @!p0 $0x1C04  }
0xc6: {  	[timem:s3], [sflag:s2] =	dma.local @!p0 [hbm:s0], s1  }
0xc7: {  	s0 =	simm.s32 @!p0 $0x4  }
0xc8: {  	_ =	swait.ge @!p0 [sflag:s0], s1  }
0xc9: {  	s1 =	ssub.s32 @!p0 $0x0, s1;
	[sflag:s0] =	ssyncset.done @!p0 $0x0  }
0xca: {  	[sflag:s0] =	ssyncadd.s32 @!p0 s1  }
0xcb: {  	[bflag:$0x3] =	sbarrier.arrive $0xFFFF  }
0xcc: {  	_ =	shalt  }

</sc_bundles>
